<compile_context>
chip_gen: v7x
topology: tpu7x:2x2x1
jax: 0.10.2.dev20260603
libtpu: 0.0.44.dev20260713+nightly
codegen_flags: <defaults>
</compile_context>

<pallas_src>
import functools

import jax
import jax.numpy as jnp
from jax import lax
from jax.experimental import pallas as pl
from jax.experimental.pallas import tpu as pltpu
from jax.experimental.pallas import tpu_sc as plsc

NC = 2
NS = 16
LANES = 16
NW = NC * NS

VOCAB = 1000000
BATCH = 4096
SEQ = 200
DIM = 64
TOTAL = SEQ * BATCH
CHUNK = 128
BCHUNKS = BATCH // CHUNK
NBLOCKS = SEQ * BCHUNKS
BL_PER_W = NBLOCKS // NW
KB = DIM // 8
PRE_T = 4096


def _eye(n):
    r = lax.broadcasted_iota(jnp.int32, (n, n), 0)
    c = lax.broadcasted_iota(jnp.int32, (n, n), 1)
    return (r == c).astype(jnp.float32)


def _mxu_t(x):
    return lax.dot_general(x, _eye(x.shape[0]), (((0,), (0,)), ((), ())),
                           preferred_element_type=jnp.float32)


def _pre_body(t_ref, o_ref):
    t = _mxu_t(t_ref[...])
    parts = []
    for grp in range(PRE_T // 512):
        lo = t[grp * 512:grp * 512 + 256]
        hi = t[grp * 512 + 256:(grp + 1) * 512]
        parts.append(jnp.concatenate([lo, hi], axis=1))
    o_ref[...] = jnp.concatenate(parts, axis=0)


def _mid_body(idx_hbm, tab_hbm, x2_hbm, idx_v, h_v, g_v, sem_g, sem_o):
    wid = lax.axis_index("s") * NC + lax.axis_index("c")
    blk0 = wid * BL_PER_W

    pltpu.sync_copy(idx_hbm.at[pl.ds(blk0 * CHUNK, BL_PER_W * CHUNK)], idx_v)

    def build_and_fire(m, hb, gb):
        for g in range(CHUNK // LANES):
            iv = idx_v[pl.ds(m * CHUNK + g * LANES, LANES)]
            hv = lax.shift_left(lax.shift_right_logical(iv, 9),
                                jnp.full((LANES,), 8, jnp.int32)) + \
                 (iv & jnp.full((LANES,), 255, jnp.int32))
            h_v.at[hb, pl.ds(g * LANES, LANES)][...] = hv
        pltpu.async_copy(tab_hbm.at[h_v.at[hb]], g_v.at[gb], sem_g)

    def wait_g(b):
        pltpu.make_async_copy(tab_hbm.at[h_v.at[b]], g_v.at[b], sem_g).wait()

    def drain_x(b):
        pltpu.make_async_copy(g_v.at[b], x2_hbm.at[pl.ds(0, CHUNK)], sem_o).wait()

    NB = 4
    build_and_fire(0, 0, 0)
    build_and_fire(1, 1, 1)

    def step(it, carry):
        for sub in range(NB):
            m = it * NB + sub
            b = sub
            b2 = (sub + 2) % NB

            @pl.when(m >= 2)
            def _():
                drain_x(b2)

            @pl.when(m + 2 < BL_PER_W)
            def _():
                build_and_fire(m + 2, b2, b2)

            wait_g(b)
            pltpu.async_copy(
                g_v.at[b], x2_hbm.at[pl.ds((blk0 + m) * CHUNK, CHUNK)], sem_o)
        return carry

    lax.fori_loop(0, BL_PER_W // NB, step, 0)
    drain_x((BL_PER_W - 2) % NB)
    drain_x((BL_PER_W - 1) % NB)


def _post_body(x_ref, i_ref, p_ref, o_ref):
    g = x_ref[0]
    gt = lax.dot_general(_eye(2 * DIM), g, (((1,), (1,)), ((), ())),
                         preferred_element_type=jnp.float32)
    par = (i_ref[0, 0] >> 8) & 1
    sel = jnp.where(par == 1, gt[DIM:], gt[:DIM])
    y = sel + p_ref[0]
    for k in range(KB):
        for c in range(BCHUNKS):
            o_ref[0, k, c] = y[k * 8:(k + 1) * 8, c * CHUNK:(c + 1) * CHUNK]


@jax.jit
def kernel(inputs, token_table, position_table):
    tab_t = token_table.T
    idx_flat = inputs.T.reshape(TOTAL)

    grid_pre = VOCAB // PRE_T + 1
    tab2 = pl.pallas_call(
        _pre_body,
        grid=(grid_pre,),
        in_specs=[pl.BlockSpec((DIM, PRE_T), lambda j: (0, j))],
        out_specs=pl.BlockSpec((PRE_T // 2, 2 * DIM), lambda j: (j, 0)),
        out_shape=jax.ShapeDtypeStruct((grid_pre * PRE_T // 2, 2 * DIM),
                                       jnp.float32),
    )(tab_t)

    mesh = plsc.VectorSubcoreMesh(core_axis_name="c", subcore_axis_name="s")
    run_mid = functools.partial(
        pl.kernel,
        out_type=jax.ShapeDtypeStruct((TOTAL, 2 * DIM), jnp.float32),
        mesh=mesh,
        scratch_types=[
            pltpu.VMEM((BL_PER_W * CHUNK,), jnp.int32),
            pltpu.VMEM((4, CHUNK), jnp.int32),
            pltpu.VMEM((4, CHUNK, 2 * DIM), jnp.float32),
            pltpu.SemaphoreType.DMA,
            pltpu.SemaphoreType.DMA,
        ],
        compiler_params=pltpu.CompilerParams(use_tc_tiling_on_sc=False,
                                             needs_layout_passes=False),
    )(_mid_body)
    x2 = run_mid(idx_flat, tab2)

    out5 = pl.pallas_call(
        _post_body,
        grid=(SEQ,),
        in_specs=[
            pl.BlockSpec((1, BATCH, 2 * DIM), lambda s: (s, 0, 0)),
            pl.BlockSpec((1, 1, BATCH), lambda s: (s, 0, 0)),
            pl.BlockSpec((1, DIM, 1), lambda s: (s, 0, 0)),
        ],
        out_specs=pl.BlockSpec((1, KB, BCHUNKS, 8, CHUNK),
                               lambda s: (s, 0, 0, 0, 0)),
        out_shape=jax.ShapeDtypeStruct((SEQ, KB, BCHUNKS, 8, CHUNK), jnp.float32),
    )(x2.reshape(SEQ, BATCH, 2 * DIM),
      idx_flat.reshape(SEQ, 1, BATCH),
      position_table.reshape(SEQ, DIM, 1))

    return out5.transpose(2, 4, 0, 1, 3).reshape(BATCH, SEQ, DIM)

# --- scband reference (transcript-rebuilt; emitter-appended) ---
"""Pipeline reference for scband-positional-embedding-text-83056077570100 (READ-ONLY COPY).

The authoritative reference and input builder live on the scoring server;
editing this copy changes nothing except your own understanding.
"""

import jax, jax.numpy as jnp
import numpy as np

VOCAB = 1000000
SEQ_LEN = 200
EMBED_DIM = 64
BATCH = 4096

def setup_inputs(seed: int = 0) -> dict:
    key = jax.random.key(seed)
    k1, k2, k3 = jax.random.split(key, 3)
    inputs = jax.random.randint(k1, (BATCH, SEQ_LEN), 0, VOCAB, dtype=jnp.int64 if jax.config.jax_enable_x64 else jnp.int32)
    token_table = jax.random.normal(k2, (VOCAB, EMBED_DIM), dtype=jnp.float32) * 0.02
    position_table = jax.random.normal(k3, (SEQ_LEN, EMBED_DIM), dtype=jnp.float32) * 0.02
    return {"inputs": inputs, "token_table": token_table, "position_table": position_table}

def reference(inputs, token_table, position_table):
    length = inputs.shape[-1]
    positions = jnp.arange(length)
    embedded_tokens = jnp.take(token_table, inputs, axis=0)
    embedded_positions = jnp.take(position_table, positions, axis=0)
    return embedded_tokens + embedded_positions

if __name__ == "__main__":
    import jax
    _d = setup_inputs()
    print(jax.jit(kernel)(*tuple(_d.values())))

</pallas_src>

<mosaic_0001>
#map = affine_map<(d0, d1) -> (0)>
#map1 = affine_map<(d0, d1) -> (0, 0)>
module attributes {stable_mosaic.version = 14 : i64} {
  func.func @_mid_body(%arg0: i32, %arg1: i32, %arg2: memref<819200xi32, #tpu.memory_space<hbm>>, %arg3: memref<501760x128xf32, #tpu.memory_space<hbm>>, %arg4: memref<819200x128xf32, #tpu.memory_space<hbm>>, %arg5: memref<25600xi32, #tpu.memory_space<vmem>>, %arg6: memref<4x128xi32, #tpu.memory_space<vmem>>, %arg7: memref<4x128x128xf32, #tpu.memory_space<vmem>>, %arg8: memref<!tpu.dma_semaphore, #tpu.memory_space<semaphore_mem>>, %arg9: memref<!tpu.dma_semaphore, #tpu.memory_space<semaphore_mem>>) attributes {dimension_semantics = [#tpu.dimension_semantics<core_parallel>, #tpu.dimension_semantics<subcore_parallel>], iteration_bounds = array<i64: 2, 16>, scalar_prefetch = 0 : i64, scratch_operands = 5 : i64, tpu.core_type = #tpu.core_type<sc_vector_subcore>, window_params = [{transform_indices = #map}, {transform_indices = #map1}, {transform_indices = #map1}]} {
    %mul3A = arith.constant 2 : i32
    %mul3A_0 = arith.muli %arg1, %mul3A : i32
    %add3A = arith.addi %mul3A_0, %arg0 : i32
    %mul3A_1 = arith.constant 200 : i32
    %mul3A_2 = arith.muli %add3A, %mul3A_1 : i32
    %mul3A_3 = arith.constant 128 : i32
    %mul3A_4 = arith.muli %mul3A_2, %mul3A_3 : i32
    "tpu.region"() ({
      %run_scoped3A = tpu.sem_alloc : memref<!tpu.dma_semaphore, #tpu.memory_space<semaphore_mem>>
      %dma_start3A_312 = tpu.memref_slice %arg2[%mul3A_4] : memref<819200xi32, #tpu.memory_space<hbm>> -> memref<25600xi32, #tpu.memory_space<hbm>>
      %dma_start3A_313 = tpu.memref_slice %arg2[%mul3A_4] : memref<819200xi32, #tpu.memory_space<hbm>> -> memref<25600xi32, #tpu.memory_space<hbm>>
      tpu.enqueue_dma source(%dma_start3A_313 : memref<25600xi32, #tpu.memory_space<hbm>>) target(%arg5 : memref<25600xi32, #tpu.memory_space<vmem>>) target_semaphore(%run_scoped3A : memref<!tpu.dma_semaphore, #tpu.memory_space<semaphore_mem>>)
      %dma_wait3A_314 = tpu.memref_slice %arg2[%mul3A_4] : memref<819200xi32, #tpu.memory_space<hbm>> -> memref<25600xi32, #tpu.memory_space<hbm>>
      %dma_wait3A_315 = tpu.memref_slice %arg2[%mul3A_4] : memref<819200xi32, #tpu.memory_space<hbm>> -> memref<25600xi32, #tpu.memory_space<hbm>>
      tpu.wait_dma2 semaphore(%run_scoped3A : memref<!tpu.dma_semaphore, #tpu.memory_space<semaphore_mem>>) src(%dma_wait3A_315 : memref<25600xi32, #tpu.memory_space<hbm>>) dst(%arg5 : memref<25600xi32, #tpu.memory_space<vmem>>)
      tpu.yield
    }) : () -> ()
    %get3A = arith.constant 0 : index
    %get3A_5 = tpu.vector_load %arg5[%get3A] {strides = array<i32>} : memref<25600xi32, #tpu.memory_space<vmem>>, vector<16xi32>,
    %shift_right_logical3A = arith.constant 9 : i32
    %shift_right_logical3A_6 = vector.broadcast %shift_right_logical3A : i32 to vector<16xi32>
    %shift_right_logical3A_7 = arith.shrui %get3A_5, %shift_right_logical3A_6 : vector<16xi32>
    %broadcast_in_dim3A = arith.constant 8 : i32
    %broadcast_in_dim3A_8 = vector.broadcast %broadcast_in_dim3A : i32 to vector<16xi32>
    %shift_left3A = arith.shli %shift_right_logical3A_7, %broadcast_in_dim3A_8 : vector<16xi32>
    %broadcast_in_dim3A_9 = arith.constant 255 : i32
    %broadcast_in_dim3A_10 = vector.broadcast %broadcast_in_dim3A_9 : i32 to vector<16xi32>
    %and3A = arith.andi %get3A_5, %broadcast_in_dim3A_10 : vector<16xi32>
    %add3A_11 = arith.addi %shift_left3A, %and3A : vector<16xi32>
    %swap3A = arith.constant 0 : i32
    %swap3A_12 = arith.index_cast %swap3A : i32 to index
    %swap3A_13 = arith.constant 0 : index
    %swap3A_14 = tpu.vector_load %arg6[%swap3A_12, %swap3A_13] {strides = array<i32>} : memref<4x128xi32, #tpu.memory_space<vmem>>, vector<16xi32>,
    tpu.vector_store %arg6[%swap3A_12, %swap3A_13], %add3A_11 {strides = array<i32>} : memref<4x128xi32, #tpu.memory_space<vmem>>, vector<16xi32>,
    %get3A_15 = arith.constant 16 : index
    %get3A_16 = tpu.vector_load %arg5[%get3A_15] {strides = array<i32>} : memref<25600xi32, #tpu.memory_space<vmem>>, vector<16xi32>,
    %shift_right_logical3A_17 = arith.constant 9 : i32
    %shift_right_logical3A_18 = vector.broadcast %shift_right_logical3A_17 : i32 to vector<16xi32>
    %shift_right_logical3A_19 = arith.shrui %get3A_16, %shift_right_logical3A_18 : vector<16xi32>
    %broadcast_in_dim3A_20 = arith.constant 8 : i32
    %broadcast_in_dim3A_21 = vector.broadcast %broadcast_in_dim3A_20 : i32 to vector<16xi32>
    %shift_left3A_22 = arith.shli %shift_right_logical3A_19, %broadcast_in_dim3A_21 : vector<16xi32>
    %broadcast_in_dim3A_23 = arith.constant 255 : i32
    %broadcast_in_dim3A_24 = vector.broadcast %broadcast_in_dim3A_23 : i32 to vector<16xi32>
    %and3A_25 = arith.andi %get3A_16, %broadcast_in_dim3A_24 : vector<16xi32>
    %add3A_26 = arith.addi %shift_left3A_22, %and3A_25 : vector<16xi32>
    %swap3A_27 = arith.constant 0 : i32
    %swap3A_28 = arith.index_cast %swap3A_27 : i32 to index
    %swap3A_29 = arith.constant 16 : index
    %swap3A_30 = tpu.vector_load %arg6[%swap3A_28, %swap3A_29] {strides = array<i32>} : memref<4x128xi32, #tpu.memory_space<vmem>>, vector<16xi32>,
    tpu.vector_store %arg6[%swap3A_28, %swap3A_29], %add3A_26 {strides = array<i32>} : memref<4x128xi32, #tpu.memory_space<vmem>>, vector<16xi32>,
    %get3A_31 = arith.constant 32 : index
    %get3A_32 = tpu.vector_load %arg5[%get3A_31] {strides = array<i32>} : memref<25600xi32, #tpu.memory_space<vmem>>, vector<16xi32>,
    %shift_right_logical3A_33 = arith.constant 9 : i32
    %shift_right_logical3A_34 = vector.broadcast %shift_right_logical3A_33 : i32 to vector<16xi32>
    %shift_right_logical3A_35 = arith.shrui %get3A_32, %shift_right_logical3A_34 : vector<16xi32>
    %broadcast_in_dim3A_36 = arith.constant 8 : i32
    %broadcast_in_dim3A_37 = vector.broadcast %broadcast_in_dim3A_36 : i32 to vector<16xi32>
    %shift_left3A_38 = arith.shli %shift_right_logical3A_35, %broadcast_in_dim3A_37 : vector<16xi32>
    %broadcast_in_dim3A_39 = arith.constant 255 : i32
    %broadcast_in_dim3A_40 = vector.broadcast %broadcast_in_dim3A_39 : i32 to vector<16xi32>
    %and3A_41 = arith.andi %get3A_32, %broadcast_in_dim3A_40 : vector<16xi32>
    %add3A_42 = arith.addi %shift_left3A_38, %and3A_41 : vector<16xi32>
    %swap3A_43 = arith.constant 0 : i32
    %swap3A_44 = arith.index_cast %swap3A_43 : i32 to index
    %swap3A_45 = arith.constant 32 : index
    %swap3A_46 = tpu.vector_load %arg6[%swap3A_44, %swap3A_45] {strides = array<i32>} : memref<4x128xi32, #tpu.memory_space<vmem>>, vector<16xi32>,
    tpu.vector_store %arg6[%swap3A_44, %swap3A_45], %add3A_42 {strides = array<i32>} : memref<4x128xi32, #tpu.memory_space<vmem>>, vector<16xi32>,
    %get3A_47 = arith.constant 48 : index
    %get3A_48 = tpu.vector_load %arg5[%get3A_47] {strides = array<i32>} : memref<25600xi32, #tpu.memory_space<vmem>>, vector<16xi32>,
    %shift_right_logical3A_49 = arith.constant 9 : i32
    %shift_right_logical3A_50 = vector.broadcast %shift_right_logical3A_49 : i32 to vector<16xi32>
    %shift_right_logical3A_51 = arith.shrui %get3A_48, %shift_right_logical3A_50 : vector<16xi32>
    %broadcast_in_dim3A_52 = arith.constant 8 : i32
    %broadcast_in_dim3A_53 = vector.broadcast %broadcast_in_dim3A_52 : i32 to vector<16xi32>
    %shift_left3A_54 = arith.shli %shift_right_logical3A_51, %broadcast_in_dim3A_53 : vector<16xi32>
    %broadcast_in_dim3A_55 = arith.constant 255 : i32
    %broadcast_in_dim3A_56 = vector.broadcast %broadcast_in_dim3A_55 : i32 to vector<16xi32>
    %and3A_57 = arith.andi %get3A_48, %broadcast_in_dim3A_56 : vector<16xi32>
    %add3A_58 = arith.addi %shift_left3A_54, %and3A_57 : vector<16xi32>
    %swap3A_59 = arith.constant 0 : i32
    %swap3A_60 = arith.index_cast %swap3A_59 : i32 to index
    %swap3A_61 = arith.constant 48 : index
    %swap3A_62 = tpu.vector_load %arg6[%swap3A_60, %swap3A_61] {strides = array<i32>} : memref<4x128xi32, #tpu.memory_space<vmem>>, vector<16xi32>,
    tpu.vector_store %arg6[%swap3A_60, %swap3A_61], %add3A_58 {strides = array<i32>} : memref<4x128xi32, #tpu.memory_space<vmem>>, vector<16xi32>,
    %get3A_63 = arith.constant 64 : index
    %get3A_64 = tpu.vector_load %arg5[%get3A_63] {strides = array<i32>} : memref<25600xi32, #tpu.memory_space<vmem>>, vector<16xi32>,
    %shift_right_logical3A_65 = arith.constant 9 : i32
    %shift_right_logical3A_66 = vector.broadcast %shift_right_logical3A_65 : i32 to vector<16xi32>
    %shift_right_logical3A_67 = arith.shrui %get3A_64, %shift_right_logical3A_66 : vector<16xi32>
    %broadcast_in_dim3A_68 = arith.constant 8 : i32
    %broadcast_in_dim3A_69 = vector.broadcast %broadcast_in_dim3A_68 : i32 to vector<16xi32>
    %shift_left3A_70 = arith.shli %shift_right_logical3A_67, %broadcast_in_dim3A_69 : vector<16xi32>
    %broadcast_in_dim3A_71 = arith.constant 255 : i32
    %broadcast_in_dim3A_72 = vector.broadcast %broadcast_in_dim3A_71 : i32 to vector<16xi32>
    %and3A_73 = arith.andi %get3A_64, %broadcast_in_dim3A_72 : vector<16xi32>
    %add3A_74 = arith.addi %shift_left3A_70, %and3A_73 : vector<16xi32>
    %swap3A_75 = arith.constant 0 : i32
    %swap3A_76 = arith.index_cast %swap3A_75 : i32 to index
    %swap3A_77 = arith.constant 64 : index
    %swap3A_78 = tpu.vector_load %arg6[%swap3A_76, %swap3A_77] {strides = array<i32>} : memref<4x128xi32, #tpu.memory_space<vmem>>, vector<16xi32>,
    tpu.vector_store %arg6[%swap3A_76, %swap3A_77], %add3A_74 {strides = array<i32>} : memref<4x128xi32, #tpu.memory_space<vmem>>, vector<16xi32>,
    %get3A_79 = arith.constant 80 : index
    %get3A_80 = tpu.vector_load %arg5[%get3A_79] {strides = array<i32>} : memref<25600xi32, #tpu.memory_space<vmem>>, vector<16xi32>,
    %shift_right_logical3A_81 = arith.constant 9 : i32
    %shift_right_logical3A_82 = vector.broadcast %shift_right_logical3A_81 : i32 to vector<16xi32>
    %shift_right_logical3A_83 = arith.shrui %get3A_80, %shift_right_logical3A_82 : vector<16xi32>
    %broadcast_in_dim3A_84 = arith.constant 8 : i32
    %broadcast_in_dim3A_85 = vector.broadcast %broadcast_in_dim3A_84 : i32 to vector<16xi32>
    %shift_left3A_86 = arith.shli %shift_right_logical3A_83, %broadcast_in_dim3A_85 : vector<16xi32>
    %broadcast_in_dim3A_87 = arith.constant 255 : i32
    %broadcast_in_dim3A_88 = vector.broadcast %broadcast_in_dim3A_87 : i32 to vector<16xi32>
    %and3A_89 = arith.andi %get3A_80, %broadcast_in_dim3A_88 : vector<16xi32>
    %add3A_90 = arith.addi %shift_left3A_86, %and3A_89 : vector<16xi32>
    %swap3A_91 = arith.constant 0 : i32
    %swap3A_92 = arith.index_cast %swap3A_91 : i32 to index
    %swap3A_93 = arith.constant 80 : index
    %swap3A_94 = tpu.vector_load %arg6[%swap3A_92, %swap3A_93] {strides = array<i32>} : memref<4x128xi32, #tpu.memory_space<vmem>>, vector<16xi32>,
    tpu.vector_store %arg6[%swap3A_92, %swap3A_93], %add3A_90 {strides = array<i32>} : memref<4x128xi32, #tpu.memory_space<vmem>>, vector<16xi32>,
    %get3A_95 = arith.constant 96 : index
    %get3A_96 = tpu.vector_load %arg5[%get3A_95] {strides = array<i32>} : memref<25600xi32, #tpu.memory_space<vmem>>, vector<16xi32>,
    %shift_right_logical3A_97 = arith.constant 9 : i32
    %shift_right_logical3A_98 = vector.broadcast %shift_right_logical3A_97 : i32 to vector<16xi32>
    %shift_right_logical3A_99 = arith.shrui %get3A_96, %shift_right_logical3A_98 : vector<16xi32>
    %broadcast_in_dim3A_100 = arith.constant 8 : i32
    %broadcast_in_dim3A_101 = vector.broadcast %broadcast_in_dim3A_100 : i32 to vector<16xi32>
    %shift_left3A_102 = arith.shli %shift_right_logical3A_99, %broadcast_in_dim3A_101 : vector<16xi32>
    %broadcast_in_dim3A_103 = arith.constant 255 : i32
    %broadcast_in_dim3A_104 = vector.broadcast %broadcast_in_dim3A_103 : i32 to vector<16xi32>
    %and3A_105 = arith.andi %get3A_96, %broadcast_in_dim3A_104 : vector<16xi32>
    %add3A_106 = arith.addi %shift_left3A_102, %and3A_105 : vector<16xi32>
    %swap3A_107 = arith.constant 0 : i32
    %swap3A_108 = arith.index_cast %swap3A_107 : i32 to index
    %swap3A_109 = arith.constant 96 : index
    %swap3A_110 = tpu.vector_load %arg6[%swap3A_108, %swap3A_109] {strides = array<i32>} : memref<4x128xi32, #tpu.memory_space<vmem>>, vector<16xi32>,
    tpu.vector_store %arg6[%swap3A_108, %swap3A_109], %add3A_106 {strides = array<i32>} : memref<4x128xi32, #tpu.memory_space<vmem>>, vector<16xi32>,
    %get3A_111 = arith.constant 112 : index
    %get3A_112 = tpu.vector_load %arg5[%get3A_111] {strides = array<i32>} : memref<25600xi32, #tpu.memory_space<vmem>>, vector<16xi32>,
    %shift_right_logical3A_113 = arith.constant 9 : i32
    %shift_right_logical3A_114 = vector.broadcast %shift_right_logical3A_113 : i32 to vector<16xi32>
    %shift_right_logical3A_115 = arith.shrui %get3A_112, %shift_right_logical3A_114 : vector<16xi32>
    %broadcast_in_dim3A_116 = arith.constant 8 : i32
    %broadcast_in_dim3A_117 = vector.broadcast %broadcast_in_dim3A_116 : i32 to vector<16xi32>
    %shift_left3A_118 = arith.shli %shift_right_logical3A_115, %broadcast_in_dim3A_117 : vector<16xi32>
    %broadcast_in_dim3A_119 = arith.constant 255 : i32
    %broadcast_in_dim3A_120 = vector.broadcast %broadcast_in_dim3A_119 : i32 to vector<16xi32>
    %and3A_121 = arith.andi %get3A_112, %broadcast_in_dim3A_120 : vector<16xi32>
    %add3A_122 = arith.addi %shift_left3A_118, %and3A_121 : vector<16xi32>
    %swap3A_123 = arith.constant 0 : i32
    %swap3A_124 = arith.index_cast %swap3A_123 : i32 to index
    %swap3A_125 = arith.constant 112 : index
    %swap3A_126 = tpu.vector_load %arg6[%swap3A_124, %swap3A_125] {strides = array<i32>} : memref<4x128xi32, #tpu.memory_space<vmem>>, vector<16xi32>,
    tpu.vector_store %arg6[%swap3A_124, %swap3A_125], %add3A_122 {strides = array<i32>} : memref<4x128xi32, #tpu.memory_space<vmem>>, vector<16xi32>,
    %dma_start3A = arith.constant 0 : i32
    %dma_start3A_127 = arith.constant 0 : i32
    %dma_start3A_128 = arith.constant 0 : i32
    %dma_start3A_129 = arith.constant 0 : i32
    %dma_start3A_130 = tpu.memref_slice %arg7[%dma_start3A_127, %dma_start3A_128, %dma_start3A_129] : memref<4x128x128xf32, #tpu.memory_space<vmem>> -> memref<1x128x128xf32, #tpu.memory_space<vmem>>
    %dma_start3A_131 = tpu.memref_squeeze %dma_start3A_130 : memref<1x128x128xf32, #tpu.memory_space<vmem>> -> memref<128x128xf32, #tpu.memory_space<vmem>>
    %dma_start3A_132 = arith.constant 0 : i32
    %dma_start3A_133 = tpu.memref_slice %arg6[%dma_start3A, %dma_start3A_132] : memref<4x128xi32, #tpu.memory_space<vmem>> -> memref<1x128xi32, #tpu.memory_space<vmem>>
    %dma_start3A_134 = tpu.memref_squeeze %dma_start3A_133 : memref<1x128xi32, #tpu.memory_space<vmem>> -> memref<128xi32, #tpu.memory_space<vmem>>
    %dma_start3A_135 = arith.constant 0 : i32
    %dma_start3A_136 = arith.constant 0 : i32
    %dma_start3A_137 = tpu.memref_slice %arg3[%dma_start3A_135, %dma_start3A_136] : memref<501760x128xf32, #tpu.memory_space<hbm>> -> memref<501760x128xf32, #tpu.memory_space<hbm>>
    tpu.enqueue_indirect_dma source(%dma_start3A_137 : memref<501760x128xf32, #tpu.memory_space<hbm>>) target(%dma_start3A_131 : memref<128x128xf32, #tpu.memory_space<vmem>>) offsets(%dma_start3A_134 : memref<128xi32, #tpu.memory_space<vmem>>) semaphore(%arg8 : memref<!tpu.dma_semaphore, #tpu.memory_space<semaphore_mem>>)
    %get3A_138 = arith.constant 128 : index
    %get3A_139 = tpu.vector_load %arg5[%get3A_138] {strides = array<i32>} : memref<25600xi32, #tpu.memory_space<vmem>>, vector<16xi32>,
    %shift_right_logical3A_140 = arith.constant 9 : i32
    %shift_right_logical3A_141 = vector.broadcast %shift_right_logical3A_140 : i32 to vector<16xi32>
    %shift_right_logical3A_142 = arith.shrui %get3A_139, %shift_right_logical3A_141 : vector<16xi32>
    %broadcast_in_dim3A_143 = arith.constant 8 : i32
    %broadcast_in_dim3A_144 = vector.broadcast %broadcast_in_dim3A_143 : i32 to vector<16xi32>
    %shift_left3A_145 = arith.shli %shift_right_logical3A_142, %broadcast_in_dim3A_144 : vector<16xi32>
    %broadcast_in_dim3A_146 = arith.constant 255 : i32
    %broadcast_in_dim3A_147 = vector.broadcast %broadcast_in_dim3A_146 : i32 to vector<16xi32>
    %and3A_148 = arith.andi %get3A_139, %broadcast_in_dim3A_147 : vector<16xi32>
    %add3A_149 = arith.addi %shift_left3A_145, %and3A_148 : vector<16xi32>
    %swap3A_150 = arith.constant 1 : i32
    %swap3A_151 = arith.index_cast %swap3A_150 : i32 to index
    %swap3A_152 = arith.constant 0 : index
    %swap3A_153 = tpu.vector_load %arg6[%swap3A_151, %swap3A_152] {strides = array<i32>} : memref<4x128xi32, #tpu.memory_space<vmem>>, vector<16xi32>,
    tpu.vector_store %arg6[%swap3A_151, %swap3A_152], %add3A_149 {strides = array<i32>} : memref<4x128xi32, #tpu.memory_space<vmem>>, vector<16xi32>,
    %get3A_154 = arith.constant 144 : index
    %get3A_155 = tpu.vector_load %arg5[%get3A_154] {strides = array<i32>} : memref<25600xi32, #tpu.memory_space<vmem>>, vector<16xi32>,
    %shift_right_logical3A_156 = arith.constant 9 : i32
    %shift_right_logical3A_157 = vector.broadcast %shift_right_logical3A_156 : i32 to vector<16xi32>
    %shift_right_logical3A_158 = arith.shrui %get3A_155, %shift_right_logical3A_157 : vector<16xi32>
    %broadcast_in_dim3A_159 = arith.constant 8 : i32
    %broadcast_in_dim3A_160 = vector.broadcast %broadcast_in_dim3A_159 : i32 to vector<16xi32>
    %shift_left3A_161 = arith.shli %shift_right_logical3A_158, %broadcast_in_dim3A_160 : vector<16xi32>
    %broadcast_in_dim3A_162 = arith.constant 255 : i32
    %broadcast_in_dim3A_163 = vector.broadcast %broadcast_in_dim3A_162 : i32 to vector<16xi32>
    %and3A_164 = arith.andi %get3A_155, %broadcast_in_dim3A_163 : vector<16xi32>
    %add3A_165 = arith.addi %shift_left3A_161, %and3A_164 : vector<16xi32>
    %swap3A_166 = arith.constant 1 : i32
    %swap3A_167 = arith.index_cast %swap3A_166 : i32 to index
    %swap3A_168 = arith.constant 16 : index
    %swap3A_169 = tpu.vector_load %arg6[%swap3A_167, %swap3A_168] {strides = array<i32>} : memref<4x128xi32, #tpu.memory_space<vmem>>, vector<16xi32>,
    tpu.vector_store %arg6[%swap3A_167, %swap3A_168], %add3A_165 {strides = array<i32>} : memref<4x128xi32, #tpu.memory_space<vmem>>, vector<16xi32>,
    %get3A_170 = arith.constant 160 : index
    %get3A_171 = tpu.vector_load %arg5[%get3A_170] {strides = array<i32>} : memref<25600xi32, #tpu.memory_space<vmem>>, vector<16xi32>,
    %shift_right_logical3A_172 = arith.constant 9 : i32
    %shift_right_logical3A_173 = vector.broadcast %shift_right_logical3A_172 : i32 to vector<16xi32>
    %shift_right_logical3A_174 = arith.shrui %get3A_171, %shift_right_logical3A_173 : vector<16xi32>
    %broadcast_in_dim3A_175 = arith.constant 8 : i32
    %broadcast_in_dim3A_176 = vector.broadcast %broadcast_in_dim3A_175 : i32 to vector<16xi32>
    %shift_left3A_177 = arith.shli %shift_right_logical3A_174, %broadcast_in_dim3A_176 : vector<16xi32>
    %broadcast_in_dim3A_178 = arith.constant 255 : i32
    %broadcast_in_dim3A_179 = vector.broadcast %broadcast_in_dim3A_178 : i32 to vector<16xi32>
    %and3A_180 = arith.andi %get3A_171, %broadcast_in_dim3A_179 : vector<16xi32>
    %add3A_181 = arith.addi %shift_left3A_177, %and3A_180 : vector<16xi32>
    %swap3A_182 = arith.constant 1 : i32
    %swap3A_183 = arith.index_cast %swap3A_182 : i32 to index
    %swap3A_184 = arith.constant 32 : index
    %swap3A_185 = tpu.vector_load %arg6[%swap3A_183, %swap3A_184] {strides = array<i32>} : memref<4x128xi32, #tpu.memory_space<vmem>>, vector<16xi32>,
    tpu.vector_store %arg6[%swap3A_183, %swap3A_184], %add3A_181 {strides = array<i32>} : memref<4x128xi32, #tpu.memory_space<vmem>>, vector<16xi32>,
    %get3A_186 = arith.constant 176 : index
    %get3A_187 = tpu.vector_load %arg5[%get3A_186] {strides = array<i32>} : memref<25600xi32, #tpu.memory_space<vmem>>, vector<16xi32>,
    %shift_right_logical3A_188 = arith.constant 9 : i32
    %shift_right_logical3A_189 = vector.broadcast %shift_right_logical3A_188 : i32 to vector<16xi32>
    %shift_right_logical3A_190 = arith.shrui %get3A_187, %shift_right_logical3A_189 : vector<16xi32>
    %broadcast_in_dim3A_191 = arith.constant 8 : i32
    %broadcast_in_dim3A_192 = vector.broadcast %broadcast_in_dim3A_191 : i32 to vector<16xi32>
    %shift_left3A_193 = arith.shli %shift_right_logical3A_190, %broadcast_in_dim3A_192 : vector<16xi32>
    %broadcast_in_dim3A_194 = arith.constant 255 : i32
    %broadcast_in_dim3A_195 = vector.broadcast %broadcast_in_dim3A_194 : i32 to vector<16xi32>
    %and3A_196 = arith.andi %get3A_187, %broadcast_in_dim3A_195 : vector<16xi32>
    %add3A_197 = arith.addi %shift_left3A_193, %and3A_196 : vector<16xi32>
    %swap3A_198 = arith.constant 1 : i32
    %swap3A_199 = arith.index_cast %swap3A_198 : i32 to index
    %swap3A_200 = arith.constant 48 : index
    %swap3A_201 = tpu.vector_load %arg6[%swap3A_199, %swap3A_200] {strides = array<i32>} : memref<4x128xi32, #tpu.memory_space<vmem>>, vector<16xi32>,
    tpu.vector_store %arg6[%swap3A_199, %swap3A_200], %add3A_197 {strides = array<i32>} : memref<4x128xi32, #tpu.memory_space<vmem>>, vector<16xi32>,
    %get3A_202 = arith.constant 192 : index
    %get3A_203 = tpu.vector_load %arg5[%get3A_202] {strides = array<i32>} : memref<25600xi32, #tpu.memory_space<vmem>>, vector<16xi32>,
    %shift_right_logical3A_204 = arith.constant 9 : i32
    %shift_right_logical3A_205 = vector.broadcast %shift_right_logical3A_204 : i32 to vector<16xi32>
    %shift_right_logical3A_206 = arith.shrui %get3A_203, %shift_right_logical3A_205 : vector<16xi32>
    %broadcast_in_dim3A_207 = arith.constant 8 : i32
    %broadcast_in_dim3A_208 = vector.broadcast %broadcast_in_dim3A_207 : i32 to vector<16xi32>
    %shift_left3A_209 = arith.shli %shift_right_logical3A_206, %broadcast_in_dim3A_208 : vector<16xi32>
    %broadcast_in_dim3A_210 = arith.constant 255 : i32
    %broadcast_in_dim3A_211 = vector.broadcast %broadcast_in_dim3A_210 : i32 to vector<16xi32>
    %and3A_212 = arith.andi %get3A_203, %broadcast_in_dim3A_211 : vector<16xi32>
    %add3A_213 = arith.addi %shift_left3A_209, %and3A_212 : vector<16xi32>
    %swap3A_214 = arith.constant 1 : i32
    %swap3A_215 = arith.index_cast %swap3A_214 : i32 to index
    %swap3A_216 = arith.constant 64 : index
    %swap3A_217 = tpu.vector_load %arg6[%swap3A_215, %swap3A_216] {strides = array<i32>} : memref<4x128xi32, #tpu.memory_space<vmem>>, vector<16xi32>,
    tpu.vector_store %arg6[%swap3A_215, %swap3A_216], %add3A_213 {strides = array<i32>} : memref<4x128xi32, #tpu.memory_space<vmem>>, vector<16xi32>,
    %get3A_218 = arith.constant 208 : index
    %get3A_219 = tpu.vector_load %arg5[%get3A_218] {strides = array<i32>} : memref<25600xi32, #tpu.memory_space<vmem>>, vector<16xi32>,
    %shift_right_logical3A_220 = arith.constant 9 : i32
    %shift_right_logical3A_221 = vector.broadcast %shift_right_logical3A_220 : i32 to vector<16xi32>
    %shift_right_logical3A_222 = arith.shrui %get3A_219, %shift_right_logical3A_221 : vector<16xi32>
    %broadcast_in_dim3A_223 = arith.constant 8 : i32
    %broadcast_in_dim3A_224 = vector.broadcast %broadcast_in_dim3A_223 : i32 to vector<16xi32>
    %shift_left3A_225 = arith.shli %shift_right_logical3A_222, %broadcast_in_dim3A_224 : vector<16xi32>
    %broadcast_in_dim3A_226 = arith.constant 255 : i32
    %broadcast_in_dim3A_227 = vector.broadcast %broadcast_in_dim3A_226 : i32 to vector<16xi32>
    %and3A_228 = arith.andi %get3A_219, %broadcast_in_dim3A_227 : vector<16xi32>
    %add3A_229 = arith.addi %shift_left3A_225, %and3A_228 : vector<16xi32>
    %swap3A_230 = arith.constant 1 : i32
    %swap3A_231 = arith.index_cast %swap3A_230 : i32 to index
    %swap3A_232 = arith.constant 80 : index
    %swap3A_233 = tpu.vector_load %arg6[%swap3A_231, %swap3A_232] {strides = array<i32>} : memref<4x128xi32, #tpu.memory_space<vmem>>, vector<16xi32>,
    tpu.vector_store %arg6[%swap3A_231, %swap3A_232], %add3A_229 {strides = array<i32>} : memref<4x128xi32, #tpu.memory_space<vmem>>, vector<16xi32>,
    %get3A_234 = arith.constant 224 : index
    %get3A_235 = tpu.vector_load %arg5[%get3A_234] {strides = array<i32>} : memref<25600xi32, #tpu.memory_space<vmem>>, vector<16xi32>,
    %shift_right_logical3A_236 = arith.constant 9 : i32
    %shift_right_logical3A_237 = vector.broadcast %shift_right_logical3A_236 : i32 to vector<16xi32>
    %shift_right_logical3A_238 = arith.shrui %get3A_235, %shift_right_logical3A_237 : vector<16xi32>
    %broadcast_in_dim3A_239 = arith.constant 8 : i32
    %broadcast_in_dim3A_240 = vector.broadcast %broadcast_in_dim3A_239 : i32 to vector<16xi32>
    %shift_left3A_241 = arith.shli %shift_right_logical3A_238, %broadcast_in_dim3A_240 : vector<16xi32>
    %broadcast_in_dim3A_242 = arith.constant 255 : i32
    %broadcast_in_dim3A_243 = vector.broadcast %broadcast_in_dim3A_242 : i32 to vector<16xi32>
    %and3A_244 = arith.andi %get3A_235, %broadcast_in_dim3A_243 : vector<16xi32>
    %add3A_245 = arith.addi %shift_left3A_241, %and3A_244 : vector<16xi32>
    %swap3A_246 = arith.constant 1 : i32
    %swap3A_247 = arith.index_cast %swap3A_246 : i32 to index
    %swap3A_248 = arith.constant 96 : index
    %swap3A_249 = tpu.vector_load %arg6[%swap3A_247, %swap3A_248] {strides = array<i32>} : memref<4x128xi32, #tpu.memory_space<vmem>>, vector<16xi32>,
    tpu.vector_store %arg6[%swap3A_247, %swap3A_248], %add3A_245 {strides = array<i32>} : memref<4x128xi32, #tpu.memory_space<vmem>>, vector<16xi32>,
    %get3A_250 = arith.constant 240 : index
    %get3A_251 = tpu.vector_load %arg5[%get3A_250] {strides = array<i32>} : memref<25600xi32, #tpu.memory_space<vmem>>, vector<16xi32>,
    %shift_right_logical3A_252 = arith.constant 9 : i32
    %shift_right_logical3A_253 = vector.broadcast %shift_right_logical3A_252 : i32 to vector<16xi32>
    %shift_right_logical3A_254 = arith.shrui %get3A_251, %shift_right_logical3A_253 : vector<16xi32>
    %broadcast_in_dim3A_255 = arith.constant 8 : i32
    %broadcast_in_dim3A_256 = vector.broadcast %broadcast_in_dim3A_255 : i32 to vector<16xi32>
    %shift_left3A_257 = arith.shli %shift_right_logical3A_254, %broadcast_in_dim3A_256 : vector<16xi32>
    %broadcast_in_dim3A_258 = arith.constant 255 : i32
    %broadcast_in_dim3A_259 = vector.broadcast %broadcast_in_dim3A_258 : i32 to vector<16xi32>
    %and3A_260 = arith.andi %get3A_251, %broadcast_in_dim3A_259 : vector<16xi32>
    %add3A_261 = arith.addi %shift_left3A_257, %and3A_260 : vector<16xi32>
    %swap3A_262 = arith.constant 1 : i32
    %swap3A_263 = arith.index_cast %swap3A_262 : i32 to index
    %swap3A_264 = arith.constant 112 : index
    %swap3A_265 = tpu.vector_load %arg6[%swap3A_263, %swap3A_264] {strides = array<i32>} : memref<4x128xi32, #tpu.memory_space<vmem>>, vector<16xi32>,
    tpu.vector_store %arg6[%swap3A_263, %swap3A_264], %add3A_261 {strides = array<i32>} : memref<4x128xi32, #tpu.memory_space<vmem>>, vector<16xi32>,
    %dma_start3A_266 = arith.constant 1 : i32
    %dma_start3A_267 = arith.constant 1 : i32
    %dma_start3A_268 = arith.constant 0 : i32
    %dma_start3A_269 = arith.constant 0 : i32
    %dma_start3A_270 = tpu.memref_slice %arg7[%dma_start3A_267, %dma_start3A_268, %dma_start3A_269] : memref<4x128x128xf32, #tpu.memory_space<vmem>> -> memref<1x128x128xf32, #tpu.memory_space<vmem>>
    %dma_start3A_271 = tpu.memref_squeeze %dma_start3A_270 : memref<1x128x128xf32, #tpu.memory_space<vmem>> -> memref<128x128xf32, #tpu.memory_space<vmem>>
    %dma_start3A_272 = arith.constant 0 : i32
    %dma_start3A_273 = tpu.memref_slice %arg6[%dma_start3A_266, %dma_start3A_272] : memref<4x128xi32, #tpu.memory_space<vmem>> -> memref<1x128xi32, #tpu.memory_space<vmem>>
    %dma_start3A_274 = tpu.memref_squeeze %dma_start3A_273 : memref<1x128xi32, #tpu.memory_space<vmem>> -> memref<128xi32, #tpu.memory_space<vmem>>
    %dma_start3A_275 = arith.constant 0 : i32
    %dma_start3A_276 = arith.constant 0 : i32
    %dma_start3A_277 = tpu.memref_slice %arg3[%dma_start3A_275, %dma_start3A_276] : memref<501760x128xf32, #tpu.memory_space<hbm>> -> memref<501760x128xf32, #tpu.memory_space<hbm>>
    tpu.enqueue_indirect_dma source(%dma_start3A_277 : memref<501760x128xf32, #tpu.memory_space<hbm>>) target(%dma_start3A_271 : memref<128x128xf32, #tpu.memory_space<vmem>>) offsets(%dma_start3A_274 : memref<128xi32, #tpu.memory_space<vmem>>) semaphore(%arg8 : memref<!tpu.dma_semaphore, #tpu.memory_space<semaphore_mem>>)
    %scan3A = arith.constant 0 : i32
    %scan3A_278 = arith.constant 0 : i32
    %scan3A_279 = arith.constant 50 : i32
    %scan3A_280 = arith.addi %scan3A_278, %scan3A_279 : i32
    %scan3A_281 = arith.constant 1 : i32
    scf.for %scan3A_312 = %scan3A_278 to %scan3A_280 step %scan3A_281  : i32 {
      %mul3A_313 = arith.constant 4 : i32
      %mul3A_314 = arith.muli %scan3A_312, %mul3A_313 : i32
      %add3A_315 = arith.constant 0 : i32
      %add3A_316 = arith.addi %mul3A_314, %add3A_315 : i32
      %ge3A = arith.constant 2 : i32
      %ge3A_317 = arith.cmpi sge, %add3A_316, %ge3A : i32
      %convert_element_type3A = arith.extui %ge3A_317 : i1 to i32
      %cond3A = arith.constant 0 : i32
      %cond3A_318 = arith.cmpi ne, %convert_element_type3A, %cond3A : i32
      scf.if %cond3A_318 {
        %dma_wait3A_485 = arith.constant 2 : i32
        %dma_wait3A_486 = arith.constant 0 : i32
        %dma_wait3A_487 = arith.constant 0 : i32
        %dma_wait3A_488 = tpu.memref_slice %arg7[%dma_wait3A_485, %dma_wait3A_486, %dma_wait3A_487] : memref<4x128x128xf32, #tpu.memory_space<vmem>> -> memref<1x128x128xf32, #tpu.memory_space<vmem>>
        %dma_wait3A_489 = tpu.memref_squeeze %dma_wait3A_488 : memref<1x128x128xf32, #tpu.memory_space<vmem>> -> memref<128x128xf32, #tpu.memory_space<vmem>>
        %dma_wait3A_490 = arith.constant 0 : i32
        %dma_wait3A_491 = arith.constant 0 : i32
        %dma_wait3A_492 = tpu.memref_slice %arg4[%dma_wait3A_490, %dma_wait3A_491] : memref<819200x128xf32, #tpu.memory_space<hbm>> -> memref<128x128xf32, #tpu.memory_space<hbm>>
        %dma_wait3A_493 = arith.constant 0 : i32
        %dma_wait3A_494 = arith.constant 0 : i32
        %dma_wait3A_495 = tpu.memref_slice %arg4[%dma_wait3A_493, %dma_wait3A_494] : memref<819200x128xf32, #tpu.memory_space<hbm>> -> memref<128x128xf32, #tpu.memory_space<hbm>>
        %dma_wait3A_496 = arith.constant 0 : i32
        %dma_wait3A_497 = arith.constant 0 : i32
        %dma_wait3A_498 = tpu.memref_slice %arg7[%dma_wait3A_485, %dma_wait3A_496, %dma_wait3A_497] : memref<4x128x128xf32, #tpu.memory_space<vmem>> -> memref<1x128x128xf32, #tpu.memory_space<vmem>>
        %dma_wait3A_499 = tpu.memref_squeeze %dma_wait3A_498 : memref<1x128x128xf32, #tpu.memory_space<vmem>> -> memref<128x128xf32, #tpu.memory_space<vmem>>
        tpu.wait_dma2 semaphore(%arg9 : memref<!tpu.dma_semaphore, #tpu.memory_space<semaphore_mem>>) src(%dma_wait3A_499 : memref<128x128xf32, #tpu.memory_space<vmem>>) dst(%dma_wait3A_495 : memref<128x128xf32, #tpu.memory_space<hbm>>)
      } else {
      }
      %add3A_319 = arith.constant 2 : i32
      %add3A_320 = arith.addi %add3A_316, %add3A_319 : i32
      %lt3A = arith.constant 200 : i32
      %lt3A_321 = arith.cmpi slt, %add3A_320, %lt3A : i32
      %convert_element_type3A_322 = arith.extui %lt3A_321 : i1 to i32
      %cond3A_323 = arith.constant 0 : i32
      %cond3A_324 = arith.cmpi ne, %convert_element_type3A_322, %cond3A_323 : i32
      scf.if %cond3A_324 {
        %add3A_485 = arith.constant 2 : i32
        %add3A_486 = arith.addi %add3A_316, %add3A_485 : i32
        %mul3A_487 = arith.constant 128 : i32
        %mul3A_488 = arith.muli %add3A_486, %mul3A_487 : i32
        %add3A_489 = arith.constant 0 : i32
        %add3A_490 = arith.addi %mul3A_488, %add3A_489 : i32
        %get3A_491 = arith.index_cast %add3A_490 : i32 to index
        %get3A_492 = tpu.vector_load %arg5[%get3A_491] {strides = array<i32>} : memref<25600xi32, #tpu.memory_space<vmem>>, vector<16xi32>,
        %shift_right_logical3A_493 = arith.constant 9 : i32
        %shift_right_logical3A_494 = vector.broadcast %shift_right_logical3A_493 : i32 to vector<16xi32>
        %shift_right_logical3A_495 = arith.shrui %get3A_492, %shift_right_logical3A_494 : vector<16xi32>
        %broadcast_in_dim3A_496 = arith.constant 8 : i32
        %broadcast_in_dim3A_497 = vector.broadcast %broadcast_in_dim3A_496 : i32 to vector<16xi32>
        %shift_left3A_498 = arith.shli %shift_right_logical3A_495, %broadcast_in_dim3A_497 : vector<16xi32>
        %broadcast_in_dim3A_499 = arith.constant 255 : i32
        %broadcast_in_dim3A_500 = vector.broadcast %broadcast_in_dim3A_499 : i32 to vector<16xi32>
        %and3A_501 = arith.andi %get3A_492, %broadcast_in_dim3A_500 : vector<16xi32>
        %add3A_502 = arith.addi %shift_left3A_498, %and3A_501 : vector<16xi32>
        %swap3A_503 = arith.constant 2 : i32
        %swap3A_504 = arith.index_cast %swap3A_503 : i32 to index
        %swap3A_505 = arith.constant 0 : index
        %swap3A_506 = tpu.vector_load %arg6[%swap3A_504, %swap3A_505] {strides = array<i32>} : memref<4x128xi32, #tpu.memory_space<vmem>>, vector<16xi32>,
        tpu.vector_store %arg6[%swap3A_504, %swap3A_505], %add3A_502 {strides = array<i32>} : memref<4x128xi32, #tpu.memory_space<vmem>>, vector<16xi32>,
        %mul3A_507 = arith.constant 128 : i32
        %mul3A_508 = arith.muli %add3A_486, %mul3A_507 : i32
        %add3A_509 = arith.constant 16 : i32
        %add3A_510 = arith.addi %mul3A_508, %add3A_509 : i32
        %get3A_511 = arith.index_cast %add3A_510 : i32 to index
        %get3A_512 = tpu.vector_load %arg5[%get3A_511] {strides = array<i32>} : memref<25600xi32, #tpu.memory_space<vmem>>, vector<16xi32>,
        %shift_right_logical3A_513 = arith.constant 9 : i32
        %shift_right_logical3A_514 = vector.broadcast %shift_right_logical3A_513 : i32 to vector<16xi32>
        %shift_right_logical3A_515 = arith.shrui %get3A_512, %shift_right_logical3A_514 : vector<16xi32>
        %broadcast_in_dim3A_516 = arith.constant 8 : i32
        %broadcast_in_dim3A_517 = vector.broadcast %broadcast_in_dim3A_516 : i32 to vector<16xi32>
        %shift_left3A_518 = arith.shli %shift_right_logical3A_515, %broadcast_in_dim3A_517 : vector<16xi32>
        %broadcast_in_dim3A_519 = arith.constant 255 : i32
        %broadcast_in_dim3A_520 = vector.broadcast %broadcast_in_dim3A_519 : i32 to vector<16xi32>
        %and3A_521 = arith.andi %get3A_512, %broadcast_in_dim3A_520 : vector<16xi32>
        %add3A_522 = arith.addi %shift_left3A_518, %and3A_521 : vector<16xi32>
        %swap3A_523 = arith.constant 2 : i32
        %swap3A_524 = arith.index_cast %swap3A_523 : i32 to index
        %swap3A_525 = arith.constant 16 : index
        %swap3A_526 = tpu.vector_load %arg6[%swap3A_524, %swap3A_525] {strides = array<i32>} : memref<4x128xi32, #tpu.memory_space<vmem>>, vector<16xi32>,
        tpu.vector_store %arg6[%swap3A_524, %swap3A_525], %add3A_522 {strides = array<i32>} : memref<4x128xi32, #tpu.memory_space<vmem>>, vector<16xi32>,
        %mul3A_527 = arith.constant 128 : i32
        %mul3A_528 = arith.muli %add3A_486, %mul3A_527 : i32
        %add3A_529 = arith.constant 32 : i32
        %add3A_530 = arith.addi %mul3A_528, %add3A_529 : i32
        %get3A_531 = arith.index_cast %add3A_530 : i32 to index
        %get3A_532 = tpu.vector_load %arg5[%get3A_531] {strides = array<i32>} : memref<25600xi32, #tpu.memory_space<vmem>>, vector<16xi32>,
        %shift_right_logical3A_533 = arith.constant 9 : i32
        %shift_right_logical3A_534 = vector.broadcast %shift_right_logical3A_533 : i32 to vector<16xi32>
        %shift_right_logical3A_535 = arith.shrui %get3A_532, %shift_right_logical3A_534 : vector<16xi32>
        %broadcast_in_dim3A_536 = arith.constant 8 : i32
        %broadcast_in_dim3A_537 = vector.broadcast %broadcast_in_dim3A_536 : i32 to vector<16xi32>
        %shift_left3A_538 = arith.shli %shift_right_logical3A_535, %broadcast_in_dim3A_537 : vector<16xi32>
        %broadcast_in_dim3A_539 = arith.constant 255 : i32
        %broadcast_in_dim3A_540 = vector.broadcast %broadcast_in_dim3A_539 : i32 to vector<16xi32>
        %and3A_541 = arith.andi %get3A_532, %broadcast_in_dim3A_540 : vector<16xi32>
        %add3A_542 = arith.addi %shift_left3A_538, %and3A_541 : vector<16xi32>
        %swap3A_543 = arith.constant 2 : i32
        %swap3A_544 = arith.index_cast %swap3A_543 : i32 to index
        %swap3A_545 = arith.constant 32 : index
        %swap3A_546 = tpu.vector_load %arg6[%swap3A_544, %swap3A_545] {strides = array<i32>} : memref<4x128xi32, #tpu.memory_space<vmem>>, vector<16xi32>,
        tpu.vector_store %arg6[%swap3A_544, %swap3A_545], %add3A_542 {strides = array<i32>} : memref<4x128xi32, #tpu.memory_space<vmem>>, vector<16xi32>,
        %mul3A_547 = arith.constant 128 : i32
        %mul3A_548 = arith.muli %add3A_486, %mul3A_547 : i32
        %add3A_549 = arith.constant 48 : i32
        %add3A_550 = arith.addi %mul3A_548, %add3A_549 : i32
        %get3A_551 = arith.index_cast %add3A_550 : i32 to index
        %get3A_552 = tpu.vector_load %arg5[%get3A_551] {strides = array<i32>} : memref<25600xi32, #tpu.memory_space<vmem>>, vector<16xi32>,
        %shift_right_logical3A_553 = arith.constant 9 : i32
        %shift_right_logical3A_554 = vector.broadcast %shift_right_logical3A_553 : i32 to vector<16xi32>
        %shift_right_logical3A_555 = arith.shrui %get3A_552, %shift_right_logical3A_554 : vector<16xi32>
        %broadcast_in_dim3A_556 = arith.constant 8 : i32
        %broadcast_in_dim3A_557 = vector.broadcast %broadcast_in_dim3A_556 : i32 to vector<16xi32>
        %shift_left3A_558 = arith.shli %shift_right_logical3A_555, %broadcast_in_dim3A_557 : vector<16xi32>
        %broadcast_in_dim3A_559 = arith.constant 255 : i32
        %broadcast_in_dim3A_560 = vector.broadcast %broadcast_in_dim3A_559 : i32 to vector<16xi32>
        %and3A_561 = arith.andi %get3A_552, %broadcast_in_dim3A_560 : vector<16xi32>
        %add3A_562 = arith.addi %shift_left3A_558, %and3A_561 : vector<16xi32>
        %swap3A_563 = arith.constant 2 : i32
        %swap3A_564 = arith.index_cast %swap3A_563 : i32 to index
        %swap3A_565 = arith.constant 48 : index
        %swap3A_566 = tpu.vector_load %arg6[%swap3A_564, %swap3A_565] {strides = array<i32>} : memref<4x128xi32, #tpu.memory_space<vmem>>, vector<16xi32>,
        tpu.vector_store %arg6[%swap3A_564, %swap3A_565], %add3A_562 {strides = array<i32>} : memref<4x128xi32, #tpu.memory_space<vmem>>, vector<16xi32>,
        %mul3A_567 = arith.constant 128 : i32
        %mul3A_568 = arith.muli %add3A_486, %mul3A_567 : i32
        %add3A_569 = arith.constant 64 : i32
        %add3A_570 = arith.addi %mul3A_568, %add3A_569 : i32
        %get3A_571 = arith.index_cast %add3A_570 : i32 to index
        %get3A_572 = tpu.vector_load %arg5[%get3A_571] {strides = array<i32>} : memref<25600xi32, #tpu.memory_space<vmem>>, vector<16xi32>,
        %shift_right_logical3A_573 = arith.constant 9 : i32
        %shift_right_logical3A_574 = vector.broadcast %shift_right_logical3A_573 : i32 to vector<16xi32>
        %shift_right_logical3A_575 = arith.shrui %get3A_572, %shift_right_logical3A_574 : vector<16xi32>
        %broadcast_in_dim3A_576 = arith.constant 8 : i32
        %broadcast_in_dim3A_577 = vector.broadcast %broadcast_in_dim3A_576 : i32 to vector<16xi32>
        %shift_left3A_578 = arith.shli %shift_right_logical3A_575, %broadcast_in_dim3A_577 : vector<16xi32>
        %broadcast_in_dim3A_579 = arith.constant 255 : i32
        %broadcast_in_dim3A_580 = vector.broadcast %broadcast_in_dim3A_579 : i32 to vector<16xi32>
        %and3A_581 = arith.andi %get3A_572, %broadcast_in_dim3A_580 : vector<16xi32>
        %add3A_582 = arith.addi %shift_left3A_578, %and3A_581 : vector<16xi32>
        %swap3A_583 = arith.constant 2 : i32
        %swap3A_584 = arith.index_cast %swap3A_583 : i32 to index
        %swap3A_585 = arith.constant 64 : index
        %swap3A_586 = tpu.vector_load %arg6[%swap3A_584, %swap3A_585] {strides = array<i32>} : memref<4x128xi32, #tpu.memory_space<vmem>>, vector<16xi32>,
        tpu.vector_store %arg6[%swap3A_584, %swap3A_585], %add3A_582 {strides = array<i32>} : memref<4x128xi32, #tpu.memory_space<vmem>>, vector<16xi32>,
        %mul3A_587 = arith.constant 128 : i32
        %mul3A_588 = arith.muli %add3A_486, %mul3A_587 : i32
        %add3A_589 = arith.constant 80 : i32
        %add3A_590 = arith.addi %mul3A_588, %add3A_589 : i32
        %get3A_591 = arith.index_cast %add3A_590 : i32 to index
        %get3A_592 = tpu.vector_load %arg5[%get3A_591] {strides = array<i32>} : memref<25600xi32, #tpu.memory_space<vmem>>, vector<16xi32>,
        %shift_right_logical3A_593 = arith.constant 9 : i32
        %shift_right_logical3A_594 = vector.broadcast %shift_right_logical3A_593 : i32 to vector<16xi32>
        %shift_right_logical3A_595 = arith.shrui %get3A_592, %shift_right_logical3A_594 : vector<16xi32>
        %broadcast_in_dim3A_596 = arith.constant 8 : i32
        %broadcast_in_dim3A_597 = vector.broadcast %broadcast_in_dim3A_596 : i32 to vector<16xi32>
        %shift_left3A_598 = arith.shli %shift_right_logical3A_595, %broadcast_in_dim3A_597 : vector<16xi32>
        %broadcast_in_dim3A_599 = arith.constant 255 : i32
        %broadcast_in_dim3A_600 = vector.broadcast %broadcast_in_dim3A_599 : i32 to vector<16xi32>
        %and3A_601 = arith.andi %get3A_592, %broadcast_in_dim3A_600 : vector<16xi32>
        %add3A_602 = arith.addi %shift_left3A_598, %and3A_601 : vector<16xi32>
        %swap3A_603 = arith.constant 2 : i32
        %swap3A_604 = arith.index_cast %swap3A_603 : i32 to index
        %swap3A_605 = arith.constant 80 : index
        %swap3A_606 = tpu.vector_load %arg6[%swap3A_604, %swap3A_605] {strides = array<i32>} : memref<4x128xi32, #tpu.memory_space<vmem>>, vector<16xi32>,
        tpu.vector_store %arg6[%swap3A_604, %swap3A_605], %add3A_602 {strides = array<i32>} : memref<4x128xi32, #tpu.memory_space<vmem>>, vector<16xi32>,
        %mul3A_607 = arith.constant 128 : i32
        %mul3A_608 = arith.muli %add3A_486, %mul3A_607 : i32
        %add3A_609 = arith.constant 96 : i32
        %add3A_610 = arith.addi %mul3A_608, %add3A_609 : i32
        %get3A_611 = arith.index_cast %add3A_610 : i32 to index
        %get3A_612 = tpu.vector_load %arg5[%get3A_611] {strides = array<i32>} : memref<25600xi32, #tpu.memory_space<vmem>>, vector<16xi32>,
        %shift_right_logical3A_613 = arith.constant 9 : i32
        %shift_right_logical3A_614 = vector.broadcast %shift_right_logical3A_613 : i32 to vector<16xi32>
        %shift_right_logical3A_615 = arith.shrui %get3A_612, %shift_right_logical3A_614 : vector<16xi32>
        %broadcast_in_dim3A_616 = arith.constant 8 : i32
        %broadcast_in_dim3A_617 = vector.broadcast %broadcast_in_dim3A_616 : i32 to vector<16xi32>
        %shift_left3A_618 = arith.shli %shift_right_logical3A_615, %broadcast_in_dim3A_617 : vector<16xi32>
        %broadcast_in_dim3A_619 = arith.constant 255 : i32
        %broadcast_in_dim3A_620 = vector.broadcast %broadcast_in_dim3A_619 : i32 to vector<16xi32>
        %and3A_621 = arith.andi %get3A_612, %broadcast_in_dim3A_620 : vector<16xi32>
        %add3A_622 = arith.addi %shift_left3A_618, %and3A_621 : vector<16xi32>
        %swap3A_623 = arith.constant 2 : i32
        %swap3A_624 = arith.index_cast %swap3A_623 : i32 to index
        %swap3A_625 = arith.constant 96 : index
        %swap3A_626 = tpu.vector_load %arg6[%swap3A_624, %swap3A_625] {strides = array<i32>} : memref<4x128xi32, #tpu.memory_space<vmem>>, vector<16xi32>,
        tpu.vector_store %arg6[%swap3A_624, %swap3A_625], %add3A_622 {strides = array<i32>} : memref<4x128xi32, #tpu.memory_space<vmem>>, vector<16xi32>,
        %mul3A_627 = arith.constant 128 : i32
        %mul3A_628 = arith.muli %add3A_486, %mul3A_627 : i32
        %add3A_629 = arith.constant 112 : i32
        %add3A_630 = arith.addi %mul3A_628, %add3A_629 : i32
        %get3A_631 = arith.index_cast %add3A_630 : i32 to index
        %get3A_632 = tpu.vector_load %arg5[%get3A_631] {strides = array<i32>} : memref<25600xi32, #tpu.memory_space<vmem>>, vector<16xi32>,
        %shift_right_logical3A_633 = arith.constant 9 : i32
        %shift_right_logical3A_634 = vector.broadcast %shift_right_logical3A_633 : i32 to vector<16xi32>
        %shift_right_logical3A_635 = arith.shrui %get3A_632, %shift_right_logical3A_634 : vector<16xi32>
        %broadcast_in_dim3A_636 = arith.constant 8 : i32
        %broadcast_in_dim3A_637 = vector.broadcast %broadcast_in_dim3A_636 : i32 to vector<16xi32>
        %shift_left3A_638 = arith.shli %shift_right_logical3A_635, %broadcast_in_dim3A_637 : vector<16xi32>
        %broadcast_in_dim3A_639 = arith.constant 255 : i32
        %broadcast_in_dim3A_640 = vector.broadcast %broadcast_in_dim3A_639 : i32 to vector<16xi32>
        %and3A_641 = arith.andi %get3A_632, %broadcast_in_dim3A_640 : vector<16xi32>
        %add3A_642 = arith.addi %shift_left3A_638, %and3A_641 : vector<16xi32>
        %swap3A_643 = arith.constant 2 : i32
        %swap3A_644 = arith.index_cast %swap3A_643 : i32 to index
        %swap3A_645 = arith.constant 112 : index
        %swap3A_646 = tpu.vector_load %arg6[%swap3A_644, %swap3A_645] {strides = array<i32>} : memref<4x128xi32, #tpu.memory_space<vmem>>, vector<16xi32>,
        tpu.vector_store %arg6[%swap3A_644, %swap3A_645], %add3A_642 {strides = array<i32>} : memref<4x128xi32, #tpu.memory_space<vmem>>, vector<16xi32>,
        %dma_start3A_647 = arith.constant 2 : i32
        %dma_start3A_648 = arith.constant 2 : i32
        %dma_start3A_649 = arith.constant 0 : i32
        %dma_start3A_650 = arith.constant 0 : i32
        %dma_start3A_651 = tpu.memref_slice %arg7[%dma_start3A_648, %dma_start3A_649, %dma_start3A_650] : memref<4x128x128xf32, #tpu.memory_space<vmem>> -> memref<1x128x128xf32, #tpu.memory_space<vmem>>
        %dma_start3A_652 = tpu.memref_squeeze %dma_start3A_651 : memref<1x128x128xf32, #tpu.memory_space<vmem>> -> memref<128x128xf32, #tpu.memory_space<vmem>>
        %dma_start3A_653 = arith.constant 0 : i32
        %dma_start3A_654 = tpu.memref_slice %arg6[%dma_start3A_647, %dma_start3A_653] : memref<4x128xi32, #tpu.memory_space<vmem>> -> memref<1x128xi32, #tpu.memory_space<vmem>>
        %dma_start3A_655 = tpu.memref_squeeze %dma_start3A_654 : memref<1x128xi32, #tpu.memory_space<vmem>> -> memref<128xi32, #tpu.memory_space<vmem>>
        %dma_start3A_656 = arith.constant 0 : i32
        %dma_start3A_657 = arith.constant 0 : i32
        %dma_start3A_658 = tpu.memref_slice %arg3[%dma_start3A_656, %dma_start3A_657] : memref<501760x128xf32, #tpu.memory_space<hbm>> -> memref<501760x128xf32, #tpu.memory_space<hbm>>
        tpu.enqueue_indirect_dma source(%dma_start3A_658 : memref<501760x128xf32, #tpu.memory_space<hbm>>) target(%dma_start3A_652 : memref<128x128xf32, #tpu.memory_space<vmem>>) offsets(%dma_start3A_655 : memref<128xi32, #tpu.memory_space<vmem>>) semaphore(%arg8 : memref<!tpu.dma_semaphore, #tpu.memory_space<semaphore_mem>>)
      } else {
      }
      %dma_wait3A_325 = arith.constant 0 : i32
      %dma_wait3A_326 = arith.constant 0 : i32
      %dma_wait3A_327 = arith.constant 0 : i32
      %dma_wait3A_328 = arith.constant 0 : i32
      %dma_wait3A_329 = tpu.memref_slice %arg7[%dma_wait3A_326, %dma_wait3A_327, %dma_wait3A_328] : memref<4x128x128xf32, #tpu.memory_space<vmem>> -> memref<1x128x128xf32, #tpu.memory_space<vmem>>
      %dma_wait3A_330 = tpu.memref_squeeze %dma_wait3A_329 : memref<1x128x128xf32, #tpu.memory_space<vmem>> -> memref<128x128xf32, #tpu.memory_space<vmem>>
      %dma_wait3A_331 = arith.constant 0 : i32
      %dma_wait3A_332 = tpu.memref_slice %arg6[%dma_wait3A_325, %dma_wait3A_331] : memref<4x128xi32, #tpu.memory_space<vmem>> -> memref<1x128xi32, #tpu.memory_space<vmem>>
      %dma_wait3A_333 = tpu.memref_squeeze %dma_wait3A_332 : memref<1x128xi32, #tpu.memory_space<vmem>> -> memref<128xi32, #tpu.memory_space<vmem>>
      %dma_wait3A_334 = arith.constant 0 : i32
      %dma_wait3A_335 = arith.constant 0 : i32
      %dma_wait3A_336 = tpu.memref_slice %arg3[%dma_wait3A_334, %dma_wait3A_335] : memref<501760x128xf32, #tpu.memory_space<hbm>> -> memref<501760x128xf32, #tpu.memory_space<hbm>>
      tpu.wait_indirect_dma semaphore(%arg8 : memref<!tpu.dma_semaphore, #tpu.memory_space<semaphore_mem>>) src(%dma_wait3A_336 : memref<501760x128xf32, #tpu.memory_space<hbm>>) dst(%dma_wait3A_330 : memref<128x128xf32, #tpu.memory_space<vmem>>)
      %add3A_337 = arith.addi %mul3A_2, %add3A_316 : i32
      %mul3A_338 = arith.constant 128 : i32
      %mul3A_339 = arith.muli %add3A_337, %mul3A_338 : i32
      %dma_start3A_340 = arith.constant 0 : i32
      %dma_start3A_341 = arith.constant 0 : i32
      %dma_start3A_342 = arith.constant 0 : i32
      %dma_start3A_343 = tpu.memref_slice %arg7[%dma_start3A_340, %dma_start3A_341, %dma_start3A_342] : memref<4x128x128xf32, #tpu.memory_space<vmem>> -> memref<1x128x128xf32, #tpu.memory_space<vmem>>
      %dma_start3A_344 = tpu.memref_squeeze %dma_start3A_343 : memref<1x128x128xf32, #tpu.memory_space<vmem>> -> memref<128x128xf32, #tpu.memory_space<vmem>>
      %dma_start3A_345 = arith.constant 0 : i32
      %dma_start3A_346 = tpu.memref_slice %arg4[%mul3A_339, %dma_start3A_345] : memref<819200x128xf32, #tpu.memory_space<hbm>> -> memref<128x128xf32, #tpu.memory_space<hbm>>
      %dma_start3A_347 = arith.constant 0 : i32
      %dma_start3A_348 = tpu.memref_slice %arg4[%mul3A_339, %dma_start3A_347] : memref<819200x128xf32, #tpu.memory_space<hbm>> -> memref<128x128xf32, #tpu.memory_space<hbm>>
      %dma_start3A_349 = arith.constant 0 : i32
      %dma_start3A_350 = arith.constant 0 : i32
      %dma_start3A_351 = tpu.memref_slice %arg7[%dma_start3A_340, %dma_start3A_349, %dma_start3A_350] : memref<4x128x128xf32, #tpu.memory_space<vmem>> -> memref<1x128x128xf32, #tpu.memory_space<vmem>>
      %dma_start3A_352 = tpu.memref_squeeze %dma_start3A_351 : memref<1x128x128xf32, #tpu.memory_space<vmem>> -> memref<128x128xf32, #tpu.memory_space<vmem>>
      tpu.enqueue_dma source(%dma_start3A_352 : memref<128x128xf32, #tpu.memory_space<vmem>>) target(%dma_start3A_348 : memref<128x128xf32, #tpu.memory_space<hbm>>) target_semaphore(%arg9 : memref<!tpu.dma_semaphore, #tpu.memory_space<semaphore_mem>>)
      %mul3A_353 = arith.constant 4 : i32
      %mul3A_354 = arith.muli %scan3A_312, %mul3A_353 : i32
      %add3A_355 = arith.constant 1 : i32
      %add3A_356 = arith.addi %mul3A_354, %add3A_355 : i32
      %ge3A_357 = arith.constant 2 : i32
      %ge3A_358 = arith.cmpi sge, %add3A_356, %ge3A_357 : i32
      %convert_element_type3A_359 = arith.extui %ge3A_358 : i1 to i32
      %cond3A_360 = arith.constant 0 : i32
      %cond3A_361 = arith.cmpi ne, %convert_element_type3A_359, %cond3A_360 : i32
      scf.if %cond3A_361 {
        %dma_wait3A_485 = arith.constant 3 : i32
        %dma_wait3A_486 = arith.constant 0 : i32
        %dma_wait3A_487 = arith.constant 0 : i32
        %dma_wait3A_488 = tpu.memref_slice %arg7[%dma_wait3A_485, %dma_wait3A_486, %dma_wait3A_487] : memref<4x128x128xf32, #tpu.memory_space<vmem>> -> memref<1x128x128xf32, #tpu.memory_space<vmem>>
        %dma_wait3A_489 = tpu.memref_squeeze %dma_wait3A_488 : memref<1x128x128xf32, #tpu.memory_space<vmem>> -> memref<128x128xf32, #tpu.memory_space<vmem>>
        %dma_wait3A_490 = arith.constant 0 : i32
        %dma_wait3A_491 = arith.constant 0 : i32
        %dma_wait3A_492 = tpu.memref_slice %arg4[%dma_wait3A_490, %dma_wait3A_491] : memref<819200x128xf32, #tpu.memory_space<hbm>> -> memref<128x128xf32, #tpu.memory_space<hbm>>
        %dma_wait3A_493 = arith.constant 0 : i32
        %dma_wait3A_494 = arith.constant 0 : i32
        %dma_wait3A_495 = tpu.memref_slice %arg4[%dma_wait3A_493, %dma_wait3A_494] : memref<819200x128xf32, #tpu.memory_space<hbm>> -> memref<128x128xf32, #tpu.memory_space<hbm>>
        %dma_wait3A_496 = arith.constant 0 : i32
        %dma_wait3A_497 = arith.constant 0 : i32
        %dma_wait3A_498 = tpu.memref_slice %arg7[%dma_wait3A_485, %dma_wait3A_496, %dma_wait3A_497] : memref<4x128x128xf32, #tpu.memory_space<vmem>> -> memref<1x128x128xf32, #tpu.memory_space<vmem>>
        %dma_wait3A_499 = tpu.memref_squeeze %dma_wait3A_498 : memref<1x128x128xf32, #tpu.memory_space<vmem>> -> memref<128x128xf32, #tpu.memory_space<vmem>>
        tpu.wait_dma2 semaphore(%arg9 : memref<!tpu.dma_semaphore, #tpu.memory_space<semaphore_mem>>) src(%dma_wait3A_499 : memref<128x128xf32, #tpu.memory_space<vmem>>) dst(%dma_wait3A_495 : memref<128x128xf32, #tpu.memory_space<hbm>>)
      } else {
      }
      %add3A_362 = arith.constant 2 : i32
      %add3A_363 = arith.addi %add3A_356, %add3A_362 : i32
      %lt3A_364 = arith.constant 200 : i32
      %lt3A_365 = arith.cmpi slt, %add3A_363, %lt3A_364 : i32
      %convert_element_type3A_366 = arith.extui %lt3A_365 : i1 to i32
      %cond3A_367 = arith.constant 0 : i32
      %cond3A_368 = arith.cmpi ne, %convert_element_type3A_366, %cond3A_367 : i32
      scf.if %cond3A_368 {
        %add3A_485 = arith.constant 2 : i32
        %add3A_486 = arith.addi %add3A_356, %add3A_485 : i32
        %mul3A_487 = arith.constant 128 : i32
        %mul3A_488 = arith.muli %add3A_486, %mul3A_487 : i32
        %add3A_489 = arith.constant 0 : i32
        %add3A_490 = arith.addi %mul3A_488, %add3A_489 : i32
        %get3A_491 = arith.index_cast %add3A_490 : i32 to index
        %get3A_492 = tpu.vector_load %arg5[%get3A_491] {strides = array<i32>} : memref<25600xi32, #tpu.memory_space<vmem>>, vector<16xi32>,
        %shift_right_logical3A_493 = arith.constant 9 : i32
        %shift_right_logical3A_494 = vector.broadcast %shift_right_logical3A_493 : i32 to vector<16xi32>
        %shift_right_logical3A_495 = arith.shrui %get3A_492, %shift_right_logical3A_494 : vector<16xi32>
        %broadcast_in_dim3A_496 = arith.constant 8 : i32
        %broadcast_in_dim3A_497 = vector.broadcast %broadcast_in_dim3A_496 : i32 to vector<16xi32>
        %shift_left3A_498 = arith.shli %shift_right_logical3A_495, %broadcast_in_dim3A_497 : vector<16xi32>
        %broadcast_in_dim3A_499 = arith.constant 255 : i32
        %broadcast_in_dim3A_500 = vector.broadcast %broadcast_in_dim3A_499 : i32 to vector<16xi32>
        %and3A_501 = arith.andi %get3A_492, %broadcast_in_dim3A_500 : vector<16xi32>
        %add3A_502 = arith.addi %shift_left3A_498, %and3A_501 : vector<16xi32>
        %swap3A_503 = arith.constant 3 : i32
        %swap3A_504 = arith.index_cast %swap3A_503 : i32 to index
        %swap3A_505 = arith.constant 0 : index
        %swap3A_506 = tpu.vector_load %arg6[%swap3A_504, %swap3A_505] {strides = array<i32>} : memref<4x128xi32, #tpu.memory_space<vmem>>, vector<16xi32>,
        tpu.vector_store %arg6[%swap3A_504, %swap3A_505], %add3A_502 {strides = array<i32>} : memref<4x128xi32, #tpu.memory_space<vmem>>, vector<16xi32>,
        %mul3A_507 = arith.constant 128 : i32
        %mul3A_508 = arith.muli %add3A_486, %mul3A_507 : i32
        %add3A_509 = arith.constant 16 : i32
        %add3A_510 = arith.addi %mul3A_508, %add3A_509 : i32
        %get3A_511 = arith.index_cast %add3A_510 : i32 to index
        %get3A_512 = tpu.vector_load %arg5[%get3A_511] {strides = array<i32>} : memref<25600xi32, #tpu.memory_space<vmem>>, vector<16xi32>,
        %shift_right_logical3A_513 = arith.constant 9 : i32
        %shift_right_logical3A_514 = vector.broadcast %shift_right_logical3A_513 : i32 to vector<16xi32>
        %shift_right_logical3A_515 = arith.shrui %get3A_512, %shift_right_logical3A_514 : vector<16xi32>
        %broadcast_in_dim3A_516 = arith.constant 8 : i32
        %broadcast_in_dim3A_517 = vector.broadcast %broadcast_in_dim3A_516 : i32 to vector<16xi32>
        %shift_left3A_518 = arith.shli %shift_right_logical3A_515, %broadcast_in_dim3A_517 : vector<16xi32>
        %broadcast_in_dim3A_519 = arith.constant 255 : i32
        %broadcast_in_dim3A_520 = vector.broadcast %broadcast_in_dim3A_519 : i32 to vector<16xi32>
        %and3A_521 = arith.andi %get3A_512, %broadcast_in_dim3A_520 : vector<16xi32>
        %add3A_522 = arith.addi %shift_left3A_518, %and3A_521 : vector<16xi32>
        %swap3A_523 = arith.constant 3 : i32
        %swap3A_524 = arith.index_cast %swap3A_523 : i32 to index
        %swap3A_525 = arith.constant 16 : index
        %swap3A_526 = tpu.vector_load %arg6[%swap3A_524, %swap3A_525] {strides = array<i32>} : memref<4x128xi32, #tpu.memory_space<vmem>>, vector<16xi32>,
        tpu.vector_store %arg6[%swap3A_524, %swap3A_525], %add3A_522 {strides = array<i32>} : memref<4x128xi32, #tpu.memory_space<vmem>>, vector<16xi32>,
        %mul3A_527 = arith.constant 128 : i32
        %mul3A_528 = arith.muli %add3A_486, %mul3A_527 : i32
        %add3A_529 = arith.constant 32 : i32
        %add3A_530 = arith.addi %mul3A_528, %add3A_529 : i32
        %get3A_531 = arith.index_cast %add3A_530 : i32 to index
        %get3A_532 = tpu.vector_load %arg5[%get3A_531] {strides = array<i32>} : memref<25600xi32, #tpu.memory_space<vmem>>, vector<16xi32>,
        %shift_right_logical3A_533 = arith.constant 9 : i32
        %shift_right_logical3A_534 = vector.broadcast %shift_right_logical3A_533 : i32 to vector<16xi32>
        %shift_right_logical3A_535 = arith.shrui %get3A_532, %shift_right_logical3A_534 : vector<16xi32>
        %broadcast_in_dim3A_536 = arith.constant 8 : i32
        %broadcast_in_dim3A_537 = vector.broadcast %broadcast_in_dim3A_536 : i32 to vector<16xi32>
        %shift_left3A_538 = arith.shli %shift_right_logical3A_535, %broadcast_in_dim3A_537 : vector<16xi32>
        %broadcast_in_dim3A_539 = arith.constant 255 : i32
        %broadcast_in_dim3A_540 = vector.broadcast %broadcast_in_dim3A_539 : i32 to vector<16xi32>
        %and3A_541 = arith.andi %get3A_532, %broadcast_in_dim3A_540 : vector<16xi32>
        %add3A_542 = arith.addi %shift_left3A_538, %and3A_541 : vector<16xi32>
        %swap3A_543 = arith.constant 3 : i32
        %swap3A_544 = arith.index_cast %swap3A_543 : i32 to index
        %swap3A_545 = arith.constant 32 : index
        %swap3A_546 = tpu.vector_load %arg6[%swap3A_544, %swap3A_545] {strides = array<i32>} : memref<4x128xi32, #tpu.memory_space<vmem>>, vector<16xi32>,
        tpu.vector_store %arg6[%swap3A_544, %swap3A_545], %add3A_542 {strides = array<i32>} : memref<4x128xi32, #tpu.memory_space<vmem>>, vector<16xi32>,
        %mul3A_547 = arith.constant 128 : i32
        %mul3A_548 = arith.muli %add3A_486, %mul3A_547 : i32
        %add3A_549 = arith.constant 48 : i32
        %add3A_550 = arith.addi %mul3A_548, %add3A_549 : i32
        %get3A_551 = arith.index_cast %add3A_550 : i32 to index
        %get3A_552 = tpu.vector_load %arg5[%get3A_551] {strides = array<i32>} : memref<25600xi32, #tpu.memory_space<vmem>>, vector<16xi32>,
        %shift_right_logical3A_553 = arith.constant 9 : i32
        %shift_right_logical3A_554 = vector.broadcast %shift_right_logical3A_553 : i32 to vector<16xi32>
        %shift_right_logical3A_555 = arith.shrui %get3A_552, %shift_right_logical3A_554 : vector<16xi32>
        %broadcast_in_dim3A_556 = arith.constant 8 : i32
        %broadcast_in_dim3A_557 = vector.broadcast %broadcast_in_dim3A_556 : i32 to vector<16xi32>
        %shift_left3A_558 = arith.shli %shift_right_logical3A_555, %broadcast_in_dim3A_557 : vector<16xi32>
        %broadcast_in_dim3A_559 = arith.constant 255 : i32
        %broadcast_in_dim3A_560 = vector.broadcast %broadcast_in_dim3A_559 : i32 to vector<16xi32>
        %and3A_561 = arith.andi %get3A_552, %broadcast_in_dim3A_560 : vector<16xi32>
        %add3A_562 = arith.addi %shift_left3A_558, %and3A_561 : vector<16xi32>
        %swap3A_563 = arith.constant 3 : i32
        %swap3A_564 = arith.index_cast %swap3A_563 : i32 to index
        %swap3A_565 = arith.constant 48 : index
        %swap3A_566 = tpu.vector_load %arg6[%swap3A_564, %swap3A_565] {strides = array<i32>} : memref<4x128xi32, #tpu.memory_space<vmem>>, vector<16xi32>,
        tpu.vector_store %arg6[%swap3A_564, %swap3A_565], %add3A_562 {strides = array<i32>} : memref<4x128xi32, #tpu.memory_space<vmem>>, vector<16xi32>,
        %mul3A_567 = arith.constant 128 : i32
        %mul3A_568 = arith.muli %add3A_486, %mul3A_567 : i32
        %add3A_569 = arith.constant 64 : i32
        %add3A_570 = arith.addi %mul3A_568, %add3A_569 : i32
        %get3A_571 = arith.index_cast %add3A_570 : i32 to index
        %get3A_572 = tpu.vector_load %arg5[%get3A_571] {strides = array<i32>} : memref<25600xi32, #tpu.memory_space<vmem>>, vector<16xi32>,
        %shift_right_logical3A_573 = arith.constant 9 : i32
        %shift_right_logical3A_574 = vector.broadcast %shift_right_logical3A_573 : i32 to vector<16xi32>
        %shift_right_logical3A_575 = arith.shrui %get3A_572, %shift_right_logical3A_574 : vector<16xi32>
        %broadcast_in_dim3A_576 = arith.constant 8 : i32
        %broadcast_in_dim3A_577 = vector.broadcast %broadcast_in_dim3A_576 : i32 to vector<16xi32>
        %shift_left3A_578 = arith.shli %shift_right_logical3A_575, %broadcast_in_dim3A_577 : vector<16xi32>
        %broadcast_in_dim3A_579 = arith.constant 255 : i32
        %broadcast_in_dim3A_580 = vector.broadcast %broadcast_in_dim3A_579 : i32 to vector<16xi32>
        %and3A_581 = arith.andi %get3A_572, %broadcast_in_dim3A_580 : vector<16xi32>
        %add3A_582 = arith.addi %shift_left3A_578, %and3A_581 : vector<16xi32>
        %swap3A_583 = arith.constant 3 : i32
        %swap3A_584 = arith.index_cast %swap3A_583 : i32 to index
        %swap3A_585 = arith.constant 64 : index
        %swap3A_586 = tpu.vector_load %arg6[%swap3A_584, %swap3A_585] {strides = array<i32>} : memref<4x128xi32, #tpu.memory_space<vmem>>, vector<16xi32>,
        tpu.vector_store %arg6[%swap3A_584, %swap3A_585], %add3A_582 {strides = array<i32>} : memref<4x128xi32, #tpu.memory_space<vmem>>, vector<16xi32>,
        %mul3A_587 = arith.constant 128 : i32
        %mul3A_588 = arith.muli %add3A_486, %mul3A_587 : i32
        %add3A_589 = arith.constant 80 : i32
        %add3A_590 = arith.addi %mul3A_588, %add3A_589 : i32
        %get3A_591 = arith.index_cast %add3A_590 : i32 to index
        %get3A_592 = tpu.vector_load %arg5[%get3A_591] {strides = array<i32>} : memref<25600xi32, #tpu.memory_space<vmem>>, vector<16xi32>,
        %shift_right_logical3A_593 = arith.constant 9 : i32
        %shift_right_logical3A_594 = vector.broadcast %shift_right_logical3A_593 : i32 to vector<16xi32>
        %shift_right_logical3A_595 = arith.shrui %get3A_592, %shift_right_logical3A_594 : vector<16xi32>
        %broadcast_in_dim3A_596 = arith.constant 8 : i32
        %broadcast_in_dim3A_597 = vector.broadcast %broadcast_in_dim3A_596 : i32 to vector<16xi32>
        %shift_left3A_598 = arith.shli %shift_right_logical3A_595, %broadcast_in_dim3A_597 : vector<16xi32>
        %broadcast_in_dim3A_599 = arith.constant 255 : i32
        %broadcast_in_dim3A_600 = vector.broadcast %broadcast_in_dim3A_599 : i32 to vector<16xi32>
        %and3A_601 = arith.andi %get3A_592, %broadcast_in_dim3A_600 : vector<16xi32>
        %add3A_602 = arith.addi %shift_left3A_598, %and3A_601 : vector<16xi32>
        %swap3A_603 = arith.constant 3 : i32
        %swap3A_604 = arith.index_cast %swap3A_603 : i32 to index
        %swap3A_605 = arith.constant 80 : index
        %swap3A_606 = tpu.vector_load %arg6[%swap3A_604, %swap3A_605] {strides = array<i32>} : memref<4x128xi32, #tpu.memory_space<vmem>>, vector<16xi32>,
        tpu.vector_store %arg6[%swap3A_604, %swap3A_605], %add3A_602 {strides = array<i32>} : memref<4x128xi32, #tpu.memory_space<vmem>>, vector<16xi32>,
        %mul3A_607 = arith.constant 128 : i32
        %mul3A_608 = arith.muli %add3A_486, %mul3A_607 : i32
        %add3A_609 = arith.constant 96 : i32
        %add3A_610 = arith.addi %mul3A_608, %add3A_609 : i32
        %get3A_611 = arith.index_cast %add3A_610 : i32 to index
        %get3A_612 = tpu.vector_load %arg5[%get3A_611] {strides = array<i32>} : memref<25600xi32, #tpu.memory_space<vmem>>, vector<16xi32>,
        %shift_right_logical3A_613 = arith.constant 9 : i32
        %shift_right_logical3A_614 = vector.broadcast %shift_right_logical3A_613 : i32 to vector<16xi32>
        %shift_right_logical3A_615 = arith.shrui %get3A_612, %shift_right_logical3A_614 : vector<16xi32>
        %broadcast_in_dim3A_616 = arith.constant 8 : i32
        %broadcast_in_dim3A_617 = vector.broadcast %broadcast_in_dim3A_616 : i32 to vector<16xi32>
        %shift_left3A_618 = arith.shli %shift_right_logical3A_615, %broadcast_in_dim3A_617 : vector<16xi32>
        %broadcast_in_dim3A_619 = arith.constant 255 : i32
        %broadcast_in_dim3A_620 = vector.broadcast %broadcast_in_dim3A_619 : i32 to vector<16xi32>
        %and3A_621 = arith.andi %get3A_612, %broadcast_in_dim3A_620 : vector<16xi32>
        %add3A_622 = arith.addi %shift_left3A_618, %and3A_621 : vector<16xi32>
        %swap3A_623 = arith.constant 3 : i32
        %swap3A_624 = arith.index_cast %swap3A_623 : i32 to index
        %swap3A_625 = arith.constant 96 : index
        %swap3A_626 = tpu.vector_load %arg6[%swap3A_624, %swap3A_625] {strides = array<i32>} : memref<4x128xi32, #tpu.memory_space<vmem>>, vector<16xi32>,
        tpu.vector_store %arg6[%swap3A_624, %swap3A_625], %add3A_622 {strides = array<i32>} : memref<4x128xi32, #tpu.memory_space<vmem>>, vector<16xi32>,
        %mul3A_627 = arith.constant 128 : i32
        %mul3A_628 = arith.muli %add3A_486, %mul3A_627 : i32
        %add3A_629 = arith.constant 112 : i32
        %add3A_630 = arith.addi %mul3A_628, %add3A_629 : i32
        %get3A_631 = arith.index_cast %add3A_630 : i32 to index
        %get3A_632 = tpu.vector_load %arg5[%get3A_631] {strides = array<i32>} : memref<25600xi32, #tpu.memory_space<vmem>>, vector<16xi32>,
        %shift_right_logical3A_633 = arith.constant 9 : i32
        %shift_right_logical3A_634 = vector.broadcast %shift_right_logical3A_633 : i32 to vector<16xi32>
        %shift_right_logical3A_635 = arith.shrui %get3A_632, %shift_right_logical3A_634 : vector<16xi32>
        %broadcast_in_dim3A_636 = arith.constant 8 : i32
        %broadcast_in_dim3A_637 = vector.broadcast %broadcast_in_dim3A_636 : i32 to vector<16xi32>
        %shift_left3A_638 = arith.shli %shift_right_logical3A_635, %broadcast_in_dim3A_637 : vector<16xi32>
        %broadcast_in_dim3A_639 = arith.constant 255 : i32
        %broadcast_in_dim3A_640 = vector.broadcast %broadcast_in_dim3A_639 : i32 to vector<16xi32>
        %and3A_641 = arith.andi %get3A_632, %broadcast_in_dim3A_640 : vector<16xi32>
        %add3A_642 = arith.addi %shift_left3A_638, %and3A_641 : vector<16xi32>
        %swap3A_643 = arith.constant 3 : i32
        %swap3A_644 = arith.index_cast %swap3A_643 : i32 to index
        %swap3A_645 = arith.constant 112 : index
        %swap3A_646 = tpu.vector_load %arg6[%swap3A_644, %swap3A_645] {strides = array<i32>} : memref<4x128xi32, #tpu.memory_space<vmem>>, vector<16xi32>,
        tpu.vector_store %arg6[%swap3A_644, %swap3A_645], %add3A_642 {strides = array<i32>} : memref<4x128xi32, #tpu.memory_space<vmem>>, vector<16xi32>,
        %dma_start3A_647 = arith.constant 3 : i32
        %dma_start3A_648 = arith.constant 3 : i32
        %dma_start3A_649 = arith.constant 0 : i32
        %dma_start3A_650 = arith.constant 0 : i32
        %dma_start3A_651 = tpu.memref_slice %arg7[%dma_start3A_648, %dma_start3A_649, %dma_start3A_650] : memref<4x128x128xf32, #tpu.memory_space<vmem>> -> memref<1x128x128xf32, #tpu.memory_space<vmem>>
        %dma_start3A_652 = tpu.memref_squeeze %dma_start3A_651 : memref<1x128x128xf32, #tpu.memory_space<vmem>> -> memref<128x128xf32, #tpu.memory_space<vmem>>
        %dma_start3A_653 = arith.constant 0 : i32
        %dma_start3A_654 = tpu.memref_slice %arg6[%dma_start3A_647, %dma_start3A_653] : memref<4x128xi32, #tpu.memory_space<vmem>> -> memref<1x128xi32, #tpu.memory_space<vmem>>
        %dma_start3A_655 = tpu.memref_squeeze %dma_start3A_654 : memref<1x128xi32, #tpu.memory_space<vmem>> -> memref<128xi32, #tpu.memory_space<vmem>>
        %dma_start3A_656 = arith.constant 0 : i32
        %dma_start3A_657 = arith.constant 0 : i32
        %dma_start3A_658 = tpu.memref_slice %arg3[%dma_start3A_656, %dma_start3A_657] : memref<501760x128xf32, #tpu.memory_space<hbm>> -> memref<501760x128xf32, #tpu.memory_space<hbm>>
        tpu.enqueue_indirect_dma source(%dma_start3A_658 : memref<501760x128xf32, #tpu.memory_space<hbm>>) target(%dma_start3A_652 : memref<128x128xf32, #tpu.memory_space<vmem>>) offsets(%dma_start3A_655 : memref<128xi32, #tpu.memory_space<vmem>>) semaphore(%arg8 : memref<!tpu.dma_semaphore, #tpu.memory_space<semaphore_mem>>)
      } else {
      }
      %dma_wait3A_369 = arith.constant 1 : i32
      %dma_wait3A_370 = arith.constant 1 : i32
      %dma_wait3A_371 = arith.constant 0 : i32
      %dma_wait3A_372 = arith.constant 0 : i32
      %dma_wait3A_373 = tpu.memref_slice %arg7[%dma_wait3A_370, %dma_wait3A_371, %dma_wait3A_372] : memref<4x128x128xf32, #tpu.memory_space<vmem>> -> memref<1x128x128xf32, #tpu.memory_space<vmem>>
      %dma_wait3A_374 = tpu.memref_squeeze %dma_wait3A_373 : memref<1x128x128xf32, #tpu.memory_space<vmem>> -> memref<128x128xf32, #tpu.memory_space<vmem>>
      %dma_wait3A_375 = arith.constant 0 : i32
      %dma_wait3A_376 = tpu.memref_slice %arg6[%dma_wait3A_369, %dma_wait3A_375] : memref<4x128xi32, #tpu.memory_space<vmem>> -> memref<1x128xi32, #tpu.memory_space<vmem>>
      %dma_wait3A_377 = tpu.memref_squeeze %dma_wait3A_376 : memref<1x128xi32, #tpu.memory_space<vmem>> -> memref<128xi32, #tpu.memory_space<vmem>>
      %dma_wait3A_378 = arith.constant 0 : i32
      %dma_wait3A_379 = arith.constant 0 : i32
      %dma_wait3A_380 = tpu.memref_slice %arg3[%dma_wait3A_378, %dma_wait3A_379] : memref<501760x128xf32, #tpu.memory_space<hbm>> -> memref<501760x128xf32, #tpu.memory_space<hbm>>
      tpu.wait_indirect_dma semaphore(%arg8 : memref<!tpu.dma_semaphore, #tpu.memory_space<semaphore_mem>>) src(%dma_wait3A_380 : memref<501760x128xf32, #tpu.memory_space<hbm>>) dst(%dma_wait3A_374 : memref<128x128xf32, #tpu.memory_space<vmem>>)
      %add3A_381 = arith.addi %mul3A_2, %add3A_356 : i32
      %mul3A_382 = arith.constant 128 : i32
      %mul3A_383 = arith.muli %add3A_381, %mul3A_382 : i32
      %dma_start3A_384 = arith.constant 1 : i32
      %dma_start3A_385 = arith.constant 0 : i32
      %dma_start3A_386 = arith.constant 0 : i32
      %dma_start3A_387 = tpu.memref_slice %arg7[%dma_start3A_384, %dma_start3A_385, %dma_start3A_386] : memref<4x128x128xf32, #tpu.memory_space<vmem>> -> memref<1x128x128xf32, #tpu.memory_space<vmem>>
      %dma_start3A_388 = tpu.memref_squeeze %dma_start3A_387 : memref<1x128x128xf32, #tpu.memory_space<vmem>> -> memref<128x128xf32, #tpu.memory_space<vmem>>
      %dma_start3A_389 = arith.constant 0 : i32
      %dma_start3A_390 = tpu.memref_slice %arg4[%mul3A_383, %dma_start3A_389] : memref<819200x128xf32, #tpu.memory_space<hbm>> -> memref<128x128xf32, #tpu.memory_space<hbm>>
      %dma_start3A_391 = arith.constant 0 : i32
      %dma_start3A_392 = tpu.memref_slice %arg4[%mul3A_383, %dma_start3A_391] : memref<819200x128xf32, #tpu.memory_space<hbm>> -> memref<128x128xf32, #tpu.memory_space<hbm>>
      %dma_start3A_393 = arith.constant 0 : i32
      %dma_start3A_394 = arith.constant 0 : i32
      %dma_start3A_395 = tpu.memref_slice %arg7[%dma_start3A_384, %dma_start3A_393, %dma_start3A_394] : memref<4x128x128xf32, #tpu.memory_space<vmem>> -> memref<1x128x128xf32, #tpu.memory_space<vmem>>
      %dma_start3A_396 = tpu.memref_squeeze %dma_start3A_395 : memref<1x128x128xf32, #tpu.memory_space<vmem>> -> memref<128x128xf32, #tpu.memory_space<vmem>>
      tpu.enqueue_dma source(%dma_start3A_396 : memref<128x128xf32, #tpu.memory_space<vmem>>) target(%dma_start3A_392 : memref<128x128xf32, #tpu.memory_space<hbm>>) target_semaphore(%arg9 : memref<!tpu.dma_semaphore, #tpu.memory_space<semaphore_mem>>)
      %mul3A_397 = arith.constant 4 : i32
      %mul3A_398 = arith.muli %scan3A_312, %mul3A_397 : i32
      %add3A_399 = arith.constant 2 : i32
      %add3A_400 = arith.addi %mul3A_398, %add3A_399 : i32
      %ge3A_401 = arith.constant 2 : i32
      %ge3A_402 = arith.cmpi sge, %add3A_400, %ge3A_401 : i32
      %convert_element_type3A_403 = arith.extui %ge3A_402 : i1 to i32
      %cond3A_404 = arith.constant 0 : i32
      %cond3A_405 = arith.cmpi ne, %convert_element_type3A_403, %cond3A_404 : i32
      scf.if %cond3A_405 {
        %dma_wait3A_485 = arith.constant 0 : i32
        %dma_wait3A_486 = arith.constant 0 : i32
        %dma_wait3A_487 = arith.constant 0 : i32
        %dma_wait3A_488 = tpu.memref_slice %arg7[%dma_wait3A_485, %dma_wait3A_486, %dma_wait3A_487] : memref<4x128x128xf32, #tpu.memory_space<vmem>> -> memref<1x128x128xf32, #tpu.memory_space<vmem>>
        %dma_wait3A_489 = tpu.memref_squeeze %dma_wait3A_488 : memref<1x128x128xf32, #tpu.memory_space<vmem>> -> memref<128x128xf32, #tpu.memory_space<vmem>>
        %dma_wait3A_490 = arith.constant 0 : i32
        %dma_wait3A_491 = arith.constant 0 : i32
        %dma_wait3A_492 = tpu.memref_slice %arg4[%dma_wait3A_490, %dma_wait3A_491] : memref<819200x128xf32, #tpu.memory_space<hbm>> -> memref<128x128xf32, #tpu.memory_space<hbm>>
        %dma_wait3A_493 = arith.constant 0 : i32
        %dma_wait3A_494 = arith.constant 0 : i32
        %dma_wait3A_495 = tpu.memref_slice %arg4[%dma_wait3A_493, %dma_wait3A_494] : memref<819200x128xf32, #tpu.memory_space<hbm>> -> memref<128x128xf32, #tpu.memory_space<hbm>>
        %dma_wait3A_496 = arith.constant 0 : i32
        %dma_wait3A_497 = arith.constant 0 : i32
        %dma_wait3A_498 = tpu.memref_slice %arg7[%dma_wait3A_485, %dma_wait3A_496, %dma_wait3A_497] : memref<4x128x128xf32, #tpu.memory_space<vmem>> -> memref<1x128x128xf32, #tpu.memory_space<vmem>>
        %dma_wait3A_499 = tpu.memref_squeeze %dma_wait3A_498 : memref<1x128x128xf32, #tpu.memory_space<vmem>> -> memref<128x128xf32, #tpu.memory_space<vmem>>
        tpu.wait_dma2 semaphore(%arg9 : memref<!tpu.dma_semaphore, #tpu.memory_space<semaphore_mem>>) src(%dma_wait3A_499 : memref<128x128xf32, #tpu.memory_space<vmem>>) dst(%dma_wait3A_495 : memref<128x128xf32, #tpu.memory_space<hbm>>)
      } else {
      }
      %add3A_406 = arith.constant 2 : i32
      %add3A_407 = arith.addi %add3A_400, %add3A_406 : i32
      %lt3A_408 = arith.constant 200 : i32
      %lt3A_409 = arith.cmpi slt, %add3A_407, %lt3A_408 : i32
      %convert_element_type3A_410 = arith.extui %lt3A_409 : i1 to i32
      %cond3A_411 = arith.constant 0 : i32
      %cond3A_412 = arith.cmpi ne, %convert_element_type3A_410, %cond3A_411 : i32
      scf.if %cond3A_412 {
        %add3A_485 = arith.constant 2 : i32
        %add3A_486 = arith.addi %add3A_400, %add3A_485 : i32
        %mul3A_487 = arith.constant 128 : i32
        %mul3A_488 = arith.muli %add3A_486, %mul3A_487 : i32
        %add3A_489 = arith.constant 0 : i32
        %add3A_490 = arith.addi %mul3A_488, %add3A_489 : i32
        %get3A_491 = arith.index_cast %add3A_490 : i32 to index
        %get3A_492 = tpu.vector_load %arg5[%get3A_491] {strides = array<i32>} : memref<25600xi32, #tpu.memory_space<vmem>>, vector<16xi32>,
        %shift_right_logical3A_493 = arith.constant 9 : i32
        %shift_right_logical3A_494 = vector.broadcast %shift_right_logical3A_493 : i32 to vector<16xi32>
        %shift_right_logical3A_495 = arith.shrui %get3A_492, %shift_right_logical3A_494 : vector<16xi32>
        %broadcast_in_dim3A_496 = arith.constant 8 : i32
        %broadcast_in_dim3A_497 = vector.broadcast %broadcast_in_dim3A_496 : i32 to vector<16xi32>
        %shift_left3A_498 = arith.shli %shift_right_logical3A_495, %broadcast_in_dim3A_497 : vector<16xi32>
        %broadcast_in_dim3A_499 = arith.constant 255 : i32
        %broadcast_in_dim3A_500 = vector.broadcast %broadcast_in_dim3A_499 : i32 to vector<16xi32>
        %and3A_501 = arith.andi %get3A_492, %broadcast_in_dim3A_500 : vector<16xi32>
        %add3A_502 = arith.addi %shift_left3A_498, %and3A_501 : vector<16xi32>
        %swap3A_503 = arith.constant 0 : i32
        %swap3A_504 = arith.index_cast %swap3A_503 : i32 to index
        %swap3A_505 = arith.constant 0 : index
        %swap3A_506 = tpu.vector_load %arg6[%swap3A_504, %swap3A_505] {strides = array<i32>} : memref<4x128xi32, #tpu.memory_space<vmem>>, vector<16xi32>,
        tpu.vector_store %arg6[%swap3A_504, %swap3A_505], %add3A_502 {strides = array<i32>} : memref<4x128xi32, #tpu.memory_space<vmem>>, vector<16xi32>,
        %mul3A_507 = arith.constant 128 : i32
        %mul3A_508 = arith.muli %add3A_486, %mul3A_507 : i32
        %add3A_509 = arith.constant 16 : i32
        %add3A_510 = arith.addi %mul3A_508, %add3A_509 : i32
        %get3A_511 = arith.index_cast %add3A_510 : i32 to index
        %get3A_512 = tpu.vector_load %arg5[%get3A_511] {strides = array<i32>} : memref<25600xi32, #tpu.memory_space<vmem>>, vector<16xi32>,
        %shift_right_logical3A_513 = arith.constant 9 : i32
        %shift_right_logical3A_514 = vector.broadcast %shift_right_logical3A_513 : i32 to vector<16xi32>
        %shift_right_logical3A_515 = arith.shrui %get3A_512, %shift_right_logical3A_514 : vector<16xi32>
        %broadcast_in_dim3A_516 = arith.constant 8 : i32
        %broadcast_in_dim3A_517 = vector.broadcast %broadcast_in_dim3A_516 : i32 to vector<16xi32>
        %shift_left3A_518 = arith.shli %shift_right_logical3A_515, %broadcast_in_dim3A_517 : vector<16xi32>
        %broadcast_in_dim3A_519 = arith.constant 255 : i32
        %broadcast_in_dim3A_520 = vector.broadcast %broadcast_in_dim3A_519 : i32 to vector<16xi32>
        %and3A_521 = arith.andi %get3A_512, %broadcast_in_dim3A_520 : vector<16xi32>
        %add3A_522 = arith.addi %shift_left3A_518, %and3A_521 : vector<16xi32>
        %swap3A_523 = arith.constant 0 : i32
        %swap3A_524 = arith.index_cast %swap3A_523 : i32 to index
        %swap3A_525 = arith.constant 16 : index
        %swap3A_526 = tpu.vector_load %arg6[%swap3A_524, %swap3A_525] {strides = array<i32>} : memref<4x128xi32, #tpu.memory_space<vmem>>, vector<16xi32>,
        tpu.vector_store %arg6[%swap3A_524, %swap3A_525], %add3A_522 {strides = array<i32>} : memref<4x128xi32, #tpu.memory_space<vmem>>, vector<16xi32>,
        %mul3A_527 = arith.constant 128 : i32
        %mul3A_528 = arith.muli %add3A_486, %mul3A_527 : i32
        %add3A_529 = arith.constant 32 : i32
        %add3A_530 = arith.addi %mul3A_528, %add3A_529 : i32
        %get3A_531 = arith.index_cast %add3A_530 : i32 to index
        %get3A_532 = tpu.vector_load %arg5[%get3A_531] {strides = array<i32>} : memref<25600xi32, #tpu.memory_space<vmem>>, vector<16xi32>,
        %shift_right_logical3A_533 = arith.constant 9 : i32
        %shift_right_logical3A_534 = vector.broadcast %shift_right_logical3A_533 : i32 to vector<16xi32>
        %shift_right_logical3A_535 = arith.shrui %get3A_532, %shift_right_logical3A_534 : vector<16xi32>
        %broadcast_in_dim3A_536 = arith.constant 8 : i32
        %broadcast_in_dim3A_537 = vector.broadcast %broadcast_in_dim3A_536 : i32 to vector<16xi32>
        %shift_left3A_538 = arith.shli %shift_right_logical3A_535, %broadcast_in_dim3A_537 : vector<16xi32>
        %broadcast_in_dim3A_539 = arith.constant 255 : i32
        %broadcast_in_dim3A_540 = vector.broadcast %broadcast_in_dim3A_539 : i32 to vector<16xi32>
        %and3A_541 = arith.andi %get3A_532, %broadcast_in_dim3A_540 : vector<16xi32>
        %add3A_542 = arith.addi %shift_left3A_538, %and3A_541 : vector<16xi32>
        %swap3A_543 = arith.constant 0 : i32
        %swap3A_544 = arith.index_cast %swap3A_543 : i32 to index
        %swap3A_545 = arith.constant 32 : index
        %swap3A_546 = tpu.vector_load %arg6[%swap3A_544, %swap3A_545] {strides = array<i32>} : memref<4x128xi32, #tpu.memory_space<vmem>>, vector<16xi32>,
        tpu.vector_store %arg6[%swap3A_544, %swap3A_545], %add3A_542 {strides = array<i32>} : memref<4x128xi32, #tpu.memory_space<vmem>>, vector<16xi32>,
        %mul3A_547 = arith.constant 128 : i32
        %mul3A_548 = arith.muli %add3A_486, %mul3A_547 : i32
        %add3A_549 = arith.constant 48 : i32
        %add3A_550 = arith.addi %mul3A_548, %add3A_549 : i32
        %get3A_551 = arith.index_cast %add3A_550 : i32 to index
        %get3A_552 = tpu.vector_load %arg5[%get3A_551] {strides = array<i32>} : memref<25600xi32, #tpu.memory_space<vmem>>, vector<16xi32>,
        %shift_right_logical3A_553 = arith.constant 9 : i32
        %shift_right_logical3A_554 = vector.broadcast %shift_right_logical3A_553 : i32 to vector<16xi32>
        %shift_right_logical3A_555 = arith.shrui %get3A_552, %shift_right_logical3A_554 : vector<16xi32>
        %broadcast_in_dim3A_556 = arith.constant 8 : i32
        %broadcast_in_dim3A_557 = vector.broadcast %broadcast_in_dim3A_556 : i32 to vector<16xi32>
        %shift_left3A_558 = arith.shli %shift_right_logical3A_555, %broadcast_in_dim3A_557 : vector<16xi32>
        %broadcast_in_dim3A_559 = arith.constant 255 : i32
        %broadcast_in_dim3A_560 = vector.broadcast %broadcast_in_dim3A_559 : i32 to vector<16xi32>
        %and3A_561 = arith.andi %get3A_552, %broadcast_in_dim3A_560 : vector<16xi32>
        %add3A_562 = arith.addi %shift_left3A_558, %and3A_561 : vector<16xi32>
        %swap3A_563 = arith.constant 0 : i32
        %swap3A_564 = arith.index_cast %swap3A_563 : i32 to index
        %swap3A_565 = arith.constant 48 : index
        %swap3A_566 = tpu.vector_load %arg6[%swap3A_564, %swap3A_565] {strides = array<i32>} : memref<4x128xi32, #tpu.memory_space<vmem>>, vector<16xi32>,
        tpu.vector_store %arg6[%swap3A_564, %swap3A_565], %add3A_562 {strides = array<i32>} : memref<4x128xi32, #tpu.memory_space<vmem>>, vector<16xi32>,
        %mul3A_567 = arith.constant 128 : i32
        %mul3A_568 = arith.muli %add3A_486, %mul3A_567 : i32
        %add3A_569 = arith.constant 64 : i32
        %add3A_570 = arith.addi %mul3A_568, %add3A_569 : i32
        %get3A_571 = arith.index_cast %add3A_570 : i32 to index
        %get3A_572 = tpu.vector_load %arg5[%get3A_571] {strides = array<i32>} : memref<25600xi32, #tpu.memory_space<vmem>>, vector<16xi32>,
        %shift_right_logical3A_573 = arith.constant 9 : i32
        %shift_right_logical3A_574 = vector.broadcast %shift_right_logical3A_573 : i32 to vector<16xi32>
        %shift_right_logical3A_575 = arith.shrui %get3A_572, %shift_right_logical3A_574 : vector<16xi32>
        %broadcast_in_dim3A_576 = arith.constant 8 : i32
        %broadcast_in_dim3A_577 = vector.broadcast %broadcast_in_dim3A_576 : i32 to vector<16xi32>
        %shift_left3A_578 = arith.shli %shift_right_logical3A_575, %broadcast_in_dim3A_577 : vector<16xi32>
        %broadcast_in_dim3A_579 = arith.constant 255 : i32
        %broadcast_in_dim3A_580 = vector.broadcast %broadcast_in_dim3A_579 : i32 to vector<16xi32>
        %and3A_581 = arith.andi %get3A_572, %broadcast_in_dim3A_580 : vector<16xi32>
        %add3A_582 = arith.addi %shift_left3A_578, %and3A_581 : vector<16xi32>
        %swap3A_583 = arith.constant 0 : i32
        %swap3A_584 = arith.index_cast %swap3A_583 : i32 to index
        %swap3A_585 = arith.constant 64 : index
        %swap3A_586 = tpu.vector_load %arg6[%swap3A_584, %swap3A_585] {strides = array<i32>} : memref<4x128xi32, #tpu.memory_space<vmem>>, vector<16xi32>,
        tpu.vector_store %arg6[%swap3A_584, %swap3A_585], %add3A_582 {strides = array<i32>} : memref<4x128xi32, #tpu.memory_space<vmem>>, vector<16xi32>,
        %mul3A_587 = arith.constant 128 : i32
        %mul3A_588 = arith.muli %add3A_486, %mul3A_587 : i32
        %add3A_589 = arith.constant 80 : i32
        %add3A_590 = arith.addi %mul3A_588, %add3A_589 : i32
        %get3A_591 = arith.index_cast %add3A_590 : i32 to index
        %get3A_592 = tpu.vector_load %arg5[%get3A_591] {strides = array<i32>} : memref<25600xi32, #tpu.memory_space<vmem>>, vector<16xi32>,
        %shift_right_logical3A_593 = arith.constant 9 : i32
        %shift_right_logical3A_594 = vector.broadcast %shift_right_logical3A_593 : i32 to vector<16xi32>
        %shift_right_logical3A_595 = arith.shrui %get3A_592, %shift_right_logical3A_594 : vector<16xi32>
        %broadcast_in_dim3A_596 = arith.constant 8 : i32
        %broadcast_in_dim3A_597 = vector.broadcast %broadcast_in_dim3A_596 : i32 to vector<16xi32>
        %shift_left3A_598 = arith.shli %shift_right_logical3A_595, %broadcast_in_dim3A_597 : vector<16xi32>
        %broadcast_in_dim3A_599 = arith.constant 255 : i32
        %broadcast_in_dim3A_600 = vector.broadcast %broadcast_in_dim3A_599 : i32 to vector<16xi32>
        %and3A_601 = arith.andi %get3A_592, %broadcast_in_dim3A_600 : vector<16xi32>
        %add3A_602 = arith.addi %shift_left3A_598, %and3A_601 : vector<16xi32>
        %swap3A_603 = arith.constant 0 : i32
        %swap3A_604 = arith.index_cast %swap3A_603 : i32 to index
        %swap3A_605 = arith.constant 80 : index
        %swap3A_606 = tpu.vector_load %arg6[%swap3A_604, %swap3A_605] {strides = array<i32>} : memref<4x128xi32, #tpu.memory_space<vmem>>, vector<16xi32>,
        tpu.vector_store %arg6[%swap3A_604, %swap3A_605], %add3A_602 {strides = array<i32>} : memref<4x128xi32, #tpu.memory_space<vmem>>, vector<16xi32>,
        %mul3A_607 = arith.constant 128 : i32
        %mul3A_608 = arith.muli %add3A_486, %mul3A_607 : i32
        %add3A_609 = arith.constant 96 : i32
        %add3A_610 = arith.addi %mul3A_608, %add3A_609 : i32
        %get3A_611 = arith.index_cast %add3A_610 : i32 to index
        %get3A_612 = tpu.vector_load %arg5[%get3A_611] {strides = array<i32>} : memref<25600xi32, #tpu.memory_space<vmem>>, vector<16xi32>,
        %shift_right_logical3A_613 = arith.constant 9 : i32
        %shift_right_logical3A_614 = vector.broadcast %shift_right_logical3A_613 : i32 to vector<16xi32>
        %shift_right_logical3A_615 = arith.shrui %get3A_612, %shift_right_logical3A_614 : vector<16xi32>
        %broadcast_in_dim3A_616 = arith.constant 8 : i32
        %broadcast_in_dim3A_617 = vector.broadcast %broadcast_in_dim3A_616 : i32 to vector<16xi32>
        %shift_left3A_618 = arith.shli %shift_right_logical3A_615, %broadcast_in_dim3A_617 : vector<16xi32>
        %broadcast_in_dim3A_619 = arith.constant 255 : i32
        %broadcast_in_dim3A_620 = vector.broadcast %broadcast_in_dim3A_619 : i32 to vector<16xi32>
        %and3A_621 = arith.andi %get3A_612, %broadcast_in_dim3A_620 : vector<16xi32>
        %add3A_622 = arith.addi %shift_left3A_618, %and3A_621 : vector<16xi32>
        %swap3A_623 = arith.constant 0 : i32
        %swap3A_624 = arith.index_cast %swap3A_623 : i32 to index
        %swap3A_625 = arith.constant 96 : index
        %swap3A_626 = tpu.vector_load %arg6[%swap3A_624, %swap3A_625] {strides = array<i32>} : memref<4x128xi32, #tpu.memory_space<vmem>>, vector<16xi32>,
        tpu.vector_store %arg6[%swap3A_624, %swap3A_625], %add3A_622 {strides = array<i32>} : memref<4x128xi32, #tpu.memory_space<vmem>>, vector<16xi32>,
        %mul3A_627 = arith.constant 128 : i32
        %mul3A_628 = arith.muli %add3A_486, %mul3A_627 : i32
        %add3A_629 = arith.constant 112 : i32
        %add3A_630 = arith.addi %mul3A_628, %add3A_629 : i32
        %get3A_631 = arith.index_cast %add3A_630 : i32 to index
        %get3A_632 = tpu.vector_load %arg5[%get3A_631] {strides = array<i32>} : memref<25600xi32, #tpu.memory_space<vmem>>, vector<16xi32>,
        %shift_right_logical3A_633 = arith.constant 9 : i32
        %shift_right_logical3A_634 = vector.broadcast %shift_right_logical3A_633 : i32 to vector<16xi32>
        %shift_right_logical3A_635 = arith.shrui %get3A_632, %shift_right_logical3A_634 : vector<16xi32>
        %broadcast_in_dim3A_636 = arith.constant 8 : i32
        %broadcast_in_dim3A_637 = vector.broadcast %broadcast_in_dim3A_636 : i32 to vector<16xi32>
        %shift_left3A_638 = arith.shli %shift_right_logical3A_635, %broadcast_in_dim3A_637 : vector<16xi32>
        %broadcast_in_dim3A_639 = arith.constant 255 : i32
        %broadcast_in_dim3A_640 = vector.broadcast %broadcast_in_dim3A_639 : i32 to vector<16xi32>
        %and3A_641 = arith.andi %get3A_632, %broadcast_in_dim3A_640 : vector<16xi32>
        %add3A_642 = arith.addi %shift_left3A_638, %and3A_641 : vector<16xi32>
        %swap3A_643 = arith.constant 0 : i32
        %swap3A_644 = arith.index_cast %swap3A_643 : i32 to index
        %swap3A_645 = arith.constant 112 : index
        %swap3A_646 = tpu.vector_load %arg6[%swap3A_644, %swap3A_645] {strides = array<i32>} : memref<4x128xi32, #tpu.memory_space<vmem>>, vector<16xi32>,
        tpu.vector_store %arg6[%swap3A_644, %swap3A_645], %add3A_642 {strides = array<i32>} : memref<4x128xi32, #tpu.memory_space<vmem>>, vector<16xi32>,
        %dma_start3A_647 = arith.constant 0 : i32
        %dma_start3A_648 = arith.constant 0 : i32
        %dma_start3A_649 = arith.constant 0 : i32
        %dma_start3A_650 = arith.constant 0 : i32
        %dma_start3A_651 = tpu.memref_slice %arg7[%dma_start3A_648, %dma_start3A_649, %dma_start3A_650] : memref<4x128x128xf32, #tpu.memory_space<vmem>> -> memref<1x128x128xf32, #tpu.memory_space<vmem>>
        %dma_start3A_652 = tpu.memref_squeeze %dma_start3A_651 : memref<1x128x128xf32, #tpu.memory_space<vmem>> -> memref<128x128xf32, #tpu.memory_space<vmem>>
        %dma_start3A_653 = arith.constant 0 : i32
        %dma_start3A_654 = tpu.memref_slice %arg6[%dma_start3A_647, %dma_start3A_653] : memref<4x128xi32, #tpu.memory_space<vmem>> -> memref<1x128xi32, #tpu.memory_space<vmem>>
        %dma_start3A_655 = tpu.memref_squeeze %dma_start3A_654 : memref<1x128xi32, #tpu.memory_space<vmem>> -> memref<128xi32, #tpu.memory_space<vmem>>
        %dma_start3A_656 = arith.constant 0 : i32
        %dma_start3A_657 = arith.constant 0 : i32
        %dma_start3A_658 = tpu.memref_slice %arg3[%dma_start3A_656, %dma_start3A_657] : memref<501760x128xf32, #tpu.memory_space<hbm>> -> memref<501760x128xf32, #tpu.memory_space<hbm>>
        tpu.enqueue_indirect_dma source(%dma_start3A_658 : memref<501760x128xf32, #tpu.memory_space<hbm>>) target(%dma_start3A_652 : memref<128x128xf32, #tpu.memory_space<vmem>>) offsets(%dma_start3A_655 : memref<128xi32, #tpu.memory_space<vmem>>) semaphore(%arg8 : memref<!tpu.dma_semaphore, #tpu.memory_space<semaphore_mem>>)
      } else {
      }
      %dma_wait3A_413 = arith.constant 2 : i32
      %dma_wait3A_414 = arith.constant 2 : i32
      %dma_wait3A_415 = arith.constant 0 : i32
      %dma_wait3A_416 = arith.constant 0 : i32
      %dma_wait3A_417 = tpu.memref_slice %arg7[%dma_wait3A_414, %dma_wait3A_415, %dma_wait3A_416] : memref<4x128x128xf32, #tpu.memory_space<vmem>> -> memref<1x128x128xf32, #tpu.memory_space<vmem>>
      %dma_wait3A_418 = tpu.memref_squeeze %dma_wait3A_417 : memref<1x128x128xf32, #tpu.memory_space<vmem>> -> memref<128x128xf32, #tpu.memory_space<vmem>>
      %dma_wait3A_419 = arith.constant 0 : i32
      %dma_wait3A_420 = tpu.memref_slice %arg6[%dma_wait3A_413, %dma_wait3A_419] : memref<4x128xi32, #tpu.memory_space<vmem>> -> memref<1x128xi32, #tpu.memory_space<vmem>>
      %dma_wait3A_421 = tpu.memref_squeeze %dma_wait3A_420 : memref<1x128xi32, #tpu.memory_space<vmem>> -> memref<128xi32, #tpu.memory_space<vmem>>
      %dma_wait3A_422 = arith.constant 0 : i32
      %dma_wait3A_423 = arith.constant 0 : i32
      %dma_wait3A_424 = tpu.memref_slice %arg3[%dma_wait3A_422, %dma_wait3A_423] : memref<501760x128xf32, #tpu.memory_space<hbm>> -> memref<501760x128xf32, #tpu.memory_space<hbm>>
      tpu.wait_indirect_dma semaphore(%arg8 : memref<!tpu.dma_semaphore, #tpu.memory_space<semaphore_mem>>) src(%dma_wait3A_424 : memref<501760x128xf32, #tpu.memory_space<hbm>>) dst(%dma_wait3A_418 : memref<128x128xf32, #tpu.memory_space<vmem>>)
      %add3A_425 = arith.addi %mul3A_2, %add3A_400 : i32
      %mul3A_426 = arith.constant 128 : i32
      %mul3A_427 = arith.muli %add3A_425, %mul3A_426 : i32
      %dma_start3A_428 = arith.constant 2 : i32
      %dma_start3A_429 = arith.constant 0 : i32
      %dma_start3A_430 = arith.constant 0 : i32
      %dma_start3A_431 = tpu.memref_slice %arg7[%dma_start3A_428, %dma_start3A_429, %dma_start3A_430] : memref<4x128x128xf32, #tpu.memory_space<vmem>> -> memref<1x128x128xf32, #tpu.memory_space<vmem>>
      %dma_start3A_432 = tpu.memref_squeeze %dma_start3A_431 : memref<1x128x128xf32, #tpu.memory_space<vmem>> -> memref<128x128xf32, #tpu.memory_space<vmem>>
      %dma_start3A_433 = arith.constant 0 : i32
      %dma_start3A_434 = tpu.memref_slice %arg4[%mul3A_427, %dma_start3A_433] : memref<819200x128xf32, #tpu.memory_space<hbm>> -> memref<128x128xf32, #tpu.memory_space<hbm>>
      %dma_start3A_435 = arith.constant 0 : i32
      %dma_start3A_436 = tpu.memref_slice %arg4[%mul3A_427, %dma_start3A_435] : memref<819200x128xf32, #tpu.memory_space<hbm>> -> memref<128x128xf32, #tpu.memory_space<hbm>>
      %dma_start3A_437 = arith.constant 0 : i32
      %dma_start3A_438 = arith.constant 0 : i32
      %dma_start3A_439 = tpu.memref_slice %arg7[%dma_start3A_428, %dma_start3A_437, %dma_start3A_438] : memref<4x128x128xf32, #tpu.memory_space<vmem>> -> memref<1x128x128xf32, #tpu.memory_space<vmem>>
      %dma_start3A_440 = tpu.memref_squeeze %dma_start3A_439 : memref<1x128x128xf32, #tpu.memory_space<vmem>> -> memref<128x128xf32, #tpu.memory_space<vmem>>
      tpu.enqueue_dma source(%dma_start3A_440 : memref<128x128xf32, #tpu.memory_space<vmem>>) target(%dma_start3A_436 : memref<128x128xf32, #tpu.memory_space<hbm>>) target_semaphore(%arg9 : memref<!tpu.dma_semaphore, #tpu.memory_space<semaphore_mem>>)
      %mul3A_441 = arith.constant 4 : i32
      %mul3A_442 = arith.muli %scan3A_312, %mul3A_441 : i32
      %add3A_443 = arith.constant 3 : i32
      %add3A_444 = arith.addi %mul3A_442, %add3A_443 : i32
      %ge3A_445 = arith.constant 2 : i32
      %ge3A_446 = arith.cmpi sge, %add3A_444, %ge3A_445 : i32
      %convert_element_type3A_447 = arith.extui %ge3A_446 : i1 to i32
      %cond3A_448 = arith.constant 0 : i32
      %cond3A_449 = arith.cmpi ne, %convert_element_type3A_447, %cond3A_448 : i32
      scf.if %cond3A_449 {
        %dma_wait3A_485 = arith.constant 1 : i32
        %dma_wait3A_486 = arith.constant 0 : i32
        %dma_wait3A_487 = arith.constant 0 : i32
        %dma_wait3A_488 = tpu.memref_slice %arg7[%dma_wait3A_485, %dma_wait3A_486, %dma_wait3A_487] : memref<4x128x128xf32, #tpu.memory_space<vmem>> -> memref<1x128x128xf32, #tpu.memory_space<vmem>>
        %dma_wait3A_489 = tpu.memref_squeeze %dma_wait3A_488 : memref<1x128x128xf32, #tpu.memory_space<vmem>> -> memref<128x128xf32, #tpu.memory_space<vmem>>
        %dma_wait3A_490 = arith.constant 0 : i32
        %dma_wait3A_491 = arith.constant 0 : i32
        %dma_wait3A_492 = tpu.memref_slice %arg4[%dma_wait3A_490, %dma_wait3A_491] : memref<819200x128xf32, #tpu.memory_space<hbm>> -> memref<128x128xf32, #tpu.memory_space<hbm>>
        %dma_wait3A_493 = arith.constant 0 : i32
        %dma_wait3A_494 = arith.constant 0 : i32
        %dma_wait3A_495 = tpu.memref_slice %arg4[%dma_wait3A_493, %dma_wait3A_494] : memref<819200x128xf32, #tpu.memory_space<hbm>> -> memref<128x128xf32, #tpu.memory_space<hbm>>
        %dma_wait3A_496 = arith.constant 0 : i32
        %dma_wait3A_497 = arith.constant 0 : i32
        %dma_wait3A_498 = tpu.memref_slice %arg7[%dma_wait3A_485, %dma_wait3A_496, %dma_wait3A_497] : memref<4x128x128xf32, #tpu.memory_space<vmem>> -> memref<1x128x128xf32, #tpu.memory_space<vmem>>
        %dma_wait3A_499 = tpu.memref_squeeze %dma_wait3A_498 : memref<1x128x128xf32, #tpu.memory_space<vmem>> -> memref<128x128xf32, #tpu.memory_space<vmem>>
        tpu.wait_dma2 semaphore(%arg9 : memref<!tpu.dma_semaphore, #tpu.memory_space<semaphore_mem>>) src(%dma_wait3A_499 : memref<128x128xf32, #tpu.memory_space<vmem>>) dst(%dma_wait3A_495 : memref<128x128xf32, #tpu.memory_space<hbm>>)
      } else {
      }
      %add3A_450 = arith.constant 2 : i32
      %add3A_451 = arith.addi %add3A_444, %add3A_450 : i32
      %lt3A_452 = arith.constant 200 : i32
      %lt3A_453 = arith.cmpi slt, %add3A_451, %lt3A_452 : i32
      %convert_element_type3A_454 = arith.extui %lt3A_453 : i1 to i32
      %cond3A_455 = arith.constant 0 : i32
      %cond3A_456 = arith.cmpi ne, %convert_element_type3A_454, %cond3A_455 : i32
      scf.if %cond3A_456 {
        %add3A_485 = arith.constant 2 : i32
        %add3A_486 = arith.addi %add3A_444, %add3A_485 : i32
        %mul3A_487 = arith.constant 128 : i32
        %mul3A_488 = arith.muli %add3A_486, %mul3A_487 : i32
        %add3A_489 = arith.constant 0 : i32
        %add3A_490 = arith.addi %mul3A_488, %add3A_489 : i32
        %get3A_491 = arith.index_cast %add3A_490 : i32 to index
        %get3A_492 = tpu.vector_load %arg5[%get3A_491] {strides = array<i32>} : memref<25600xi32, #tpu.memory_space<vmem>>, vector<16xi32>,
        %shift_right_logical3A_493 = arith.constant 9 : i32
        %shift_right_logical3A_494 = vector.broadcast %shift_right_logical3A_493 : i32 to vector<16xi32>
        %shift_right_logical3A_495 = arith.shrui %get3A_492, %shift_right_logical3A_494 : vector<16xi32>
        %broadcast_in_dim3A_496 = arith.constant 8 : i32
        %broadcast_in_dim3A_497 = vector.broadcast %broadcast_in_dim3A_496 : i32 to vector<16xi32>
        %shift_left3A_498 = arith.shli %shift_right_logical3A_495, %broadcast_in_dim3A_497 : vector<16xi32>
        %broadcast_in_dim3A_499 = arith.constant 255 : i32
        %broadcast_in_dim3A_500 = vector.broadcast %broadcast_in_dim3A_499 : i32 to vector<16xi32>
        %and3A_501 = arith.andi %get3A_492, %broadcast_in_dim3A_500 : vector<16xi32>
        %add3A_502 = arith.addi %shift_left3A_498, %and3A_501 : vector<16xi32>
        %swap3A_503 = arith.constant 1 : i32
        %swap3A_504 = arith.index_cast %swap3A_503 : i32 to index
        %swap3A_505 = arith.constant 0 : index
        %swap3A_506 = tpu.vector_load %arg6[%swap3A_504, %swap3A_505] {strides = array<i32>} : memref<4x128xi32, #tpu.memory_space<vmem>>, vector<16xi32>,
        tpu.vector_store %arg6[%swap3A_504, %swap3A_505], %add3A_502 {strides = array<i32>} : memref<4x128xi32, #tpu.memory_space<vmem>>, vector<16xi32>,
        %mul3A_507 = arith.constant 128 : i32
        %mul3A_508 = arith.muli %add3A_486, %mul3A_507 : i32
        %add3A_509 = arith.constant 16 : i32
        %add3A_510 = arith.addi %mul3A_508, %add3A_509 : i32
        %get3A_511 = arith.index_cast %add3A_510 : i32 to index
        %get3A_512 = tpu.vector_load %arg5[%get3A_511] {strides = array<i32>} : memref<25600xi32, #tpu.memory_space<vmem>>, vector<16xi32>,
        %shift_right_logical3A_513 = arith.constant 9 : i32
        %shift_right_logical3A_514 = vector.broadcast %shift_right_logical3A_513 : i32 to vector<16xi32>
        %shift_right_logical3A_515 = arith.shrui %get3A_512, %shift_right_logical3A_514 : vector<16xi32>
        %broadcast_in_dim3A_516 = arith.constant 8 : i32
        %broadcast_in_dim3A_517 = vector.broadcast %broadcast_in_dim3A_516 : i32 to vector<16xi32>
        %shift_left3A_518 = arith.shli %shift_right_logical3A_515, %broadcast_in_dim3A_517 : vector<16xi32>
        %broadcast_in_dim3A_519 = arith.constant 255 : i32
        %broadcast_in_dim3A_520 = vector.broadcast %broadcast_in_dim3A_519 : i32 to vector<16xi32>
        %and3A_521 = arith.andi %get3A_512, %broadcast_in_dim3A_520 : vector<16xi32>
        %add3A_522 = arith.addi %shift_left3A_518, %and3A_521 : vector<16xi32>
        %swap3A_523 = arith.constant 1 : i32
        %swap3A_524 = arith.index_cast %swap3A_523 : i32 to index
        %swap3A_525 = arith.constant 16 : index
        %swap3A_526 = tpu.vector_load %arg6[%swap3A_524, %swap3A_525] {strides = array<i32>} : memref<4x128xi32, #tpu.memory_space<vmem>>, vector<16xi32>,
        tpu.vector_store %arg6[%swap3A_524, %swap3A_525], %add3A_522 {strides = array<i32>} : memref<4x128xi32, #tpu.memory_space<vmem>>, vector<16xi32>,
        %mul3A_527 = arith.constant 128 : i32
        %mul3A_528 = arith.muli %add3A_486, %mul3A_527 : i32
        %add3A_529 = arith.constant 32 : i32
        %add3A_530 = arith.addi %mul3A_528, %add3A_529 : i32
        %get3A_531 = arith.index_cast %add3A_530 : i32 to index
        %get3A_532 = tpu.vector_load %arg5[%get3A_531] {strides = array<i32>} : memref<25600xi32, #tpu.memory_space<vmem>>, vector<16xi32>,
        %shift_right_logical3A_533 = arith.constant 9 : i32
        %shift_right_logical3A_534 = vector.broadcast %shift_right_logical3A_533 : i32 to vector<16xi32>
        %shift_right_logical3A_535 = arith.shrui %get3A_532, %shift_right_logical3A_534 : vector<16xi32>
        %broadcast_in_dim3A_536 = arith.constant 8 : i32
        %broadcast_in_dim3A_537 = vector.broadcast %broadcast_in_dim3A_536 : i32 to vector<16xi32>
        %shift_left3A_538 = arith.shli %shift_right_logical3A_535, %broadcast_in_dim3A_537 : vector<16xi32>
        %broadcast_in_dim3A_539 = arith.constant 255 : i32
        %broadcast_in_dim3A_540 = vector.broadcast %broadcast_in_dim3A_539 : i32 to vector<16xi32>
        %and3A_541 = arith.andi %get3A_532, %broadcast_in_dim3A_540 : vector<16xi32>
        %add3A_542 = arith.addi %shift_left3A_538, %and3A_541 : vector<16xi32>
        %swap3A_543 = arith.constant 1 : i32
        %swap3A_544 = arith.index_cast %swap3A_543 : i32 to index
        %swap3A_545 = arith.constant 32 : index
        %swap3A_546 = tpu.vector_load %arg6[%swap3A_544, %swap3A_545] {strides = array<i32>} : memref<4x128xi32, #tpu.memory_space<vmem>>, vector<16xi32>,
        tpu.vector_store %arg6[%swap3A_544, %swap3A_545], %add3A_542 {strides = array<i32>} : memref<4x128xi32, #tpu.memory_space<vmem>>, vector<16xi32>,
        %mul3A_547 = arith.constant 128 : i32
        %mul3A_548 = arith.muli %add3A_486, %mul3A_547 : i32
        %add3A_549 = arith.constant 48 : i32
        %add3A_550 = arith.addi %mul3A_548, %add3A_549 : i32
        %get3A_551 = arith.index_cast %add3A_550 : i32 to index
        %get3A_552 = tpu.vector_load %arg5[%get3A_551] {strides = array<i32>} : memref<25600xi32, #tpu.memory_space<vmem>>, vector<16xi32>,
        %shift_right_logical3A_553 = arith.constant 9 : i32
        %shift_right_logical3A_554 = vector.broadcast %shift_right_logical3A_553 : i32 to vector<16xi32>
        %shift_right_logical3A_555 = arith.shrui %get3A_552, %shift_right_logical3A_554 : vector<16xi32>
        %broadcast_in_dim3A_556 = arith.constant 8 : i32
        %broadcast_in_dim3A_557 = vector.broadcast %broadcast_in_dim3A_556 : i32 to vector<16xi32>
        %shift_left3A_558 = arith.shli %shift_right_logical3A_555, %broadcast_in_dim3A_557 : vector<16xi32>
        %broadcast_in_dim3A_559 = arith.constant 255 : i32
        %broadcast_in_dim3A_560 = vector.broadcast %broadcast_in_dim3A_559 : i32 to vector<16xi32>
        %and3A_561 = arith.andi %get3A_552, %broadcast_in_dim3A_560 : vector<16xi32>
        %add3A_562 = arith.addi %shift_left3A_558, %and3A_561 : vector<16xi32>
        %swap3A_563 = arith.constant 1 : i32
        %swap3A_564 = arith.index_cast %swap3A_563 : i32 to index
        %swap3A_565 = arith.constant 48 : index
        %swap3A_566 = tpu.vector_load %arg6[%swap3A_564, %swap3A_565] {strides = array<i32>} : memref<4x128xi32, #tpu.memory_space<vmem>>, vector<16xi32>,
        tpu.vector_store %arg6[%swap3A_564, %swap3A_565], %add3A_562 {strides = array<i32>} : memref<4x128xi32, #tpu.memory_space<vmem>>, vector<16xi32>,
        %mul3A_567 = arith.constant 128 : i32
        %mul3A_568 = arith.muli %add3A_486, %mul3A_567 : i32
        %add3A_569 = arith.constant 64 : i32
        %add3A_570 = arith.addi %mul3A_568, %add3A_569 : i32
        %get3A_571 = arith.index_cast %add3A_570 : i32 to index
        %get3A_572 = tpu.vector_load %arg5[%get3A_571] {strides = array<i32>} : memref<25600xi32, #tpu.memory_space<vmem>>, vector<16xi32>,
        %shift_right_logical3A_573 = arith.constant 9 : i32
        %shift_right_logical3A_574 = vector.broadcast %shift_right_logical3A_573 : i32 to vector<16xi32>
        %shift_right_logical3A_575 = arith.shrui %get3A_572, %shift_right_logical3A_574 : vector<16xi32>
        %broadcast_in_dim3A_576 = arith.constant 8 : i32
        %broadcast_in_dim3A_577 = vector.broadcast %broadcast_in_dim3A_576 : i32 to vector<16xi32>
        %shift_left3A_578 = arith.shli %shift_right_logical3A_575, %broadcast_in_dim3A_577 : vector<16xi32>
        %broadcast_in_dim3A_579 = arith.constant 255 : i32
        %broadcast_in_dim3A_580 = vector.broadcast %broadcast_in_dim3A_579 : i32 to vector<16xi32>
        %and3A_581 = arith.andi %get3A_572, %broadcast_in_dim3A_580 : vector<16xi32>
        %add3A_582 = arith.addi %shift_left3A_578, %and3A_581 : vector<16xi32>
        %swap3A_583 = arith.constant 1 : i32
        %swap3A_584 = arith.index_cast %swap3A_583 : i32 to index
        %swap3A_585 = arith.constant 64 : index
        %swap3A_586 = tpu.vector_load %arg6[%swap3A_584, %swap3A_585] {strides = array<i32>} : memref<4x128xi32, #tpu.memory_space<vmem>>, vector<16xi32>,
        tpu.vector_store %arg6[%swap3A_584, %swap3A_585], %add3A_582 {strides = array<i32>} : memref<4x128xi32, #tpu.memory_space<vmem>>, vector<16xi32>,
        %mul3A_587 = arith.constant 128 : i32
        %mul3A_588 = arith.muli %add3A_486, %mul3A_587 : i32
        %add3A_589 = arith.constant 80 : i32
        %add3A_590 = arith.addi %mul3A_588, %add3A_589 : i32
        %get3A_591 = arith.index_cast %add3A_590 : i32 to index
        %get3A_592 = tpu.vector_load %arg5[%get3A_591] {strides = array<i32>} : memref<25600xi32, #tpu.memory_space<vmem>>, vector<16xi32>,
        %shift_right_logical3A_593 = arith.constant 9 : i32
        %shift_right_logical3A_594 = vector.broadcast %shift_right_logical3A_593 : i32 to vector<16xi32>
        %shift_right_logical3A_595 = arith.shrui %get3A_592, %shift_right_logical3A_594 : vector<16xi32>
        %broadcast_in_dim3A_596 = arith.constant 8 : i32
        %broadcast_in_dim3A_597 = vector.broadcast %broadcast_in_dim3A_596 : i32 to vector<16xi32>
        %shift_left3A_598 = arith.shli %shift_right_logical3A_595, %broadcast_in_dim3A_597 : vector<16xi32>
        %broadcast_in_dim3A_599 = arith.constant 255 : i32
        %broadcast_in_dim3A_600 = vector.broadcast %broadcast_in_dim3A_599 : i32 to vector<16xi32>
        %and3A_601 = arith.andi %get3A_592, %broadcast_in_dim3A_600 : vector<16xi32>
        %add3A_602 = arith.addi %shift_left3A_598, %and3A_601 : vector<16xi32>
        %swap3A_603 = arith.constant 1 : i32
        %swap3A_604 = arith.index_cast %swap3A_603 : i32 to index
        %swap3A_605 = arith.constant 80 : index
        %swap3A_606 = tpu.vector_load %arg6[%swap3A_604, %swap3A_605] {strides = array<i32>} : memref<4x128xi32, #tpu.memory_space<vmem>>, vector<16xi32>,
        tpu.vector_store %arg6[%swap3A_604, %swap3A_605], %add3A_602 {strides = array<i32>} : memref<4x128xi32, #tpu.memory_space<vmem>>, vector<16xi32>,
        %mul3A_607 = arith.constant 128 : i32
        %mul3A_608 = arith.muli %add3A_486, %mul3A_607 : i32
        %add3A_609 = arith.constant 96 : i32
        %add3A_610 = arith.addi %mul3A_608, %add3A_609 : i32
        %get3A_611 = arith.index_cast %add3A_610 : i32 to index
        %get3A_612 = tpu.vector_load %arg5[%get3A_611] {strides = array<i32>} : memref<25600xi32, #tpu.memory_space<vmem>>, vector<16xi32>,
        %shift_right_logical3A_613 = arith.constant 9 : i32
        %shift_right_logical3A_614 = vector.broadcast %shift_right_logical3A_613 : i32 to vector<16xi32>
        %shift_right_logical3A_615 = arith.shrui %get3A_612, %shift_right_logical3A_614 : vector<16xi32>
        %broadcast_in_dim3A_616 = arith.constant 8 : i32
        %broadcast_in_dim3A_617 = vector.broadcast %broadcast_in_dim3A_616 : i32 to vector<16xi32>
        %shift_left3A_618 = arith.shli %shift_right_logical3A_615, %broadcast_in_dim3A_617 : vector<16xi32>
        %broadcast_in_dim3A_619 = arith.constant 255 : i32
        %broadcast_in_dim3A_620 = vector.broadcast %broadcast_in_dim3A_619 : i32 to vector<16xi32>
        %and3A_621 = arith.andi %get3A_612, %broadcast_in_dim3A_620 : vector<16xi32>
        %add3A_622 = arith.addi %shift_left3A_618, %and3A_621 : vector<16xi32>
        %swap3A_623 = arith.constant 1 : i32
        %swap3A_624 = arith.index_cast %swap3A_623 : i32 to index
        %swap3A_625 = arith.constant 96 : index
        %swap3A_626 = tpu.vector_load %arg6[%swap3A_624, %swap3A_625] {strides = array<i32>} : memref<4x128xi32, #tpu.memory_space<vmem>>, vector<16xi32>,
        tpu.vector_store %arg6[%swap3A_624, %swap3A_625], %add3A_622 {strides = array<i32>} : memref<4x128xi32, #tpu.memory_space<vmem>>, vector<16xi32>,
        %mul3A_627 = arith.constant 128 : i32
        %mul3A_628 = arith.muli %add3A_486, %mul3A_627 : i32
        %add3A_629 = arith.constant 112 : i32
        %add3A_630 = arith.addi %mul3A_628, %add3A_629 : i32
        %get3A_631 = arith.index_cast %add3A_630 : i32 to index
        %get3A_632 = tpu.vector_load %arg5[%get3A_631] {strides = array<i32>} : memref<25600xi32, #tpu.memory_space<vmem>>, vector<16xi32>,
        %shift_right_logical3A_633 = arith.constant 9 : i32
        %shift_right_logical3A_634 = vector.broadcast %shift_right_logical3A_633 : i32 to vector<16xi32>
        %shift_right_logical3A_635 = arith.shrui %get3A_632, %shift_right_logical3A_634 : vector<16xi32>
        %broadcast_in_dim3A_636 = arith.constant 8 : i32
        %broadcast_in_dim3A_637 = vector.broadcast %broadcast_in_dim3A_636 : i32 to vector<16xi32>
        %shift_left3A_638 = arith.shli %shift_right_logical3A_635, %broadcast_in_dim3A_637 : vector<16xi32>
        %broadcast_in_dim3A_639 = arith.constant 255 : i32
        %broadcast_in_dim3A_640 = vector.broadcast %broadcast_in_dim3A_639 : i32 to vector<16xi32>
        %and3A_641 = arith.andi %get3A_632, %broadcast_in_dim3A_640 : vector<16xi32>
        %add3A_642 = arith.addi %shift_left3A_638, %and3A_641 : vector<16xi32>
        %swap3A_643 = arith.constant 1 : i32
        %swap3A_644 = arith.index_cast %swap3A_643 : i32 to index
        %swap3A_645 = arith.constant 112 : index
        %swap3A_646 = tpu.vector_load %arg6[%swap3A_644, %swap3A_645] {strides = array<i32>} : memref<4x128xi32, #tpu.memory_space<vmem>>, vector<16xi32>,
        tpu.vector_store %arg6[%swap3A_644, %swap3A_645], %add3A_642 {strides = array<i32>} : memref<4x128xi32, #tpu.memory_space<vmem>>, vector<16xi32>,
        %dma_start3A_647 = arith.constant 1 : i32
        %dma_start3A_648 = arith.constant 1 : i32
        %dma_start3A_649 = arith.constant 0 : i32
        %dma_start3A_650 = arith.constant 0 : i32
        %dma_start3A_651 = tpu.memref_slice %arg7[%dma_start3A_648, %dma_start3A_649, %dma_start3A_650] : memref<4x128x128xf32, #tpu.memory_space<vmem>> -> memref<1x128x128xf32, #tpu.memory_space<vmem>>
        %dma_start3A_652 = tpu.memref_squeeze %dma_start3A_651 : memref<1x128x128xf32, #tpu.memory_space<vmem>> -> memref<128x128xf32, #tpu.memory_space<vmem>>
        %dma_start3A_653 = arith.constant 0 : i32
        %dma_start3A_654 = tpu.memref_slice %arg6[%dma_start3A_647, %dma_start3A_653] : memref<4x128xi32, #tpu.memory_space<vmem>> -> memref<1x128xi32, #tpu.memory_space<vmem>>
        %dma_start3A_655 = tpu.memref_squeeze %dma_start3A_654 : memref<1x128xi32, #tpu.memory_space<vmem>> -> memref<128xi32, #tpu.memory_space<vmem>>
        %dma_start3A_656 = arith.constant 0 : i32
        %dma_start3A_657 = arith.constant 0 : i32
        %dma_start3A_658 = tpu.memref_slice %arg3[%dma_start3A_656, %dma_start3A_657] : memref<501760x128xf32, #tpu.memory_space<hbm>> -> memref<501760x128xf32, #tpu.memory_space<hbm>>
        tpu.enqueue_indirect_dma source(%dma_start3A_658 : memref<501760x128xf32, #tpu.memory_space<hbm>>) target(%dma_start3A_652 : memref<128x128xf32, #tpu.memory_space<vmem>>) offsets(%dma_start3A_655 : memref<128xi32, #tpu.memory_space<vmem>>) semaphore(%arg8 : memref<!tpu.dma_semaphore, #tpu.memory_space<semaphore_mem>>)
      } else {
      }
      %dma_wait3A_457 = arith.constant 3 : i32
      %dma_wait3A_458 = arith.constant 3 : i32
      %dma_wait3A_459 = arith.constant 0 : i32
      %dma_wait3A_460 = arith.constant 0 : i32
      %dma_wait3A_461 = tpu.memref_slice %arg7[%dma_wait3A_458, %dma_wait3A_459, %dma_wait3A_460] : memref<4x128x128xf32, #tpu.memory_space<vmem>> -> memref<1x128x128xf32, #tpu.memory_space<vmem>>
      %dma_wait3A_462 = tpu.memref_squeeze %dma_wait3A_461 : memref<1x128x128xf32, #tpu.memory_space<vmem>> -> memref<128x128xf32, #tpu.memory_space<vmem>>
      %dma_wait3A_463 = arith.constant 0 : i32
      %dma_wait3A_464 = tpu.memref_slice %arg6[%dma_wait3A_457, %dma_wait3A_463] : memref<4x128xi32, #tpu.memory_space<vmem>> -> memref<1x128xi32, #tpu.memory_space<vmem>>
      %dma_wait3A_465 = tpu.memref_squeeze %dma_wait3A_464 : memref<1x128xi32, #tpu.memory_space<vmem>> -> memref<128xi32, #tpu.memory_space<vmem>>
      %dma_wait3A_466 = arith.constant 0 : i32
      %dma_wait3A_467 = arith.constant 0 : i32
      %dma_wait3A_468 = tpu.memref_slice %arg3[%dma_wait3A_466, %dma_wait3A_467] : memref<501760x128xf32, #tpu.memory_space<hbm>> -> memref<501760x128xf32, #tpu.memory_space<hbm>>
      tpu.wait_indirect_dma semaphore(%arg8 : memref<!tpu.dma_semaphore, #tpu.memory_space<semaphore_mem>>) src(%dma_wait3A_468 : memref<501760x128xf32, #tpu.memory_space<hbm>>) dst(%dma_wait3A_462 : memref<128x128xf32, #tpu.memory_space<vmem>>)
      %add3A_469 = arith.addi %mul3A_2, %add3A_444 : i32
      %mul3A_470 = arith.constant 128 : i32
      %mul3A_471 = arith.muli %add3A_469, %mul3A_470 : i32
      %dma_start3A_472 = arith.constant 3 : i32
      %dma_start3A_473 = arith.constant 0 : i32
      %dma_start3A_474 = arith.constant 0 : i32
      %dma_start3A_475 = tpu.memref_slice %arg7[%dma_start3A_472, %dma_start3A_473, %dma_start3A_474] : memref<4x128x128xf32, #tpu.memory_space<vmem>> -> memref<1x128x128xf32, #tpu.memory_space<vmem>>
      %dma_start3A_476 = tpu.memref_squeeze %dma_start3A_475 : memref<1x128x128xf32, #tpu.memory_space<vmem>> -> memref<128x128xf32, #tpu.memory_space<vmem>>
      %dma_start3A_477 = arith.constant 0 : i32
      %dma_start3A_478 = tpu.memref_slice %arg4[%mul3A_471, %dma_start3A_477] : memref<819200x128xf32, #tpu.memory_space<hbm>> -> memref<128x128xf32, #tpu.memory_space<hbm>>
      %dma_start3A_479 = arith.constant 0 : i32
      %dma_start3A_480 = tpu.memref_slice %arg4[%mul3A_471, %dma_start3A_479] : memref<819200x128xf32, #tpu.memory_space<hbm>> -> memref<128x128xf32, #tpu.memory_space<hbm>>
      %dma_start3A_481 = arith.constant 0 : i32
      %dma_start3A_482 = arith.constant 0 : i32
      %dma_start3A_483 = tpu.memref_slice %arg7[%dma_start3A_472, %dma_start3A_481, %dma_start3A_482] : memref<4x128x128xf32, #tpu.memory_space<vmem>> -> memref<1x128x128xf32, #tpu.memory_space<vmem>>
      %dma_start3A_484 = tpu.memref_squeeze %dma_start3A_483 : memref<1x128x128xf32, #tpu.memory_space<vmem>> -> memref<128x128xf32, #tpu.memory_space<vmem>>
      tpu.enqueue_dma source(%dma_start3A_484 : memref<128x128xf32, #tpu.memory_space<vmem>>) target(%dma_start3A_480 : memref<128x128xf32, #tpu.memory_space<hbm>>) target_semaphore(%arg9 : memref<!tpu.dma_semaphore, #tpu.memory_space<semaphore_mem>>)
    }
    %scan3A_282 = arith.constant 50 : i32
    %dma_wait3A = arith.constant 2 : i32
    %dma_wait3A_283 = arith.constant 0 : i32
    %dma_wait3A_284 = arith.constant 0 : i32
    %dma_wait3A_285 = tpu.memref_slice %arg7[%dma_wait3A, %dma_wait3A_283, %dma_wait3A_284] : memref<4x128x128xf32, #tpu.memory_space<vmem>> -> memref<1x128x128xf32, #tpu.memory_space<vmem>>
    %dma_wait3A_286 = tpu.memref_squeeze %dma_wait3A_285 : memref<1x128x128xf32, #tpu.memory_space<vmem>> -> memref<128x128xf32, #tpu.memory_space<vmem>>
    %dma_wait3A_287 = arith.constant 0 : i32
    %dma_wait3A_288 = arith.constant 0 : i32
    %dma_wait3A_289 = tpu.memref_slice %arg4[%dma_wait3A_287, %dma_wait3A_288] : memref<819200x128xf32, #tpu.memory_space<hbm>> -> memref<128x128xf32, #tpu.memory_space<hbm>>
    %dma_wait3A_290 = arith.constant 0 : i32
    %dma_wait3A_291 = arith.constant 0 : i32
    %dma_wait3A_292 = tpu.memref_slice %arg4[%dma_wait3A_290, %dma_wait3A_291] : memref<819200x128xf32, #tpu.memory_space<hbm>> -> memref<128x128xf32, #tpu.memory_space<hbm>>
    %dma_wait3A_293 = arith.constant 0 : i32
    %dma_wait3A_294 = arith.constant 0 : i32
    %dma_wait3A_295 = tpu.memref_slice %arg7[%dma_wait3A, %dma_wait3A_293, %dma_wait3A_294] : memref<4x128x128xf32, #tpu.memory_space<vmem>> -> memref<1x128x128xf32, #tpu.memory_space<vmem>>
    %dma_wait3A_296 = tpu.memref_squeeze %dma_wait3A_295 : memref<1x128x128xf32, #tpu.memory_space<vmem>> -> memref<128x128xf32, #tpu.memory_space<vmem>>
    tpu.wait_dma2 semaphore(%arg9 : memref<!tpu.dma_semaphore, #tpu.memory_space<semaphore_mem>>) src(%dma_wait3A_296 : memref<128x128xf32, #tpu.memory_space<vmem>>) dst(%dma_wait3A_292 : memref<128x128xf32, #tpu.memory_space<hbm>>)
    %dma_wait3A_297 = arith.constant 3 : i32
    %dma_wait3A_298 = arith.constant 0 : i32
    %dma_wait3A_299 = arith.constant 0 : i32
    %dma_wait3A_300 = tpu.memref_slice %arg7[%dma_wait3A_297, %dma_wait3A_298, %dma_wait3A_299] : memref<4x128x128xf32, #tpu.memory_space<vmem>> -> memref<1x128x128xf32, #tpu.memory_space<vmem>>
    %dma_wait3A_301 = tpu.memref_squeeze %dma_wait3A_300 : memref<1x128x128xf32, #tpu.memory_space<vmem>> -> memref<128x128xf32, #tpu.memory_space<vmem>>
    %dma_wait3A_302 = arith.constant 0 : i32
    %dma_wait3A_303 = arith.constant 0 : i32
    %dma_wait3A_304 = tpu.memref_slice %arg4[%dma_wait3A_302, %dma_wait3A_303] : memref<819200x128xf32, #tpu.memory_space<hbm>> -> memref<128x128xf32, #tpu.memory_space<hbm>>
    %dma_wait3A_305 = arith.constant 0 : i32
    %dma_wait3A_306 = arith.constant 0 : i32
    %dma_wait3A_307 = tpu.memref_slice %arg4[%dma_wait3A_305, %dma_wait3A_306] : memref<819200x128xf32, #tpu.memory_space<hbm>> -> memref<128x128xf32, #tpu.memory_space<hbm>>
    %dma_wait3A_308 = arith.constant 0 : i32
    %dma_wait3A_309 = arith.constant 0 : i32
    %dma_wait3A_310 = tpu.memref_slice %arg7[%dma_wait3A_297, %dma_wait3A_308, %dma_wait3A_309] : memref<4x128x128xf32, #tpu.memory_space<vmem>> -> memref<1x128x128xf32, #tpu.memory_space<vmem>>
    %dma_wait3A_311 = tpu.memref_squeeze %dma_wait3A_310 : memref<1x128x128xf32, #tpu.memory_space<vmem>> -> memref<128x128xf32, #tpu.memory_space<vmem>>
    tpu.wait_dma2 semaphore(%arg9 : memref<!tpu.dma_semaphore, #tpu.memory_space<semaphore_mem>>) src(%dma_wait3A_311 : memref<128x128xf32, #tpu.memory_space<vmem>>) dst(%dma_wait3A_307 : memref<128x128xf32, #tpu.memory_space<hbm>>)
    return
  }
}

module attributes {stable_mosaic.version = 14 : i64} {
  func.func @_pre_body(%arg0: i32, %arg1: memref<64x4096xf32, #tpu.memory_space<vmem>>, %arg2: memref<2048x128xf32, #tpu.memory_space<vmem>>) attributes {dimension_semantics = [#tpu.dimension_semantics<arbitrary>], iteration_bounds = array<i64: 245>, scalar_prefetch = 0 : i64, scratch_operands = 0 : i64, tpu.core_type = #tpu.core_type<tc>, window_params = [{transform_indices = @transform_0, window_bounds = array<i64: 64, 4096>}, {transform_indices = @transform_1, window_bounds = array<i64: 2048, 128>}]} {
    %get3A = arith.constant 0 : index
    %get3A_0 = arith.constant 0 : index
    %get3A_1 = vector.load %arg1[%get3A, %get3A_0] : memref<64x4096xf32, #tpu.memory_space<vmem>>, vector<64x4096xf32>
    %iota3A = tpu.iota {dimensions = array<i32: 0>} : vector<64x64xi32>
    %iota3A_2 = tpu.iota {dimensions = array<i32: 1>} : vector<64x64xi32>
    %eq3A = arith.cmpi eq, %iota3A, %iota3A_2 : vector<64x64xi32>
    %convert_element_type3A = arith.extui %eq3A : vector<64x64xi1> to vector<64x64xi32>
    %convert_element_type3A_3 = arith.sitofp %convert_element_type3A : vector<64x64xi32> to vector<64x64xf32>
    %dot_general3A = arith.constant dense<0.000000e+00> : vector<4096x64xf32>
    %dot_general3A_4 = tpu.matmul %get3A_1, %convert_element_type3A_3, %dot_general3A {dimension_numbers = #tpu.dot_dimension_numbers<[0], [0], [1], [1], [0, 1, 1, 1], [], []>, transpose_lhs_hint = false} : vector<64x4096xf32>, vector<64x64xf32>, vector<4096x64xf32> -> vector<4096x64xf32>
    %slice3A = vector.extract_strided_slice %dot_general3A_4 {offsets = [0, 0], sizes = [256, 64], strides = [1, 1]} : vector<4096x64xf32> to vector<256x64xf32>
    %slice3A_5 = vector.extract_strided_slice %dot_general3A_4 {offsets = [256, 0], sizes = [256, 64], strides = [1, 1]} : vector<4096x64xf32> to vector<256x64xf32>
    %concatenate3A = tpu.concatenate %slice3A, %slice3A_5 in 1 : vector<256x64xf32>, vector<256x64xf32> -> vector<256x128xf32>
    %slice3A_6 = vector.extract_strided_slice %dot_general3A_4 {offsets = [512, 0], sizes = [256, 64], strides = [1, 1]} : vector<4096x64xf32> to vector<256x64xf32>
    %slice3A_7 = vector.extract_strided_slice %dot_general3A_4 {offsets = [768, 0], sizes = [256, 64], strides = [1, 1]} : vector<4096x64xf32> to vector<256x64xf32>
    %concatenate3A_8 = tpu.concatenate %slice3A_6, %slice3A_7 in 1 : vector<256x64xf32>, vector<256x64xf32> -> vector<256x128xf32>
    %slice3A_9 = vector.extract_strided_slice %dot_general3A_4 {offsets = [1024, 0], sizes = [256, 64], strides = [1, 1]} : vector<4096x64xf32> to vector<256x64xf32>
    %slice3A_10 = vector.extract_strided_slice %dot_general3A_4 {offsets = [1280, 0], sizes = [256, 64], strides = [1, 1]} : vector<4096x64xf32> to vector<256x64xf32>
    %concatenate3A_11 = tpu.concatenate %slice3A_9, %slice3A_10 in 1 : vector<256x64xf32>, vector<256x64xf32> -> vector<256x128xf32>
    %slice3A_12 = vector.extract_strided_slice %dot_general3A_4 {offsets = [1536, 0], sizes = [256, 64], strides = [1, 1]} : vector<4096x64xf32> to vector<256x64xf32>
    %slice3A_13 = vector.extract_strided_slice %dot_general3A_4 {offsets = [1792, 0], sizes = [256, 64], strides = [1, 1]} : vector<4096x64xf32> to vector<256x64xf32>
    %concatenate3A_14 = tpu.concatenate %slice3A_12, %slice3A_13 in 1 : vector<256x64xf32>, vector<256x64xf32> -> vector<256x128xf32>
    %slice3A_15 = vector.extract_strided_slice %dot_general3A_4 {offsets = [2048, 0], sizes = [256, 64], strides = [1, 1]} : vector<4096x64xf32> to vector<256x64xf32>
    %slice3A_16 = vector.extract_strided_slice %dot_general3A_4 {offsets = [2304, 0], sizes = [256, 64], strides = [1, 1]} : vector<4096x64xf32> to vector<256x64xf32>
    %concatenate3A_17 = tpu.concatenate %slice3A_15, %slice3A_16 in 1 : vector<256x64xf32>, vector<256x64xf32> -> vector<256x128xf32>
    %slice3A_18 = vector.extract_strided_slice %dot_general3A_4 {offsets = [2560, 0], sizes = [256, 64], strides = [1, 1]} : vector<4096x64xf32> to vector<256x64xf32>
    %slice3A_19 = vector.extract_strided_slice %dot_general3A_4 {offsets = [2816, 0], sizes = [256, 64], strides = [1, 1]} : vector<4096x64xf32> to vector<256x64xf32>
    %concatenate3A_20 = tpu.concatenate %slice3A_18, %slice3A_19 in 1 : vector<256x64xf32>, vector<256x64xf32> -> vector<256x128xf32>
    %slice3A_21 = vector.extract_strided_slice %dot_general3A_4 {offsets = [3072, 0], sizes = [256, 64], strides = [1, 1]} : vector<4096x64xf32> to vector<256x64xf32>
    %slice3A_22 = vector.extract_strided_slice %dot_general3A_4 {offsets = [3328, 0], sizes = [256, 64], strides = [1, 1]} : vector<4096x64xf32> to vector<256x64xf32>
    %concatenate3A_23 = tpu.concatenate %slice3A_21, %slice3A_22 in 1 : vector<256x64xf32>, vector<256x64xf32> -> vector<256x128xf32>
    %slice3A_24 = vector.extract_strided_slice %dot_general3A_4 {offsets = [3584, 0], sizes = [256, 64], strides = [1, 1]} : vector<4096x64xf32> to vector<256x64xf32>
    %slice3A_25 = vector.extract_strided_slice %dot_general3A_4 {offsets = [3840, 0], sizes = [256, 64], strides = [1, 1]} : vector<4096x64xf32> to vector<256x64xf32>
    %concatenate3A_26 = tpu.concatenate %slice3A_24, %slice3A_25 in 1 : vector<256x64xf32>, vector<256x64xf32> -> vector<256x128xf32>
    %concatenate3A_27 = tpu.concatenate %concatenate3A, %concatenate3A_8, %concatenate3A_11, %concatenate3A_14, %concatenate3A_17, %concatenate3A_20, %concatenate3A_23, %concatenate3A_26 in 0 : vector<256x128xf32>, vector<256x128xf32>, vector<256x128xf32>, vector<256x128xf32>, vector<256x128xf32>, vector<256x128xf32>, vector<256x128xf32>, vector<256x128xf32> -> vector<2048x128xf32>
    %swap3A = arith.constant 0 : index
    %swap3A_28 = arith.constant 0 : index
    %swap3A_29 = vector.load %arg2[%swap3A, %swap3A_28] : memref<2048x128xf32, #tpu.memory_space<vmem>>, vector<2048x128xf32>
    tpu.vector_store %arg2[%swap3A, %swap3A_28], %concatenate3A_27 {strides = array<i32>} : memref<2048x128xf32, #tpu.memory_space<vmem>>, vector<2048x128xf32>,
    return
  }
  func.func @transform_0(%arg0: i32) -> (i32, i32) {
    %c0_i32 = arith.constant 0 : i32
    %c0_i32_0 = arith.constant 0 : i32
    return %c0_i32, %arg0 : i32, i32
  }
  func.func @transform_1(%arg0: i32) -> (i32, i32) {
    %c0_i32 = arith.constant 0 : i32
    %c0_i32_0 = arith.constant 0 : i32
    return %arg0, %c0_i32 : i32, i32
  }
}

module attributes {stable_mosaic.version = 14 : i64} {
  func.func @_post_body(%arg0: i32, %arg1: memref<1x4096x128xf32, #tpu.memory_space<vmem>>, %arg2: memref<1x1x4096xi32, #tpu.memory_space<vmem>>, %arg3: memref<1x64x1xf32, #tpu.memory_space<vmem>>, %arg4: memref<1x8x32x8x128xf32, #tpu.memory_space<vmem>>) attributes {dimension_semantics = [#tpu.dimension_semantics<arbitrary>], iteration_bounds = array<i64: 200>, scalar_prefetch = 0 : i64, scratch_operands = 0 : i64, tpu.core_type = #tpu.core_type<tc>, window_params = [{transform_indices = @transform_0, window_bounds = array<i64: 1, 4096, 128>}, {transform_indices = @transform_1, window_bounds = array<i64: 1, 1, 4096>}, {transform_indices = @transform_2, window_bounds = array<i64: 1, 64, 1>}, {transform_indices = @transform_3, window_bounds = array<i64: 1, 8, 32, 8, 128>}]} {
    %get3A = arith.constant 0 : index
    %get3A_0 = arith.constant 0 : index
    %get3A_1 = arith.constant 0 : index
    %get3A_2 = vector.load %arg1[%get3A, %get3A_0, %get3A_1] : memref<1x4096x128xf32, #tpu.memory_space<vmem>>, vector<1x4096x128xf32>
    %get3A_3 = vector.shape_cast %get3A_2 : vector<1x4096x128xf32> to vector<4096x128xf32>
    %iota3A = tpu.iota {dimensions = array<i32: 0>} : vector<128x128xi32>
    %iota3A_4 = tpu.iota {dimensions = array<i32: 1>} : vector<128x128xi32>
    %eq3A = arith.cmpi eq, %iota3A, %iota3A_4 : vector<128x128xi32>
    %convert_element_type3A = arith.extui %eq3A : vector<128x128xi1> to vector<128x128xi32>
    %convert_element_type3A_5 = arith.sitofp %convert_element_type3A : vector<128x128xi32> to vector<128x128xf32>
    %dot_general3A = arith.constant dense<0.000000e+00> : vector<128x4096xf32>
    %dot_general3A_6 = tpu.matmul %convert_element_type3A_5, %get3A_3, %dot_general3A {dimension_numbers = #tpu.dot_dimension_numbers<[1], [1], [0], [0], [0, 0, 1, 0], [], []>, transpose_lhs_hint = false} : vector<128x128xf32>, vector<4096x128xf32>, vector<128x4096xf32> -> vector<128x4096xf32>
    %get3A_7 = arith.constant 0 : index
    %get3A_8 = arith.constant 0 : index
    %get3A_9 = arith.constant 0 : index
    %get3A_10 = vector.load %arg2[%get3A_7, %get3A_8, %get3A_9] : memref<1x1x4096xi32, #tpu.memory_space<vmem>>, vector<1x1x4096xi32>
    %get3A_11 = vector.shape_cast %get3A_10 : vector<1x1x4096xi32> to vector<4096xi32>
    %shift_right_arithmetic3A = arith.constant 8 : i32
    %shift_right_arithmetic3A_12 = vector.broadcast %shift_right_arithmetic3A : i32 to vector<4096xi32>
    %shift_right_arithmetic3A_13 = arith.shrsi %get3A_11, %shift_right_arithmetic3A_12 : vector<4096xi32>
    %and3A = arith.constant 1 : i32
    %and3A_14 = vector.broadcast %and3A : i32 to vector<4096xi32>
    %and3A_15 = arith.andi %shift_right_arithmetic3A_13, %and3A_14 : vector<4096xi32>
    %eq3A_16 = arith.constant 1 : i32
    %eq3A_17 = vector.broadcast %eq3A_16 : i32 to vector<4096xi32>
    %eq3A_18 = arith.cmpi eq, %and3A_15, %eq3A_17 : vector<4096xi32>
    %slice3A = vector.extract_strided_slice %dot_general3A_6 {offsets = [64, 0], sizes = [64, 4096], strides = [1, 1]} : vector<128x4096xf32> to vector<64x4096xf32>
    %slice3A_19 = vector.extract_strided_slice %dot_general3A_6 {offsets = [0, 0], sizes = [64, 4096], strides = [1, 1]} : vector<128x4096xf32> to vector<64x4096xf32>
    %broadcast_in_dim3A = vector.shape_cast %eq3A_18 : vector<4096xi1> to vector<1x4096xi1>
    %broadcast_in_dim3A_20 = vector.broadcast %broadcast_in_dim3A : vector<1x4096xi1> to vector<64x4096xi1>
    %select_n3A = arith.select %broadcast_in_dim3A_20, %slice3A, %slice3A_19 : vector<64x4096xi1>, vector<64x4096xf32>
    %get3A_21 = arith.constant 0 : index
    %get3A_22 = arith.constant 0 : index
    %get3A_23 = arith.constant 0 : index
    %get3A_24 = vector.load %arg3[%get3A_21, %get3A_22, %get3A_23] : memref<1x64x1xf32, #tpu.memory_space<vmem>>, vector<1x64x1xf32>
    %get3A_25 = vector.shape_cast %get3A_24 : vector<1x64x1xf32> to vector<64x1xf32>
    %add3A = vector.broadcast %get3A_25 : vector<64x1xf32> to vector<64x4096xf32>
    %add3A_26 = arith.addf %select_n3A, %add3A : vector<64x4096xf32>
    %slice3A_27 = vector.extract_strided_slice %add3A_26 {offsets = [0, 0], sizes = [8, 128], strides = [1, 1]} : vector<64x4096xf32> to vector<8x128xf32>
    %swap3A = arith.constant 0 : index
    %swap3A_28 = arith.constant 0 : index
    %swap3A_29 = arith.constant 0 : index
    %swap3A_30 = arith.constant 0 : index
    %swap3A_31 = arith.constant 0 : index
    %swap3A_32 = vector.load %arg4[%swap3A, %swap3A_28, %swap3A_29, %swap3A_30, %swap3A_31] : memref<1x8x32x8x128xf32, #tpu.memory_space<vmem>>, vector<1x1x1x8x128xf32>
    %swap3A_33 = vector.shape_cast %swap3A_32 : vector<1x1x1x8x128xf32> to vector<8x128xf32>
    %swap3A_34 = vector.shape_cast %slice3A_27 : vector<8x128xf32> to vector<1x1x1x8x128xf32>
    tpu.vector_store %arg4[%swap3A, %swap3A_28, %swap3A_29, %swap3A_30, %swap3A_31], %swap3A_34 {strides = array<i32>} : memref<1x8x32x8x128xf32, #tpu.memory_space<vmem>>, vector<1x1x1x8x128xf32>,
    %slice3A_35 = vector.extract_strided_slice %add3A_26 {offsets = [0, 128], sizes = [8, 128], strides = [1, 1]} : vector<64x4096xf32> to vector<8x128xf32>
    %swap3A_36 = arith.constant 0 : index
    %swap3A_37 = arith.constant 0 : index
    %swap3A_38 = arith.constant 1 : index
    %swap3A_39 = arith.constant 0 : index
    %swap3A_40 = arith.constant 0 : index
    %swap3A_41 = vector.load %arg4[%swap3A_36, %swap3A_37, %swap3A_38, %swap3A_39, %swap3A_40] : memref<1x8x32x8x128xf32, #tpu.memory_space<vmem>>, vector<1x1x1x8x128xf32>
    %swap3A_42 = vector.shape_cast %swap3A_41 : vector<1x1x1x8x128xf32> to vector<8x128xf32>
    %swap3A_43 = vector.shape_cast %slice3A_35 : vector<8x128xf32> to vector<1x1x1x8x128xf32>
    tpu.vector_store %arg4[%swap3A_36, %swap3A_37, %swap3A_38, %swap3A_39, %swap3A_40], %swap3A_43 {strides = array<i32>} : memref<1x8x32x8x128xf32, #tpu.memory_space<vmem>>, vector<1x1x1x8x128xf32>,
    %slice3A_44 = vector.extract_strided_slice %add3A_26 {offsets = [0, 256], sizes = [8, 128], strides = [1, 1]} : vector<64x4096xf32> to vector<8x128xf32>
    %swap3A_45 = arith.constant 0 : index
    %swap3A_46 = arith.constant 0 : index
    %swap3A_47 = arith.constant 2 : index
    %swap3A_48 = arith.constant 0 : index
    %swap3A_49 = arith.constant 0 : index
    %swap3A_50 = vector.load %arg4[%swap3A_45, %swap3A_46, %swap3A_47, %swap3A_48, %swap3A_49] : memref<1x8x32x8x128xf32, #tpu.memory_space<vmem>>, vector<1x1x1x8x128xf32>
    %swap3A_51 = vector.shape_cast %swap3A_50 : vector<1x1x1x8x128xf32> to vector<8x128xf32>
    %swap3A_52 = vector.shape_cast %slice3A_44 : vector<8x128xf32> to vector<1x1x1x8x128xf32>
    tpu.vector_store %arg4[%swap3A_45, %swap3A_46, %swap3A_47, %swap3A_48, %swap3A_49], %swap3A_52 {strides = array<i32>} : memref<1x8x32x8x128xf32, #tpu.memory_space<vmem>>, vector<1x1x1x8x128xf32>,
    %slice3A_53 = vector.extract_strided_slice %add3A_26 {offsets = [0, 384], sizes = [8, 128], strides = [1, 1]} : vector<64x4096xf32> to vector<8x128xf32>
    %swap3A_54 = arith.constant 0 : index
    %swap3A_55 = arith.constant 0 : index
    %swap3A_56 = arith.constant 3 : index
    %swap3A_57 = arith.constant 0 : index
    %swap3A_58 = arith.constant 0 : index
    %swap3A_59 = vector.load %arg4[%swap3A_54, %swap3A_55, %swap3A_56, %swap3A_57, %swap3A_58] : memref<1x8x32x8x128xf32, #tpu.memory_space<vmem>>, vector<1x1x1x8x128xf32>
    %swap3A_60 = vector.shape_cast %swap3A_59 : vector<1x1x1x8x128xf32> to vector<8x128xf32>
    %swap3A_61 = vector.shape_cast %slice3A_53 : vector<8x128xf32> to vector<1x1x1x8x128xf32>
    tpu.vector_store %arg4[%swap3A_54, %swap3A_55, %swap3A_56, %swap3A_57, %swap3A_58], %swap3A_61 {strides = array<i32>} : memref<1x8x32x8x128xf32, #tpu.memory_space<vmem>>, vector<1x1x1x8x128xf32>,
    %slice3A_62 = vector.extract_strided_slice %add3A_26 {offsets = [0, 512], sizes = [8, 128], strides = [1, 1]} : vector<64x4096xf32> to vector<8x128xf32>
    %swap3A_63 = arith.constant 0 : index
    %swap3A_64 = arith.constant 0 : index
    %swap3A_65 = arith.constant 4 : index
    %swap3A_66 = arith.constant 0 : index
    %swap3A_67 = arith.constant 0 : index
    %swap3A_68 = vector.load %arg4[%swap3A_63, %swap3A_64, %swap3A_65, %swap3A_66, %swap3A_67] : memref<1x8x32x8x128xf32, #tpu.memory_space<vmem>>, vector<1x1x1x8x128xf32>
    %swap3A_69 = vector.shape_cast %swap3A_68 : vector<1x1x1x8x128xf32> to vector<8x128xf32>
    %swap3A_70 = vector.shape_cast %slice3A_62 : vector<8x128xf32> to vector<1x1x1x8x128xf32>
    tpu.vector_store %arg4[%swap3A_63, %swap3A_64, %swap3A_65, %swap3A_66, %swap3A_67], %swap3A_70 {strides = array<i32>} : memref<1x8x32x8x128xf32, #tpu.memory_space<vmem>>, vector<1x1x1x8x128xf32>,
    %slice3A_71 = vector.extract_strided_slice %add3A_26 {offsets = [0, 640], sizes = [8, 128], strides = [1, 1]} : vector<64x4096xf32> to vector<8x128xf32>
    %swap3A_72 = arith.constant 0 : index
    %swap3A_73 = arith.constant 0 : index
    %swap3A_74 = arith.constant 5 : index
    %swap3A_75 = arith.constant 0 : index
    %swap3A_76 = arith.constant 0 : index
    %swap3A_77 = vector.load %arg4[%swap3A_72, %swap3A_73, %swap3A_74, %swap3A_75, %swap3A_76] : memref<1x8x32x8x128xf32, #tpu.memory_space<vmem>>, vector<1x1x1x8x128xf32>
    %swap3A_78 = vector.shape_cast %swap3A_77 : vector<1x1x1x8x128xf32> to vector<8x128xf32>
    %swap3A_79 = vector.shape_cast %slice3A_71 : vector<8x128xf32> to vector<1x1x1x8x128xf32>
    tpu.vector_store %arg4[%swap3A_72, %swap3A_73, %swap3A_74, %swap3A_75, %swap3A_76], %swap3A_79 {strides = array<i32>} : memref<1x8x32x8x128xf32, #tpu.memory_space<vmem>>, vector<1x1x1x8x128xf32>,
    %slice3A_80 = vector.extract_strided_slice %add3A_26 {offsets = [0, 768], sizes = [8, 128], strides = [1, 1]} : vector<64x4096xf32> to vector<8x128xf32>
    %swap3A_81 = arith.constant 0 : index
    %swap3A_82 = arith.constant 0 : index
    %swap3A_83 = arith.constant 6 : index
    %swap3A_84 = arith.constant 0 : index
    %swap3A_85 = arith.constant 0 : index
    %swap3A_86 = vector.load %arg4[%swap3A_81, %swap3A_82, %swap3A_83, %swap3A_84, %swap3A_85] : memref<1x8x32x8x128xf32, #tpu.memory_space<vmem>>, vector<1x1x1x8x128xf32>
    %swap3A_87 = vector.shape_cast %swap3A_86 : vector<1x1x1x8x128xf32> to vector<8x128xf32>
    %swap3A_88 = vector.shape_cast %slice3A_80 : vector<8x128xf32> to vector<1x1x1x8x128xf32>
    tpu.vector_store %arg4[%swap3A_81, %swap3A_82, %swap3A_83, %swap3A_84, %swap3A_85], %swap3A_88 {strides = array<i32>} : memref<1x8x32x8x128xf32, #tpu.memory_space<vmem>>, vector<1x1x1x8x128xf32>,
    %slice3A_89 = vector.extract_strided_slice %add3A_26 {offsets = [0, 896], sizes = [8, 128], strides = [1, 1]} : vector<64x4096xf32> to vector<8x128xf32>
    %swap3A_90 = arith.constant 0 : index
    %swap3A_91 = arith.constant 0 : index
    %swap3A_92 = arith.constant 7 : index
    %swap3A_93 = arith.constant 0 : index
    %swap3A_94 = arith.constant 0 : index
    %swap3A_95 = vector.load %arg4[%swap3A_90, %swap3A_91, %swap3A_92, %swap3A_93, %swap3A_94] : memref<1x8x32x8x128xf32, #tpu.memory_space<vmem>>, vector<1x1x1x8x128xf32>
    %swap3A_96 = vector.shape_cast %swap3A_95 : vector<1x1x1x8x128xf32> to vector<8x128xf32>
    %swap3A_97 = vector.shape_cast %slice3A_89 : vector<8x128xf32> to vector<1x1x1x8x128xf32>
    tpu.vector_store %arg4[%swap3A_90, %swap3A_91, %swap3A_92, %swap3A_93, %swap3A_94], %swap3A_97 {strides = array<i32>} : memref<1x8x32x8x128xf32, #tpu.memory_space<vmem>>, vector<1x1x1x8x128xf32>,
    %slice3A_98 = vector.extract_strided_slice %add3A_26 {offsets = [0, 1024], sizes = [8, 128], strides = [1, 1]} : vector<64x4096xf32> to vector<8x128xf32>
    %swap3A_99 = arith.constant 0 : index
    %swap3A_100 = arith.constant 0 : index
    %swap3A_101 = arith.constant 8 : index
    %swap3A_102 = arith.constant 0 : index
    %swap3A_103 = arith.constant 0 : index
    %swap3A_104 = vector.load %arg4[%swap3A_99, %swap3A_100, %swap3A_101, %swap3A_102, %swap3A_103] : memref<1x8x32x8x128xf32, #tpu.memory_space<vmem>>, vector<1x1x1x8x128xf32>
    %swap3A_105 = vector.shape_cast %swap3A_104 : vector<1x1x1x8x128xf32> to vector<8x128xf32>
    %swap3A_106 = vector.shape_cast %slice3A_98 : vector<8x128xf32> to vector<1x1x1x8x128xf32>
    tpu.vector_store %arg4[%swap3A_99, %swap3A_100, %swap3A_101, %swap3A_102, %swap3A_103], %swap3A_106 {strides = array<i32>} : memref<1x8x32x8x128xf32, #tpu.memory_space<vmem>>, vector<1x1x1x8x128xf32>,
    %slice3A_107 = vector.extract_strided_slice %add3A_26 {offsets = [0, 1152], sizes = [8, 128], strides = [1, 1]} : vector<64x4096xf32> to vector<8x128xf32>
    %swap3A_108 = arith.constant 0 : index
    %swap3A_109 = arith.constant 0 : index
    %swap3A_110 = arith.constant 9 : index
    %swap3A_111 = arith.constant 0 : index
    %swap3A_112 = arith.constant 0 : index
    %swap3A_113 = vector.load %arg4[%swap3A_108, %swap3A_109, %swap3A_110, %swap3A_111, %swap3A_112] : memref<1x8x32x8x128xf32, #tpu.memory_space<vmem>>, vector<1x1x1x8x128xf32>
    %swap3A_114 = vector.shape_cast %swap3A_113 : vector<1x1x1x8x128xf32> to vector<8x128xf32>
    %swap3A_115 = vector.shape_cast %slice3A_107 : vector<8x128xf32> to vector<1x1x1x8x128xf32>
    tpu.vector_store %arg4[%swap3A_108, %swap3A_109, %swap3A_110, %swap3A_111, %swap3A_112], %swap3A_115 {strides = array<i32>} : memref<1x8x32x8x128xf32, #tpu.memory_space<vmem>>, vector<1x1x1x8x128xf32>,
    %slice3A_116 = vector.extract_strided_slice %add3A_26 {offsets = [0, 1280], sizes = [8, 128], strides = [1, 1]} : vector<64x4096xf32> to vector<8x128xf32>
    %swap3A_117 = arith.constant 0 : index
    %swap3A_118 = arith.constant 0 : index
    %swap3A_119 = arith.constant 10 : index
    %swap3A_120 = arith.constant 0 : index
    %swap3A_121 = arith.constant 0 : index
    %swap3A_122 = vector.load %arg4[%swap3A_117, %swap3A_118, %swap3A_119, %swap3A_120, %swap3A_121] : memref<1x8x32x8x128xf32, #tpu.memory_space<vmem>>, vector<1x1x1x8x128xf32>
    %swap3A_123 = vector.shape_cast %swap3A_122 : vector<1x1x1x8x128xf32> to vector<8x128xf32>
    %swap3A_124 = vector.shape_cast %slice3A_116 : vector<8x128xf32> to vector<1x1x1x8x128xf32>
    tpu.vector_store %arg4[%swap3A_117, %swap3A_118, %swap3A_119, %swap3A_120, %swap3A_121], %swap3A_124 {strides = array<i32>} : memref<1x8x32x8x128xf32, #tpu.memory_space<vmem>>, vector<1x1x1x8x128xf32>,
    %slice3A_125 = vector.extract_strided_slice %add3A_26 {offsets = [0, 1408], sizes = [8, 128], strides = [1, 1]} : vector<64x4096xf32> to vector<8x128xf32>
    %swap3A_126 = arith.constant 0 : index
    %swap3A_127 = arith.constant 0 : index
    %swap3A_128 = arith.constant 11 : index
    %swap3A_129 = arith.constant 0 : index
    %swap3A_130 = arith.constant 0 : index
    %swap3A_131 = vector.load %arg4[%swap3A_126, %swap3A_127, %swap3A_128, %swap3A_129, %swap3A_130] : memref<1x8x32x8x128xf32, #tpu.memory_space<vmem>>, vector<1x1x1x8x128xf32>
    %swap3A_132 = vector.shape_cast %swap3A_131 : vector<1x1x1x8x128xf32> to vector<8x128xf32>
    %swap3A_133 = vector.shape_cast %slice3A_125 : vector<8x128xf32> to vector<1x1x1x8x128xf32>
    tpu.vector_store %arg4[%swap3A_126, %swap3A_127, %swap3A_128, %swap3A_129, %swap3A_130], %swap3A_133 {strides = array<i32>} : memref<1x8x32x8x128xf32, #tpu.memory_space<vmem>>, vector<1x1x1x8x128xf32>,
    %slice3A_134 = vector.extract_strided_slice %add3A_26 {offsets = [0, 1536], sizes = [8, 128], strides = [1, 1]} : vector<64x4096xf32> to vector<8x128xf32>
    %swap3A_135 = arith.constant 0 : index
    %swap3A_136 = arith.constant 0 : index
    %swap3A_137 = arith.constant 12 : index
    %swap3A_138 = arith.constant 0 : index
    %swap3A_139 = arith.constant 0 : index
    %swap3A_140 = vector.load %arg4[%swap3A_135, %swap3A_136, %swap3A_137, %swap3A_138, %swap3A_139] : memref<1x8x32x8x128xf32, #tpu.memory_space<vmem>>, vector<1x1x1x8x128xf32>
    %swap3A_141 = vector.shape_cast %swap3A_140 : vector<1x1x1x8x128xf32> to vector<8x128xf32>
    %swap3A_142 = vector.shape_cast %slice3A_134 : vector<8x128xf32> to vector<1x1x1x8x128xf32>
    tpu.vector_store %arg4[%swap3A_135, %swap3A_136, %swap3A_137, %swap3A_138, %swap3A_139], %swap3A_142 {strides = array<i32>} : memref<1x8x32x8x128xf32, #tpu.memory_space<vmem>>, vector<1x1x1x8x128xf32>,
    %slice3A_143 = vector.extract_strided_slice %add3A_26 {offsets = [0, 1664], sizes = [8, 128], strides = [1, 1]} : vector<64x4096xf32> to vector<8x128xf32>
    %swap3A_144 = arith.constant 0 : index
    %swap3A_145 = arith.constant 0 : index
    %swap3A_146 = arith.constant 13 : index
    %swap3A_147 = arith.constant 0 : index
    %swap3A_148 = arith.constant 0 : index
    %swap3A_149 = vector.load %arg4[%swap3A_144, %swap3A_145, %swap3A_146, %swap3A_147, %swap3A_148] : memref<1x8x32x8x128xf32, #tpu.memory_space<vmem>>, vector<1x1x1x8x128xf32>
    %swap3A_150 = vector.shape_cast %swap3A_149 : vector<1x1x1x8x128xf32> to vector<8x128xf32>
    %swap3A_151 = vector.shape_cast %slice3A_143 : vector<8x128xf32> to vector<1x1x1x8x128xf32>
    tpu.vector_store %arg4[%swap3A_144, %swap3A_145, %swap3A_146, %swap3A_147, %swap3A_148], %swap3A_151 {strides = array<i32>} : memref<1x8x32x8x128xf32, #tpu.memory_space<vmem>>, vector<1x1x1x8x128xf32>,
    %slice3A_152 = vector.extract_strided_slice %add3A_26 {offsets = [0, 1792], sizes = [8, 128], strides = [1, 1]} : vector<64x4096xf32> to vector<8x128xf32>
    %swap3A_153 = arith.constant 0 : index
    %swap3A_154 = arith.constant 0 : index
    %swap3A_155 = arith.constant 14 : index
    %swap3A_156 = arith.constant 0 : index
    %swap3A_157 = arith.constant 0 : index
    %swap3A_158 = vector.load %arg4[%swap3A_153, %swap3A_154, %swap3A_155, %swap3A_156, %swap3A_157] : memref<1x8x32x8x128xf32, #tpu.memory_space<vmem>>, vector<1x1x1x8x128xf32>
    %swap3A_159 = vector.shape_cast %swap3A_158 : vector<1x1x1x8x128xf32> to vector<8x128xf32>
    %swap3A_160 = vector.shape_cast %slice3A_152 : vector<8x128xf32> to vector<1x1x1x8x128xf32>
    tpu.vector_store %arg4[%swap3A_153, %swap3A_154, %swap3A_155, %swap3A_156, %swap3A_157], %swap3A_160 {strides = array<i32>} : memref<1x8x32x8x128xf32, #tpu.memory_space<vmem>>, vector<1x1x1x8x128xf32>,
    %slice3A_161 = vector.extract_strided_slice %add3A_26 {offsets = [0, 1920], sizes = [8, 128], strides = [1, 1]} : vector<64x4096xf32> to vector<8x128xf32>
    %swap3A_162 = arith.constant 0 : index
    %swap3A_163 = arith.constant 0 : index
    %swap3A_164 = arith.constant 15 : index
    %swap3A_165 = arith.constant 0 : index
    %swap3A_166 = arith.constant 0 : index
    %swap3A_167 = vector.load %arg4[%swap3A_162, %swap3A_163, %swap3A_164, %swap3A_165, %swap3A_166] : memref<1x8x32x8x128xf32, #tpu.memory_space<vmem>>, vector<1x1x1x8x128xf32>
    %swap3A_168 = vector.shape_cast %swap3A_167 : vector<1x1x1x8x128xf32> to vector<8x128xf32>
    %swap3A_169 = vector.shape_cast %slice3A_161 : vector<8x128xf32> to vector<1x1x1x8x128xf32>
    tpu.vector_store %arg4[%swap3A_162, %swap3A_163, %swap3A_164, %swap3A_165, %swap3A_166], %swap3A_169 {strides = array<i32>} : memref<1x8x32x8x128xf32, #tpu.memory_space<vmem>>, vector<1x1x1x8x128xf32>,
    %slice3A_170 = vector.extract_strided_slice %add3A_26 {offsets = [0, 2048], sizes = [8, 128], strides = [1, 1]} : vector<64x4096xf32> to vector<8x128xf32>
    %swap3A_171 = arith.constant 0 : index
    %swap3A_172 = arith.constant 0 : index
    %swap3A_173 = arith.constant 16 : index
    %swap3A_174 = arith.constant 0 : index
    %swap3A_175 = arith.constant 0 : index
    %swap3A_176 = vector.load %arg4[%swap3A_171, %swap3A_172, %swap3A_173, %swap3A_174, %swap3A_175] : memref<1x8x32x8x128xf32, #tpu.memory_space<vmem>>, vector<1x1x1x8x128xf32>
    %swap3A_177 = vector.shape_cast %swap3A_176 : vector<1x1x1x8x128xf32> to vector<8x128xf32>
    %swap3A_178 = vector.shape_cast %slice3A_170 : vector<8x128xf32> to vector<1x1x1x8x128xf32>
    tpu.vector_store %arg4[%swap3A_171, %swap3A_172, %swap3A_173, %swap3A_174, %swap3A_175], %swap3A_178 {strides = array<i32>} : memref<1x8x32x8x128xf32, #tpu.memory_space<vmem>>, vector<1x1x1x8x128xf32>,
    %slice3A_179 = vector.extract_strided_slice %add3A_26 {offsets = [0, 2176], sizes = [8, 128], strides = [1, 1]} : vector<64x4096xf32> to vector<8x128xf32>
    %swap3A_180 = arith.constant 0 : index
    %swap3A_181 = arith.constant 0 : index
    %swap3A_182 = arith.constant 17 : index
    %swap3A_183 = arith.constant 0 : index
    %swap3A_184 = arith.constant 0 : index
    %swap3A_185 = vector.load %arg4[%swap3A_180, %swap3A_181, %swap3A_182, %swap3A_183, %swap3A_184] : memref<1x8x32x8x128xf32, #tpu.memory_space<vmem>>, vector<1x1x1x8x128xf32>
    %swap3A_186 = vector.shape_cast %swap3A_185 : vector<1x1x1x8x128xf32> to vector<8x128xf32>
    %swap3A_187 = vector.shape_cast %slice3A_179 : vector<8x128xf32> to vector<1x1x1x8x128xf32>
    tpu.vector_store %arg4[%swap3A_180, %swap3A_181, %swap3A_182, %swap3A_183, %swap3A_184], %swap3A_187 {strides = array<i32>} : memref<1x8x32x8x128xf32, #tpu.memory_space<vmem>>, vector<1x1x1x8x128xf32>,
    %slice3A_188 = vector.extract_strided_slice %add3A_26 {offsets = [0, 2304], sizes = [8, 128], strides = [1, 1]} : vector<64x4096xf32> to vector<8x128xf32>
    %swap3A_189 = arith.constant 0 : index
    %swap3A_190 = arith.constant 0 : index
    %swap3A_191 = arith.constant 18 : index
    %swap3A_192 = arith.constant 0 : index
    %swap3A_193 = arith.constant 0 : index
    %swap3A_194 = vector.load %arg4[%swap3A_189, %swap3A_190, %swap3A_191, %swap3A_192, %swap3A_193] : memref<1x8x32x8x128xf32, #tpu.memory_space<vmem>>, vector<1x1x1x8x128xf32>
    %swap3A_195 = vector.shape_cast %swap3A_194 : vector<1x1x1x8x128xf32> to vector<8x128xf32>
    %swap3A_196 = vector.shape_cast %slice3A_188 : vector<8x128xf32> to vector<1x1x1x8x128xf32>
    tpu.vector_store %arg4[%swap3A_189, %swap3A_190, %swap3A_191, %swap3A_192, %swap3A_193], %swap3A_196 {strides = array<i32>} : memref<1x8x32x8x128xf32, #tpu.memory_space<vmem>>, vector<1x1x1x8x128xf32>,
    %slice3A_197 = vector.extract_strided_slice %add3A_26 {offsets = [0, 2432], sizes = [8, 128], strides = [1, 1]} : vector<64x4096xf32> to vector<8x128xf32>
    %swap3A_198 = arith.constant 0 : index
    %swap3A_199 = arith.constant 0 : index
    %swap3A_200 = arith.constant 19 : index
    %swap3A_201 = arith.constant 0 : index
    %swap3A_202 = arith.constant 0 : index
    %swap3A_203 = vector.load %arg4[%swap3A_198, %swap3A_199, %swap3A_200, %swap3A_201, %swap3A_202] : memref<1x8x32x8x128xf32, #tpu.memory_space<vmem>>, vector<1x1x1x8x128xf32>
    %swap3A_204 = vector.shape_cast %swap3A_203 : vector<1x1x1x8x128xf32> to vector<8x128xf32>
    %swap3A_205 = vector.shape_cast %slice3A_197 : vector<8x128xf32> to vector<1x1x1x8x128xf32>
    tpu.vector_store %arg4[%swap3A_198, %swap3A_199, %swap3A_200, %swap3A_201, %swap3A_202], %swap3A_205 {strides = array<i32>} : memref<1x8x32x8x128xf32, #tpu.memory_space<vmem>>, vector<1x1x1x8x128xf32>,
    %slice3A_206 = vector.extract_strided_slice %add3A_26 {offsets = [0, 2560], sizes = [8, 128], strides = [1, 1]} : vector<64x4096xf32> to vector<8x128xf32>
    %swap3A_207 = arith.constant 0 : index
    %swap3A_208 = arith.constant 0 : index
    %swap3A_209 = arith.constant 20 : index
    %swap3A_210 = arith.constant 0 : index
    %swap3A_211 = arith.constant 0 : index
    %swap3A_212 = vector.load %arg4[%swap3A_207, %swap3A_208, %swap3A_209, %swap3A_210, %swap3A_211] : memref<1x8x32x8x128xf32, #tpu.memory_space<vmem>>, vector<1x1x1x8x128xf32>
    %swap3A_213 = vector.shape_cast %swap3A_212 : vector<1x1x1x8x128xf32> to vector<8x128xf32>
    %swap3A_214 = vector.shape_cast %slice3A_206 : vector<8x128xf32> to vector<1x1x1x8x128xf32>
    tpu.vector_store %arg4[%swap3A_207, %swap3A_208, %swap3A_209, %swap3A_210, %swap3A_211], %swap3A_214 {strides = array<i32>} : memref<1x8x32x8x128xf32, #tpu.memory_space<vmem>>, vector<1x1x1x8x128xf32>,
    %slice3A_215 = vector.extract_strided_slice %add3A_26 {offsets = [0, 2688], sizes = [8, 128], strides = [1, 1]} : vector<64x4096xf32> to vector<8x128xf32>
    %swap3A_216 = arith.constant 0 : index
    %swap3A_217 = arith.constant 0 : index
    %swap3A_218 = arith.constant 21 : index
    %swap3A_219 = arith.constant 0 : index
    %swap3A_220 = arith.constant 0 : index
    %swap3A_221 = vector.load %arg4[%swap3A_216, %swap3A_217, %swap3A_218, %swap3A_219, %swap3A_220] : memref<1x8x32x8x128xf32, #tpu.memory_space<vmem>>, vector<1x1x1x8x128xf32>
    %swap3A_222 = vector.shape_cast %swap3A_221 : vector<1x1x1x8x128xf32> to vector<8x128xf32>
    %swap3A_223 = vector.shape_cast %slice3A_215 : vector<8x128xf32> to vector<1x1x1x8x128xf32>
    tpu.vector_store %arg4[%swap3A_216, %swap3A_217, %swap3A_218, %swap3A_219, %swap3A_220], %swap3A_223 {strides = array<i32>} : memref<1x8x32x8x128xf32, #tpu.memory_space<vmem>>, vector<1x1x1x8x128xf32>,
    %slice3A_224 = vector.extract_strided_slice %add3A_26 {offsets = [0, 2816], sizes = [8, 128], strides = [1, 1]} : vector<64x4096xf32> to vector<8x128xf32>
    %swap3A_225 = arith.constant 0 : index
    %swap3A_226 = arith.constant 0 : index
    %swap3A_227 = arith.constant 22 : index
    %swap3A_228 = arith.constant 0 : index
    %swap3A_229 = arith.constant 0 : index
    %swap3A_230 = vector.load %arg4[%swap3A_225, %swap3A_226, %swap3A_227, %swap3A_228, %swap3A_229] : memref<1x8x32x8x128xf32, #tpu.memory_space<vmem>>, vector<1x1x1x8x128xf32>
    %swap3A_231 = vector.shape_cast %swap3A_230 : vector<1x1x1x8x128xf32> to vector<8x128xf32>
    %swap3A_232 = vector.shape_cast %slice3A_224 : vector<8x128xf32> to vector<1x1x1x8x128xf32>
    tpu.vector_store %arg4[%swap3A_225, %swap3A_226, %swap3A_227, %swap3A_228, %swap3A_229], %swap3A_232 {strides = array<i32>} : memref<1x8x32x8x128xf32, #tpu.memory_space<vmem>>, vector<1x1x1x8x128xf32>,
    %slice3A_233 = vector.extract_strided_slice %add3A_26 {offsets = [0, 2944], sizes = [8, 128], strides = [1, 1]} : vector<64x4096xf32> to vector<8x128xf32>
    %swap3A_234 = arith.constant 0 : index
    %swap3A_235 = arith.constant 0 : index
    %swap3A_236 = arith.constant 23 : index
    %swap3A_237 = arith.constant 0 : index
    %swap3A_238 = arith.constant 0 : index
    %swap3A_239 = vector.load %arg4[%swap3A_234, %swap3A_235, %swap3A_236, %swap3A_237, %swap3A_238] : memref<1x8x32x8x128xf32, #tpu.memory_space<vmem>>, vector<1x1x1x8x128xf32>
    %swap3A_240 = vector.shape_cast %swap3A_239 : vector<1x1x1x8x128xf32> to vector<8x128xf32>
    %swap3A_241 = vector.shape_cast %slice3A_233 : vector<8x128xf32> to vector<1x1x1x8x128xf32>
    tpu.vector_store %arg4[%swap3A_234, %swap3A_235, %swap3A_236, %swap3A_237, %swap3A_238], %swap3A_241 {strides = array<i32>} : memref<1x8x32x8x128xf32, #tpu.memory_space<vmem>>, vector<1x1x1x8x128xf32>,
    %slice3A_242 = vector.extract_strided_slice %add3A_26 {offsets = [0, 3072], sizes = [8, 128], strides = [1, 1]} : vector<64x4096xf32> to vector<8x128xf32>
    %swap3A_243 = arith.constant 0 : index
    %swap3A_244 = arith.constant 0 : index
    %swap3A_245 = arith.constant 24 : index
    %swap3A_246 = arith.constant 0 : index
    %swap3A_247 = arith.constant 0 : index
    %swap3A_248 = vector.load %arg4[%swap3A_243, %swap3A_244, %swap3A_245, %swap3A_246, %swap3A_247] : memref<1x8x32x8x128xf32, #tpu.memory_space<vmem>>, vector<1x1x1x8x128xf32>
    %swap3A_249 = vector.shape_cast %swap3A_248 : vector<1x1x1x8x128xf32> to vector<8x128xf32>
    %swap3A_250 = vector.shape_cast %slice3A_242 : vector<8x128xf32> to vector<1x1x1x8x128xf32>
    tpu.vector_store %arg4[%swap3A_243, %swap3A_244, %swap3A_245, %swap3A_246, %swap3A_247], %swap3A_250 {strides = array<i32>} : memref<1x8x32x8x128xf32, #tpu.memory_space<vmem>>, vector<1x1x1x8x128xf32>,
    %slice3A_251 = vector.extract_strided_slice %add3A_26 {offsets = [0, 3200], sizes = [8, 128], strides = [1, 1]} : vector<64x4096xf32> to vector<8x128xf32>
    %swap3A_252 = arith.constant 0 : index
    %swap3A_253 = arith.constant 0 : index
    %swap3A_254 = arith.constant 25 : index
    %swap3A_255 = arith.constant 0 : index
    %swap3A_256 = arith.constant 0 : index
    %swap3A_257 = vector.load %arg4[%swap3A_252, %swap3A_253, %swap3A_254, %swap3A_255, %swap3A_256] : memref<1x8x32x8x128xf32, #tpu.memory_space<vmem>>, vector<1x1x1x8x128xf32>
    %swap3A_258 = vector.shape_cast %swap3A_257 : vector<1x1x1x8x128xf32> to vector<8x128xf32>
    %swap3A_259 = vector.shape_cast %slice3A_251 : vector<8x128xf32> to vector<1x1x1x8x128xf32>
    tpu.vector_store %arg4[%swap3A_252, %swap3A_253, %swap3A_254, %swap3A_255, %swap3A_256], %swap3A_259 {strides = array<i32>} : memref<1x8x32x8x128xf32, #tpu.memory_space<vmem>>, vector<1x1x1x8x128xf32>,
    %slice3A_260 = vector.extract_strided_slice %add3A_26 {offsets = [0, 3328], sizes = [8, 128], strides = [1, 1]} : vector<64x4096xf32> to vector<8x128xf32>
    %swap3A_261 = arith.constant 0 : index
    %swap3A_262 = arith.constant 0 : index
    %swap3A_263 = arith.constant 26 : index
    %swap3A_264 = arith.constant 0 : index
    %swap3A_265 = arith.constant 0 : index
    %swap3A_266 = vector.load %arg4[%swap3A_261, %swap3A_262, %swap3A_263, %swap3A_264, %swap3A_265] : memref<1x8x32x8x128xf32, #tpu.memory_space<vmem>>, vector<1x1x1x8x128xf32>
    %swap3A_267 = vector.shape_cast %swap3A_266 : vector<1x1x1x8x128xf32> to vector<8x128xf32>
    %swap3A_268 = vector.shape_cast %slice3A_260 : vector<8x128xf32> to vector<1x1x1x8x128xf32>
    tpu.vector_store %arg4[%swap3A_261, %swap3A_262, %swap3A_263, %swap3A_264, %swap3A_265], %swap3A_268 {strides = array<i32>} : memref<1x8x32x8x128xf32, #tpu.memory_space<vmem>>, vector<1x1x1x8x128xf32>,
    %slice3A_269 = vector.extract_strided_slice %add3A_26 {offsets = [0, 3456], sizes = [8, 128], strides = [1, 1]} : vector<64x4096xf32> to vector<8x128xf32>
    %swap3A_270 = arith.constant 0 : index
    %swap3A_271 = arith.constant 0 : index
    %swap3A_272 = arith.constant 27 : index
    %swap3A_273 = arith.constant 0 : index
    %swap3A_274 = arith.constant 0 : index
    %swap3A_275 = vector.load %arg4[%swap3A_270, %swap3A_271, %swap3A_272, %swap3A_273, %swap3A_274] : memref<1x8x32x8x128xf32, #tpu.memory_space<vmem>>, vector<1x1x1x8x128xf32>
    %swap3A_276 = vector.shape_cast %swap3A_275 : vector<1x1x1x8x128xf32> to vector<8x128xf32>
    %swap3A_277 = vector.shape_cast %slice3A_269 : vector<8x128xf32> to vector<1x1x1x8x128xf32>
    tpu.vector_store %arg4[%swap3A_270, %swap3A_271, %swap3A_272, %swap3A_273, %swap3A_274], %swap3A_277 {strides = array<i32>} : memref<1x8x32x8x128xf32, #tpu.memory_space<vmem>>, vector<1x1x1x8x128xf32>,
    %slice3A_278 = vector.extract_strided_slice %add3A_26 {offsets = [0, 3584], sizes = [8, 128], strides = [1, 1]} : vector<64x4096xf32> to vector<8x128xf32>
    %swap3A_279 = arith.constant 0 : index
    %swap3A_280 = arith.constant 0 : index
    %swap3A_281 = arith.constant 28 : index
    %swap3A_282 = arith.constant 0 : index
    %swap3A_283 = arith.constant 0 : index
    %swap3A_284 = vector.load %arg4[%swap3A_279, %swap3A_280, %swap3A_281, %swap3A_282, %swap3A_283] : memref<1x8x32x8x128xf32, #tpu.memory_space<vmem>>, vector<1x1x1x8x128xf32>
    %swap3A_285 = vector.shape_cast %swap3A_284 : vector<1x1x1x8x128xf32> to vector<8x128xf32>
    %swap3A_286 = vector.shape_cast %slice3A_278 : vector<8x128xf32> to vector<1x1x1x8x128xf32>
    tpu.vector_store %arg4[%swap3A_279, %swap3A_280, %swap3A_281, %swap3A_282, %swap3A_283], %swap3A_286 {strides = array<i32>} : memref<1x8x32x8x128xf32, #tpu.memory_space<vmem>>, vector<1x1x1x8x128xf32>,
    %slice3A_287 = vector.extract_strided_slice %add3A_26 {offsets = [0, 3712], sizes = [8, 128], strides = [1, 1]} : vector<64x4096xf32> to vector<8x128xf32>
    %swap3A_288 = arith.constant 0 : index
    %swap3A_289 = arith.constant 0 : index
    %swap3A_290 = arith.constant 29 : index
    %swap3A_291 = arith.constant 0 : index
    %swap3A_292 = arith.constant 0 : index
    %swap3A_293 = vector.load %arg4[%swap3A_288, %swap3A_289, %swap3A_290, %swap3A_291, %swap3A_292] : memref<1x8x32x8x128xf32, #tpu.memory_space<vmem>>, vector<1x1x1x8x128xf32>
    %swap3A_294 = vector.shape_cast %swap3A_293 : vector<1x1x1x8x128xf32> to vector<8x128xf32>
    %swap3A_295 = vector.shape_cast %slice3A_287 : vector<8x128xf32> to vector<1x1x1x8x128xf32>
    tpu.vector_store %arg4[%swap3A_288, %swap3A_289, %swap3A_290, %swap3A_291, %swap3A_292], %swap3A_295 {strides = array<i32>} : memref<1x8x32x8x128xf32, #tpu.memory_space<vmem>>, vector<1x1x1x8x128xf32>,
    %slice3A_296 = vector.extract_strided_slice %add3A_26 {offsets = [0, 3840], sizes = [8, 128], strides = [1, 1]} : vector<64x4096xf32> to vector<8x128xf32>
    %swap3A_297 = arith.constant 0 : index
    %swap3A_298 = arith.constant 0 : index
    %swap3A_299 = arith.constant 30 : index
    %swap3A_300 = arith.constant 0 : index
    %swap3A_301 = arith.constant 0 : index
    %swap3A_302 = vector.load %arg4[%swap3A_297, %swap3A_298, %swap3A_299, %swap3A_300, %swap3A_301] : memref<1x8x32x8x128xf32, #tpu.memory_space<vmem>>, vector<1x1x1x8x128xf32>
    %swap3A_303 = vector.shape_cast %swap3A_302 : vector<1x1x1x8x128xf32> to vector<8x128xf32>
    %swap3A_304 = vector.shape_cast %slice3A_296 : vector<8x128xf32> to vector<1x1x1x8x128xf32>
    tpu.vector_store %arg4[%swap3A_297, %swap3A_298, %swap3A_299, %swap3A_300, %swap3A_301], %swap3A_304 {strides = array<i32>} : memref<1x8x32x8x128xf32, #tpu.memory_space<vmem>>, vector<1x1x1x8x128xf32>,
    %slice3A_305 = vector.extract_strided_slice %add3A_26 {offsets = [0, 3968], sizes = [8, 128], strides = [1, 1]} : vector<64x4096xf32> to vector<8x128xf32>
    %swap3A_306 = arith.constant 0 : index
    %swap3A_307 = arith.constant 0 : index
    %swap3A_308 = arith.constant 31 : index
    %swap3A_309 = arith.constant 0 : index
    %swap3A_310 = arith.constant 0 : index
    %swap3A_311 = vector.load %arg4[%swap3A_306, %swap3A_307, %swap3A_308, %swap3A_309, %swap3A_310] : memref<1x8x32x8x128xf32, #tpu.memory_space<vmem>>, vector<1x1x1x8x128xf32>
    %swap3A_312 = vector.shape_cast %swap3A_311 : vector<1x1x1x8x128xf32> to vector<8x128xf32>
    %swap3A_313 = vector.shape_cast %slice3A_305 : vector<8x128xf32> to vector<1x1x1x8x128xf32>
    tpu.vector_store %arg4[%swap3A_306, %swap3A_307, %swap3A_308, %swap3A_309, %swap3A_310], %swap3A_313 {strides = array<i32>} : memref<1x8x32x8x128xf32, #tpu.memory_space<vmem>>, vector<1x1x1x8x128xf32>,
    %slice3A_314 = vector.extract_strided_slice %add3A_26 {offsets = [8, 0], sizes = [8, 128], strides = [1, 1]} : vector<64x4096xf32> to vector<8x128xf32>
    %swap3A_315 = arith.constant 0 : index
    %swap3A_316 = arith.constant 1 : index
    %swap3A_317 = arith.constant 0 : index
    %swap3A_318 = arith.constant 0 : index
    %swap3A_319 = arith.constant 0 : index
    %swap3A_320 = vector.load %arg4[%swap3A_315, %swap3A_316, %swap3A_317, %swap3A_318, %swap3A_319] : memref<1x8x32x8x128xf32, #tpu.memory_space<vmem>>, vector<1x1x1x8x128xf32>
    %swap3A_321 = vector.shape_cast %swap3A_320 : vector<1x1x1x8x128xf32> to vector<8x128xf32>
    %swap3A_322 = vector.shape_cast %slice3A_314 : vector<8x128xf32> to vector<1x1x1x8x128xf32>
    tpu.vector_store %arg4[%swap3A_315, %swap3A_316, %swap3A_317, %swap3A_318, %swap3A_319], %swap3A_322 {strides = array<i32>} : memref<1x8x32x8x128xf32, #tpu.memory_space<vmem>>, vector<1x1x1x8x128xf32>,
    %slice3A_323 = vector.extract_strided_slice %add3A_26 {offsets = [8, 128], sizes = [8, 128], strides = [1, 1]} : vector<64x4096xf32> to vector<8x128xf32>
    %swap3A_324 = arith.constant 0 : index
    %swap3A_325 = arith.constant 1 : index
    %swap3A_326 = arith.constant 1 : index
    %swap3A_327 = arith.constant 0 : index
    %swap3A_328 = arith.constant 0 : index
    %swap3A_329 = vector.load %arg4[%swap3A_324, %swap3A_325, %swap3A_326, %swap3A_327, %swap3A_328] : memref<1x8x32x8x128xf32, #tpu.memory_space<vmem>>, vector<1x1x1x8x128xf32>
    %swap3A_330 = vector.shape_cast %swap3A_329 : vector<1x1x1x8x128xf32> to vector<8x128xf32>
    %swap3A_331 = vector.shape_cast %slice3A_323 : vector<8x128xf32> to vector<1x1x1x8x128xf32>
    tpu.vector_store %arg4[%swap3A_324, %swap3A_325, %swap3A_326, %swap3A_327, %swap3A_328], %swap3A_331 {strides = array<i32>} : memref<1x8x32x8x128xf32, #tpu.memory_space<vmem>>, vector<1x1x1x8x128xf32>,
    %slice3A_332 = vector.extract_strided_slice %add3A_26 {offsets = [8, 256], sizes = [8, 128], strides = [1, 1]} : vector<64x4096xf32> to vector<8x128xf32>
    %swap3A_333 = arith.constant 0 : index
    %swap3A_334 = arith.constant 1 : index
    %swap3A_335 = arith.constant 2 : index
    %swap3A_336 = arith.constant 0 : index
    %swap3A_337 = arith.constant 0 : index
    %swap3A_338 = vector.load %arg4[%swap3A_333, %swap3A_334, %swap3A_335, %swap3A_336, %swap3A_337] : memref<1x8x32x8x128xf32, #tpu.memory_space<vmem>>, vector<1x1x1x8x128xf32>
    %swap3A_339 = vector.shape_cast %swap3A_338 : vector<1x1x1x8x128xf32> to vector<8x128xf32>
    %swap3A_340 = vector.shape_cast %slice3A_332 : vector<8x128xf32> to vector<1x1x1x8x128xf32>
    tpu.vector_store %arg4[%swap3A_333, %swap3A_334, %swap3A_335, %swap3A_336, %swap3A_337], %swap3A_340 {strides = array<i32>} : memref<1x8x32x8x128xf32, #tpu.memory_space<vmem>>, vector<1x1x1x8x128xf32>,
    %slice3A_341 = vector.extract_strided_slice %add3A_26 {offsets = [8, 384], sizes = [8, 128], strides = [1, 1]} : vector<64x4096xf32> to vector<8x128xf32>
    %swap3A_342 = arith.constant 0 : index
    %swap3A_343 = arith.constant 1 : index
    %swap3A_344 = arith.constant 3 : index
    %swap3A_345 = arith.constant 0 : index
    %swap3A_346 = arith.constant 0 : index
    %swap3A_347 = vector.load %arg4[%swap3A_342, %swap3A_343, %swap3A_344, %swap3A_345, %swap3A_346] : memref<1x8x32x8x128xf32, #tpu.memory_space<vmem>>, vector<1x1x1x8x128xf32>
    %swap3A_348 = vector.shape_cast %swap3A_347 : vector<1x1x1x8x128xf32> to vector<8x128xf32>
    %swap3A_349 = vector.shape_cast %slice3A_341 : vector<8x128xf32> to vector<1x1x1x8x128xf32>
    tpu.vector_store %arg4[%swap3A_342, %swap3A_343, %swap3A_344, %swap3A_345, %swap3A_346], %swap3A_349 {strides = array<i32>} : memref<1x8x32x8x128xf32, #tpu.memory_space<vmem>>, vector<1x1x1x8x128xf32>,
    %slice3A_350 = vector.extract_strided_slice %add3A_26 {offsets = [8, 512], sizes = [8, 128], strides = [1, 1]} : vector<64x4096xf32> to vector<8x128xf32>
    %swap3A_351 = arith.constant 0 : index
    %swap3A_352 = arith.constant 1 : index
    %swap3A_353 = arith.constant 4 : index
    %swap3A_354 = arith.constant 0 : index
    %swap3A_355 = arith.constant 0 : index
    %swap3A_356 = vector.load %arg4[%swap3A_351, %swap3A_352, %swap3A_353, %swap3A_354, %swap3A_355] : memref<1x8x32x8x128xf32, #tpu.memory_space<vmem>>, vector<1x1x1x8x128xf32>
    %swap3A_357 = vector.shape_cast %swap3A_356 : vector<1x1x1x8x128xf32> to vector<8x128xf32>
    %swap3A_358 = vector.shape_cast %slice3A_350 : vector<8x128xf32> to vector<1x1x1x8x128xf32>
    tpu.vector_store %arg4[%swap3A_351, %swap3A_352, %swap3A_353, %swap3A_354, %swap3A_355], %swap3A_358 {strides = array<i32>} : memref<1x8x32x8x128xf32, #tpu.memory_space<vmem>>, vector<1x1x1x8x128xf32>,
    %slice3A_359 = vector.extract_strided_slice %add3A_26 {offsets = [8, 640], sizes = [8, 128], strides = [1, 1]} : vector<64x4096xf32> to vector<8x128xf32>
    %swap3A_360 = arith.constant 0 : index
    %swap3A_361 = arith.constant 1 : index
    %swap3A_362 = arith.constant 5 : index
    %swap3A_363 = arith.constant 0 : index
    %swap3A_364 = arith.constant 0 : index
    %swap3A_365 = vector.load %arg4[%swap3A_360, %swap3A_361, %swap3A_362, %swap3A_363, %swap3A_364] : memref<1x8x32x8x128xf32, #tpu.memory_space<vmem>>, vector<1x1x1x8x128xf32>
    %swap3A_366 = vector.shape_cast %swap3A_365 : vector<1x1x1x8x128xf32> to vector<8x128xf32>
    %swap3A_367 = vector.shape_cast %slice3A_359 : vector<8x128xf32> to vector<1x1x1x8x128xf32>
    tpu.vector_store %arg4[%swap3A_360, %swap3A_361, %swap3A_362, %swap3A_363, %swap3A_364], %swap3A_367 {strides = array<i32>} : memref<1x8x32x8x128xf32, #tpu.memory_space<vmem>>, vector<1x1x1x8x128xf32>,
    %slice3A_368 = vector.extract_strided_slice %add3A_26 {offsets = [8, 768], sizes = [8, 128], strides = [1, 1]} : vector<64x4096xf32> to vector<8x128xf32>
    %swap3A_369 = arith.constant 0 : index
    %swap3A_370 = arith.constant 1 : index
    %swap3A_371 = arith.constant 6 : index
    %swap3A_372 = arith.constant 0 : index
    %swap3A_373 = arith.constant 0 : index
    %swap3A_374 = vector.load %arg4[%swap3A_369, %swap3A_370, %swap3A_371, %swap3A_372, %swap3A_373] : memref<1x8x32x8x128xf32, #tpu.memory_space<vmem>>, vector<1x1x1x8x128xf32>
    %swap3A_375 = vector.shape_cast %swap3A_374 : vector<1x1x1x8x128xf32> to vector<8x128xf32>
    %swap3A_376 = vector.shape_cast %slice3A_368 : vector<8x128xf32> to vector<1x1x1x8x128xf32>
    tpu.vector_store %arg4[%swap3A_369, %swap3A_370, %swap3A_371, %swap3A_372, %swap3A_373], %swap3A_376 {strides = array<i32>} : memref<1x8x32x8x128xf32, #tpu.memory_space<vmem>>, vector<1x1x1x8x128xf32>,
    %slice3A_377 = vector.extract_strided_slice %add3A_26 {offsets = [8, 896], sizes = [8, 128], strides = [1, 1]} : vector<64x4096xf32> to vector<8x128xf32>
    %swap3A_378 = arith.constant 0 : index
    %swap3A_379 = arith.constant 1 : index
    %swap3A_380 = arith.constant 7 : index
    %swap3A_381 = arith.constant 0 : index
    %swap3A_382 = arith.constant 0 : index
    %swap3A_383 = vector.load %arg4[%swap3A_378, %swap3A_379, %swap3A_380, %swap3A_381, %swap3A_382] : memref<1x8x32x8x128xf32, #tpu.memory_space<vmem>>, vector<1x1x1x8x128xf32>
    %swap3A_384 = vector.shape_cast %swap3A_383 : vector<1x1x1x8x128xf32> to vector<8x128xf32>
    %swap3A_385 = vector.shape_cast %slice3A_377 : vector<8x128xf32> to vector<1x1x1x8x128xf32>
    tpu.vector_store %arg4[%swap3A_378, %swap3A_379, %swap3A_380, %swap3A_381, %swap3A_382], %swap3A_385 {strides = array<i32>} : memref<1x8x32x8x128xf32, #tpu.memory_space<vmem>>, vector<1x1x1x8x128xf32>,
    %slice3A_386 = vector.extract_strided_slice %add3A_26 {offsets = [8, 1024], sizes = [8, 128], strides = [1, 1]} : vector<64x4096xf32> to vector<8x128xf32>
    %swap3A_387 = arith.constant 0 : index
    %swap3A_388 = arith.constant 1 : index
    %swap3A_389 = arith.constant 8 : index
    %swap3A_390 = arith.constant 0 : index
    %swap3A_391 = arith.constant 0 : index
    %swap3A_392 = vector.load %arg4[%swap3A_387, %swap3A_388, %swap3A_389, %swap3A_390, %swap3A_391] : memref<1x8x32x8x128xf32, #tpu.memory_space<vmem>>, vector<1x1x1x8x128xf32>
    %swap3A_393 = vector.shape_cast %swap3A_392 : vector<1x1x1x8x128xf32> to vector<8x128xf32>
    %swap3A_394 = vector.shape_cast %slice3A_386 : vector<8x128xf32> to vector<1x1x1x8x128xf32>
    tpu.vector_store %arg4[%swap3A_387, %swap3A_388, %swap3A_389, %swap3A_390, %swap3A_391], %swap3A_394 {strides = array<i32>} : memref<1x8x32x8x128xf32, #tpu.memory_space<vmem>>, vector<1x1x1x8x128xf32>,
    %slice3A_395 = vector.extract_strided_slice %add3A_26 {offsets = [8, 1152], sizes = [8, 128], strides = [1, 1]} : vector<64x4096xf32> to vector<8x128xf32>
    %swap3A_396 = arith.constant 0 : index
    %swap3A_397 = arith.constant 1 : index
    %swap3A_398 = arith.constant 9 : index
    %swap3A_399 = arith.constant 0 : index
    %swap3A_400 = arith.constant 0 : index
    %swap3A_401 = vector.load %arg4[%swap3A_396, %swap3A_397, %swap3A_398, %swap3A_399, %swap3A_400] : memref<1x8x32x8x128xf32, #tpu.memory_space<vmem>>, vector<1x1x1x8x128xf32>
    %swap3A_402 = vector.shape_cast %swap3A_401 : vector<1x1x1x8x128xf32> to vector<8x128xf32>
    %swap3A_403 = vector.shape_cast %slice3A_395 : vector<8x128xf32> to vector<1x1x1x8x128xf32>
    tpu.vector_store %arg4[%swap3A_396, %swap3A_397, %swap3A_398, %swap3A_399, %swap3A_400], %swap3A_403 {strides = array<i32>} : memref<1x8x32x8x128xf32, #tpu.memory_space<vmem>>, vector<1x1x1x8x128xf32>,
    %slice3A_404 = vector.extract_strided_slice %add3A_26 {offsets = [8, 1280], sizes = [8, 128], strides = [1, 1]} : vector<64x4096xf32> to vector<8x128xf32>
    %swap3A_405 = arith.constant 0 : index
    %swap3A_406 = arith.constant 1 : index
    %swap3A_407 = arith.constant 10 : index
    %swap3A_408 = arith.constant 0 : index
    %swap3A_409 = arith.constant 0 : index
    %swap3A_410 = vector.load %arg4[%swap3A_405, %swap3A_406, %swap3A_407, %swap3A_408, %swap3A_409] : memref<1x8x32x8x128xf32, #tpu.memory_space<vmem>>, vector<1x1x1x8x128xf32>
    %swap3A_411 = vector.shape_cast %swap3A_410 : vector<1x1x1x8x128xf32> to vector<8x128xf32>
    %swap3A_412 = vector.shape_cast %slice3A_404 : vector<8x128xf32> to vector<1x1x1x8x128xf32>
    tpu.vector_store %arg4[%swap3A_405, %swap3A_406, %swap3A_407, %swap3A_408, %swap3A_409], %swap3A_412 {strides = array<i32>} : memref<1x8x32x8x128xf32, #tpu.memory_space<vmem>>, vector<1x1x1x8x128xf32>,
    %slice3A_413 = vector.extract_strided_slice %add3A_26 {offsets = [8, 1408], sizes = [8, 128], strides = [1, 1]} : vector<64x4096xf32> to vector<8x128xf32>
    %swap3A_414 = arith.constant 0 : index
    %swap3A_415 = arith.constant 1 : index
    %swap3A_416 = arith.constant 11 : index
    %swap3A_417 = arith.constant 0 : index
    %swap3A_418 = arith.constant 0 : index
    %swap3A_419 = vector.load %arg4[%swap3A_414, %swap3A_415, %swap3A_416, %swap3A_417, %swap3A_418] : memref<1x8x32x8x128xf32, #tpu.memory_space<vmem>>, vector<1x1x1x8x128xf32>
    %swap3A_420 = vector.shape_cast %swap3A_419 : vector<1x1x1x8x128xf32> to vector<8x128xf32>
    %swap3A_421 = vector.shape_cast %slice3A_413 : vector<8x128xf32> to vector<1x1x1x8x128xf32>
    tpu.vector_store %arg4[%swap3A_414, %swap3A_415, %swap3A_416, %swap3A_417, %swap3A_418], %swap3A_421 {strides = array<i32>} : memref<1x8x32x8x128xf32, #tpu.memory_space<vmem>>, vector<1x1x1x8x128xf32>,
    %slice3A_422 = vector.extract_strided_slice %add3A_26 {offsets = [8, 1536], sizes = [8, 128], strides = [1, 1]} : vector<64x4096xf32> to vector<8x128xf32>
    %swap3A_423 = arith.constant 0 : index
    %swap3A_424 = arith.constant 1 : index
    %swap3A_425 = arith.constant 12 : index
    %swap3A_426 = arith.constant 0 : index
    %swap3A_427 = arith.constant 0 : index
    %swap3A_428 = vector.load %arg4[%swap3A_423, %swap3A_424, %swap3A_425, %swap3A_426, %swap3A_427] : memref<1x8x32x8x128xf32, #tpu.memory_space<vmem>>, vector<1x1x1x8x128xf32>
    %swap3A_429 = vector.shape_cast %swap3A_428 : vector<1x1x1x8x128xf32> to vector<8x128xf32>
    %swap3A_430 = vector.shape_cast %slice3A_422 : vector<8x128xf32> to vector<1x1x1x8x128xf32>
    tpu.vector_store %arg4[%swap3A_423, %swap3A_424, %swap3A_425, %swap3A_426, %swap3A_427], %swap3A_430 {strides = array<i32>} : memref<1x8x32x8x128xf32, #tpu.memory_space<vmem>>, vector<1x1x1x8x128xf32>,
    %slice3A_431 = vector.extract_strided_slice %add3A_26 {offsets = [8, 1664], sizes = [8, 128], strides = [1, 1]} : vector<64x4096xf32> to vector<8x128xf32>
    %swap3A_432 = arith.constant 0 : index
    %swap3A_433 = arith.constant 1 : index
    %swap3A_434 = arith.constant 13 : index
    %swap3A_435 = arith.constant 0 : index
    %swap3A_436 = arith.constant 0 : index
    %swap3A_437 = vector.load %arg4[%swap3A_432, %swap3A_433, %swap3A_434, %swap3A_435, %swap3A_436] : memref<1x8x32x8x128xf32, #tpu.memory_space<vmem>>, vector<1x1x1x8x128xf32>
    %swap3A_438 = vector.shape_cast %swap3A_437 : vector<1x1x1x8x128xf32> to vector<8x128xf32>
    %swap3A_439 = vector.shape_cast %slice3A_431 : vector<8x128xf32> to vector<1x1x1x8x128xf32>
    tpu.vector_store %arg4[%swap3A_432, %swap3A_433, %swap3A_434, %swap3A_435, %swap3A_436], %swap3A_439 {strides = array<i32>} : memref<1x8x32x8x128xf32, #tpu.memory_space<vmem>>, vector<1x1x1x8x128xf32>,
    %slice3A_440 = vector.extract_strided_slice %add3A_26 {offsets = [8, 1792], sizes = [8, 128], strides = [1, 1]} : vector<64x4096xf32> to vector<8x128xf32>
    %swap3A_441 = arith.constant 0 : index
    %swap3A_442 = arith.constant 1 : index
    %swap3A_443 = arith.constant 14 : index
    %swap3A_444 = arith.constant 0 : index
    %swap3A_445 = arith.constant 0 : index
    %swap3A_446 = vector.load %arg4[%swap3A_441, %swap3A_442, %swap3A_443, %swap3A_444, %swap3A_445] : memref<1x8x32x8x128xf32, #tpu.memory_space<vmem>>, vector<1x1x1x8x128xf32>
    %swap3A_447 = vector.shape_cast %swap3A_446 : vector<1x1x1x8x128xf32> to vector<8x128xf32>
    %swap3A_448 = vector.shape_cast %slice3A_440 : vector<8x128xf32> to vector<1x1x1x8x128xf32>
    tpu.vector_store %arg4[%swap3A_441, %swap3A_442, %swap3A_443, %swap3A_444, %swap3A_445], %swap3A_448 {strides = array<i32>} : memref<1x8x32x8x128xf32, #tpu.memory_space<vmem>>, vector<1x1x1x8x128xf32>,
    %slice3A_449 = vector.extract_strided_slice %add3A_26 {offsets = [8, 1920], sizes = [8, 128], strides = [1, 1]} : vector<64x4096xf32> to vector<8x128xf32>
    %swap3A_450 = arith.constant 0 : index
    %swap3A_451 = arith.constant 1 : index
    %swap3A_452 = arith.constant 15 : index
    %swap3A_453 = arith.constant 0 : index
    %swap3A_454 = arith.constant 0 : index
    %swap3A_455 = vector.load %arg4[%swap3A_450, %swap3A_451, %swap3A_452, %swap3A_453, %swap3A_454] : memref<1x8x32x8x128xf32, #tpu.memory_space<vmem>>, vector<1x1x1x8x128xf32>
    %swap3A_456 = vector.shape_cast %swap3A_455 : vector<1x1x1x8x128xf32> to vector<8x128xf32>
    %swap3A_457 = vector.shape_cast %slice3A_449 : vector<8x128xf32> to vector<1x1x1x8x128xf32>
    tpu.vector_store %arg4[%swap3A_450, %swap3A_451, %swap3A_452, %swap3A_453, %swap3A_454], %swap3A_457 {strides = array<i32>} : memref<1x8x32x8x128xf32, #tpu.memory_space<vmem>>, vector<1x1x1x8x128xf32>,
    %slice3A_458 = vector.extract_strided_slice %add3A_26 {offsets = [8, 2048], sizes = [8, 128], strides = [1, 1]} : vector<64x4096xf32> to vector<8x128xf32>
    %swap3A_459 = arith.constant 0 : index
    %swap3A_460 = arith.constant 1 : index
    %swap3A_461 = arith.constant 16 : index
    %swap3A_462 = arith.constant 0 : index
    %swap3A_463 = arith.constant 0 : index
    %swap3A_464 = vector.load %arg4[%swap3A_459, %swap3A_460, %swap3A_461, %swap3A_462, %swap3A_463] : memref<1x8x32x8x128xf32, #tpu.memory_space<vmem>>, vector<1x1x1x8x128xf32>
    %swap3A_465 = vector.shape_cast %swap3A_464 : vector<1x1x1x8x128xf32> to vector<8x128xf32>
    %swap3A_466 = vector.shape_cast %slice3A_458 : vector<8x128xf32> to vector<1x1x1x8x128xf32>
    tpu.vector_store %arg4[%swap3A_459, %swap3A_460, %swap3A_461, %swap3A_462, %swap3A_463], %swap3A_466 {strides = array<i32>} : memref<1x8x32x8x128xf32, #tpu.memory_space<vmem>>, vector<1x1x1x8x128xf32>,
    %slice3A_467 = vector.extract_strided_slice %add3A_26 {offsets = [8, 2176], sizes = [8, 128], strides = [1, 1]} : vector<64x4096xf32> to vector<8x128xf32>
    %swap3A_468 = arith.constant 0 : index
    %swap3A_469 = arith.constant 1 : index
    %swap3A_470 = arith.constant 17 : index
    %swap3A_471 = arith.constant 0 : index
    %swap3A_472 = arith.constant 0 : index
    %swap3A_473 = vector.load %arg4[%swap3A_468, %swap3A_469, %swap3A_470, %swap3A_471, %swap3A_472] : memref<1x8x32x8x128xf32, #tpu.memory_space<vmem>>, vector<1x1x1x8x128xf32>
    %swap3A_474 = vector.shape_cast %swap3A_473 : vector<1x1x1x8x128xf32> to vector<8x128xf32>
    %swap3A_475 = vector.shape_cast %slice3A_467 : vector<8x128xf32> to vector<1x1x1x8x128xf32>
    tpu.vector_store %arg4[%swap3A_468, %swap3A_469, %swap3A_470, %swap3A_471, %swap3A_472], %swap3A_475 {strides = array<i32>} : memref<1x8x32x8x128xf32, #tpu.memory_space<vmem>>, vector<1x1x1x8x128xf32>,
    %slice3A_476 = vector.extract_strided_slice %add3A_26 {offsets = [8, 2304], sizes = [8, 128], strides = [1, 1]} : vector<64x4096xf32> to vector<8x128xf32>
    %swap3A_477 = arith.constant 0 : index
    %swap3A_478 = arith.constant 1 : index
    %swap3A_479 = arith.constant 18 : index
    %swap3A_480 = arith.constant 0 : index
    %swap3A_481 = arith.constant 0 : index
    %swap3A_482 = vector.load %arg4[%swap3A_477, %swap3A_478, %swap3A_479, %swap3A_480, %swap3A_481] : memref<1x8x32x8x128xf32, #tpu.memory_space<vmem>>, vector<1x1x1x8x128xf32>
    %swap3A_483 = vector.shape_cast %swap3A_482 : vector<1x1x1x8x128xf32> to vector<8x128xf32>
    %swap3A_484 = vector.shape_cast %slice3A_476 : vector<8x128xf32> to vector<1x1x1x8x128xf32>
    tpu.vector_store %arg4[%swap3A_477, %swap3A_478, %swap3A_479, %swap3A_480, %swap3A_481], %swap3A_484 {strides = array<i32>} : memref<1x8x32x8x128xf32, #tpu.memory_space<vmem>>, vector<1x1x1x8x128xf32>,
    %slice3A_485 = vector.extract_strided_slice %add3A_26 {offsets = [8, 2432], sizes = [8, 128], strides = [1, 1]} : vector<64x4096xf32> to vector<8x128xf32>
    %swap3A_486 = arith.constant 0 : index
    %swap3A_487 = arith.constant 1 : index
    %swap3A_488 = arith.constant 19 : index
    %swap3A_489 = arith.constant 0 : index
    %swap3A_490 = arith.constant 0 : index
    %swap3A_491 = vector.load %arg4[%swap3A_486, %swap3A_487, %swap3A_488, %swap3A_489, %swap3A_490] : memref<1x8x32x8x128xf32, #tpu.memory_space<vmem>>, vector<1x1x1x8x128xf32>
    %swap3A_492 = vector.shape_cast %swap3A_491 : vector<1x1x1x8x128xf32> to vector<8x128xf32>
    %swap3A_493 = vector.shape_cast %slice3A_485 : vector<8x128xf32> to vector<1x1x1x8x128xf32>
    tpu.vector_store %arg4[%swap3A_486, %swap3A_487, %swap3A_488, %swap3A_489, %swap3A_490], %swap3A_493 {strides = array<i32>} : memref<1x8x32x8x128xf32, #tpu.memory_space<vmem>>, vector<1x1x1x8x128xf32>,
    %slice3A_494 = vector.extract_strided_slice %add3A_26 {offsets = [8, 2560], sizes = [8, 128], strides = [1, 1]} : vector<64x4096xf32> to vector<8x128xf32>
    %swap3A_495 = arith.constant 0 : index
    %swap3A_496 = arith.constant 1 : index
    %swap3A_497 = arith.constant 20 : index
    %swap3A_498 = arith.constant 0 : index
    %swap3A_499 = arith.constant 0 : index
    %swap3A_500 = vector.load %arg4[%swap3A_495, %swap3A_496, %swap3A_497, %swap3A_498, %swap3A_499] : memref<1x8x32x8x128xf32, #tpu.memory_space<vmem>>, vector<1x1x1x8x128xf32>
    %swap3A_501 = vector.shape_cast %swap3A_500 : vector<1x1x1x8x128xf32> to vector<8x128xf32>
    %swap3A_502 = vector.shape_cast %slice3A_494 : vector<8x128xf32> to vector<1x1x1x8x128xf32>
    tpu.vector_store %arg4[%swap3A_495, %swap3A_496, %swap3A_497, %swap3A_498, %swap3A_499], %swap3A_502 {strides = array<i32>} : memref<1x8x32x8x128xf32, #tpu.memory_space<vmem>>, vector<1x1x1x8x128xf32>,
    %slice3A_503 = vector.extract_strided_slice %add3A_26 {offsets = [8, 2688], sizes = [8, 128], strides = [1, 1]} : vector<64x4096xf32> to vector<8x128xf32>
    %swap3A_504 = arith.constant 0 : index
    %swap3A_505 = arith.constant 1 : index
    %swap3A_506 = arith.constant 21 : index
    %swap3A_507 = arith.constant 0 : index
    %swap3A_508 = arith.constant 0 : index
    %swap3A_509 = vector.load %arg4[%swap3A_504, %swap3A_505, %swap3A_506, %swap3A_507, %swap3A_508] : memref<1x8x32x8x128xf32, #tpu.memory_space<vmem>>, vector<1x1x1x8x128xf32>
    %swap3A_510 = vector.shape_cast %swap3A_509 : vector<1x1x1x8x128xf32> to vector<8x128xf32>
    %swap3A_511 = vector.shape_cast %slice3A_503 : vector<8x128xf32> to vector<1x1x1x8x128xf32>
    tpu.vector_store %arg4[%swap3A_504, %swap3A_505, %swap3A_506, %swap3A_507, %swap3A_508], %swap3A_511 {strides = array<i32>} : memref<1x8x32x8x128xf32, #tpu.memory_space<vmem>>, vector<1x1x1x8x128xf32>,
    %slice3A_512 = vector.extract_strided_slice %add3A_26 {offsets = [8, 2816], sizes = [8, 128], strides = [1, 1]} : vector<64x4096xf32> to vector<8x128xf32>
    %swap3A_513 = arith.constant 0 : index
    %swap3A_514 = arith.constant 1 : index
    %swap3A_515 = arith.constant 22 : index
    %swap3A_516 = arith.constant 0 : index
    %swap3A_517 = arith.constant 0 : index
    %swap3A_518 = vector.load %arg4[%swap3A_513, %swap3A_514, %swap3A_515, %swap3A_516, %swap3A_517] : memref<1x8x32x8x128xf32, #tpu.memory_space<vmem>>, vector<1x1x1x8x128xf32>
    %swap3A_519 = vector.shape_cast %swap3A_518 : vector<1x1x1x8x128xf32> to vector<8x128xf32>
    %swap3A_520 = vector.shape_cast %slice3A_512 : vector<8x128xf32> to vector<1x1x1x8x128xf32>
    tpu.vector_store %arg4[%swap3A_513, %swap3A_514, %swap3A_515, %swap3A_516, %swap3A_517], %swap3A_520 {strides = array<i32>} : memref<1x8x32x8x128xf32, #tpu.memory_space<vmem>>, vector<1x1x1x8x128xf32>,
    %slice3A_521 = vector.extract_strided_slice %add3A_26 {offsets = [8, 2944], sizes = [8, 128], strides = [1, 1]} : vector<64x4096xf32> to vector<8x128xf32>
    %swap3A_522 = arith.constant 0 : index
    %swap3A_523 = arith.constant 1 : index
    %swap3A_524 = arith.constant 23 : index
    %swap3A_525 = arith.constant 0 : index
    %swap3A_526 = arith.constant 0 : index
    %swap3A_527 = vector.load %arg4[%swap3A_522, %swap3A_523, %swap3A_524, %swap3A_525, %swap3A_526] : memref<1x8x32x8x128xf32, #tpu.memory_space<vmem>>, vector<1x1x1x8x128xf32>
    %swap3A_528 = vector.shape_cast %swap3A_527 : vector<1x1x1x8x128xf32> to vector<8x128xf32>
    %swap3A_529 = vector.shape_cast %slice3A_521 : vector<8x128xf32> to vector<1x1x1x8x128xf32>
    tpu.vector_store %arg4[%swap3A_522, %swap3A_523, %swap3A_524, %swap3A_525, %swap3A_526], %swap3A_529 {strides = array<i32>} : memref<1x8x32x8x128xf32, #tpu.memory_space<vmem>>, vector<1x1x1x8x128xf32>,
    %slice3A_530 = vector.extract_strided_slice %add3A_26 {offsets = [8, 3072], sizes = [8, 128], strides = [1, 1]} : vector<64x4096xf32> to vector<8x128xf32>
    %swap3A_531 = arith.constant 0 : index
    %swap3A_532 = arith.constant 1 : index
    %swap3A_533 = arith.constant 24 : index
    %swap3A_534 = arith.constant 0 : index
    %swap3A_535 = arith.constant 0 : index
    %swap3A_536 = vector.load %arg4[%swap3A_531, %swap3A_532, %swap3A_533, %swap3A_534, %swap3A_535] : memref<1x8x32x8x128xf32, #tpu.memory_space<vmem>>, vector<1x1x1x8x128xf32>
    %swap3A_537 = vector.shape_cast %swap3A_536 : vector<1x1x1x8x128xf32> to vector<8x128xf32>
    %swap3A_538 = vector.shape_cast %slice3A_530 : vector<8x128xf32> to vector<1x1x1x8x128xf32>
    tpu.vector_store %arg4[%swap3A_531, %swap3A_532, %swap3A_533, %swap3A_534, %swap3A_535], %swap3A_538 {strides = array<i32>} : memref<1x8x32x8x128xf32, #tpu.memory_space<vmem>>, vector<1x1x1x8x128xf32>,
    %slice3A_539 = vector.extract_strided_slice %add3A_26 {offsets = [8, 3200], sizes = [8, 128], strides = [1, 1]} : vector<64x4096xf32> to vector<8x128xf32>
    %swap3A_540 = arith.constant 0 : index
    %swap3A_541 = arith.constant 1 : index
    %swap3A_542 = arith.constant 25 : index
    %swap3A_543 = arith.constant 0 : index
    %swap3A_544 = arith.constant 0 : index
    %swap3A_545 = vector.load %arg4[%swap3A_540, %swap3A_541, %swap3A_542, %swap3A_543, %swap3A_544] : memref<1x8x32x8x128xf32, #tpu.memory_space<vmem>>, vector<1x1x1x8x128xf32>
    %swap3A_546 = vector.shape_cast %swap3A_545 : vector<1x1x1x8x128xf32> to vector<8x128xf32>
    %swap3A_547 = vector.shape_cast %slice3A_539 : vector<8x128xf32> to vector<1x1x1x8x128xf32>
    tpu.vector_store %arg4[%swap3A_540, %swap3A_541, %swap3A_542, %swap3A_543, %swap3A_544], %swap3A_547 {strides = array<i32>} : memref<1x8x32x8x128xf32, #tpu.memory_space<vmem>>, vector<1x1x1x8x128xf32>,
    %slice3A_548 = vector.extract_strided_slice %add3A_26 {offsets = [8, 3328], sizes = [8, 128], strides = [1, 1]} : vector<64x4096xf32> to vector<8x128xf32>
    %swap3A_549 = arith.constant 0 : index
    %swap3A_550 = arith.constant 1 : index
    %swap3A_551 = arith.constant 26 : index
    %swap3A_552 = arith.constant 0 : index
    %swap3A_553 = arith.constant 0 : index
    %swap3A_554 = vector.load %arg4[%swap3A_549, %swap3A_550, %swap3A_551, %swap3A_552, %swap3A_553] : memref<1x8x32x8x128xf32, #tpu.memory_space<vmem>>, vector<1x1x1x8x128xf32>
    %swap3A_555 = vector.shape_cast %swap3A_554 : vector<1x1x1x8x128xf32> to vector<8x128xf32>
    %swap3A_556 = vector.shape_cast %slice3A_548 : vector<8x128xf32> to vector<1x1x1x8x128xf32>
    tpu.vector_store %arg4[%swap3A_549, %swap3A_550, %swap3A_551, %swap3A_552, %swap3A_553], %swap3A_556 {strides = array<i32>} : memref<1x8x32x8x128xf32, #tpu.memory_space<vmem>>, vector<1x1x1x8x128xf32>,
    %slice3A_557 = vector.extract_strided_slice %add3A_26 {offsets = [8, 3456], sizes = [8, 128], strides = [1, 1]} : vector<64x4096xf32> to vector<8x128xf32>
    %swap3A_558 = arith.constant 0 : index
    %swap3A_559 = arith.constant 1 : index
    %swap3A_560 = arith.constant 27 : index
    %swap3A_561 = arith.constant 0 : index
    %swap3A_562 = arith.constant 0 : index
    %swap3A_563 = vector.load %arg4[%swap3A_558, %swap3A_559, %swap3A_560, %swap3A_561, %swap3A_562] : memref<1x8x32x8x128xf32, #tpu.memory_space<vmem>>, vector<1x1x1x8x128xf32>
    %swap3A_564 = vector.shape_cast %swap3A_563 : vector<1x1x1x8x128xf32> to vector<8x128xf32>
    %swap3A_565 = vector.shape_cast %slice3A_557 : vector<8x128xf32> to vector<1x1x1x8x128xf32>
    tpu.vector_store %arg4[%swap3A_558, %swap3A_559, %swap3A_560, %swap3A_561, %swap3A_562], %swap3A_565 {strides = array<i32>} : memref<1x8x32x8x128xf32, #tpu.memory_space<vmem>>, vector<1x1x1x8x128xf32>,
    %slice3A_566 = vector.extract_strided_slice %add3A_26 {offsets = [8, 3584], sizes = [8, 128], strides = [1, 1]} : vector<64x4096xf32> to vector<8x128xf32>
    %swap3A_567 = arith.constant 0 : index
    %swap3A_568 = arith.constant 1 : index
    %swap3A_569 = arith.constant 28 : index
    %swap3A_570 = arith.constant 0 : index
    %swap3A_571 = arith.constant 0 : index
    %swap3A_572 = vector.load %arg4[%swap3A_567, %swap3A_568, %swap3A_569, %swap3A_570, %swap3A_571] : memref<1x8x32x8x128xf32, #tpu.memory_space<vmem>>, vector<1x1x1x8x128xf32>
    %swap3A_573 = vector.shape_cast %swap3A_572 : vector<1x1x1x8x128xf32> to vector<8x128xf32>
    %swap3A_574 = vector.shape_cast %slice3A_566 : vector<8x128xf32> to vector<1x1x1x8x128xf32>
    tpu.vector_store %arg4[%swap3A_567, %swap3A_568, %swap3A_569, %swap3A_570, %swap3A_571], %swap3A_574 {strides = array<i32>} : memref<1x8x32x8x128xf32, #tpu.memory_space<vmem>>, vector<1x1x1x8x128xf32>,
    %slice3A_575 = vector.extract_strided_slice %add3A_26 {offsets = [8, 3712], sizes = [8, 128], strides = [1, 1]} : vector<64x4096xf32> to vector<8x128xf32>
    %swap3A_576 = arith.constant 0 : index
    %swap3A_577 = arith.constant 1 : index
    %swap3A_578 = arith.constant 29 : index
    %swap3A_579 = arith.constant 0 : index
    %swap3A_580 = arith.constant 0 : index
    %swap3A_581 = vector.load %arg4[%swap3A_576, %swap3A_577, %swap3A_578, %swap3A_579, %swap3A_580] : memref<1x8x32x8x128xf32, #tpu.memory_space<vmem>>, vector<1x1x1x8x128xf32>
    %swap3A_582 = vector.shape_cast %swap3A_581 : vector<1x1x1x8x128xf32> to vector<8x128xf32>
    %swap3A_583 = vector.shape_cast %slice3A_575 : vector<8x128xf32> to vector<1x1x1x8x128xf32>
    tpu.vector_store %arg4[%swap3A_576, %swap3A_577, %swap3A_578, %swap3A_579, %swap3A_580], %swap3A_583 {strides = array<i32>} : memref<1x8x32x8x128xf32, #tpu.memory_space<vmem>>, vector<1x1x1x8x128xf32>,
    %slice3A_584 = vector.extract_strided_slice %add3A_26 {offsets = [8, 3840], sizes = [8, 128], strides = [1, 1]} : vector<64x4096xf32> to vector<8x128xf32>
    %swap3A_585 = arith.constant 0 : index
    %swap3A_586 = arith.constant 1 : index
    %swap3A_587 = arith.constant 30 : index
    %swap3A_588 = arith.constant 0 : index
    %swap3A_589 = arith.constant 0 : index
    %swap3A_590 = vector.load %arg4[%swap3A_585, %swap3A_586, %swap3A_587, %swap3A_588, %swap3A_589] : memref<1x8x32x8x128xf32, #tpu.memory_space<vmem>>, vector<1x1x1x8x128xf32>
    %swap3A_591 = vector.shape_cast %swap3A_590 : vector<1x1x1x8x128xf32> to vector<8x128xf32>
    %swap3A_592 = vector.shape_cast %slice3A_584 : vector<8x128xf32> to vector<1x1x1x8x128xf32>
    tpu.vector_store %arg4[%swap3A_585, %swap3A_586, %swap3A_587, %swap3A_588, %swap3A_589], %swap3A_592 {strides = array<i32>} : memref<1x8x32x8x128xf32, #tpu.memory_space<vmem>>, vector<1x1x1x8x128xf32>,
    %slice3A_593 = vector.extract_strided_slice %add3A_26 {offsets = [8, 3968], sizes = [8, 128], strides = [1, 1]} : vector<64x4096xf32> to vector<8x128xf32>
    %swap3A_594 = arith.constant 0 : index
    %swap3A_595 = arith.constant 1 : index
    %swap3A_596 = arith.constant 31 : index
    %swap3A_597 = arith.constant 0 : index
    %swap3A_598 = arith.constant 0 : index
    %swap3A_599 = vector.load %arg4[%swap3A_594, %swap3A_595, %swap3A_596, %swap3A_597, %swap3A_598] : memref<1x8x32x8x128xf32, #tpu.memory_space<vmem>>, vector<1x1x1x8x128xf32>
    %swap3A_600 = vector.shape_cast %swap3A_599 : vector<1x1x1x8x128xf32> to vector<8x128xf32>
    %swap3A_601 = vector.shape_cast %slice3A_593 : vector<8x128xf32> to vector<1x1x1x8x128xf32>
    tpu.vector_store %arg4[%swap3A_594, %swap3A_595, %swap3A_596, %swap3A_597, %swap3A_598], %swap3A_601 {strides = array<i32>} : memref<1x8x32x8x128xf32, #tpu.memory_space<vmem>>, vector<1x1x1x8x128xf32>,
    %slice3A_602 = vector.extract_strided_slice %add3A_26 {offsets = [16, 0], sizes = [8, 128], strides = [1, 1]} : vector<64x4096xf32> to vector<8x128xf32>
    %swap3A_603 = arith.constant 0 : index
    %swap3A_604 = arith.constant 2 : index
    %swap3A_605 = arith.constant 0 : index
    %swap3A_606 = arith.constant 0 : index
    %swap3A_607 = arith.constant 0 : index
    %swap3A_608 = vector.load %arg4[%swap3A_603, %swap3A_604, %swap3A_605, %swap3A_606, %swap3A_607] : memref<1x8x32x8x128xf32, #tpu.memory_space<vmem>>, vector<1x1x1x8x128xf32>
    %swap3A_609 = vector.shape_cast %swap3A_608 : vector<1x1x1x8x128xf32> to vector<8x128xf32>
    %swap3A_610 = vector.shape_cast %slice3A_602 : vector<8x128xf32> to vector<1x1x1x8x128xf32>
    tpu.vector_store %arg4[%swap3A_603, %swap3A_604, %swap3A_605, %swap3A_606, %swap3A_607], %swap3A_610 {strides = array<i32>} : memref<1x8x32x8x128xf32, #tpu.memory_space<vmem>>, vector<1x1x1x8x128xf32>,
    %slice3A_611 = vector.extract_strided_slice %add3A_26 {offsets = [16, 128], sizes = [8, 128], strides = [1, 1]} : vector<64x4096xf32> to vector<8x128xf32>
    %swap3A_612 = arith.constant 0 : index
    %swap3A_613 = arith.constant 2 : index
    %swap3A_614 = arith.constant 1 : index
    %swap3A_615 = arith.constant 0 : index
    %swap3A_616 = arith.constant 0 : index
    %swap3A_617 = vector.load %arg4[%swap3A_612, %swap3A_613, %swap3A_614, %swap3A_615, %swap3A_616] : memref<1x8x32x8x128xf32, #tpu.memory_space<vmem>>, vector<1x1x1x8x128xf32>
    %swap3A_618 = vector.shape_cast %swap3A_617 : vector<1x1x1x8x128xf32> to vector<8x128xf32>
    %swap3A_619 = vector.shape_cast %slice3A_611 : vector<8x128xf32> to vector<1x1x1x8x128xf32>
    tpu.vector_store %arg4[%swap3A_612, %swap3A_613, %swap3A_614, %swap3A_615, %swap3A_616], %swap3A_619 {strides = array<i32>} : memref<1x8x32x8x128xf32, #tpu.memory_space<vmem>>, vector<1x1x1x8x128xf32>,
    %slice3A_620 = vector.extract_strided_slice %add3A_26 {offsets = [16, 256], sizes = [8, 128], strides = [1, 1]} : vector<64x4096xf32> to vector<8x128xf32>
    %swap3A_621 = arith.constant 0 : index
    %swap3A_622 = arith.constant 2 : index
    %swap3A_623 = arith.constant 2 : index
    %swap3A_624 = arith.constant 0 : index
    %swap3A_625 = arith.constant 0 : index
    %swap3A_626 = vector.load %arg4[%swap3A_621, %swap3A_622, %swap3A_623, %swap3A_624, %swap3A_625] : memref<1x8x32x8x128xf32, #tpu.memory_space<vmem>>, vector<1x1x1x8x128xf32>
    %swap3A_627 = vector.shape_cast %swap3A_626 : vector<1x1x1x8x128xf32> to vector<8x128xf32>
    %swap3A_628 = vector.shape_cast %slice3A_620 : vector<8x128xf32> to vector<1x1x1x8x128xf32>
    tpu.vector_store %arg4[%swap3A_621, %swap3A_622, %swap3A_623, %swap3A_624, %swap3A_625], %swap3A_628 {strides = array<i32>} : memref<1x8x32x8x128xf32, #tpu.memory_space<vmem>>, vector<1x1x1x8x128xf32>,
    %slice3A_629 = vector.extract_strided_slice %add3A_26 {offsets = [16, 384], sizes = [8, 128], strides = [1, 1]} : vector<64x4096xf32> to vector<8x128xf32>
    %swap3A_630 = arith.constant 0 : index
    %swap3A_631 = arith.constant 2 : index
    %swap3A_632 = arith.constant 3 : index
    %swap3A_633 = arith.constant 0 : index
    %swap3A_634 = arith.constant 0 : index
    %swap3A_635 = vector.load %arg4[%swap3A_630, %swap3A_631, %swap3A_632, %swap3A_633, %swap3A_634] : memref<1x8x32x8x128xf32, #tpu.memory_space<vmem>>, vector<1x1x1x8x128xf32>
    %swap3A_636 = vector.shape_cast %swap3A_635 : vector<1x1x1x8x128xf32> to vector<8x128xf32>
    %swap3A_637 = vector.shape_cast %slice3A_629 : vector<8x128xf32> to vector<1x1x1x8x128xf32>
    tpu.vector_store %arg4[%swap3A_630, %swap3A_631, %swap3A_632, %swap3A_633, %swap3A_634], %swap3A_637 {strides = array<i32>} : memref<1x8x32x8x128xf32, #tpu.memory_space<vmem>>, vector<1x1x1x8x128xf32>,
    %slice3A_638 = vector.extract_strided_slice %add3A_26 {offsets = [16, 512], sizes = [8, 128], strides = [1, 1]} : vector<64x4096xf32> to vector<8x128xf32>
    %swap3A_639 = arith.constant 0 : index
    %swap3A_640 = arith.constant 2 : index
    %swap3A_641 = arith.constant 4 : index
    %swap3A_642 = arith.constant 0 : index
    %swap3A_643 = arith.constant 0 : index
    %swap3A_644 = vector.load %arg4[%swap3A_639, %swap3A_640, %swap3A_641, %swap3A_642, %swap3A_643] : memref<1x8x32x8x128xf32, #tpu.memory_space<vmem>>, vector<1x1x1x8x128xf32>
    %swap3A_645 = vector.shape_cast %swap3A_644 : vector<1x1x1x8x128xf32> to vector<8x128xf32>
    %swap3A_646 = vector.shape_cast %slice3A_638 : vector<8x128xf32> to vector<1x1x1x8x128xf32>
    tpu.vector_store %arg4[%swap3A_639, %swap3A_640, %swap3A_641, %swap3A_642, %swap3A_643], %swap3A_646 {strides = array<i32>} : memref<1x8x32x8x128xf32, #tpu.memory_space<vmem>>, vector<1x1x1x8x128xf32>,
    %slice3A_647 = vector.extract_strided_slice %add3A_26 {offsets = [16, 640], sizes = [8, 128], strides = [1, 1]} : vector<64x4096xf32> to vector<8x128xf32>
    %swap3A_648 = arith.constant 0 : index
    %swap3A_649 = arith.constant 2 : index
    %swap3A_650 = arith.constant 5 : index
    %swap3A_651 = arith.constant 0 : index
    %swap3A_652 = arith.constant 0 : index
    %swap3A_653 = vector.load %arg4[%swap3A_648, %swap3A_649, %swap3A_650, %swap3A_651, %swap3A_652] : memref<1x8x32x8x128xf32, #tpu.memory_space<vmem>>, vector<1x1x1x8x128xf32>
    %swap3A_654 = vector.shape_cast %swap3A_653 : vector<1x1x1x8x128xf32> to vector<8x128xf32>
    %swap3A_655 = vector.shape_cast %slice3A_647 : vector<8x128xf32> to vector<1x1x1x8x128xf32>
    tpu.vector_store %arg4[%swap3A_648, %swap3A_649, %swap3A_650, %swap3A_651, %swap3A_652], %swap3A_655 {strides = array<i32>} : memref<1x8x32x8x128xf32, #tpu.memory_space<vmem>>, vector<1x1x1x8x128xf32>,
    %slice3A_656 = vector.extract_strided_slice %add3A_26 {offsets = [16, 768], sizes = [8, 128], strides = [1, 1]} : vector<64x4096xf32> to vector<8x128xf32>
    %swap3A_657 = arith.constant 0 : index
    %swap3A_658 = arith.constant 2 : index
    %swap3A_659 = arith.constant 6 : index
    %swap3A_660 = arith.constant 0 : index
    %swap3A_661 = arith.constant 0 : index
    %swap3A_662 = vector.load %arg4[%swap3A_657, %swap3A_658, %swap3A_659, %swap3A_660, %swap3A_661] : memref<1x8x32x8x128xf32, #tpu.memory_space<vmem>>, vector<1x1x1x8x128xf32>
    %swap3A_663 = vector.shape_cast %swap3A_662 : vector<1x1x1x8x128xf32> to vector<8x128xf32>
    %swap3A_664 = vector.shape_cast %slice3A_656 : vector<8x128xf32> to vector<1x1x1x8x128xf32>
    tpu.vector_store %arg4[%swap3A_657, %swap3A_658, %swap3A_659, %swap3A_660, %swap3A_661], %swap3A_664 {strides = array<i32>} : memref<1x8x32x8x128xf32, #tpu.memory_space<vmem>>, vector<1x1x1x8x128xf32>,
    %slice3A_665 = vector.extract_strided_slice %add3A_26 {offsets = [16, 896], sizes = [8, 128], strides = [1, 1]} : vector<64x4096xf32> to vector<8x128xf32>
    %swap3A_666 = arith.constant 0 : index
    %swap3A_667 = arith.constant 2 : index
    %swap3A_668 = arith.constant 7 : index
    %swap3A_669 = arith.constant 0 : index
    %swap3A_670 = arith.constant 0 : index
    %swap3A_671 = vector.load %arg4[%swap3A_666, %swap3A_667, %swap3A_668, %swap3A_669, %swap3A_670] : memref<1x8x32x8x128xf32, #tpu.memory_space<vmem>>, vector<1x1x1x8x128xf32>
    %swap3A_672 = vector.shape_cast %swap3A_671 : vector<1x1x1x8x128xf32> to vector<8x128xf32>
    %swap3A_673 = vector.shape_cast %slice3A_665 : vector<8x128xf32> to vector<1x1x1x8x128xf32>
    tpu.vector_store %arg4[%swap3A_666, %swap3A_667, %swap3A_668, %swap3A_669, %swap3A_670], %swap3A_673 {strides = array<i32>} : memref<1x8x32x8x128xf32, #tpu.memory_space<vmem>>, vector<1x1x1x8x128xf32>,
    %slice3A_674 = vector.extract_strided_slice %add3A_26 {offsets = [16, 1024], sizes = [8, 128], strides = [1, 1]} : vector<64x4096xf32> to vector<8x128xf32>
    %swap3A_675 = arith.constant 0 : index
    %swap3A_676 = arith.constant 2 : index
    %swap3A_677 = arith.constant 8 : index
    %swap3A_678 = arith.constant 0 : index
    %swap3A_679 = arith.constant 0 : index
    %swap3A_680 = vector.load %arg4[%swap3A_675, %swap3A_676, %swap3A_677, %swap3A_678, %swap3A_679] : memref<1x8x32x8x128xf32, #tpu.memory_space<vmem>>, vector<1x1x1x8x128xf32>
    %swap3A_681 = vector.shape_cast %swap3A_680 : vector<1x1x1x8x128xf32> to vector<8x128xf32>
    %swap3A_682 = vector.shape_cast %slice3A_674 : vector<8x128xf32> to vector<1x1x1x8x128xf32>
    tpu.vector_store %arg4[%swap3A_675, %swap3A_676, %swap3A_677, %swap3A_678, %swap3A_679], %swap3A_682 {strides = array<i32>} : memref<1x8x32x8x128xf32, #tpu.memory_space<vmem>>, vector<1x1x1x8x128xf32>,
    %slice3A_683 = vector.extract_strided_slice %add3A_26 {offsets = [16, 1152], sizes = [8, 128], strides = [1, 1]} : vector<64x4096xf32> to vector<8x128xf32>
    %swap3A_684 = arith.constant 0 : index
    %swap3A_685 = arith.constant 2 : index
    %swap3A_686 = arith.constant 9 : index
    %swap3A_687 = arith.constant 0 : index
    %swap3A_688 = arith.constant 0 : index
    %swap3A_689 = vector.load %arg4[%swap3A_684, %swap3A_685, %swap3A_686, %swap3A_687, %swap3A_688] : memref<1x8x32x8x128xf32, #tpu.memory_space<vmem>>, vector<1x1x1x8x128xf32>
    %swap3A_690 = vector.shape_cast %swap3A_689 : vector<1x1x1x8x128xf32> to vector<8x128xf32>
    %swap3A_691 = vector.shape_cast %slice3A_683 : vector<8x128xf32> to vector<1x1x1x8x128xf32>
    tpu.vector_store %arg4[%swap3A_684, %swap3A_685, %swap3A_686, %swap3A_687, %swap3A_688], %swap3A_691 {strides = array<i32>} : memref<1x8x32x8x128xf32, #tpu.memory_space<vmem>>, vector<1x1x1x8x128xf32>,
    %slice3A_692 = vector.extract_strided_slice %add3A_26 {offsets = [16, 1280], sizes = [8, 128], strides = [1, 1]} : vector<64x4096xf32> to vector<8x128xf32>
    %swap3A_693 = arith.constant 0 : index
    %swap3A_694 = arith.constant 2 : index
    %swap3A_695 = arith.constant 10 : index
    %swap3A_696 = arith.constant 0 : index
    %swap3A_697 = arith.constant 0 : index
    %swap3A_698 = vector.load %arg4[%swap3A_693, %swap3A_694, %swap3A_695, %swap3A_696, %swap3A_697] : memref<1x8x32x8x128xf32, #tpu.memory_space<vmem>>, vector<1x1x1x8x128xf32>
    %swap3A_699 = vector.shape_cast %swap3A_698 : vector<1x1x1x8x128xf32> to vector<8x128xf32>
    %swap3A_700 = vector.shape_cast %slice3A_692 : vector<8x128xf32> to vector<1x1x1x8x128xf32>
    tpu.vector_store %arg4[%swap3A_693, %swap3A_694, %swap3A_695, %swap3A_696, %swap3A_697], %swap3A_700 {strides = array<i32>} : memref<1x8x32x8x128xf32, #tpu.memory_space<vmem>>, vector<1x1x1x8x128xf32>,
    %slice3A_701 = vector.extract_strided_slice %add3A_26 {offsets = [16, 1408], sizes = [8, 128], strides = [1, 1]} : vector<64x4096xf32> to vector<8x128xf32>
    %swap3A_702 = arith.constant 0 : index
    %swap3A_703 = arith.constant 2 : index
    %swap3A_704 = arith.constant 11 : index
    %swap3A_705 = arith.constant 0 : index
    %swap3A_706 = arith.constant 0 : index
    %swap3A_707 = vector.load %arg4[%swap3A_702, %swap3A_703, %swap3A_704, %swap3A_705, %swap3A_706] : memref<1x8x32x8x128xf32, #tpu.memory_space<vmem>>, vector<1x1x1x8x128xf32>
    %swap3A_708 = vector.shape_cast %swap3A_707 : vector<1x1x1x8x128xf32> to vector<8x128xf32>
    %swap3A_709 = vector.shape_cast %slice3A_701 : vector<8x128xf32> to vector<1x1x1x8x128xf32>
    tpu.vector_store %arg4[%swap3A_702, %swap3A_703, %swap3A_704, %swap3A_705, %swap3A_706], %swap3A_709 {strides = array<i32>} : memref<1x8x32x8x128xf32, #tpu.memory_space<vmem>>, vector<1x1x1x8x128xf32>,
    %slice3A_710 = vector.extract_strided_slice %add3A_26 {offsets = [16, 1536], sizes = [8, 128], strides = [1, 1]} : vector<64x4096xf32> to vector<8x128xf32>
    %swap3A_711 = arith.constant 0 : index
    %swap3A_712 = arith.constant 2 : index
    %swap3A_713 = arith.constant 12 : index
    %swap3A_714 = arith.constant 0 : index
    %swap3A_715 = arith.constant 0 : index
    %swap3A_716 = vector.load %arg4[%swap3A_711, %swap3A_712, %swap3A_713, %swap3A_714, %swap3A_715] : memref<1x8x32x8x128xf32, #tpu.memory_space<vmem>>, vector<1x1x1x8x128xf32>
    %swap3A_717 = vector.shape_cast %swap3A_716 : vector<1x1x1x8x128xf32> to vector<8x128xf32>
    %swap3A_718 = vector.shape_cast %slice3A_710 : vector<8x128xf32> to vector<1x1x1x8x128xf32>
    tpu.vector_store %arg4[%swap3A_711, %swap3A_712, %swap3A_713, %swap3A_714, %swap3A_715], %swap3A_718 {strides = array<i32>} : memref<1x8x32x8x128xf32, #tpu.memory_space<vmem>>, vector<1x1x1x8x128xf32>,
    %slice3A_719 = vector.extract_strided_slice %add3A_26 {offsets = [16, 1664], sizes = [8, 128], strides = [1, 1]} : vector<64x4096xf32> to vector<8x128xf32>
    %swap3A_720 = arith.constant 0 : index
    %swap3A_721 = arith.constant 2 : index
    %swap3A_722 = arith.constant 13 : index
    %swap3A_723 = arith.constant 0 : index
    %swap3A_724 = arith.constant 0 : index
    %swap3A_725 = vector.load %arg4[%swap3A_720, %swap3A_721, %swap3A_722, %swap3A_723, %swap3A_724] : memref<1x8x32x8x128xf32, #tpu.memory_space<vmem>>, vector<1x1x1x8x128xf32>
    %swap3A_726 = vector.shape_cast %swap3A_725 : vector<1x1x1x8x128xf32> to vector<8x128xf32>
    %swap3A_727 = vector.shape_cast %slice3A_719 : vector<8x128xf32> to vector<1x1x1x8x128xf32>
    tpu.vector_store %arg4[%swap3A_720, %swap3A_721, %swap3A_722, %swap3A_723, %swap3A_724], %swap3A_727 {strides = array<i32>} : memref<1x8x32x8x128xf32, #tpu.memory_space<vmem>>, vector<1x1x1x8x128xf32>,
    %slice3A_728 = vector.extract_strided_slice %add3A_26 {offsets = [16, 1792], sizes = [8, 128], strides = [1, 1]} : vector<64x4096xf32> to vector<8x128xf32>
    %swap3A_729 = arith.constant 0 : index
    %swap3A_730 = arith.constant 2 : index
    %swap3A_731 = arith.constant 14 : index
    %swap3A_732 = arith.constant 0 : index
    %swap3A_733 = arith.constant 0 : index
    %swap3A_734 = vector.load %arg4[%swap3A_729, %swap3A_730, %swap3A_731, %swap3A_732, %swap3A_733] : memref<1x8x32x8x128xf32, #tpu.memory_space<vmem>>, vector<1x1x1x8x128xf32>
    %swap3A_735 = vector.shape_cast %swap3A_734 : vector<1x1x1x8x128xf32> to vector<8x128xf32>
    %swap3A_736 = vector.shape_cast %slice3A_728 : vector<8x128xf32> to vector<1x1x1x8x128xf32>
    tpu.vector_store %arg4[%swap3A_729, %swap3A_730, %swap3A_731, %swap3A_732, %swap3A_733], %swap3A_736 {strides = array<i32>} : memref<1x8x32x8x128xf32, #tpu.memory_space<vmem>>, vector<1x1x1x8x128xf32>,
    %slice3A_737 = vector.extract_strided_slice %add3A_26 {offsets = [16, 1920], sizes = [8, 128], strides = [1, 1]} : vector<64x4096xf32> to vector<8x128xf32>
    %swap3A_738 = arith.constant 0 : index
    %swap3A_739 = arith.constant 2 : index
    %swap3A_740 = arith.constant 15 : index
    %swap3A_741 = arith.constant 0 : index
    %swap3A_742 = arith.constant 0 : index
    %swap3A_743 = vector.load %arg4[%swap3A_738, %swap3A_739, %swap3A_740, %swap3A_741, %swap3A_742] : memref<1x8x32x8x128xf32, #tpu.memory_space<vmem>>, vector<1x1x1x8x128xf32>
    %swap3A_744 = vector.shape_cast %swap3A_743 : vector<1x1x1x8x128xf32> to vector<8x128xf32>
    %swap3A_745 = vector.shape_cast %slice3A_737 : vector<8x128xf32> to vector<1x1x1x8x128xf32>
    tpu.vector_store %arg4[%swap3A_738, %swap3A_739, %swap3A_740, %swap3A_741, %swap3A_742], %swap3A_745 {strides = array<i32>} : memref<1x8x32x8x128xf32, #tpu.memory_space<vmem>>, vector<1x1x1x8x128xf32>,
    %slice3A_746 = vector.extract_strided_slice %add3A_26 {offsets = [16, 2048], sizes = [8, 128], strides = [1, 1]} : vector<64x4096xf32> to vector<8x128xf32>
    %swap3A_747 = arith.constant 0 : index
    %swap3A_748 = arith.constant 2 : index
    %swap3A_749 = arith.constant 16 : index
    %swap3A_750 = arith.constant 0 : index
    %swap3A_751 = arith.constant 0 : index
    %swap3A_752 = vector.load %arg4[%swap3A_747, %swap3A_748, %swap3A_749, %swap3A_750, %swap3A_751] : memref<1x8x32x8x128xf32, #tpu.memory_space<vmem>>, vector<1x1x1x8x128xf32>
    %swap3A_753 = vector.shape_cast %swap3A_752 : vector<1x1x1x8x128xf32> to vector<8x128xf32>
    %swap3A_754 = vector.shape_cast %slice3A_746 : vector<8x128xf32> to vector<1x1x1x8x128xf32>
    tpu.vector_store %arg4[%swap3A_747, %swap3A_748, %swap3A_749, %swap3A_750, %swap3A_751], %swap3A_754 {strides = array<i32>} : memref<1x8x32x8x128xf32, #tpu.memory_space<vmem>>, vector<1x1x1x8x128xf32>,
    %slice3A_755 = vector.extract_strided_slice %add3A_26 {offsets = [16, 2176], sizes = [8, 128], strides = [1, 1]} : vector<64x4096xf32> to vector<8x128xf32>
    %swap3A_756 = arith.constant 0 : index
    %swap3A_757 = arith.constant 2 : index
    %swap3A_758 = arith.constant 17 : index
    %swap3A_759 = arith.constant 0 : index
    %swap3A_760 = arith.constant 0 : index
    %swap3A_761 = vector.load %arg4[%swap3A_756, %swap3A_757, %swap3A_758, %swap3A_759, %swap3A_760] : memref<1x8x32x8x128xf32, #tpu.memory_space<vmem>>, vector<1x1x1x8x128xf32>
    %swap3A_762 = vector.shape_cast %swap3A_761 : vector<1x1x1x8x128xf32> to vector<8x128xf32>
    %swap3A_763 = vector.shape_cast %slice3A_755 : vector<8x128xf32> to vector<1x1x1x8x128xf32>
    tpu.vector_store %arg4[%swap3A_756, %swap3A_757, %swap3A_758, %swap3A_759, %swap3A_760], %swap3A_763 {strides = array<i32>} : memref<1x8x32x8x128xf32, #tpu.memory_space<vmem>>, vector<1x1x1x8x128xf32>,
    %slice3A_764 = vector.extract_strided_slice %add3A_26 {offsets = [16, 2304], sizes = [8, 128], strides = [1, 1]} : vector<64x4096xf32> to vector<8x128xf32>
    %swap3A_765 = arith.constant 0 : index
    %swap3A_766 = arith.constant 2 : index
    %swap3A_767 = arith.constant 18 : index
    %swap3A_768 = arith.constant 0 : index
    %swap3A_769 = arith.constant 0 : index
    %swap3A_770 = vector.load %arg4[%swap3A_765, %swap3A_766, %swap3A_767, %swap3A_768, %swap3A_769] : memref<1x8x32x8x128xf32, #tpu.memory_space<vmem>>, vector<1x1x1x8x128xf32>
    %swap3A_771 = vector.shape_cast %swap3A_770 : vector<1x1x1x8x128xf32> to vector<8x128xf32>
    %swap3A_772 = vector.shape_cast %slice3A_764 : vector<8x128xf32> to vector<1x1x1x8x128xf32>
    tpu.vector_store %arg4[%swap3A_765, %swap3A_766, %swap3A_767, %swap3A_768, %swap3A_769], %swap3A_772 {strides = array<i32>} : memref<1x8x32x8x128xf32, #tpu.memory_space<vmem>>, vector<1x1x1x8x128xf32>,
    %slice3A_773 = vector.extract_strided_slice %add3A_26 {offsets = [16, 2432], sizes = [8, 128], strides = [1, 1]} : vector<64x4096xf32> to vector<8x128xf32>
    %swap3A_774 = arith.constant 0 : index
    %swap3A_775 = arith.constant 2 : index
    %swap3A_776 = arith.constant 19 : index
    %swap3A_777 = arith.constant 0 : index
    %swap3A_778 = arith.constant 0 : index
    %swap3A_779 = vector.load %arg4[%swap3A_774, %swap3A_775, %swap3A_776, %swap3A_777, %swap3A_778] : memref<1x8x32x8x128xf32, #tpu.memory_space<vmem>>, vector<1x1x1x8x128xf32>
    %swap3A_780 = vector.shape_cast %swap3A_779 : vector<1x1x1x8x128xf32> to vector<8x128xf32>
    %swap3A_781 = vector.shape_cast %slice3A_773 : vector<8x128xf32> to vector<1x1x1x8x128xf32>
    tpu.vector_store %arg4[%swap3A_774, %swap3A_775, %swap3A_776, %swap3A_777, %swap3A_778], %swap3A_781 {strides = array<i32>} : memref<1x8x32x8x128xf32, #tpu.memory_space<vmem>>, vector<1x1x1x8x128xf32>,
    %slice3A_782 = vector.extract_strided_slice %add3A_26 {offsets = [16, 2560], sizes = [8, 128], strides = [1, 1]} : vector<64x4096xf32> to vector<8x128xf32>
    %swap3A_783 = arith.constant 0 : index
    %swap3A_784 = arith.constant 2 : index
    %swap3A_785 = arith.constant 20 : index
    %swap3A_786 = arith.constant 0 : index
    %swap3A_787 = arith.constant 0 : index
    %swap3A_788 = vector.load %arg4[%swap3A_783, %swap3A_784, %swap3A_785, %swap3A_786, %swap3A_787] : memref<1x8x32x8x128xf32, #tpu.memory_space<vmem>>, vector<1x1x1x8x128xf32>
    %swap3A_789 = vector.shape_cast %swap3A_788 : vector<1x1x1x8x128xf32> to vector<8x128xf32>
    %swap3A_790 = vector.shape_cast %slice3A_782 : vector<8x128xf32> to vector<1x1x1x8x128xf32>
    tpu.vector_store %arg4[%swap3A_783, %swap3A_784, %swap3A_785, %swap3A_786, %swap3A_787], %swap3A_790 {strides = array<i32>} : memref<1x8x32x8x128xf32, #tpu.memory_space<vmem>>, vector<1x1x1x8x128xf32>,
    %slice3A_791 = vector.extract_strided_slice %add3A_26 {offsets = [16, 2688], sizes = [8, 128], strides = [1, 1]} : vector<64x4096xf32> to vector<8x128xf32>
    %swap3A_792 = arith.constant 0 : index
    %swap3A_793 = arith.constant 2 : index
    %swap3A_794 = arith.constant 21 : index
    %swap3A_795 = arith.constant 0 : index
    %swap3A_796 = arith.constant 0 : index
    %swap3A_797 = vector.load %arg4[%swap3A_792, %swap3A_793, %swap3A_794, %swap3A_795, %swap3A_796] : memref<1x8x32x8x128xf32, #tpu.memory_space<vmem>>, vector<1x1x1x8x128xf32>
    %swap3A_798 = vector.shape_cast %swap3A_797 : vector<1x1x1x8x128xf32> to vector<8x128xf32>
    %swap3A_799 = vector.shape_cast %slice3A_791 : vector<8x128xf32> to vector<1x1x1x8x128xf32>
    tpu.vector_store %arg4[%swap3A_792, %swap3A_793, %swap3A_794, %swap3A_795, %swap3A_796], %swap3A_799 {strides = array<i32>} : memref<1x8x32x8x128xf32, #tpu.memory_space<vmem>>, vector<1x1x1x8x128xf32>,
    %slice3A_800 = vector.extract_strided_slice %add3A_26 {offsets = [16, 2816], sizes = [8, 128], strides = [1, 1]} : vector<64x4096xf32> to vector<8x128xf32>
    %swap3A_801 = arith.constant 0 : index
    %swap3A_802 = arith.constant 2 : index
    %swap3A_803 = arith.constant 22 : index
    %swap3A_804 = arith.constant 0 : index
    %swap3A_805 = arith.constant 0 : index
    %swap3A_806 = vector.load %arg4[%swap3A_801, %swap3A_802, %swap3A_803, %swap3A_804, %swap3A_805] : memref<1x8x32x8x128xf32, #tpu.memory_space<vmem>>, vector<1x1x1x8x128xf32>
    %swap3A_807 = vector.shape_cast %swap3A_806 : vector<1x1x1x8x128xf32> to vector<8x128xf32>
    %swap3A_808 = vector.shape_cast %slice3A_800 : vector<8x128xf32> to vector<1x1x1x8x128xf32>
    tpu.vector_store %arg4[%swap3A_801, %swap3A_802, %swap3A_803, %swap3A_804, %swap3A_805], %swap3A_808 {strides = array<i32>} : memref<1x8x32x8x128xf32, #tpu.memory_space<vmem>>, vector<1x1x1x8x128xf32>,
    %slice3A_809 = vector.extract_strided_slice %add3A_26 {offsets = [16, 2944], sizes = [8, 128], strides = [1, 1]} : vector<64x4096xf32> to vector<8x128xf32>
    %swap3A_810 = arith.constant 0 : index
    %swap3A_811 = arith.constant 2 : index
    %swap3A_812 = arith.constant 23 : index
    %swap3A_813 = arith.constant 0 : index
    %swap3A_814 = arith.constant 0 : index
    %swap3A_815 = vector.load %arg4[%swap3A_810, %swap3A_811, %swap3A_812, %swap3A_813, %swap3A_814] : memref<1x8x32x8x128xf32, #tpu.memory_space<vmem>>, vector<1x1x1x8x128xf32>
    %swap3A_816 = vector.shape_cast %swap3A_815 : vector<1x1x1x8x128xf32> to vector<8x128xf32>
    %swap3A_817 = vector.shape_cast %slice3A_809 : vector<8x128xf32> to vector<1x1x1x8x128xf32>
    tpu.vector_store %arg4[%swap3A_810, %swap3A_811, %swap3A_812, %swap3A_813, %swap3A_814], %swap3A_817 {strides = array<i32>} : memref<1x8x32x8x128xf32, #tpu.memory_space<vmem>>, vector<1x1x1x8x128xf32>,
    %slice3A_818 = vector.extract_strided_slice %add3A_26 {offsets = [16, 3072], sizes = [8, 128], strides = [1, 1]} : vector<64x4096xf32> to vector<8x128xf32>
    %swap3A_819 = arith.constant 0 : index
    %swap3A_820 = arith.constant 2 : index
    %swap3A_821 = arith.constant 24 : index
    %swap3A_822 = arith.constant 0 : index
    %swap3A_823 = arith.constant 0 : index
    %swap3A_824 = vector.load %arg4[%swap3A_819, %swap3A_820, %swap3A_821, %swap3A_822, %swap3A_823] : memref<1x8x32x8x128xf32, #tpu.memory_space<vmem>>, vector<1x1x1x8x128xf32>
    %swap3A_825 = vector.shape_cast %swap3A_824 : vector<1x1x1x8x128xf32> to vector<8x128xf32>
    %swap3A_826 = vector.shape_cast %slice3A_818 : vector<8x128xf32> to vector<1x1x1x8x128xf32>
    tpu.vector_store %arg4[%swap3A_819, %swap3A_820, %swap3A_821, %swap3A_822, %swap3A_823], %swap3A_826 {strides = array<i32>} : memref<1x8x32x8x128xf32, #tpu.memory_space<vmem>>, vector<1x1x1x8x128xf32>,
    %slice3A_827 = vector.extract_strided_slice %add3A_26 {offsets = [16, 3200], sizes = [8, 128], strides = [1, 1]} : vector<64x4096xf32> to vector<8x128xf32>
    %swap3A_828 = arith.constant 0 : index
    %swap3A_829 = arith.constant 2 : index
    %swap3A_830 = arith.constant 25 : index
    %swap3A_831 = arith.constant 0 : index
    %swap3A_832 = arith.constant 0 : index
    %swap3A_833 = vector.load %arg4[%swap3A_828, %swap3A_829, %swap3A_830, %swap3A_831, %swap3A_832] : memref<1x8x32x8x128xf32, #tpu.memory_space<vmem>>, vector<1x1x1x8x128xf32>
    %swap3A_834 = vector.shape_cast %swap3A_833 : vector<1x1x1x8x128xf32> to vector<8x128xf32>
    %swap3A_835 = vector.shape_cast %slice3A_827 : vector<8x128xf32> to vector<1x1x1x8x128xf32>
    tpu.vector_store %arg4[%swap3A_828, %swap3A_829, %swap3A_830, %swap3A_831, %swap3A_832], %swap3A_835 {strides = array<i32>} : memref<1x8x32x8x128xf32, #tpu.memory_space<vmem>>, vector<1x1x1x8x128xf32>,
    %slice3A_836 = vector.extract_strided_slice %add3A_26 {offsets = [16, 3328], sizes = [8, 128], strides = [1, 1]} : vector<64x4096xf32> to vector<8x128xf32>
    %swap3A_837 = arith.constant 0 : index
    %swap3A_838 = arith.constant 2 : index
    %swap3A_839 = arith.constant 26 : index
    %swap3A_840 = arith.constant 0 : index
    %swap3A_841 = arith.constant 0 : index
    %swap3A_842 = vector.load %arg4[%swap3A_837, %swap3A_838, %swap3A_839, %swap3A_840, %swap3A_841] : memref<1x8x32x8x128xf32, #tpu.memory_space<vmem>>, vector<1x1x1x8x128xf32>
    %swap3A_843 = vector.shape_cast %swap3A_842 : vector<1x1x1x8x128xf32> to vector<8x128xf32>
    %swap3A_844 = vector.shape_cast %slice3A_836 : vector<8x128xf32> to vector<1x1x1x8x128xf32>
    tpu.vector_store %arg4[%swap3A_837, %swap3A_838, %swap3A_839, %swap3A_840, %swap3A_841], %swap3A_844 {strides = array<i32>} : memref<1x8x32x8x128xf32, #tpu.memory_space<vmem>>, vector<1x1x1x8x128xf32>,
    %slice3A_845 = vector.extract_strided_slice %add3A_26 {offsets = [16, 3456], sizes = [8, 128], strides = [1, 1]} : vector<64x4096xf32> to vector<8x128xf32>
    %swap3A_846 = arith.constant 0 : index
    %swap3A_847 = arith.constant 2 : index
    %swap3A_848 = arith.constant 27 : index
    %swap3A_849 = arith.constant 0 : index
    %swap3A_850 = arith.constant 0 : index
    %swap3A_851 = vector.load %arg4[%swap3A_846, %swap3A_847, %swap3A_848, %swap3A_849, %swap3A_850] : memref<1x8x32x8x128xf32, #tpu.memory_space<vmem>>, vector<1x1x1x8x128xf32>
    %swap3A_852 = vector.shape_cast %swap3A_851 : vector<1x1x1x8x128xf32> to vector<8x128xf32>
    %swap3A_853 = vector.shape_cast %slice3A_845 : vector<8x128xf32> to vector<1x1x1x8x128xf32>
    tpu.vector_store %arg4[%swap3A_846, %swap3A_847, %swap3A_848, %swap3A_849, %swap3A_850], %swap3A_853 {strides = array<i32>} : memref<1x8x32x8x128xf32, #tpu.memory_space<vmem>>, vector<1x1x1x8x128xf32>,
    %slice3A_854 = vector.extract_strided_slice %add3A_26 {offsets = [16, 3584], sizes = [8, 128], strides = [1, 1]} : vector<64x4096xf32> to vector<8x128xf32>
    %swap3A_855 = arith.constant 0 : index
    %swap3A_856 = arith.constant 2 : index
    %swap3A_857 = arith.constant 28 : index
    %swap3A_858 = arith.constant 0 : index
    %swap3A_859 = arith.constant 0 : index
    %swap3A_860 = vector.load %arg4[%swap3A_855, %swap3A_856, %swap3A_857, %swap3A_858, %swap3A_859] : memref<1x8x32x8x128xf32, #tpu.memory_space<vmem>>, vector<1x1x1x8x128xf32>
    %swap3A_861 = vector.shape_cast %swap3A_860 : vector<1x1x1x8x128xf32> to vector<8x128xf32>
    %swap3A_862 = vector.shape_cast %slice3A_854 : vector<8x128xf32> to vector<1x1x1x8x128xf32>
    tpu.vector_store %arg4[%swap3A_855, %swap3A_856, %swap3A_857, %swap3A_858, %swap3A_859], %swap3A_862 {strides = array<i32>} : memref<1x8x32x8x128xf32, #tpu.memory_space<vmem>>, vector<1x1x1x8x128xf32>,
    %slice3A_863 = vector.extract_strided_slice %add3A_26 {offsets = [16, 3712], sizes = [8, 128], strides = [1, 1]} : vector<64x4096xf32> to vector<8x128xf32>
    %swap3A_864 = arith.constant 0 : index
    %swap3A_865 = arith.constant 2 : index
    %swap3A_866 = arith.constant 29 : index
    %swap3A_867 = arith.constant 0 : index
    %swap3A_868 = arith.constant 0 : index
    %swap3A_869 = vector.load %arg4[%swap3A_864, %swap3A_865, %swap3A_866, %swap3A_867, %swap3A_868] : memref<1x8x32x8x128xf32, #tpu.memory_space<vmem>>, vector<1x1x1x8x128xf32>
    %swap3A_870 = vector.shape_cast %swap3A_869 : vector<1x1x1x8x128xf32> to vector<8x128xf32>
    %swap3A_871 = vector.shape_cast %slice3A_863 : vector<8x128xf32> to vector<1x1x1x8x128xf32>
    tpu.vector_store %arg4[%swap3A_864, %swap3A_865, %swap3A_866, %swap3A_867, %swap3A_868], %swap3A_871 {strides = array<i32>} : memref<1x8x32x8x128xf32, #tpu.memory_space<vmem>>, vector<1x1x1x8x128xf32>,
    %slice3A_872 = vector.extract_strided_slice %add3A_26 {offsets = [16, 3840], sizes = [8, 128], strides = [1, 1]} : vector<64x4096xf32> to vector<8x128xf32>
    %swap3A_873 = arith.constant 0 : index
    %swap3A_874 = arith.constant 2 : index
    %swap3A_875 = arith.constant 30 : index
    %swap3A_876 = arith.constant 0 : index
    %swap3A_877 = arith.constant 0 : index
    %swap3A_878 = vector.load %arg4[%swap3A_873, %swap3A_874, %swap3A_875, %swap3A_876, %swap3A_877] : memref<1x8x32x8x128xf32, #tpu.memory_space<vmem>>, vector<1x1x1x8x128xf32>
    %swap3A_879 = vector.shape_cast %swap3A_878 : vector<1x1x1x8x128xf32> to vector<8x128xf32>
    %swap3A_880 = vector.shape_cast %slice3A_872 : vector<8x128xf32> to vector<1x1x1x8x128xf32>
    tpu.vector_store %arg4[%swap3A_873, %swap3A_874, %swap3A_875, %swap3A_876, %swap3A_877], %swap3A_880 {strides = array<i32>} : memref<1x8x32x8x128xf32, #tpu.memory_space<vmem>>, vector<1x1x1x8x128xf32>,
    %slice3A_881 = vector.extract_strided_slice %add3A_26 {offsets = [16, 3968], sizes = [8, 128], strides = [1, 1]} : vector<64x4096xf32> to vector<8x128xf32>
    %swap3A_882 = arith.constant 0 : index
    %swap3A_883 = arith.constant 2 : index
    %swap3A_884 = arith.constant 31 : index
    %swap3A_885 = arith.constant 0 : index
    %swap3A_886 = arith.constant 0 : index
    %swap3A_887 = vector.load %arg4[%swap3A_882, %swap3A_883, %swap3A_884, %swap3A_885, %swap3A_886] : memref<1x8x32x8x128xf32, #tpu.memory_space<vmem>>, vector<1x1x1x8x128xf32>
    %swap3A_888 = vector.shape_cast %swap3A_887 : vector<1x1x1x8x128xf32> to vector<8x128xf32>
    %swap3A_889 = vector.shape_cast %slice3A_881 : vector<8x128xf32> to vector<1x1x1x8x128xf32>
    tpu.vector_store %arg4[%swap3A_882, %swap3A_883, %swap3A_884, %swap3A_885, %swap3A_886], %swap3A_889 {strides = array<i32>} : memref<1x8x32x8x128xf32, #tpu.memory_space<vmem>>, vector<1x1x1x8x128xf32>,
    %slice3A_890 = vector.extract_strided_slice %add3A_26 {offsets = [24, 0], sizes = [8, 128], strides = [1, 1]} : vector<64x4096xf32> to vector<8x128xf32>
    %swap3A_891 = arith.constant 0 : index
    %swap3A_892 = arith.constant 3 : index
    %swap3A_893 = arith.constant 0 : index
    %swap3A_894 = arith.constant 0 : index
    %swap3A_895 = arith.constant 0 : index
    %swap3A_896 = vector.load %arg4[%swap3A_891, %swap3A_892, %swap3A_893, %swap3A_894, %swap3A_895] : memref<1x8x32x8x128xf32, #tpu.memory_space<vmem>>, vector<1x1x1x8x128xf32>
    %swap3A_897 = vector.shape_cast %swap3A_896 : vector<1x1x1x8x128xf32> to vector<8x128xf32>
    %swap3A_898 = vector.shape_cast %slice3A_890 : vector<8x128xf32> to vector<1x1x1x8x128xf32>
    tpu.vector_store %arg4[%swap3A_891, %swap3A_892, %swap3A_893, %swap3A_894, %swap3A_895], %swap3A_898 {strides = array<i32>} : memref<1x8x32x8x128xf32, #tpu.memory_space<vmem>>, vector<1x1x1x8x128xf32>,
    %slice3A_899 = vector.extract_strided_slice %add3A_26 {offsets = [24, 128], sizes = [8, 128], strides = [1, 1]} : vector<64x4096xf32> to vector<8x128xf32>
    %swap3A_900 = arith.constant 0 : index
    %swap3A_901 = arith.constant 3 : index
    %swap3A_902 = arith.constant 1 : index
    %swap3A_903 = arith.constant 0 : index
    %swap3A_904 = arith.constant 0 : index
    %swap3A_905 = vector.load %arg4[%swap3A_900, %swap3A_901, %swap3A_902, %swap3A_903, %swap3A_904] : memref<1x8x32x8x128xf32, #tpu.memory_space<vmem>>, vector<1x1x1x8x128xf32>
    %swap3A_906 = vector.shape_cast %swap3A_905 : vector<1x1x1x8x128xf32> to vector<8x128xf32>
    %swap3A_907 = vector.shape_cast %slice3A_899 : vector<8x128xf32> to vector<1x1x1x8x128xf32>
    tpu.vector_store %arg4[%swap3A_900, %swap3A_901, %swap3A_902, %swap3A_903, %swap3A_904], %swap3A_907 {strides = array<i32>} : memref<1x8x32x8x128xf32, #tpu.memory_space<vmem>>, vector<1x1x1x8x128xf32>,
    %slice3A_908 = vector.extract_strided_slice %add3A_26 {offsets = [24, 256], sizes = [8, 128], strides = [1, 1]} : vector<64x4096xf32> to vector<8x128xf32>
    %swap3A_909 = arith.constant 0 : index
    %swap3A_910 = arith.constant 3 : index
    %swap3A_911 = arith.constant 2 : index
    %swap3A_912 = arith.constant 0 : index
    %swap3A_913 = arith.constant 0 : index
    %swap3A_914 = vector.load %arg4[%swap3A_909, %swap3A_910, %swap3A_911, %swap3A_912, %swap3A_913] : memref<1x8x32x8x128xf32, #tpu.memory_space<vmem>>, vector<1x1x1x8x128xf32>
    %swap3A_915 = vector.shape_cast %swap3A_914 : vector<1x1x1x8x128xf32> to vector<8x128xf32>
    %swap3A_916 = vector.shape_cast %slice3A_908 : vector<8x128xf32> to vector<1x1x1x8x128xf32>
    tpu.vector_store %arg4[%swap3A_909, %swap3A_910, %swap3A_911, %swap3A_912, %swap3A_913], %swap3A_916 {strides = array<i32>} : memref<1x8x32x8x128xf32, #tpu.memory_space<vmem>>, vector<1x1x1x8x128xf32>,
    %slice3A_917 = vector.extract_strided_slice %add3A_26 {offsets = [24, 384], sizes = [8, 128], strides = [1, 1]} : vector<64x4096xf32> to vector<8x128xf32>
    %swap3A_918 = arith.constant 0 : index
    %swap3A_919 = arith.constant 3 : index
    %swap3A_920 = arith.constant 3 : index
    %swap3A_921 = arith.constant 0 : index
    %swap3A_922 = arith.constant 0 : index
    %swap3A_923 = vector.load %arg4[%swap3A_918, %swap3A_919, %swap3A_920, %swap3A_921, %swap3A_922] : memref<1x8x32x8x128xf32, #tpu.memory_space<vmem>>, vector<1x1x1x8x128xf32>
    %swap3A_924 = vector.shape_cast %swap3A_923 : vector<1x1x1x8x128xf32> to vector<8x128xf32>
    %swap3A_925 = vector.shape_cast %slice3A_917 : vector<8x128xf32> to vector<1x1x1x8x128xf32>
    tpu.vector_store %arg4[%swap3A_918, %swap3A_919, %swap3A_920, %swap3A_921, %swap3A_922], %swap3A_925 {strides = array<i32>} : memref<1x8x32x8x128xf32, #tpu.memory_space<vmem>>, vector<1x1x1x8x128xf32>,
    %slice3A_926 = vector.extract_strided_slice %add3A_26 {offsets = [24, 512], sizes = [8, 128], strides = [1, 1]} : vector<64x4096xf32> to vector<8x128xf32>
    %swap3A_927 = arith.constant 0 : index
    %swap3A_928 = arith.constant 3 : index
    %swap3A_929 = arith.constant 4 : index
    %swap3A_930 = arith.constant 0 : index
    %swap3A_931 = arith.constant 0 : index
    %swap3A_932 = vector.load %arg4[%swap3A_927, %swap3A_928, %swap3A_929, %swap3A_930, %swap3A_931] : memref<1x8x32x8x128xf32, #tpu.memory_space<vmem>>, vector<1x1x1x8x128xf32>
    %swap3A_933 = vector.shape_cast %swap3A_932 : vector<1x1x1x8x128xf32> to vector<8x128xf32>
    %swap3A_934 = vector.shape_cast %slice3A_926 : vector<8x128xf32> to vector<1x1x1x8x128xf32>
    tpu.vector_store %arg4[%swap3A_927, %swap3A_928, %swap3A_929, %swap3A_930, %swap3A_931], %swap3A_934 {strides = array<i32>} : memref<1x8x32x8x128xf32, #tpu.memory_space<vmem>>, vector<1x1x1x8x128xf32>,
    %slice3A_935 = vector.extract_strided_slice %add3A_26 {offsets = [24, 640], sizes = [8, 128], strides = [1, 1]} : vector<64x4096xf32> to vector<8x128xf32>
    %swap3A_936 = arith.constant 0 : index
    %swap3A_937 = arith.constant 3 : index
    %swap3A_938 = arith.constant 5 : index
    %swap3A_939 = arith.constant 0 : index
    %swap3A_940 = arith.constant 0 : index
    %swap3A_941 = vector.load %arg4[%swap3A_936, %swap3A_937, %swap3A_938, %swap3A_939, %swap3A_940] : memref<1x8x32x8x128xf32, #tpu.memory_space<vmem>>, vector<1x1x1x8x128xf32>
    %swap3A_942 = vector.shape_cast %swap3A_941 : vector<1x1x1x8x128xf32> to vector<8x128xf32>
    %swap3A_943 = vector.shape_cast %slice3A_935 : vector<8x128xf32> to vector<1x1x1x8x128xf32>
    tpu.vector_store %arg4[%swap3A_936, %swap3A_937, %swap3A_938, %swap3A_939, %swap3A_940], %swap3A_943 {strides = array<i32>} : memref<1x8x32x8x128xf32, #tpu.memory_space<vmem>>, vector<1x1x1x8x128xf32>,
    %slice3A_944 = vector.extract_strided_slice %add3A_26 {offsets = [24, 768], sizes = [8, 128], strides = [1, 1]} : vector<64x4096xf32> to vector<8x128xf32>
    %swap3A_945 = arith.constant 0 : index
    %swap3A_946 = arith.constant 3 : index
    %swap3A_947 = arith.constant 6 : index
    %swap3A_948 = arith.constant 0 : index
    %swap3A_949 = arith.constant 0 : index
    %swap3A_950 = vector.load %arg4[%swap3A_945, %swap3A_946, %swap3A_947, %swap3A_948, %swap3A_949] : memref<1x8x32x8x128xf32, #tpu.memory_space<vmem>>, vector<1x1x1x8x128xf32>
    %swap3A_951 = vector.shape_cast %swap3A_950 : vector<1x1x1x8x128xf32> to vector<8x128xf32>
    %swap3A_952 = vector.shape_cast %slice3A_944 : vector<8x128xf32> to vector<1x1x1x8x128xf32>
    tpu.vector_store %arg4[%swap3A_945, %swap3A_946, %swap3A_947, %swap3A_948, %swap3A_949], %swap3A_952 {strides = array<i32>} : memref<1x8x32x8x128xf32, #tpu.memory_space<vmem>>, vector<1x1x1x8x128xf32>,
    %slice3A_953 = vector.extract_strided_slice %add3A_26 {offsets = [24, 896], sizes = [8, 128], strides = [1, 1]} : vector<64x4096xf32> to vector<8x128xf32>
    %swap3A_954 = arith.constant 0 : index
    %swap3A_955 = arith.constant 3 : index
    %swap3A_956 = arith.constant 7 : index
    %swap3A_957 = arith.constant 0 : index
    %swap3A_958 = arith.constant 0 : index
    %swap3A_959 = vector.load %arg4[%swap3A_954, %swap3A_955, %swap3A_956, %swap3A_957, %swap3A_958] : memref<1x8x32x8x128xf32, #tpu.memory_space<vmem>>, vector<1x1x1x8x128xf32>
    %swap3A_960 = vector.shape_cast %swap3A_959 : vector<1x1x1x8x128xf32> to vector<8x128xf32>
    %swap3A_961 = vector.shape_cast %slice3A_953 : vector<8x128xf32> to vector<1x1x1x8x128xf32>
    tpu.vector_store %arg4[%swap3A_954, %swap3A_955, %swap3A_956, %swap3A_957, %swap3A_958], %swap3A_961 {strides = array<i32>} : memref<1x8x32x8x128xf32, #tpu.memory_space<vmem>>, vector<1x1x1x8x128xf32>,
    %slice3A_962 = vector.extract_strided_slice %add3A_26 {offsets = [24, 1024], sizes = [8, 128], strides = [1, 1]} : vector<64x4096xf32> to vector<8x128xf32>
    %swap3A_963 = arith.constant 0 : index
    %swap3A_964 = arith.constant 3 : index
    %swap3A_965 = arith.constant 8 : index
    %swap3A_966 = arith.constant 0 : index
    %swap3A_967 = arith.constant 0 : index
    %swap3A_968 = vector.load %arg4[%swap3A_963, %swap3A_964, %swap3A_965, %swap3A_966, %swap3A_967] : memref<1x8x32x8x128xf32, #tpu.memory_space<vmem>>, vector<1x1x1x8x128xf32>
    %swap3A_969 = vector.shape_cast %swap3A_968 : vector<1x1x1x8x128xf32> to vector<8x128xf32>
    %swap3A_970 = vector.shape_cast %slice3A_962 : vector<8x128xf32> to vector<1x1x1x8x128xf32>
    tpu.vector_store %arg4[%swap3A_963, %swap3A_964, %swap3A_965, %swap3A_966, %swap3A_967], %swap3A_970 {strides = array<i32>} : memref<1x8x32x8x128xf32, #tpu.memory_space<vmem>>, vector<1x1x1x8x128xf32>,
    %slice3A_971 = vector.extract_strided_slice %add3A_26 {offsets = [24, 1152], sizes = [8, 128], strides = [1, 1]} : vector<64x4096xf32> to vector<8x128xf32>
    %swap3A_972 = arith.constant 0 : index
    %swap3A_973 = arith.constant 3 : index
    %swap3A_974 = arith.constant 9 : index
    %swap3A_975 = arith.constant 0 : index
    %swap3A_976 = arith.constant 0 : index
    %swap3A_977 = vector.load %arg4[%swap3A_972, %swap3A_973, %swap3A_974, %swap3A_975, %swap3A_976] : memref<1x8x32x8x128xf32, #tpu.memory_space<vmem>>, vector<1x1x1x8x128xf32>
    %swap3A_978 = vector.shape_cast %swap3A_977 : vector<1x1x1x8x128xf32> to vector<8x128xf32>
    %swap3A_979 = vector.shape_cast %slice3A_971 : vector<8x128xf32> to vector<1x1x1x8x128xf32>
    tpu.vector_store %arg4[%swap3A_972, %swap3A_973, %swap3A_974, %swap3A_975, %swap3A_976], %swap3A_979 {strides = array<i32>} : memref<1x8x32x8x128xf32, #tpu.memory_space<vmem>>, vector<1x1x1x8x128xf32>,
    %slice3A_980 = vector.extract_strided_slice %add3A_26 {offsets = [24, 1280], sizes = [8, 128], strides = [1, 1]} : vector<64x4096xf32> to vector<8x128xf32>
    %swap3A_981 = arith.constant 0 : index
    %swap3A_982 = arith.constant 3 : index
    %swap3A_983 = arith.constant 10 : index
    %swap3A_984 = arith.constant 0 : index
    %swap3A_985 = arith.constant 0 : index
    %swap3A_986 = vector.load %arg4[%swap3A_981, %swap3A_982, %swap3A_983, %swap3A_984, %swap3A_985] : memref<1x8x32x8x128xf32, #tpu.memory_space<vmem>>, vector<1x1x1x8x128xf32>
    %swap3A_987 = vector.shape_cast %swap3A_986 : vector<1x1x1x8x128xf32> to vector<8x128xf32>
    %swap3A_988 = vector.shape_cast %slice3A_980 : vector<8x128xf32> to vector<1x1x1x8x128xf32>
    tpu.vector_store %arg4[%swap3A_981, %swap3A_982, %swap3A_983, %swap3A_984, %swap3A_985], %swap3A_988 {strides = array<i32>} : memref<1x8x32x8x128xf32, #tpu.memory_space<vmem>>, vector<1x1x1x8x128xf32>,
    %slice3A_989 = vector.extract_strided_slice %add3A_26 {offsets = [24, 1408], sizes = [8, 128], strides = [1, 1]} : vector<64x4096xf32> to vector<8x128xf32>
    %swap3A_990 = arith.constant 0 : index
    %swap3A_991 = arith.constant 3 : index
    %swap3A_992 = arith.constant 11 : index
    %swap3A_993 = arith.constant 0 : index
    %swap3A_994 = arith.constant 0 : index
    %swap3A_995 = vector.load %arg4[%swap3A_990, %swap3A_991, %swap3A_992, %swap3A_993, %swap3A_994] : memref<1x8x32x8x128xf32, #tpu.memory_space<vmem>>, vector<1x1x1x8x128xf32>
    %swap3A_996 = vector.shape_cast %swap3A_995 : vector<1x1x1x8x128xf32> to vector<8x128xf32>
    %swap3A_997 = vector.shape_cast %slice3A_989 : vector<8x128xf32> to vector<1x1x1x8x128xf32>
    tpu.vector_store %arg4[%swap3A_990, %swap3A_991, %swap3A_992, %swap3A_993, %swap3A_994], %swap3A_997 {strides = array<i32>} : memref<1x8x32x8x128xf32, #tpu.memory_space<vmem>>, vector<1x1x1x8x128xf32>,
    %slice3A_998 = vector.extract_strided_slice %add3A_26 {offsets = [24, 1536], sizes = [8, 128], strides = [1, 1]} : vector<64x4096xf32> to vector<8x128xf32>
    %swap3A_999 = arith.constant 0 : index
    %swap3A_1000 = arith.constant 3 : index
    %swap3A_1001 = arith.constant 12 : index
    %swap3A_1002 = arith.constant 0 : index
    %swap3A_1003 = arith.constant 0 : index
    %swap3A_1004 = vector.load %arg4[%swap3A_999, %swap3A_1000, %swap3A_1001, %swap3A_1002, %swap3A_1003] : memref<1x8x32x8x128xf32, #tpu.memory_space<vmem>>, vector<1x1x1x8x128xf32>
    %swap3A_1005 = vector.shape_cast %swap3A_1004 : vector<1x1x1x8x128xf32> to vector<8x128xf32>
    %swap3A_1006 = vector.shape_cast %slice3A_998 : vector<8x128xf32> to vector<1x1x1x8x128xf32>
    tpu.vector_store %arg4[%swap3A_999, %swap3A_1000, %swap3A_1001, %swap3A_1002, %swap3A_1003], %swap3A_1006 {strides = array<i32>} : memref<1x8x32x8x128xf32, #tpu.memory_space<vmem>>, vector<1x1x1x8x128xf32>,
    %slice3A_1007 = vector.extract_strided_slice %add3A_26 {offsets = [24, 1664], sizes = [8, 128], strides = [1, 1]} : vector<64x4096xf32> to vector<8x128xf32>
    %swap3A_1008 = arith.constant 0 : index
    %swap3A_1009 = arith.constant 3 : index
    %swap3A_1010 = arith.constant 13 : index
    %swap3A_1011 = arith.constant 0 : index
    %swap3A_1012 = arith.constant 0 : index
    %swap3A_1013 = vector.load %arg4[%swap3A_1008, %swap3A_1009, %swap3A_1010, %swap3A_1011, %swap3A_1012] : memref<1x8x32x8x128xf32, #tpu.memory_space<vmem>>, vector<1x1x1x8x128xf32>
    %swap3A_1014 = vector.shape_cast %swap3A_1013 : vector<1x1x1x8x128xf32> to vector<8x128xf32>
    %swap3A_1015 = vector.shape_cast %slice3A_1007 : vector<8x128xf32> to vector<1x1x1x8x128xf32>
    tpu.vector_store %arg4[%swap3A_1008, %swap3A_1009, %swap3A_1010, %swap3A_1011, %swap3A_1012], %swap3A_1015 {strides = array<i32>} : memref<1x8x32x8x128xf32, #tpu.memory_space<vmem>>, vector<1x1x1x8x128xf32>,
    %slice3A_1016 = vector.extract_strided_slice %add3A_26 {offsets = [24, 1792], sizes = [8, 128], strides = [1, 1]} : vector<64x4096xf32> to vector<8x128xf32>
    %swap3A_1017 = arith.constant 0 : index
    %swap3A_1018 = arith.constant 3 : index
    %swap3A_1019 = arith.constant 14 : index
    %swap3A_1020 = arith.constant 0 : index
    %swap3A_1021 = arith.constant 0 : index
    %swap3A_1022 = vector.load %arg4[%swap3A_1017, %swap3A_1018, %swap3A_1019, %swap3A_1020, %swap3A_1021] : memref<1x8x32x8x128xf32, #tpu.memory_space<vmem>>, vector<1x1x1x8x128xf32>
    %swap3A_1023 = vector.shape_cast %swap3A_1022 : vector<1x1x1x8x128xf32> to vector<8x128xf32>
    %swap3A_1024 = vector.shape_cast %slice3A_1016 : vector<8x128xf32> to vector<1x1x1x8x128xf32>
    tpu.vector_store %arg4[%swap3A_1017, %swap3A_1018, %swap3A_1019, %swap3A_1020, %swap3A_1021], %swap3A_1024 {strides = array<i32>} : memref<1x8x32x8x128xf32, #tpu.memory_space<vmem>>, vector<1x1x1x8x128xf32>,
    %slice3A_1025 = vector.extract_strided_slice %add3A_26 {offsets = [24, 1920], sizes = [8, 128], strides = [1, 1]} : vector<64x4096xf32> to vector<8x128xf32>
    %swap3A_1026 = arith.constant 0 : index
    %swap3A_1027 = arith.constant 3 : index
    %swap3A_1028 = arith.constant 15 : index
    %swap3A_1029 = arith.constant 0 : index
    %swap3A_1030 = arith.constant 0 : index
    %swap3A_1031 = vector.load %arg4[%swap3A_1026, %swap3A_1027, %swap3A_1028, %swap3A_1029, %swap3A_1030] : memref<1x8x32x8x128xf32, #tpu.memory_space<vmem>>, vector<1x1x1x8x128xf32>
    %swap3A_1032 = vector.shape_cast %swap3A_1031 : vector<1x1x1x8x128xf32> to vector<8x128xf32>
    %swap3A_1033 = vector.shape_cast %slice3A_1025 : vector<8x128xf32> to vector<1x1x1x8x128xf32>
    tpu.vector_store %arg4[%swap3A_1026, %swap3A_1027, %swap3A_1028, %swap3A_1029, %swap3A_1030], %swap3A_1033 {strides = array<i32>} : memref<1x8x32x8x128xf32, #tpu.memory_space<vmem>>, vector<1x1x1x8x128xf32>,
    %slice3A_1034 = vector.extract_strided_slice %add3A_26 {offsets = [24, 2048], sizes = [8, 128], strides = [1, 1]} : vector<64x4096xf32> to vector<8x128xf32>
    %swap3A_1035 = arith.constant 0 : index
    %swap3A_1036 = arith.constant 3 : index
    %swap3A_1037 = arith.constant 16 : index
    %swap3A_1038 = arith.constant 0 : index
    %swap3A_1039 = arith.constant 0 : index
    %swap3A_1040 = vector.load %arg4[%swap3A_1035, %swap3A_1036, %swap3A_1037, %swap3A_1038, %swap3A_1039] : memref<1x8x32x8x128xf32, #tpu.memory_space<vmem>>, vector<1x1x1x8x128xf32>
    %swap3A_1041 = vector.shape_cast %swap3A_1040 : vector<1x1x1x8x128xf32> to vector<8x128xf32>
    %swap3A_1042 = vector.shape_cast %slice3A_1034 : vector<8x128xf32> to vector<1x1x1x8x128xf32>
    tpu.vector_store %arg4[%swap3A_1035, %swap3A_1036, %swap3A_1037, %swap3A_1038, %swap3A_1039], %swap3A_1042 {strides = array<i32>} : memref<1x8x32x8x128xf32, #tpu.memory_space<vmem>>, vector<1x1x1x8x128xf32>,
    %slice3A_1043 = vector.extract_strided_slice %add3A_26 {offsets = [24, 2176], sizes = [8, 128], strides = [1, 1]} : vector<64x4096xf32> to vector<8x128xf32>
    %swap3A_1044 = arith.constant 0 : index
    %swap3A_1045 = arith.constant 3 : index
    %swap3A_1046 = arith.constant 17 : index
    %swap3A_1047 = arith.constant 0 : index
    %swap3A_1048 = arith.constant 0 : index
    %swap3A_1049 = vector.load %arg4[%swap3A_1044, %swap3A_1045, %swap3A_1046, %swap3A_1047, %swap3A_1048] : memref<1x8x32x8x128xf32, #tpu.memory_space<vmem>>, vector<1x1x1x8x128xf32>
    %swap3A_1050 = vector.shape_cast %swap3A_1049 : vector<1x1x1x8x128xf32> to vector<8x128xf32>
    %swap3A_1051 = vector.shape_cast %slice3A_1043 : vector<8x128xf32> to vector<1x1x1x8x128xf32>
    tpu.vector_store %arg4[%swap3A_1044, %swap3A_1045, %swap3A_1046, %swap3A_1047, %swap3A_1048], %swap3A_1051 {strides = array<i32>} : memref<1x8x32x8x128xf32, #tpu.memory_space<vmem>>, vector<1x1x1x8x128xf32>,
    %slice3A_1052 = vector.extract_strided_slice %add3A_26 {offsets = [24, 2304], sizes = [8, 128], strides = [1, 1]} : vector<64x4096xf32> to vector<8x128xf32>
    %swap3A_1053 = arith.constant 0 : index
    %swap3A_1054 = arith.constant 3 : index
    %swap3A_1055 = arith.constant 18 : index
    %swap3A_1056 = arith.constant 0 : index
    %swap3A_1057 = arith.constant 0 : index
    %swap3A_1058 = vector.load %arg4[%swap3A_1053, %swap3A_1054, %swap3A_1055, %swap3A_1056, %swap3A_1057] : memref<1x8x32x8x128xf32, #tpu.memory_space<vmem>>, vector<1x1x1x8x128xf32>
    %swap3A_1059 = vector.shape_cast %swap3A_1058 : vector<1x1x1x8x128xf32> to vector<8x128xf32>
    %swap3A_1060 = vector.shape_cast %slice3A_1052 : vector<8x128xf32> to vector<1x1x1x8x128xf32>
    tpu.vector_store %arg4[%swap3A_1053, %swap3A_1054, %swap3A_1055, %swap3A_1056, %swap3A_1057], %swap3A_1060 {strides = array<i32>} : memref<1x8x32x8x128xf32, #tpu.memory_space<vmem>>, vector<1x1x1x8x128xf32>,
    %slice3A_1061 = vector.extract_strided_slice %add3A_26 {offsets = [24, 2432], sizes = [8, 128], strides = [1, 1]} : vector<64x4096xf32> to vector<8x128xf32>
    %swap3A_1062 = arith.constant 0 : index
    %swap3A_1063 = arith.constant 3 : index
    %swap3A_1064 = arith.constant 19 : index
    %swap3A_1065 = arith.constant 0 : index
    %swap3A_1066 = arith.constant 0 : index
    %swap3A_1067 = vector.load %arg4[%swap3A_1062, %swap3A_1063, %swap3A_1064, %swap3A_1065, %swap3A_1066] : memref<1x8x32x8x128xf32, #tpu.memory_space<vmem>>, vector<1x1x1x8x128xf32>
    %swap3A_1068 = vector.shape_cast %swap3A_1067 : vector<1x1x1x8x128xf32> to vector<8x128xf32>
    %swap3A_1069 = vector.shape_cast %slice3A_1061 : vector<8x128xf32> to vector<1x1x1x8x128xf32>
    tpu.vector_store %arg4[%swap3A_1062, %swap3A_1063, %swap3A_1064, %swap3A_1065, %swap3A_1066], %swap3A_1069 {strides = array<i32>} : memref<1x8x32x8x128xf32, #tpu.memory_space<vmem>>, vector<1x1x1x8x128xf32>,
    %slice3A_1070 = vector.extract_strided_slice %add3A_26 {offsets = [24, 2560], sizes = [8, 128], strides = [1, 1]} : vector<64x4096xf32> to vector<8x128xf32>
    %swap3A_1071 = arith.constant 0 : index
    %swap3A_1072 = arith.constant 3 : index
    %swap3A_1073 = arith.constant 20 : index
    %swap3A_1074 = arith.constant 0 : index
    %swap3A_1075 = arith.constant 0 : index
    %swap3A_1076 = vector.load %arg4[%swap3A_1071, %swap3A_1072, %swap3A_1073, %swap3A_1074, %swap3A_1075] : memref<1x8x32x8x128xf32, #tpu.memory_space<vmem>>, vector<1x1x1x8x128xf32>
    %swap3A_1077 = vector.shape_cast %swap3A_1076 : vector<1x1x1x8x128xf32> to vector<8x128xf32>
    %swap3A_1078 = vector.shape_cast %slice3A_1070 : vector<8x128xf32> to vector<1x1x1x8x128xf32>
    tpu.vector_store %arg4[%swap3A_1071, %swap3A_1072, %swap3A_1073, %swap3A_1074, %swap3A_1075], %swap3A_1078 {strides = array<i32>} : memref<1x8x32x8x128xf32, #tpu.memory_space<vmem>>, vector<1x1x1x8x128xf32>,
    %slice3A_1079 = vector.extract_strided_slice %add3A_26 {offsets = [24, 2688], sizes = [8, 128], strides = [1, 1]} : vector<64x4096xf32> to vector<8x128xf32>
    %swap3A_1080 = arith.constant 0 : index
    %swap3A_1081 = arith.constant 3 : index
    %swap3A_1082 = arith.constant 21 : index
    %swap3A_1083 = arith.constant 0 : index
    %swap3A_1084 = arith.constant 0 : index
    %swap3A_1085 = vector.load %arg4[%swap3A_1080, %swap3A_1081, %swap3A_1082, %swap3A_1083, %swap3A_1084] : memref<1x8x32x8x128xf32, #tpu.memory_space<vmem>>, vector<1x1x1x8x128xf32>
    %swap3A_1086 = vector.shape_cast %swap3A_1085 : vector<1x1x1x8x128xf32> to vector<8x128xf32>
    %swap3A_1087 = vector.shape_cast %slice3A_1079 : vector<8x128xf32> to vector<1x1x1x8x128xf32>
    tpu.vector_store %arg4[%swap3A_1080, %swap3A_1081, %swap3A_1082, %swap3A_1083, %swap3A_1084], %swap3A_1087 {strides = array<i32>} : memref<1x8x32x8x128xf32, #tpu.memory_space<vmem>>, vector<1x1x1x8x128xf32>,
    %slice3A_1088 = vector.extract_strided_slice %add3A_26 {offsets = [24, 2816], sizes = [8, 128], strides = [1, 1]} : vector<64x4096xf32> to vector<8x128xf32>
    %swap3A_1089 = arith.constant 0 : index
    %swap3A_1090 = arith.constant 3 : index
    %swap3A_1091 = arith.constant 22 : index
    %swap3A_1092 = arith.constant 0 : index
    %swap3A_1093 = arith.constant 0 : index
    %swap3A_1094 = vector.load %arg4[%swap3A_1089, %swap3A_1090, %swap3A_1091, %swap3A_1092, %swap3A_1093] : memref<1x8x32x8x128xf32, #tpu.memory_space<vmem>>, vector<1x1x1x8x128xf32>
    %swap3A_1095 = vector.shape_cast %swap3A_1094 : vector<1x1x1x8x128xf32> to vector<8x128xf32>
    %swap3A_1096 = vector.shape_cast %slice3A_1088 : vector<8x128xf32> to vector<1x1x1x8x128xf32>
    tpu.vector_store %arg4[%swap3A_1089, %swap3A_1090, %swap3A_1091, %swap3A_1092, %swap3A_1093], %swap3A_1096 {strides = array<i32>} : memref<1x8x32x8x128xf32, #tpu.memory_space<vmem>>, vector<1x1x1x8x128xf32>,
    %slice3A_1097 = vector.extract_strided_slice %add3A_26 {offsets = [24, 2944], sizes = [8, 128], strides = [1, 1]} : vector<64x4096xf32> to vector<8x128xf32>
    %swap3A_1098 = arith.constant 0 : index
    %swap3A_1099 = arith.constant 3 : index
    %swap3A_1100 = arith.constant 23 : index
    %swap3A_1101 = arith.constant 0 : index
    %swap3A_1102 = arith.constant 0 : index
    %swap3A_1103 = vector.load %arg4[%swap3A_1098, %swap3A_1099, %swap3A_1100, %swap3A_1101, %swap3A_1102] : memref<1x8x32x8x128xf32, #tpu.memory_space<vmem>>, vector<1x1x1x8x128xf32>
    %swap3A_1104 = vector.shape_cast %swap3A_1103 : vector<1x1x1x8x128xf32> to vector<8x128xf32>
    %swap3A_1105 = vector.shape_cast %slice3A_1097 : vector<8x128xf32> to vector<1x1x1x8x128xf32>
    tpu.vector_store %arg4[%swap3A_1098, %swap3A_1099, %swap3A_1100, %swap3A_1101, %swap3A_1102], %swap3A_1105 {strides = array<i32>} : memref<1x8x32x8x128xf32, #tpu.memory_space<vmem>>, vector<1x1x1x8x128xf32>,
    %slice3A_1106 = vector.extract_strided_slice %add3A_26 {offsets = [24, 3072], sizes = [8, 128], strides = [1, 1]} : vector<64x4096xf32> to vector<8x128xf32>
    %swap3A_1107 = arith.constant 0 : index
    %swap3A_1108 = arith.constant 3 : index
    %swap3A_1109 = arith.constant 24 : index
    %swap3A_1110 = arith.constant 0 : index
    %swap3A_1111 = arith.constant 0 : index
    %swap3A_1112 = vector.load %arg4[%swap3A_1107, %swap3A_1108, %swap3A_1109, %swap3A_1110, %swap3A_1111] : memref<1x8x32x8x128xf32, #tpu.memory_space<vmem>>, vector<1x1x1x8x128xf32>
    %swap3A_1113 = vector.shape_cast %swap3A_1112 : vector<1x1x1x8x128xf32> to vector<8x128xf32>
    %swap3A_1114 = vector.shape_cast %slice3A_1106 : vector<8x128xf32> to vector<1x1x1x8x128xf32>
    tpu.vector_store %arg4[%swap3A_1107, %swap3A_1108, %swap3A_1109, %swap3A_1110, %swap3A_1111], %swap3A_1114 {strides = array<i32>} : memref<1x8x32x8x128xf32, #tpu.memory_space<vmem>>, vector<1x1x1x8x128xf32>,
    %slice3A_1115 = vector.extract_strided_slice %add3A_26 {offsets = [24, 3200], sizes = [8, 128], strides = [1, 1]} : vector<64x4096xf32> to vector<8x128xf32>
    %swap3A_1116 = arith.constant 0 : index
    %swap3A_1117 = arith.constant 3 : index
    %swap3A_1118 = arith.constant 25 : index
    %swap3A_1119 = arith.constant 0 : index
    %swap3A_1120 = arith.constant 0 : index
    %swap3A_1121 = vector.load %arg4[%swap3A_1116, %swap3A_1117, %swap3A_1118, %swap3A_1119, %swap3A_1120] : memref<1x8x32x8x128xf32, #tpu.memory_space<vmem>>, vector<1x1x1x8x128xf32>
    %swap3A_1122 = vector.shape_cast %swap3A_1121 : vector<1x1x1x8x128xf32> to vector<8x128xf32>
    %swap3A_1123 = vector.shape_cast %slice3A_1115 : vector<8x128xf32> to vector<1x1x1x8x128xf32>
    tpu.vector_store %arg4[%swap3A_1116, %swap3A_1117, %swap3A_1118, %swap3A_1119, %swap3A_1120], %swap3A_1123 {strides = array<i32>} : memref<1x8x32x8x128xf32, #tpu.memory_space<vmem>>, vector<1x1x1x8x128xf32>,
    %slice3A_1124 = vector.extract_strided_slice %add3A_26 {offsets = [24, 3328], sizes = [8, 128], strides = [1, 1]} : vector<64x4096xf32> to vector<8x128xf32>
    %swap3A_1125 = arith.constant 0 : index
    %swap3A_1126 = arith.constant 3 : index
    %swap3A_1127 = arith.constant 26 : index
    %swap3A_1128 = arith.constant 0 : index
    %swap3A_1129 = arith.constant 0 : index
    %swap3A_1130 = vector.load %arg4[%swap3A_1125, %swap3A_1126, %swap3A_1127, %swap3A_1128, %swap3A_1129] : memref<1x8x32x8x128xf32, #tpu.memory_space<vmem>>, vector<1x1x1x8x128xf32>
    %swap3A_1131 = vector.shape_cast %swap3A_1130 : vector<1x1x1x8x128xf32> to vector<8x128xf32>
    %swap3A_1132 = vector.shape_cast %slice3A_1124 : vector<8x128xf32> to vector<1x1x1x8x128xf32>
    tpu.vector_store %arg4[%swap3A_1125, %swap3A_1126, %swap3A_1127, %swap3A_1128, %swap3A_1129], %swap3A_1132 {strides = array<i32>} : memref<1x8x32x8x128xf32, #tpu.memory_space<vmem>>, vector<1x1x1x8x128xf32>,
    %slice3A_1133 = vector.extract_strided_slice %add3A_26 {offsets = [24, 3456], sizes = [8, 128], strides = [1, 1]} : vector<64x4096xf32> to vector<8x128xf32>
    %swap3A_1134 = arith.constant 0 : index
    %swap3A_1135 = arith.constant 3 : index
    %swap3A_1136 = arith.constant 27 : index
    %swap3A_1137 = arith.constant 0 : index
    %swap3A_1138 = arith.constant 0 : index
    %swap3A_1139 = vector.load %arg4[%swap3A_1134, %swap3A_1135, %swap3A_1136, %swap3A_1137, %swap3A_1138] : memref<1x8x32x8x128xf32, #tpu.memory_space<vmem>>, vector<1x1x1x8x128xf32>
    %swap3A_1140 = vector.shape_cast %swap3A_1139 : vector<1x1x1x8x128xf32> to vector<8x128xf32>
    %swap3A_1141 = vector.shape_cast %slice3A_1133 : vector<8x128xf32> to vector<1x1x1x8x128xf32>
    tpu.vector_store %arg4[%swap3A_1134, %swap3A_1135, %swap3A_1136, %swap3A_1137, %swap3A_1138], %swap3A_1141 {strides = array<i32>} : memref<1x8x32x8x128xf32, #tpu.memory_space<vmem>>, vector<1x1x1x8x128xf32>,
    %slice3A_1142 = vector.extract_strided_slice %add3A_26 {offsets = [24, 3584], sizes = [8, 128], strides = [1, 1]} : vector<64x4096xf32> to vector<8x128xf32>
    %swap3A_1143 = arith.constant 0 : index
    %swap3A_1144 = arith.constant 3 : index
    %swap3A_1145 = arith.constant 28 : index
    %swap3A_1146 = arith.constant 0 : index
    %swap3A_1147 = arith.constant 0 : index
    %swap3A_1148 = vector.load %arg4[%swap3A_1143, %swap3A_1144, %swap3A_1145, %swap3A_1146, %swap3A_1147] : memref<1x8x32x8x128xf32, #tpu.memory_space<vmem>>, vector<1x1x1x8x128xf32>
    %swap3A_1149 = vector.shape_cast %swap3A_1148 : vector<1x1x1x8x128xf32> to vector<8x128xf32>
    %swap3A_1150 = vector.shape_cast %slice3A_1142 : vector<8x128xf32> to vector<1x1x1x8x128xf32>
    tpu.vector_store %arg4[%swap3A_1143, %swap3A_1144, %swap3A_1145, %swap3A_1146, %swap3A_1147], %swap3A_1150 {strides = array<i32>} : memref<1x8x32x8x128xf32, #tpu.memory_space<vmem>>, vector<1x1x1x8x128xf32>,
    %slice3A_1151 = vector.extract_strided_slice %add3A_26 {offsets = [24, 3712], sizes = [8, 128], strides = [1, 1]} : vector<64x4096xf32> to vector<8x128xf32>
    %swap3A_1152 = arith.constant 0 : index
    %swap3A_1153 = arith.constant 3 : index
    %swap3A_1154 = arith.constant 29 : index
    %swap3A_1155 = arith.constant 0 : index
    %swap3A_1156 = arith.constant 0 : index
    %swap3A_1157 = vector.load %arg4[%swap3A_1152, %swap3A_1153, %swap3A_1154, %swap3A_1155, %swap3A_1156] : memref<1x8x32x8x128xf32, #tpu.memory_space<vmem>>, vector<1x1x1x8x128xf32>
    %swap3A_1158 = vector.shape_cast %swap3A_1157 : vector<1x1x1x8x128xf32> to vector<8x128xf32>
    %swap3A_1159 = vector.shape_cast %slice3A_1151 : vector<8x128xf32> to vector<1x1x1x8x128xf32>
    tpu.vector_store %arg4[%swap3A_1152, %swap3A_1153, %swap3A_1154, %swap3A_1155, %swap3A_1156], %swap3A_1159 {strides = array<i32>} : memref<1x8x32x8x128xf32, #tpu.memory_space<vmem>>, vector<1x1x1x8x128xf32>,
    %slice3A_1160 = vector.extract_strided_slice %add3A_26 {offsets = [24, 3840], sizes = [8, 128], strides = [1, 1]} : vector<64x4096xf32> to vector<8x128xf32>
    %swap3A_1161 = arith.constant 0 : index
    %swap3A_1162 = arith.constant 3 : index
    %swap3A_1163 = arith.constant 30 : index
    %swap3A_1164 = arith.constant 0 : index
    %swap3A_1165 = arith.constant 0 : index
    %swap3A_1166 = vector.load %arg4[%swap3A_1161, %swap3A_1162, %swap3A_1163, %swap3A_1164, %swap3A_1165] : memref<1x8x32x8x128xf32, #tpu.memory_space<vmem>>, vector<1x1x1x8x128xf32>
    %swap3A_1167 = vector.shape_cast %swap3A_1166 : vector<1x1x1x8x128xf32> to vector<8x128xf32>
    %swap3A_1168 = vector.shape_cast %slice3A_1160 : vector<8x128xf32> to vector<1x1x1x8x128xf32>
    tpu.vector_store %arg4[%swap3A_1161, %swap3A_1162, %swap3A_1163, %swap3A_1164, %swap3A_1165], %swap3A_1168 {strides = array<i32>} : memref<1x8x32x8x128xf32, #tpu.memory_space<vmem>>, vector<1x1x1x8x128xf32>,
    %slice3A_1169 = vector.extract_strided_slice %add3A_26 {offsets = [24, 3968], sizes = [8, 128], strides = [1, 1]} : vector<64x4096xf32> to vector<8x128xf32>
    %swap3A_1170 = arith.constant 0 : index
    %swap3A_1171 = arith.constant 3 : index
    %swap3A_1172 = arith.constant 31 : index
    %swap3A_1173 = arith.constant 0 : index
    %swap3A_1174 = arith.constant 0 : index
    %swap3A_1175 = vector.load %arg4[%swap3A_1170, %swap3A_1171, %swap3A_1172, %swap3A_1173, %swap3A_1174] : memref<1x8x32x8x128xf32, #tpu.memory_space<vmem>>, vector<1x1x1x8x128xf32>
    %swap3A_1176 = vector.shape_cast %swap3A_1175 : vector<1x1x1x8x128xf32> to vector<8x128xf32>
    %swap3A_1177 = vector.shape_cast %slice3A_1169 : vector<8x128xf32> to vector<1x1x1x8x128xf32>
    tpu.vector_store %arg4[%swap3A_1170, %swap3A_1171, %swap3A_1172, %swap3A_1173, %swap3A_1174], %swap3A_1177 {strides = array<i32>} : memref<1x8x32x8x128xf32, #tpu.memory_space<vmem>>, vector<1x1x1x8x128xf32>,
    %slice3A_1178 = vector.extract_strided_slice %add3A_26 {offsets = [32, 0], sizes = [8, 128], strides = [1, 1]} : vector<64x4096xf32> to vector<8x128xf32>
    %swap3A_1179 = arith.constant 0 : index
    %swap3A_1180 = arith.constant 4 : index
    %swap3A_1181 = arith.constant 0 : index
    %swap3A_1182 = arith.constant 0 : index
    %swap3A_1183 = arith.constant 0 : index
    %swap3A_1184 = vector.load %arg4[%swap3A_1179, %swap3A_1180, %swap3A_1181, %swap3A_1182, %swap3A_1183] : memref<1x8x32x8x128xf32, #tpu.memory_space<vmem>>, vector<1x1x1x8x128xf32>
    %swap3A_1185 = vector.shape_cast %swap3A_1184 : vector<1x1x1x8x128xf32> to vector<8x128xf32>
    %swap3A_1186 = vector.shape_cast %slice3A_1178 : vector<8x128xf32> to vector<1x1x1x8x128xf32>
    tpu.vector_store %arg4[%swap3A_1179, %swap3A_1180, %swap3A_1181, %swap3A_1182, %swap3A_1183], %swap3A_1186 {strides = array<i32>} : memref<1x8x32x8x128xf32, #tpu.memory_space<vmem>>, vector<1x1x1x8x128xf32>,
    %slice3A_1187 = vector.extract_strided_slice %add3A_26 {offsets = [32, 128], sizes = [8, 128], strides = [1, 1]} : vector<64x4096xf32> to vector<8x128xf32>
    %swap3A_1188 = arith.constant 0 : index
    %swap3A_1189 = arith.constant 4 : index
    %swap3A_1190 = arith.constant 1 : index
    %swap3A_1191 = arith.constant 0 : index
    %swap3A_1192 = arith.constant 0 : index
    %swap3A_1193 = vector.load %arg4[%swap3A_1188, %swap3A_1189, %swap3A_1190, %swap3A_1191, %swap3A_1192] : memref<1x8x32x8x128xf32, #tpu.memory_space<vmem>>, vector<1x1x1x8x128xf32>
    %swap3A_1194 = vector.shape_cast %swap3A_1193 : vector<1x1x1x8x128xf32> to vector<8x128xf32>
    %swap3A_1195 = vector.shape_cast %slice3A_1187 : vector<8x128xf32> to vector<1x1x1x8x128xf32>
    tpu.vector_store %arg4[%swap3A_1188, %swap3A_1189, %swap3A_1190, %swap3A_1191, %swap3A_1192], %swap3A_1195 {strides = array<i32>} : memref<1x8x32x8x128xf32, #tpu.memory_space<vmem>>, vector<1x1x1x8x128xf32>,
    %slice3A_1196 = vector.extract_strided_slice %add3A_26 {offsets = [32, 256], sizes = [8, 128], strides = [1, 1]} : vector<64x4096xf32> to vector<8x128xf32>
    %swap3A_1197 = arith.constant 0 : index
    %swap3A_1198 = arith.constant 4 : index
    %swap3A_1199 = arith.constant 2 : index
    %swap3A_1200 = arith.constant 0 : index
    %swap3A_1201 = arith.constant 0 : index
    %swap3A_1202 = vector.load %arg4[%swap3A_1197, %swap3A_1198, %swap3A_1199, %swap3A_1200, %swap3A_1201] : memref<1x8x32x8x128xf32, #tpu.memory_space<vmem>>, vector<1x1x1x8x128xf32>
    %swap3A_1203 = vector.shape_cast %swap3A_1202 : vector<1x1x1x8x128xf32> to vector<8x128xf32>
    %swap3A_1204 = vector.shape_cast %slice3A_1196 : vector<8x128xf32> to vector<1x1x1x8x128xf32>
    tpu.vector_store %arg4[%swap3A_1197, %swap3A_1198, %swap3A_1199, %swap3A_1200, %swap3A_1201], %swap3A_1204 {strides = array<i32>} : memref<1x8x32x8x128xf32, #tpu.memory_space<vmem>>, vector<1x1x1x8x128xf32>,
    %slice3A_1205 = vector.extract_strided_slice %add3A_26 {offsets = [32, 384], sizes = [8, 128], strides = [1, 1]} : vector<64x4096xf32> to vector<8x128xf32>
    %swap3A_1206 = arith.constant 0 : index
    %swap3A_1207 = arith.constant 4 : index
    %swap3A_1208 = arith.constant 3 : index
    %swap3A_1209 = arith.constant 0 : index
    %swap3A_1210 = arith.constant 0 : index
    %swap3A_1211 = vector.load %arg4[%swap3A_1206, %swap3A_1207, %swap3A_1208, %swap3A_1209, %swap3A_1210] : memref<1x8x32x8x128xf32, #tpu.memory_space<vmem>>, vector<1x1x1x8x128xf32>
    %swap3A_1212 = vector.shape_cast %swap3A_1211 : vector<1x1x1x8x128xf32> to vector<8x128xf32>
    %swap3A_1213 = vector.shape_cast %slice3A_1205 : vector<8x128xf32> to vector<1x1x1x8x128xf32>
    tpu.vector_store %arg4[%swap3A_1206, %swap3A_1207, %swap3A_1208, %swap3A_1209, %swap3A_1210], %swap3A_1213 {strides = array<i32>} : memref<1x8x32x8x128xf32, #tpu.memory_space<vmem>>, vector<1x1x1x8x128xf32>,
    %slice3A_1214 = vector.extract_strided_slice %add3A_26 {offsets = [32, 512], sizes = [8, 128], strides = [1, 1]} : vector<64x4096xf32> to vector<8x128xf32>
    %swap3A_1215 = arith.constant 0 : index
    %swap3A_1216 = arith.constant 4 : index
    %swap3A_1217 = arith.constant 4 : index
    %swap3A_1218 = arith.constant 0 : index
    %swap3A_1219 = arith.constant 0 : index
    %swap3A_1220 = vector.load %arg4[%swap3A_1215, %swap3A_1216, %swap3A_1217, %swap3A_1218, %swap3A_1219] : memref<1x8x32x8x128xf32, #tpu.memory_space<vmem>>, vector<1x1x1x8x128xf32>
    %swap3A_1221 = vector.shape_cast %swap3A_1220 : vector<1x1x1x8x128xf32> to vector<8x128xf32>
    %swap3A_1222 = vector.shape_cast %slice3A_1214 : vector<8x128xf32> to vector<1x1x1x8x128xf32>
    tpu.vector_store %arg4[%swap3A_1215, %swap3A_1216, %swap3A_1217, %swap3A_1218, %swap3A_1219], %swap3A_1222 {strides = array<i32>} : memref<1x8x32x8x128xf32, #tpu.memory_space<vmem>>, vector<1x1x1x8x128xf32>,
    %slice3A_1223 = vector.extract_strided_slice %add3A_26 {offsets = [32, 640], sizes = [8, 128], strides = [1, 1]} : vector<64x4096xf32> to vector<8x128xf32>
    %swap3A_1224 = arith.constant 0 : index
    %swap3A_1225 = arith.constant 4 : index
    %swap3A_1226 = arith.constant 5 : index
    %swap3A_1227 = arith.constant 0 : index
    %swap3A_1228 = arith.constant 0 : index
    %swap3A_1229 = vector.load %arg4[%swap3A_1224, %swap3A_1225, %swap3A_1226, %swap3A_1227, %swap3A_1228] : memref<1x8x32x8x128xf32, #tpu.memory_space<vmem>>, vector<1x1x1x8x128xf32>
    %swap3A_1230 = vector.shape_cast %swap3A_1229 : vector<1x1x1x8x128xf32> to vector<8x128xf32>
    %swap3A_1231 = vector.shape_cast %slice3A_1223 : vector<8x128xf32> to vector<1x1x1x8x128xf32>
    tpu.vector_store %arg4[%swap3A_1224, %swap3A_1225, %swap3A_1226, %swap3A_1227, %swap3A_1228], %swap3A_1231 {strides = array<i32>} : memref<1x8x32x8x128xf32, #tpu.memory_space<vmem>>, vector<1x1x1x8x128xf32>,
    %slice3A_1232 = vector.extract_strided_slice %add3A_26 {offsets = [32, 768], sizes = [8, 128], strides = [1, 1]} : vector<64x4096xf32> to vector<8x128xf32>
    %swap3A_1233 = arith.constant 0 : index
    %swap3A_1234 = arith.constant 4 : index
    %swap3A_1235 = arith.constant 6 : index
    %swap3A_1236 = arith.constant 0 : index
    %swap3A_1237 = arith.constant 0 : index
    %swap3A_1238 = vector.load %arg4[%swap3A_1233, %swap3A_1234, %swap3A_1235, %swap3A_1236, %swap3A_1237] : memref<1x8x32x8x128xf32, #tpu.memory_space<vmem>>, vector<1x1x1x8x128xf32>
    %swap3A_1239 = vector.shape_cast %swap3A_1238 : vector<1x1x1x8x128xf32> to vector<8x128xf32>
    %swap3A_1240 = vector.shape_cast %slice3A_1232 : vector<8x128xf32> to vector<1x1x1x8x128xf32>
    tpu.vector_store %arg4[%swap3A_1233, %swap3A_1234, %swap3A_1235, %swap3A_1236, %swap3A_1237], %swap3A_1240 {strides = array<i32>} : memref<1x8x32x8x128xf32, #tpu.memory_space<vmem>>, vector<1x1x1x8x128xf32>,
    %slice3A_1241 = vector.extract_strided_slice %add3A_26 {offsets = [32, 896], sizes = [8, 128], strides = [1, 1]} : vector<64x4096xf32> to vector<8x128xf32>
    %swap3A_1242 = arith.constant 0 : index
    %swap3A_1243 = arith.constant 4 : index
    %swap3A_1244 = arith.constant 7 : index
    %swap3A_1245 = arith.constant 0 : index
    %swap3A_1246 = arith.constant 0 : index
    %swap3A_1247 = vector.load %arg4[%swap3A_1242, %swap3A_1243, %swap3A_1244, %swap3A_1245, %swap3A_1246] : memref<1x8x32x8x128xf32, #tpu.memory_space<vmem>>, vector<1x1x1x8x128xf32>
    %swap3A_1248 = vector.shape_cast %swap3A_1247 : vector<1x1x1x8x128xf32> to vector<8x128xf32>
    %swap3A_1249 = vector.shape_cast %slice3A_1241 : vector<8x128xf32> to vector<1x1x1x8x128xf32>
    tpu.vector_store %arg4[%swap3A_1242, %swap3A_1243, %swap3A_1244, %swap3A_1245, %swap3A_1246], %swap3A_1249 {strides = array<i32>} : memref<1x8x32x8x128xf32, #tpu.memory_space<vmem>>, vector<1x1x1x8x128xf32>,
    %slice3A_1250 = vector.extract_strided_slice %add3A_26 {offsets = [32, 1024], sizes = [8, 128], strides = [1, 1]} : vector<64x4096xf32> to vector<8x128xf32>
    %swap3A_1251 = arith.constant 0 : index
    %swap3A_1252 = arith.constant 4 : index
    %swap3A_1253 = arith.constant 8 : index
    %swap3A_1254 = arith.constant 0 : index
    %swap3A_1255 = arith.constant 0 : index
    %swap3A_1256 = vector.load %arg4[%swap3A_1251, %swap3A_1252, %swap3A_1253, %swap3A_1254, %swap3A_1255] : memref<1x8x32x8x128xf32, #tpu.memory_space<vmem>>, vector<1x1x1x8x128xf32>
    %swap3A_1257 = vector.shape_cast %swap3A_1256 : vector<1x1x1x8x128xf32> to vector<8x128xf32>
    %swap3A_1258 = vector.shape_cast %slice3A_1250 : vector<8x128xf32> to vector<1x1x1x8x128xf32>
    tpu.vector_store %arg4[%swap3A_1251, %swap3A_1252, %swap3A_1253, %swap3A_1254, %swap3A_1255], %swap3A_1258 {strides = array<i32>} : memref<1x8x32x8x128xf32, #tpu.memory_space<vmem>>, vector<1x1x1x8x128xf32>,
    %slice3A_1259 = vector.extract_strided_slice %add3A_26 {offsets = [32, 1152], sizes = [8, 128], strides = [1, 1]} : vector<64x4096xf32> to vector<8x128xf32>
    %swap3A_1260 = arith.constant 0 : index
    %swap3A_1261 = arith.constant 4 : index
    %swap3A_1262 = arith.constant 9 : index
    %swap3A_1263 = arith.constant 0 : index
    %swap3A_1264 = arith.constant 0 : index
    %swap3A_1265 = vector.load %arg4[%swap3A_1260, %swap3A_1261, %swap3A_1262, %swap3A_1263, %swap3A_1264] : memref<1x8x32x8x128xf32, #tpu.memory_space<vmem>>, vector<1x1x1x8x128xf32>
    %swap3A_1266 = vector.shape_cast %swap3A_1265 : vector<1x1x1x8x128xf32> to vector<8x128xf32>
    %swap3A_1267 = vector.shape_cast %slice3A_1259 : vector<8x128xf32> to vector<1x1x1x8x128xf32>
    tpu.vector_store %arg4[%swap3A_1260, %swap3A_1261, %swap3A_1262, %swap3A_1263, %swap3A_1264], %swap3A_1267 {strides = array<i32>} : memref<1x8x32x8x128xf32, #tpu.memory_space<vmem>>, vector<1x1x1x8x128xf32>,
    %slice3A_1268 = vector.extract_strided_slice %add3A_26 {offsets = [32, 1280], sizes = [8, 128], strides = [1, 1]} : vector<64x4096xf32> to vector<8x128xf32>
    %swap3A_1269 = arith.constant 0 : index
    %swap3A_1270 = arith.constant 4 : index
    %swap3A_1271 = arith.constant 10 : index
    %swap3A_1272 = arith.constant 0 : index
    %swap3A_1273 = arith.constant 0 : index
    %swap3A_1274 = vector.load %arg4[%swap3A_1269, %swap3A_1270, %swap3A_1271, %swap3A_1272, %swap3A_1273] : memref<1x8x32x8x128xf32, #tpu.memory_space<vmem>>, vector<1x1x1x8x128xf32>
    %swap3A_1275 = vector.shape_cast %swap3A_1274 : vector<1x1x1x8x128xf32> to vector<8x128xf32>
    %swap3A_1276 = vector.shape_cast %slice3A_1268 : vector<8x128xf32> to vector<1x1x1x8x128xf32>
    tpu.vector_store %arg4[%swap3A_1269, %swap3A_1270, %swap3A_1271, %swap3A_1272, %swap3A_1273], %swap3A_1276 {strides = array<i32>} : memref<1x8x32x8x128xf32, #tpu.memory_space<vmem>>, vector<1x1x1x8x128xf32>,
    %slice3A_1277 = vector.extract_strided_slice %add3A_26 {offsets = [32, 1408], sizes = [8, 128], strides = [1, 1]} : vector<64x4096xf32> to vector<8x128xf32>
    %swap3A_1278 = arith.constant 0 : index
    %swap3A_1279 = arith.constant 4 : index
    %swap3A_1280 = arith.constant 11 : index
    %swap3A_1281 = arith.constant 0 : index
    %swap3A_1282 = arith.constant 0 : index
    %swap3A_1283 = vector.load %arg4[%swap3A_1278, %swap3A_1279, %swap3A_1280, %swap3A_1281, %swap3A_1282] : memref<1x8x32x8x128xf32, #tpu.memory_space<vmem>>, vector<1x1x1x8x128xf32>
    %swap3A_1284 = vector.shape_cast %swap3A_1283 : vector<1x1x1x8x128xf32> to vector<8x128xf32>
    %swap3A_1285 = vector.shape_cast %slice3A_1277 : vector<8x128xf32> to vector<1x1x1x8x128xf32>
    tpu.vector_store %arg4[%swap3A_1278, %swap3A_1279, %swap3A_1280, %swap3A_1281, %swap3A_1282], %swap3A_1285 {strides = array<i32>} : memref<1x8x32x8x128xf32, #tpu.memory_space<vmem>>, vector<1x1x1x8x128xf32>,
    %slice3A_1286 = vector.extract_strided_slice %add3A_26 {offsets = [32, 1536], sizes = [8, 128], strides = [1, 1]} : vector<64x4096xf32> to vector<8x128xf32>
    %swap3A_1287 = arith.constant 0 : index
    %swap3A_1288 = arith.constant 4 : index
    %swap3A_1289 = arith.constant 12 : index
    %swap3A_1290 = arith.constant 0 : index
    %swap3A_1291 = arith.constant 0 : index
    %swap3A_1292 = vector.load %arg4[%swap3A_1287, %swap3A_1288, %swap3A_1289, %swap3A_1290, %swap3A_1291] : memref<1x8x32x8x128xf32, #tpu.memory_space<vmem>>, vector<1x1x1x8x128xf32>
    %swap3A_1293 = vector.shape_cast %swap3A_1292 : vector<1x1x1x8x128xf32> to vector<8x128xf32>
    %swap3A_1294 = vector.shape_cast %slice3A_1286 : vector<8x128xf32> to vector<1x1x1x8x128xf32>
    tpu.vector_store %arg4[%swap3A_1287, %swap3A_1288, %swap3A_1289, %swap3A_1290, %swap3A_1291], %swap3A_1294 {strides = array<i32>} : memref<1x8x32x8x128xf32, #tpu.memory_space<vmem>>, vector<1x1x1x8x128xf32>,
    %slice3A_1295 = vector.extract_strided_slice %add3A_26 {offsets = [32, 1664], sizes = [8, 128], strides = [1, 1]} : vector<64x4096xf32> to vector<8x128xf32>
    %swap3A_1296 = arith.constant 0 : index
    %swap3A_1297 = arith.constant 4 : index
    %swap3A_1298 = arith.constant 13 : index
    %swap3A_1299 = arith.constant 0 : index
    %swap3A_1300 = arith.constant 0 : index
    %swap3A_1301 = vector.load %arg4[%swap3A_1296, %swap3A_1297, %swap3A_1298, %swap3A_1299, %swap3A_1300] : memref<1x8x32x8x128xf32, #tpu.memory_space<vmem>>, vector<1x1x1x8x128xf32>
    %swap3A_1302 = vector.shape_cast %swap3A_1301 : vector<1x1x1x8x128xf32> to vector<8x128xf32>
    %swap3A_1303 = vector.shape_cast %slice3A_1295 : vector<8x128xf32> to vector<1x1x1x8x128xf32>
    tpu.vector_store %arg4[%swap3A_1296, %swap3A_1297, %swap3A_1298, %swap3A_1299, %swap3A_1300], %swap3A_1303 {strides = array<i32>} : memref<1x8x32x8x128xf32, #tpu.memory_space<vmem>>, vector<1x1x1x8x128xf32>,
    %slice3A_1304 = vector.extract_strided_slice %add3A_26 {offsets = [32, 1792], sizes = [8, 128], strides = [1, 1]} : vector<64x4096xf32> to vector<8x128xf32>
    %swap3A_1305 = arith.constant 0 : index
    %swap3A_1306 = arith.constant 4 : index
    %swap3A_1307 = arith.constant 14 : index
    %swap3A_1308 = arith.constant 0 : index
    %swap3A_1309 = arith.constant 0 : index
    %swap3A_1310 = vector.load %arg4[%swap3A_1305, %swap3A_1306, %swap3A_1307, %swap3A_1308, %swap3A_1309] : memref<1x8x32x8x128xf32, #tpu.memory_space<vmem>>, vector<1x1x1x8x128xf32>
    %swap3A_1311 = vector.shape_cast %swap3A_1310 : vector<1x1x1x8x128xf32> to vector<8x128xf32>
    %swap3A_1312 = vector.shape_cast %slice3A_1304 : vector<8x128xf32> to vector<1x1x1x8x128xf32>
    tpu.vector_store %arg4[%swap3A_1305, %swap3A_1306, %swap3A_1307, %swap3A_1308, %swap3A_1309], %swap3A_1312 {strides = array<i32>} : memref<1x8x32x8x128xf32, #tpu.memory_space<vmem>>, vector<1x1x1x8x128xf32>,
    %slice3A_1313 = vector.extract_strided_slice %add3A_26 {offsets = [32, 1920], sizes = [8, 128], strides = [1, 1]} : vector<64x4096xf32> to vector<8x128xf32>
    %swap3A_1314 = arith.constant 0 : index
    %swap3A_1315 = arith.constant 4 : index
    %swap3A_1316 = arith.constant 15 : index
    %swap3A_1317 = arith.constant 0 : index
    %swap3A_1318 = arith.constant 0 : index
    %swap3A_1319 = vector.load %arg4[%swap3A_1314, %swap3A_1315, %swap3A_1316, %swap3A_1317, %swap3A_1318] : memref<1x8x32x8x128xf32, #tpu.memory_space<vmem>>, vector<1x1x1x8x128xf32>
    %swap3A_1320 = vector.shape_cast %swap3A_1319 : vector<1x1x1x8x128xf32> to vector<8x128xf32>
    %swap3A_1321 = vector.shape_cast %slice3A_1313 : vector<8x128xf32> to vector<1x1x1x8x128xf32>
    tpu.vector_store %arg4[%swap3A_1314, %swap3A_1315, %swap3A_1316, %swap3A_1317, %swap3A_1318], %swap3A_1321 {strides = array<i32>} : memref<1x8x32x8x128xf32, #tpu.memory_space<vmem>>, vector<1x1x1x8x128xf32>,
    %slice3A_1322 = vector.extract_strided_slice %add3A_26 {offsets = [32, 2048], sizes = [8, 128], strides = [1, 1]} : vector<64x4096xf32> to vector<8x128xf32>
    %swap3A_1323 = arith.constant 0 : index
    %swap3A_1324 = arith.constant 4 : index
    %swap3A_1325 = arith.constant 16 : index
    %swap3A_1326 = arith.constant 0 : index
    %swap3A_1327 = arith.constant 0 : index
    %swap3A_1328 = vector.load %arg4[%swap3A_1323, %swap3A_1324, %swap3A_1325, %swap3A_1326, %swap3A_1327] : memref<1x8x32x8x128xf32, #tpu.memory_space<vmem>>, vector<1x1x1x8x128xf32>
    %swap3A_1329 = vector.shape_cast %swap3A_1328 : vector<1x1x1x8x128xf32> to vector<8x128xf32>
    %swap3A_1330 = vector.shape_cast %slice3A_1322 : vector<8x128xf32> to vector<1x1x1x8x128xf32>
    tpu.vector_store %arg4[%swap3A_1323, %swap3A_1324, %swap3A_1325, %swap3A_1326, %swap3A_1327], %swap3A_1330 {strides = array<i32>} : memref<1x8x32x8x128xf32, #tpu.memory_space<vmem>>, vector<1x1x1x8x128xf32>,
    %slice3A_1331 = vector.extract_strided_slice %add3A_26 {offsets = [32, 2176], sizes = [8, 128], strides = [1, 1]} : vector<64x4096xf32> to vector<8x128xf32>
    %swap3A_1332 = arith.constant 0 : index
    %swap3A_1333 = arith.constant 4 : index
    %swap3A_1334 = arith.constant 17 : index
    %swap3A_1335 = arith.constant 0 : index
    %swap3A_1336 = arith.constant 0 : index
    %swap3A_1337 = vector.load %arg4[%swap3A_1332, %swap3A_1333, %swap3A_1334, %swap3A_1335, %swap3A_1336] : memref<1x8x32x8x128xf32, #tpu.memory_space<vmem>>, vector<1x1x1x8x128xf32>
    %swap3A_1338 = vector.shape_cast %swap3A_1337 : vector<1x1x1x8x128xf32> to vector<8x128xf32>
    %swap3A_1339 = vector.shape_cast %slice3A_1331 : vector<8x128xf32> to vector<1x1x1x8x128xf32>
    tpu.vector_store %arg4[%swap3A_1332, %swap3A_1333, %swap3A_1334, %swap3A_1335, %swap3A_1336], %swap3A_1339 {strides = array<i32>} : memref<1x8x32x8x128xf32, #tpu.memory_space<vmem>>, vector<1x1x1x8x128xf32>,
    %slice3A_1340 = vector.extract_strided_slice %add3A_26 {offsets = [32, 2304], sizes = [8, 128], strides = [1, 1]} : vector<64x4096xf32> to vector<8x128xf32>
    %swap3A_1341 = arith.constant 0 : index
    %swap3A_1342 = arith.constant 4 : index
    %swap3A_1343 = arith.constant 18 : index
    %swap3A_1344 = arith.constant 0 : index
    %swap3A_1345 = arith.constant 0 : index
    %swap3A_1346 = vector.load %arg4[%swap3A_1341, %swap3A_1342, %swap3A_1343, %swap3A_1344, %swap3A_1345] : memref<1x8x32x8x128xf32, #tpu.memory_space<vmem>>, vector<1x1x1x8x128xf32>
    %swap3A_1347 = vector.shape_cast %swap3A_1346 : vector<1x1x1x8x128xf32> to vector<8x128xf32>
    %swap3A_1348 = vector.shape_cast %slice3A_1340 : vector<8x128xf32> to vector<1x1x1x8x128xf32>
    tpu.vector_store %arg4[%swap3A_1341, %swap3A_1342, %swap3A_1343, %swap3A_1344, %swap3A_1345], %swap3A_1348 {strides = array<i32>} : memref<1x8x32x8x128xf32, #tpu.memory_space<vmem>>, vector<1x1x1x8x128xf32>,
    %slice3A_1349 = vector.extract_strided_slice %add3A_26 {offsets = [32, 2432], sizes = [8, 128], strides = [1, 1]} : vector<64x4096xf32> to vector<8x128xf32>
    %swap3A_1350 = arith.constant 0 : index
    %swap3A_1351 = arith.constant 4 : index
    %swap3A_1352 = arith.constant 19 : index
    %swap3A_1353 = arith.constant 0 : index
    %swap3A_1354 = arith.constant 0 : index
    %swap3A_1355 = vector.load %arg4[%swap3A_1350, %swap3A_1351, %swap3A_1352, %swap3A_1353, %swap3A_1354] : memref<1x8x32x8x128xf32, #tpu.memory_space<vmem>>, vector<1x1x1x8x128xf32>
    %swap3A_1356 = vector.shape_cast %swap3A_1355 : vector<1x1x1x8x128xf32> to vector<8x128xf32>
    %swap3A_1357 = vector.shape_cast %slice3A_1349 : vector<8x128xf32> to vector<1x1x1x8x128xf32>
    tpu.vector_store %arg4[%swap3A_1350, %swap3A_1351, %swap3A_1352, %swap3A_1353, %swap3A_1354], %swap3A_1357 {strides = array<i32>} : memref<1x8x32x8x128xf32, #tpu.memory_space<vmem>>, vector<1x1x1x8x128xf32>,
    %slice3A_1358 = vector.extract_strided_slice %add3A_26 {offsets = [32, 2560], sizes = [8, 128], strides = [1, 1]} : vector<64x4096xf32> to vector<8x128xf32>
    %swap3A_1359 = arith.constant 0 : index
    %swap3A_1360 = arith.constant 4 : index
    %swap3A_1361 = arith.constant 20 : index
    %swap3A_1362 = arith.constant 0 : index
    %swap3A_1363 = arith.constant 0 : index
    %swap3A_1364 = vector.load %arg4[%swap3A_1359, %swap3A_1360, %swap3A_1361, %swap3A_1362, %swap3A_1363] : memref<1x8x32x8x128xf32, #tpu.memory_space<vmem>>, vector<1x1x1x8x128xf32>
    %swap3A_1365 = vector.shape_cast %swap3A_1364 : vector<1x1x1x8x128xf32> to vector<8x128xf32>
    %swap3A_1366 = vector.shape_cast %slice3A_1358 : vector<8x128xf32> to vector<1x1x1x8x128xf32>
    tpu.vector_store %arg4[%swap3A_1359, %swap3A_1360, %swap3A_1361, %swap3A_1362, %swap3A_1363], %swap3A_1366 {strides = array<i32>} : memref<1x8x32x8x128xf32, #tpu.memory_space<vmem>>, vector<1x1x1x8x128xf32>,
    %slice3A_1367 = vector.extract_strided_slice %add3A_26 {offsets = [32, 2688], sizes = [8, 128], strides = [1, 1]} : vector<64x4096xf32> to vector<8x128xf32>
    %swap3A_1368 = arith.constant 0 : index
    %swap3A_1369 = arith.constant 4 : index
    %swap3A_1370 = arith.constant 21 : index
    %swap3A_1371 = arith.constant 0 : index
    %swap3A_1372 = arith.constant 0 : index
    %swap3A_1373 = vector.load %arg4[%swap3A_1368, %swap3A_1369, %swap3A_1370, %swap3A_1371, %swap3A_1372] : memref<1x8x32x8x128xf32, #tpu.memory_space<vmem>>, vector<1x1x1x8x128xf32>
    %swap3A_1374 = vector.shape_cast %swap3A_1373 : vector<1x1x1x8x128xf32> to vector<8x128xf32>
    %swap3A_1375 = vector.shape_cast %slice3A_1367 : vector<8x128xf32> to vector<1x1x1x8x128xf32>
    tpu.vector_store %arg4[%swap3A_1368, %swap3A_1369, %swap3A_1370, %swap3A_1371, %swap3A_1372], %swap3A_1375 {strides = array<i32>} : memref<1x8x32x8x128xf32, #tpu.memory_space<vmem>>, vector<1x1x1x8x128xf32>,
    %slice3A_1376 = vector.extract_strided_slice %add3A_26 {offsets = [32, 2816], sizes = [8, 128], strides = [1, 1]} : vector<64x4096xf32> to vector<8x128xf32>
    %swap3A_1377 = arith.constant 0 : index
    %swap3A_1378 = arith.constant 4 : index
    %swap3A_1379 = arith.constant 22 : index
    %swap3A_1380 = arith.constant 0 : index
    %swap3A_1381 = arith.constant 0 : index
    %swap3A_1382 = vector.load %arg4[%swap3A_1377, %swap3A_1378, %swap3A_1379, %swap3A_1380, %swap3A_1381] : memref<1x8x32x8x128xf32, #tpu.memory_space<vmem>>, vector<1x1x1x8x128xf32>
    %swap3A_1383 = vector.shape_cast %swap3A_1382 : vector<1x1x1x8x128xf32> to vector<8x128xf32>
    %swap3A_1384 = vector.shape_cast %slice3A_1376 : vector<8x128xf32> to vector<1x1x1x8x128xf32>
    tpu.vector_store %arg4[%swap3A_1377, %swap3A_1378, %swap3A_1379, %swap3A_1380, %swap3A_1381], %swap3A_1384 {strides = array<i32>} : memref<1x8x32x8x128xf32, #tpu.memory_space<vmem>>, vector<1x1x1x8x128xf32>,
    %slice3A_1385 = vector.extract_strided_slice %add3A_26 {offsets = [32, 2944], sizes = [8, 128], strides = [1, 1]} : vector<64x4096xf32> to vector<8x128xf32>
    %swap3A_1386 = arith.constant 0 : index
    %swap3A_1387 = arith.constant 4 : index
    %swap3A_1388 = arith.constant 23 : index
    %swap3A_1389 = arith.constant 0 : index
    %swap3A_1390 = arith.constant 0 : index
    %swap3A_1391 = vector.load %arg4[%swap3A_1386, %swap3A_1387, %swap3A_1388, %swap3A_1389, %swap3A_1390] : memref<1x8x32x8x128xf32, #tpu.memory_space<vmem>>, vector<1x1x1x8x128xf32>
    %swap3A_1392 = vector.shape_cast %swap3A_1391 : vector<1x1x1x8x128xf32> to vector<8x128xf32>
    %swap3A_1393 = vector.shape_cast %slice3A_1385 : vector<8x128xf32> to vector<1x1x1x8x128xf32>
    tpu.vector_store %arg4[%swap3A_1386, %swap3A_1387, %swap3A_1388, %swap3A_1389, %swap3A_1390], %swap3A_1393 {strides = array<i32>} : memref<1x8x32x8x128xf32, #tpu.memory_space<vmem>>, vector<1x1x1x8x128xf32>,
    %slice3A_1394 = vector.extract_strided_slice %add3A_26 {offsets = [32, 3072], sizes = [8, 128], strides = [1, 1]} : vector<64x4096xf32> to vector<8x128xf32>
    %swap3A_1395 = arith.constant 0 : index
    %swap3A_1396 = arith.constant 4 : index
    %swap3A_1397 = arith.constant 24 : index
    %swap3A_1398 = arith.constant 0 : index
    %swap3A_1399 = arith.constant 0 : index
    %swap3A_1400 = vector.load %arg4[%swap3A_1395, %swap3A_1396, %swap3A_1397, %swap3A_1398, %swap3A_1399] : memref<1x8x32x8x128xf32, #tpu.memory_space<vmem>>, vector<1x1x1x8x128xf32>
    %swap3A_1401 = vector.shape_cast %swap3A_1400 : vector<1x1x1x8x128xf32> to vector<8x128xf32>
    %swap3A_1402 = vector.shape_cast %slice3A_1394 : vector<8x128xf32> to vector<1x1x1x8x128xf32>
    tpu.vector_store %arg4[%swap3A_1395, %swap3A_1396, %swap3A_1397, %swap3A_1398, %swap3A_1399], %swap3A_1402 {strides = array<i32>} : memref<1x8x32x8x128xf32, #tpu.memory_space<vmem>>, vector<1x1x1x8x128xf32>,
    %slice3A_1403 = vector.extract_strided_slice %add3A_26 {offsets = [32, 3200], sizes = [8, 128], strides = [1, 1]} : vector<64x4096xf32> to vector<8x128xf32>
    %swap3A_1404 = arith.constant 0 : index
    %swap3A_1405 = arith.constant 4 : index
    %swap3A_1406 = arith.constant 25 : index
    %swap3A_1407 = arith.constant 0 : index
    %swap3A_1408 = arith.constant 0 : index
    %swap3A_1409 = vector.load %arg4[%swap3A_1404, %swap3A_1405, %swap3A_1406, %swap3A_1407, %swap3A_1408] : memref<1x8x32x8x128xf32, #tpu.memory_space<vmem>>, vector<1x1x1x8x128xf32>
    %swap3A_1410 = vector.shape_cast %swap3A_1409 : vector<1x1x1x8x128xf32> to vector<8x128xf32>
    %swap3A_1411 = vector.shape_cast %slice3A_1403 : vector<8x128xf32> to vector<1x1x1x8x128xf32>
    tpu.vector_store %arg4[%swap3A_1404, %swap3A_1405, %swap3A_1406, %swap3A_1407, %swap3A_1408], %swap3A_1411 {strides = array<i32>} : memref<1x8x32x8x128xf32, #tpu.memory_space<vmem>>, vector<1x1x1x8x128xf32>,
    %slice3A_1412 = vector.extract_strided_slice %add3A_26 {offsets = [32, 3328], sizes = [8, 128], strides = [1, 1]} : vector<64x4096xf32> to vector<8x128xf32>
    %swap3A_1413 = arith.constant 0 : index
    %swap3A_1414 = arith.constant 4 : index
    %swap3A_1415 = arith.constant 26 : index
    %swap3A_1416 = arith.constant 0 : index
    %swap3A_1417 = arith.constant 0 : index
    %swap3A_1418 = vector.load %arg4[%swap3A_1413, %swap3A_1414, %swap3A_1415, %swap3A_1416, %swap3A_1417] : memref<1x8x32x8x128xf32, #tpu.memory_space<vmem>>, vector<1x1x1x8x128xf32>
    %swap3A_1419 = vector.shape_cast %swap3A_1418 : vector<1x1x1x8x128xf32> to vector<8x128xf32>
    %swap3A_1420 = vector.shape_cast %slice3A_1412 : vector<8x128xf32> to vector<1x1x1x8x128xf32>
    tpu.vector_store %arg4[%swap3A_1413, %swap3A_1414, %swap3A_1415, %swap3A_1416, %swap3A_1417], %swap3A_1420 {strides = array<i32>} : memref<1x8x32x8x128xf32, #tpu.memory_space<vmem>>, vector<1x1x1x8x128xf32>,
    %slice3A_1421 = vector.extract_strided_slice %add3A_26 {offsets = [32, 3456], sizes = [8, 128], strides = [1, 1]} : vector<64x4096xf32> to vector<8x128xf32>
    %swap3A_1422 = arith.constant 0 : index
    %swap3A_1423 = arith.constant 4 : index
    %swap3A_1424 = arith.constant 27 : index
    %swap3A_1425 = arith.constant 0 : index
    %swap3A_1426 = arith.constant 0 : index
    %swap3A_1427 = vector.load %arg4[%swap3A_1422, %swap3A_1423, %swap3A_1424, %swap3A_1425, %swap3A_1426] : memref<1x8x32x8x128xf32, #tpu.memory_space<vmem>>, vector<1x1x1x8x128xf32>
    %swap3A_1428 = vector.shape_cast %swap3A_1427 : vector<1x1x1x8x128xf32> to vector<8x128xf32>
    %swap3A_1429 = vector.shape_cast %slice3A_1421 : vector<8x128xf32> to vector<1x1x1x8x128xf32>
    tpu.vector_store %arg4[%swap3A_1422, %swap3A_1423, %swap3A_1424, %swap3A_1425, %swap3A_1426], %swap3A_1429 {strides = array<i32>} : memref<1x8x32x8x128xf32, #tpu.memory_space<vmem>>, vector<1x1x1x8x128xf32>,
    %slice3A_1430 = vector.extract_strided_slice %add3A_26 {offsets = [32, 3584], sizes = [8, 128], strides = [1, 1]} : vector<64x4096xf32> to vector<8x128xf32>
    %swap3A_1431 = arith.constant 0 : index
    %swap3A_1432 = arith.constant 4 : index
    %swap3A_1433 = arith.constant 28 : index
    %swap3A_1434 = arith.constant 0 : index
    %swap3A_1435 = arith.constant 0 : index
    %swap3A_1436 = vector.load %arg4[%swap3A_1431, %swap3A_1432, %swap3A_1433, %swap3A_1434, %swap3A_1435] : memref<1x8x32x8x128xf32, #tpu.memory_space<vmem>>, vector<1x1x1x8x128xf32>
    %swap3A_1437 = vector.shape_cast %swap3A_1436 : vector<1x1x1x8x128xf32> to vector<8x128xf32>
    %swap3A_1438 = vector.shape_cast %slice3A_1430 : vector<8x128xf32> to vector<1x1x1x8x128xf32>
    tpu.vector_store %arg4[%swap3A_1431, %swap3A_1432, %swap3A_1433, %swap3A_1434, %swap3A_1435], %swap3A_1438 {strides = array<i32>} : memref<1x8x32x8x128xf32, #tpu.memory_space<vmem>>, vector<1x1x1x8x128xf32>,
    %slice3A_1439 = vector.extract_strided_slice %add3A_26 {offsets = [32, 3712], sizes = [8, 128], strides = [1, 1]} : vector<64x4096xf32> to vector<8x128xf32>
    %swap3A_1440 = arith.constant 0 : index
    %swap3A_1441 = arith.constant 4 : index
    %swap3A_1442 = arith.constant 29 : index
    %swap3A_1443 = arith.constant 0 : index
    %swap3A_1444 = arith.constant 0 : index
    %swap3A_1445 = vector.load %arg4[%swap3A_1440, %swap3A_1441, %swap3A_1442, %swap3A_1443, %swap3A_1444] : memref<1x8x32x8x128xf32, #tpu.memory_space<vmem>>, vector<1x1x1x8x128xf32>
    %swap3A_1446 = vector.shape_cast %swap3A_1445 : vector<1x1x1x8x128xf32> to vector<8x128xf32>
    %swap3A_1447 = vector.shape_cast %slice3A_1439 : vector<8x128xf32> to vector<1x1x1x8x128xf32>
    tpu.vector_store %arg4[%swap3A_1440, %swap3A_1441, %swap3A_1442, %swap3A_1443, %swap3A_1444], %swap3A_1447 {strides = array<i32>} : memref<1x8x32x8x128xf32, #tpu.memory_space<vmem>>, vector<1x1x1x8x128xf32>,
    %slice3A_1448 = vector.extract_strided_slice %add3A_26 {offsets = [32, 3840], sizes = [8, 128], strides = [1, 1]} : vector<64x4096xf32> to vector<8x128xf32>
    %swap3A_1449 = arith.constant 0 : index
    %swap3A_1450 = arith.constant 4 : index
    %swap3A_1451 = arith.constant 30 : index
    %swap3A_1452 = arith.constant 0 : index
    %swap3A_1453 = arith.constant 0 : index
    %swap3A_1454 = vector.load %arg4[%swap3A_1449, %swap3A_1450, %swap3A_1451, %swap3A_1452, %swap3A_1453] : memref<1x8x32x8x128xf32, #tpu.memory_space<vmem>>, vector<1x1x1x8x128xf32>
    %swap3A_1455 = vector.shape_cast %swap3A_1454 : vector<1x1x1x8x128xf32> to vector<8x128xf32>
    %swap3A_1456 = vector.shape_cast %slice3A_1448 : vector<8x128xf32> to vector<1x1x1x8x128xf32>
    tpu.vector_store %arg4[%swap3A_1449, %swap3A_1450, %swap3A_1451, %swap3A_1452, %swap3A_1453], %swap3A_1456 {strides = array<i32>} : memref<1x8x32x8x128xf32, #tpu.memory_space<vmem>>, vector<1x1x1x8x128xf32>,
    %slice3A_1457 = vector.extract_strided_slice %add3A_26 {offsets = [32, 3968], sizes = [8, 128], strides = [1, 1]} : vector<64x4096xf32> to vector<8x128xf32>
    %swap3A_1458 = arith.constant 0 : index
    %swap3A_1459 = arith.constant 4 : index
    %swap3A_1460 = arith.constant 31 : index
    %swap3A_1461 = arith.constant 0 : index
    %swap3A_1462 = arith.constant 0 : index
    %swap3A_1463 = vector.load %arg4[%swap3A_1458, %swap3A_1459, %swap3A_1460, %swap3A_1461, %swap3A_1462] : memref<1x8x32x8x128xf32, #tpu.memory_space<vmem>>, vector<1x1x1x8x128xf32>
    %swap3A_1464 = vector.shape_cast %swap3A_1463 : vector<1x1x1x8x128xf32> to vector<8x128xf32>
    %swap3A_1465 = vector.shape_cast %slice3A_1457 : vector<8x128xf32> to vector<1x1x1x8x128xf32>
    tpu.vector_store %arg4[%swap3A_1458, %swap3A_1459, %swap3A_1460, %swap3A_1461, %swap3A_1462], %swap3A_1465 {strides = array<i32>} : memref<1x8x32x8x128xf32, #tpu.memory_space<vmem>>, vector<1x1x1x8x128xf32>,
    %slice3A_1466 = vector.extract_strided_slice %add3A_26 {offsets = [40, 0], sizes = [8, 128], strides = [1, 1]} : vector<64x4096xf32> to vector<8x128xf32>
    %swap3A_1467 = arith.constant 0 : index
    %swap3A_1468 = arith.constant 5 : index
    %swap3A_1469 = arith.constant 0 : index
    %swap3A_1470 = arith.constant 0 : index
    %swap3A_1471 = arith.constant 0 : index
    %swap3A_1472 = vector.load %arg4[%swap3A_1467, %swap3A_1468, %swap3A_1469, %swap3A_1470, %swap3A_1471] : memref<1x8x32x8x128xf32, #tpu.memory_space<vmem>>, vector<1x1x1x8x128xf32>
    %swap3A_1473 = vector.shape_cast %swap3A_1472 : vector<1x1x1x8x128xf32> to vector<8x128xf32>
    %swap3A_1474 = vector.shape_cast %slice3A_1466 : vector<8x128xf32> to vector<1x1x1x8x128xf32>
    tpu.vector_store %arg4[%swap3A_1467, %swap3A_1468, %swap3A_1469, %swap3A_1470, %swap3A_1471], %swap3A_1474 {strides = array<i32>} : memref<1x8x32x8x128xf32, #tpu.memory_space<vmem>>, vector<1x1x1x8x128xf32>,
    %slice3A_1475 = vector.extract_strided_slice %add3A_26 {offsets = [40, 128], sizes = [8, 128], strides = [1, 1]} : vector<64x4096xf32> to vector<8x128xf32>
    %swap3A_1476 = arith.constant 0 : index
    %swap3A_1477 = arith.constant 5 : index
    %swap3A_1478 = arith.constant 1 : index
    %swap3A_1479 = arith.constant 0 : index
    %swap3A_1480 = arith.constant 0 : index
    %swap3A_1481 = vector.load %arg4[%swap3A_1476, %swap3A_1477, %swap3A_1478, %swap3A_1479, %swap3A_1480] : memref<1x8x32x8x128xf32, #tpu.memory_space<vmem>>, vector<1x1x1x8x128xf32>
    %swap3A_1482 = vector.shape_cast %swap3A_1481 : vector<1x1x1x8x128xf32> to vector<8x128xf32>
    %swap3A_1483 = vector.shape_cast %slice3A_1475 : vector<8x128xf32> to vector<1x1x1x8x128xf32>
    tpu.vector_store %arg4[%swap3A_1476, %swap3A_1477, %swap3A_1478, %swap3A_1479, %swap3A_1480], %swap3A_1483 {strides = array<i32>} : memref<1x8x32x8x128xf32, #tpu.memory_space<vmem>>, vector<1x1x1x8x128xf32>,
    %slice3A_1484 = vector.extract_strided_slice %add3A_26 {offsets = [40, 256], sizes = [8, 128], strides = [1, 1]} : vector<64x4096xf32> to vector<8x128xf32>
    %swap3A_1485 = arith.constant 0 : index
    %swap3A_1486 = arith.constant 5 : index
    %swap3A_1487 = arith.constant 2 : index
    %swap3A_1488 = arith.constant 0 : index
    %swap3A_1489 = arith.constant 0 : index
    %swap3A_1490 = vector.load %arg4[%swap3A_1485, %swap3A_1486, %swap3A_1487, %swap3A_1488, %swap3A_1489] : memref<1x8x32x8x128xf32, #tpu.memory_space<vmem>>, vector<1x1x1x8x128xf32>
    %swap3A_1491 = vector.shape_cast %swap3A_1490 : vector<1x1x1x8x128xf32> to vector<8x128xf32>
    %swap3A_1492 = vector.shape_cast %slice3A_1484 : vector<8x128xf32> to vector<1x1x1x8x128xf32>
    tpu.vector_store %arg4[%swap3A_1485, %swap3A_1486, %swap3A_1487, %swap3A_1488, %swap3A_1489], %swap3A_1492 {strides = array<i32>} : memref<1x8x32x8x128xf32, #tpu.memory_space<vmem>>, vector<1x1x1x8x128xf32>,
    %slice3A_1493 = vector.extract_strided_slice %add3A_26 {offsets = [40, 384], sizes = [8, 128], strides = [1, 1]} : vector<64x4096xf32> to vector<8x128xf32>
    %swap3A_1494 = arith.constant 0 : index
    %swap3A_1495 = arith.constant 5 : index
    %swap3A_1496 = arith.constant 3 : index
    %swap3A_1497 = arith.constant 0 : index
    %swap3A_1498 = arith.constant 0 : index
    %swap3A_1499 = vector.load %arg4[%swap3A_1494, %swap3A_1495, %swap3A_1496, %swap3A_1497, %swap3A_1498] : memref<1x8x32x8x128xf32, #tpu.memory_space<vmem>>, vector<1x1x1x8x128xf32>
    %swap3A_1500 = vector.shape_cast %swap3A_1499 : vector<1x1x1x8x128xf32> to vector<8x128xf32>
    %swap3A_1501 = vector.shape_cast %slice3A_1493 : vector<8x128xf32> to vector<1x1x1x8x128xf32>
    tpu.vector_store %arg4[%swap3A_1494, %swap3A_1495, %swap3A_1496, %swap3A_1497, %swap3A_1498], %swap3A_1501 {strides = array<i32>} : memref<1x8x32x8x128xf32, #tpu.memory_space<vmem>>, vector<1x1x1x8x128xf32>,
    %slice3A_1502 = vector.extract_strided_slice %add3A_26 {offsets = [40, 512], sizes = [8, 128], strides = [1, 1]} : vector<64x4096xf32> to vector<8x128xf32>
    %swap3A_1503 = arith.constant 0 : index
    %swap3A_1504 = arith.constant 5 : index
    %swap3A_1505 = arith.constant 4 : index
    %swap3A_1506 = arith.constant 0 : index
    %swap3A_1507 = arith.constant 0 : index
    %swap3A_1508 = vector.load %arg4[%swap3A_1503, %swap3A_1504, %swap3A_1505, %swap3A_1506, %swap3A_1507] : memref<1x8x32x8x128xf32, #tpu.memory_space<vmem>>, vector<1x1x1x8x128xf32>
    %swap3A_1509 = vector.shape_cast %swap3A_1508 : vector<1x1x1x8x128xf32> to vector<8x128xf32>
    %swap3A_1510 = vector.shape_cast %slice3A_1502 : vector<8x128xf32> to vector<1x1x1x8x128xf32>
    tpu.vector_store %arg4[%swap3A_1503, %swap3A_1504, %swap3A_1505, %swap3A_1506, %swap3A_1507], %swap3A_1510 {strides = array<i32>} : memref<1x8x32x8x128xf32, #tpu.memory_space<vmem>>, vector<1x1x1x8x128xf32>,
    %slice3A_1511 = vector.extract_strided_slice %add3A_26 {offsets = [40, 640], sizes = [8, 128], strides = [1, 1]} : vector<64x4096xf32> to vector<8x128xf32>
    %swap3A_1512 = arith.constant 0 : index
    %swap3A_1513 = arith.constant 5 : index
    %swap3A_1514 = arith.constant 5 : index
    %swap3A_1515 = arith.constant 0 : index
    %swap3A_1516 = arith.constant 0 : index
    %swap3A_1517 = vector.load %arg4[%swap3A_1512, %swap3A_1513, %swap3A_1514, %swap3A_1515, %swap3A_1516] : memref<1x8x32x8x128xf32, #tpu.memory_space<vmem>>, vector<1x1x1x8x128xf32>
    %swap3A_1518 = vector.shape_cast %swap3A_1517 : vector<1x1x1x8x128xf32> to vector<8x128xf32>
    %swap3A_1519 = vector.shape_cast %slice3A_1511 : vector<8x128xf32> to vector<1x1x1x8x128xf32>
    tpu.vector_store %arg4[%swap3A_1512, %swap3A_1513, %swap3A_1514, %swap3A_1515, %swap3A_1516], %swap3A_1519 {strides = array<i32>} : memref<1x8x32x8x128xf32, #tpu.memory_space<vmem>>, vector<1x1x1x8x128xf32>,
    %slice3A_1520 = vector.extract_strided_slice %add3A_26 {offsets = [40, 768], sizes = [8, 128], strides = [1, 1]} : vector<64x4096xf32> to vector<8x128xf32>
    %swap3A_1521 = arith.constant 0 : index
    %swap3A_1522 = arith.constant 5 : index
    %swap3A_1523 = arith.constant 6 : index
    %swap3A_1524 = arith.constant 0 : index
    %swap3A_1525 = arith.constant 0 : index
    %swap3A_1526 = vector.load %arg4[%swap3A_1521, %swap3A_1522, %swap3A_1523, %swap3A_1524, %swap3A_1525] : memref<1x8x32x8x128xf32, #tpu.memory_space<vmem>>, vector<1x1x1x8x128xf32>
    %swap3A_1527 = vector.shape_cast %swap3A_1526 : vector<1x1x1x8x128xf32> to vector<8x128xf32>
    %swap3A_1528 = vector.shape_cast %slice3A_1520 : vector<8x128xf32> to vector<1x1x1x8x128xf32>
    tpu.vector_store %arg4[%swap3A_1521, %swap3A_1522, %swap3A_1523, %swap3A_1524, %swap3A_1525], %swap3A_1528 {strides = array<i32>} : memref<1x8x32x8x128xf32, #tpu.memory_space<vmem>>, vector<1x1x1x8x128xf32>,
    %slice3A_1529 = vector.extract_strided_slice %add3A_26 {offsets = [40, 896], sizes = [8, 128], strides = [1, 1]} : vector<64x4096xf32> to vector<8x128xf32>
    %swap3A_1530 = arith.constant 0 : index
    %swap3A_1531 = arith.constant 5 : index
    %swap3A_1532 = arith.constant 7 : index
    %swap3A_1533 = arith.constant 0 : index
    %swap3A_1534 = arith.constant 0 : index
    %swap3A_1535 = vector.load %arg4[%swap3A_1530, %swap3A_1531, %swap3A_1532, %swap3A_1533, %swap3A_1534] : memref<1x8x32x8x128xf32, #tpu.memory_space<vmem>>, vector<1x1x1x8x128xf32>
    %swap3A_1536 = vector.shape_cast %swap3A_1535 : vector<1x1x1x8x128xf32> to vector<8x128xf32>
    %swap3A_1537 = vector.shape_cast %slice3A_1529 : vector<8x128xf32> to vector<1x1x1x8x128xf32>
    tpu.vector_store %arg4[%swap3A_1530, %swap3A_1531, %swap3A_1532, %swap3A_1533, %swap3A_1534], %swap3A_1537 {strides = array<i32>} : memref<1x8x32x8x128xf32, #tpu.memory_space<vmem>>, vector<1x1x1x8x128xf32>,
    %slice3A_1538 = vector.extract_strided_slice %add3A_26 {offsets = [40, 1024], sizes = [8, 128], strides = [1, 1]} : vector<64x4096xf32> to vector<8x128xf32>
    %swap3A_1539 = arith.constant 0 : index
    %swap3A_1540 = arith.constant 5 : index
    %swap3A_1541 = arith.constant 8 : index
    %swap3A_1542 = arith.constant 0 : index
    %swap3A_1543 = arith.constant 0 : index
    %swap3A_1544 = vector.load %arg4[%swap3A_1539, %swap3A_1540, %swap3A_1541, %swap3A_1542, %swap3A_1543] : memref<1x8x32x8x128xf32, #tpu.memory_space<vmem>>, vector<1x1x1x8x128xf32>
    %swap3A_1545 = vector.shape_cast %swap3A_1544 : vector<1x1x1x8x128xf32> to vector<8x128xf32>
    %swap3A_1546 = vector.shape_cast %slice3A_1538 : vector<8x128xf32> to vector<1x1x1x8x128xf32>
    tpu.vector_store %arg4[%swap3A_1539, %swap3A_1540, %swap3A_1541, %swap3A_1542, %swap3A_1543], %swap3A_1546 {strides = array<i32>} : memref<1x8x32x8x128xf32, #tpu.memory_space<vmem>>, vector<1x1x1x8x128xf32>,
    %slice3A_1547 = vector.extract_strided_slice %add3A_26 {offsets = [40, 1152], sizes = [8, 128], strides = [1, 1]} : vector<64x4096xf32> to vector<8x128xf32>
    %swap3A_1548 = arith.constant 0 : index
    %swap3A_1549 = arith.constant 5 : index
    %swap3A_1550 = arith.constant 9 : index
    %swap3A_1551 = arith.constant 0 : index
    %swap3A_1552 = arith.constant 0 : index
    %swap3A_1553 = vector.load %arg4[%swap3A_1548, %swap3A_1549, %swap3A_1550, %swap3A_1551, %swap3A_1552] : memref<1x8x32x8x128xf32, #tpu.memory_space<vmem>>, vector<1x1x1x8x128xf32>
    %swap3A_1554 = vector.shape_cast %swap3A_1553 : vector<1x1x1x8x128xf32> to vector<8x128xf32>
    %swap3A_1555 = vector.shape_cast %slice3A_1547 : vector<8x128xf32> to vector<1x1x1x8x128xf32>
    tpu.vector_store %arg4[%swap3A_1548, %swap3A_1549, %swap3A_1550, %swap3A_1551, %swap3A_1552], %swap3A_1555 {strides = array<i32>} : memref<1x8x32x8x128xf32, #tpu.memory_space<vmem>>, vector<1x1x1x8x128xf32>,
    %slice3A_1556 = vector.extract_strided_slice %add3A_26 {offsets = [40, 1280], sizes = [8, 128], strides = [1, 1]} : vector<64x4096xf32> to vector<8x128xf32>
    %swap3A_1557 = arith.constant 0 : index
    %swap3A_1558 = arith.constant 5 : index
    %swap3A_1559 = arith.constant 10 : index
    %swap3A_1560 = arith.constant 0 : index
    %swap3A_1561 = arith.constant 0 : index
    %swap3A_1562 = vector.load %arg4[%swap3A_1557, %swap3A_1558, %swap3A_1559, %swap3A_1560, %swap3A_1561] : memref<1x8x32x8x128xf32, #tpu.memory_space<vmem>>, vector<1x1x1x8x128xf32>
    %swap3A_1563 = vector.shape_cast %swap3A_1562 : vector<1x1x1x8x128xf32> to vector<8x128xf32>
    %swap3A_1564 = vector.shape_cast %slice3A_1556 : vector<8x128xf32> to vector<1x1x1x8x128xf32>
    tpu.vector_store %arg4[%swap3A_1557, %swap3A_1558, %swap3A_1559, %swap3A_1560, %swap3A_1561], %swap3A_1564 {strides = array<i32>} : memref<1x8x32x8x128xf32, #tpu.memory_space<vmem>>, vector<1x1x1x8x128xf32>,
    %slice3A_1565 = vector.extract_strided_slice %add3A_26 {offsets = [40, 1408], sizes = [8, 128], strides = [1, 1]} : vector<64x4096xf32> to vector<8x128xf32>
    %swap3A_1566 = arith.constant 0 : index
    %swap3A_1567 = arith.constant 5 : index
    %swap3A_1568 = arith.constant 11 : index
    %swap3A_1569 = arith.constant 0 : index
    %swap3A_1570 = arith.constant 0 : index
    %swap3A_1571 = vector.load %arg4[%swap3A_1566, %swap3A_1567, %swap3A_1568, %swap3A_1569, %swap3A_1570] : memref<1x8x32x8x128xf32, #tpu.memory_space<vmem>>, vector<1x1x1x8x128xf32>
    %swap3A_1572 = vector.shape_cast %swap3A_1571 : vector<1x1x1x8x128xf32> to vector<8x128xf32>
    %swap3A_1573 = vector.shape_cast %slice3A_1565 : vector<8x128xf32> to vector<1x1x1x8x128xf32>
    tpu.vector_store %arg4[%swap3A_1566, %swap3A_1567, %swap3A_1568, %swap3A_1569, %swap3A_1570], %swap3A_1573 {strides = array<i32>} : memref<1x8x32x8x128xf32, #tpu.memory_space<vmem>>, vector<1x1x1x8x128xf32>,
    %slice3A_1574 = vector.extract_strided_slice %add3A_26 {offsets = [40, 1536], sizes = [8, 128], strides = [1, 1]} : vector<64x4096xf32> to vector<8x128xf32>
    %swap3A_1575 = arith.constant 0 : index
    %swap3A_1576 = arith.constant 5 : index
    %swap3A_1577 = arith.constant 12 : index
    %swap3A_1578 = arith.constant 0 : index
    %swap3A_1579 = arith.constant 0 : index
    %swap3A_1580 = vector.load %arg4[%swap3A_1575, %swap3A_1576, %swap3A_1577, %swap3A_1578, %swap3A_1579] : memref<1x8x32x8x128xf32, #tpu.memory_space<vmem>>, vector<1x1x1x8x128xf32>
    %swap3A_1581 = vector.shape_cast %swap3A_1580 : vector<1x1x1x8x128xf32> to vector<8x128xf32>
    %swap3A_1582 = vector.shape_cast %slice3A_1574 : vector<8x128xf32> to vector<1x1x1x8x128xf32>
    tpu.vector_store %arg4[%swap3A_1575, %swap3A_1576, %swap3A_1577, %swap3A_1578, %swap3A_1579], %swap3A_1582 {strides = array<i32>} : memref<1x8x32x8x128xf32, #tpu.memory_space<vmem>>, vector<1x1x1x8x128xf32>,
    %slice3A_1583 = vector.extract_strided_slice %add3A_26 {offsets = [40, 1664], sizes = [8, 128], strides = [1, 1]} : vector<64x4096xf32> to vector<8x128xf32>
    %swap3A_1584 = arith.constant 0 : index
    %swap3A_1585 = arith.constant 5 : index
    %swap3A_1586 = arith.constant 13 : index
    %swap3A_1587 = arith.constant 0 : index
    %swap3A_1588 = arith.constant 0 : index
    %swap3A_1589 = vector.load %arg4[%swap3A_1584, %swap3A_1585, %swap3A_1586, %swap3A_1587, %swap3A_1588] : memref<1x8x32x8x128xf32, #tpu.memory_space<vmem>>, vector<1x1x1x8x128xf32>
    %swap3A_1590 = vector.shape_cast %swap3A_1589 : vector<1x1x1x8x128xf32> to vector<8x128xf32>
    %swap3A_1591 = vector.shape_cast %slice3A_1583 : vector<8x128xf32> to vector<1x1x1x8x128xf32>
    tpu.vector_store %arg4[%swap3A_1584, %swap3A_1585, %swap3A_1586, %swap3A_1587, %swap3A_1588], %swap3A_1591 {strides = array<i32>} : memref<1x8x32x8x128xf32, #tpu.memory_space<vmem>>, vector<1x1x1x8x128xf32>,
    %slice3A_1592 = vector.extract_strided_slice %add3A_26 {offsets = [40, 1792], sizes = [8, 128], strides = [1, 1]} : vector<64x4096xf32> to vector<8x128xf32>
    %swap3A_1593 = arith.constant 0 : index
    %swap3A_1594 = arith.constant 5 : index
    %swap3A_1595 = arith.constant 14 : index
    %swap3A_1596 = arith.constant 0 : index
    %swap3A_1597 = arith.constant 0 : index
    %swap3A_1598 = vector.load %arg4[%swap3A_1593, %swap3A_1594, %swap3A_1595, %swap3A_1596, %swap3A_1597] : memref<1x8x32x8x128xf32, #tpu.memory_space<vmem>>, vector<1x1x1x8x128xf32>
    %swap3A_1599 = vector.shape_cast %swap3A_1598 : vector<1x1x1x8x128xf32> to vector<8x128xf32>
    %swap3A_1600 = vector.shape_cast %slice3A_1592 : vector<8x128xf32> to vector<1x1x1x8x128xf32>
    tpu.vector_store %arg4[%swap3A_1593, %swap3A_1594, %swap3A_1595, %swap3A_1596, %swap3A_1597], %swap3A_1600 {strides = array<i32>} : memref<1x8x32x8x128xf32, #tpu.memory_space<vmem>>, vector<1x1x1x8x128xf32>,
    %slice3A_1601 = vector.extract_strided_slice %add3A_26 {offsets = [40, 1920], sizes = [8, 128], strides = [1, 1]} : vector<64x4096xf32> to vector<8x128xf32>
    %swap3A_1602 = arith.constant 0 : index
    %swap3A_1603 = arith.constant 5 : index
    %swap3A_1604 = arith.constant 15 : index
    %swap3A_1605 = arith.constant 0 : index
    %swap3A_1606 = arith.constant 0 : index
    %swap3A_1607 = vector.load %arg4[%swap3A_1602, %swap3A_1603, %swap3A_1604, %swap3A_1605, %swap3A_1606] : memref<1x8x32x8x128xf32, #tpu.memory_space<vmem>>, vector<1x1x1x8x128xf32>
    %swap3A_1608 = vector.shape_cast %swap3A_1607 : vector<1x1x1x8x128xf32> to vector<8x128xf32>
    %swap3A_1609 = vector.shape_cast %slice3A_1601 : vector<8x128xf32> to vector<1x1x1x8x128xf32>
    tpu.vector_store %arg4[%swap3A_1602, %swap3A_1603, %swap3A_1604, %swap3A_1605, %swap3A_1606], %swap3A_1609 {strides = array<i32>} : memref<1x8x32x8x128xf32, #tpu.memory_space<vmem>>, vector<1x1x1x8x128xf32>,
    %slice3A_1610 = vector.extract_strided_slice %add3A_26 {offsets = [40, 2048], sizes = [8, 128], strides = [1, 1]} : vector<64x4096xf32> to vector<8x128xf32>
    %swap3A_1611 = arith.constant 0 : index
    %swap3A_1612 = arith.constant 5 : index
    %swap3A_1613 = arith.constant 16 : index
    %swap3A_1614 = arith.constant 0 : index
    %swap3A_1615 = arith.constant 0 : index
    %swap3A_1616 = vector.load %arg4[%swap3A_1611, %swap3A_1612, %swap3A_1613, %swap3A_1614, %swap3A_1615] : memref<1x8x32x8x128xf32, #tpu.memory_space<vmem>>, vector<1x1x1x8x128xf32>
    %swap3A_1617 = vector.shape_cast %swap3A_1616 : vector<1x1x1x8x128xf32> to vector<8x128xf32>
    %swap3A_1618 = vector.shape_cast %slice3A_1610 : vector<8x128xf32> to vector<1x1x1x8x128xf32>
    tpu.vector_store %arg4[%swap3A_1611, %swap3A_1612, %swap3A_1613, %swap3A_1614, %swap3A_1615], %swap3A_1618 {strides = array<i32>} : memref<1x8x32x8x128xf32, #tpu.memory_space<vmem>>, vector<1x1x1x8x128xf32>,
    %slice3A_1619 = vector.extract_strided_slice %add3A_26 {offsets = [40, 2176], sizes = [8, 128], strides = [1, 1]} : vector<64x4096xf32> to vector<8x128xf32>
    %swap3A_1620 = arith.constant 0 : index
    %swap3A_1621 = arith.constant 5 : index
    %swap3A_1622 = arith.constant 17 : index
    %swap3A_1623 = arith.constant 0 : index
    %swap3A_1624 = arith.constant 0 : index
    %swap3A_1625 = vector.load %arg4[%swap3A_1620, %swap3A_1621, %swap3A_1622, %swap3A_1623, %swap3A_1624] : memref<1x8x32x8x128xf32, #tpu.memory_space<vmem>>, vector<1x1x1x8x128xf32>
    %swap3A_1626 = vector.shape_cast %swap3A_1625 : vector<1x1x1x8x128xf32> to vector<8x128xf32>
    %swap3A_1627 = vector.shape_cast %slice3A_1619 : vector<8x128xf32> to vector<1x1x1x8x128xf32>
    tpu.vector_store %arg4[%swap3A_1620, %swap3A_1621, %swap3A_1622, %swap3A_1623, %swap3A_1624], %swap3A_1627 {strides = array<i32>} : memref<1x8x32x8x128xf32, #tpu.memory_space<vmem>>, vector<1x1x1x8x128xf32>,
    %slice3A_1628 = vector.extract_strided_slice %add3A_26 {offsets = [40, 2304], sizes = [8, 128], strides = [1, 1]} : vector<64x4096xf32> to vector<8x128xf32>
    %swap3A_1629 = arith.constant 0 : index
    %swap3A_1630 = arith.constant 5 : index
    %swap3A_1631 = arith.constant 18 : index
    %swap3A_1632 = arith.constant 0 : index
    %swap3A_1633 = arith.constant 0 : index
    %swap3A_1634 = vector.load %arg4[%swap3A_1629, %swap3A_1630, %swap3A_1631, %swap3A_1632, %swap3A_1633] : memref<1x8x32x8x128xf32, #tpu.memory_space<vmem>>, vector<1x1x1x8x128xf32>
    %swap3A_1635 = vector.shape_cast %swap3A_1634 : vector<1x1x1x8x128xf32> to vector<8x128xf32>
    %swap3A_1636 = vector.shape_cast %slice3A_1628 : vector<8x128xf32> to vector<1x1x1x8x128xf32>
    tpu.vector_store %arg4[%swap3A_1629, %swap3A_1630, %swap3A_1631, %swap3A_1632, %swap3A_1633], %swap3A_1636 {strides = array<i32>} : memref<1x8x32x8x128xf32, #tpu.memory_space<vmem>>, vector<1x1x1x8x128xf32>,
    %slice3A_1637 = vector.extract_strided_slice %add3A_26 {offsets = [40, 2432], sizes = [8, 128], strides = [1, 1]} : vector<64x4096xf32> to vector<8x128xf32>
    %swap3A_1638 = arith.constant 0 : index
    %swap3A_1639 = arith.constant 5 : index
    %swap3A_1640 = arith.constant 19 : index
    %swap3A_1641 = arith.constant 0 : index
    %swap3A_1642 = arith.constant 0 : index
    %swap3A_1643 = vector.load %arg4[%swap3A_1638, %swap3A_1639, %swap3A_1640, %swap3A_1641, %swap3A_1642] : memref<1x8x32x8x128xf32, #tpu.memory_space<vmem>>, vector<1x1x1x8x128xf32>
    %swap3A_1644 = vector.shape_cast %swap3A_1643 : vector<1x1x1x8x128xf32> to vector<8x128xf32>
    %swap3A_1645 = vector.shape_cast %slice3A_1637 : vector<8x128xf32> to vector<1x1x1x8x128xf32>
    tpu.vector_store %arg4[%swap3A_1638, %swap3A_1639, %swap3A_1640, %swap3A_1641, %swap3A_1642], %swap3A_1645 {strides = array<i32>} : memref<1x8x32x8x128xf32, #tpu.memory_space<vmem>>, vector<1x1x1x8x128xf32>,
    %slice3A_1646 = vector.extract_strided_slice %add3A_26 {offsets = [40, 2560], sizes = [8, 128], strides = [1, 1]} : vector<64x4096xf32> to vector<8x128xf32>
    %swap3A_1647 = arith.constant 0 : index
    %swap3A_1648 = arith.constant 5 : index
    %swap3A_1649 = arith.constant 20 : index
    %swap3A_1650 = arith.constant 0 : index
    %swap3A_1651 = arith.constant 0 : index
    %swap3A_1652 = vector.load %arg4[%swap3A_1647, %swap3A_1648, %swap3A_1649, %swap3A_1650, %swap3A_1651] : memref<1x8x32x8x128xf32, #tpu.memory_space<vmem>>, vector<1x1x1x8x128xf32>
    %swap3A_1653 = vector.shape_cast %swap3A_1652 : vector<1x1x1x8x128xf32> to vector<8x128xf32>
    %swap3A_1654 = vector.shape_cast %slice3A_1646 : vector<8x128xf32> to vector<1x1x1x8x128xf32>
    tpu.vector_store %arg4[%swap3A_1647, %swap3A_1648, %swap3A_1649, %swap3A_1650, %swap3A_1651], %swap3A_1654 {strides = array<i32>} : memref<1x8x32x8x128xf32, #tpu.memory_space<vmem>>, vector<1x1x1x8x128xf32>,
    %slice3A_1655 = vector.extract_strided_slice %add3A_26 {offsets = [40, 2688], sizes = [8, 128], strides = [1, 1]} : vector<64x4096xf32> to vector<8x128xf32>
    %swap3A_1656 = arith.constant 0 : index
    %swap3A_1657 = arith.constant 5 : index
    %swap3A_1658 = arith.constant 21 : index
    %swap3A_1659 = arith.constant 0 : index
    %swap3A_1660 = arith.constant 0 : index
    %swap3A_1661 = vector.load %arg4[%swap3A_1656, %swap3A_1657, %swap3A_1658, %swap3A_1659, %swap3A_1660] : memref<1x8x32x8x128xf32, #tpu.memory_space<vmem>>, vector<1x1x1x8x128xf32>
    %swap3A_1662 = vector.shape_cast %swap3A_1661 : vector<1x1x1x8x128xf32> to vector<8x128xf32>
    %swap3A_1663 = vector.shape_cast %slice3A_1655 : vector<8x128xf32> to vector<1x1x1x8x128xf32>
    tpu.vector_store %arg4[%swap3A_1656, %swap3A_1657, %swap3A_1658, %swap3A_1659, %swap3A_1660], %swap3A_1663 {strides = array<i32>} : memref<1x8x32x8x128xf32, #tpu.memory_space<vmem>>, vector<1x1x1x8x128xf32>,
    %slice3A_1664 = vector.extract_strided_slice %add3A_26 {offsets = [40, 2816], sizes = [8, 128], strides = [1, 1]} : vector<64x4096xf32> to vector<8x128xf32>
    %swap3A_1665 = arith.constant 0 : index
    %swap3A_1666 = arith.constant 5 : index
    %swap3A_1667 = arith.constant 22 : index
    %swap3A_1668 = arith.constant 0 : index
    %swap3A_1669 = arith.constant 0 : index
    %swap3A_1670 = vector.load %arg4[%swap3A_1665, %swap3A_1666, %swap3A_1667, %swap3A_1668, %swap3A_1669] : memref<1x8x32x8x128xf32, #tpu.memory_space<vmem>>, vector<1x1x1x8x128xf32>
    %swap3A_1671 = vector.shape_cast %swap3A_1670 : vector<1x1x1x8x128xf32> to vector<8x128xf32>
    %swap3A_1672 = vector.shape_cast %slice3A_1664 : vector<8x128xf32> to vector<1x1x1x8x128xf32>
    tpu.vector_store %arg4[%swap3A_1665, %swap3A_1666, %swap3A_1667, %swap3A_1668, %swap3A_1669], %swap3A_1672 {strides = array<i32>} : memref<1x8x32x8x128xf32, #tpu.memory_space<vmem>>, vector<1x1x1x8x128xf32>,
    %slice3A_1673 = vector.extract_strided_slice %add3A_26 {offsets = [40, 2944], sizes = [8, 128], strides = [1, 1]} : vector<64x4096xf32> to vector<8x128xf32>
    %swap3A_1674 = arith.constant 0 : index
    %swap3A_1675 = arith.constant 5 : index
    %swap3A_1676 = arith.constant 23 : index
    %swap3A_1677 = arith.constant 0 : index
    %swap3A_1678 = arith.constant 0 : index
    %swap3A_1679 = vector.load %arg4[%swap3A_1674, %swap3A_1675, %swap3A_1676, %swap3A_1677, %swap3A_1678] : memref<1x8x32x8x128xf32, #tpu.memory_space<vmem>>, vector<1x1x1x8x128xf32>
    %swap3A_1680 = vector.shape_cast %swap3A_1679 : vector<1x1x1x8x128xf32> to vector<8x128xf32>
    %swap3A_1681 = vector.shape_cast %slice3A_1673 : vector<8x128xf32> to vector<1x1x1x8x128xf32>
    tpu.vector_store %arg4[%swap3A_1674, %swap3A_1675, %swap3A_1676, %swap3A_1677, %swap3A_1678], %swap3A_1681 {strides = array<i32>} : memref<1x8x32x8x128xf32, #tpu.memory_space<vmem>>, vector<1x1x1x8x128xf32>,
    %slice3A_1682 = vector.extract_strided_slice %add3A_26 {offsets = [40, 3072], sizes = [8, 128], strides = [1, 1]} : vector<64x4096xf32> to vector<8x128xf32>
    %swap3A_1683 = arith.constant 0 : index
    %swap3A_1684 = arith.constant 5 : index
    %swap3A_1685 = arith.constant 24 : index
    %swap3A_1686 = arith.constant 0 : index
    %swap3A_1687 = arith.constant 0 : index
    %swap3A_1688 = vector.load %arg4[%swap3A_1683, %swap3A_1684, %swap3A_1685, %swap3A_1686, %swap3A_1687] : memref<1x8x32x8x128xf32, #tpu.memory_space<vmem>>, vector<1x1x1x8x128xf32>
    %swap3A_1689 = vector.shape_cast %swap3A_1688 : vector<1x1x1x8x128xf32> to vector<8x128xf32>
    %swap3A_1690 = vector.shape_cast %slice3A_1682 : vector<8x128xf32> to vector<1x1x1x8x128xf32>
    tpu.vector_store %arg4[%swap3A_1683, %swap3A_1684, %swap3A_1685, %swap3A_1686, %swap3A_1687], %swap3A_1690 {strides = array<i32>} : memref<1x8x32x8x128xf32, #tpu.memory_space<vmem>>, vector<1x1x1x8x128xf32>,
    %slice3A_1691 = vector.extract_strided_slice %add3A_26 {offsets = [40, 3200], sizes = [8, 128], strides = [1, 1]} : vector<64x4096xf32> to vector<8x128xf32>
    %swap3A_1692 = arith.constant 0 : index
    %swap3A_1693 = arith.constant 5 : index
    %swap3A_1694 = arith.constant 25 : index
    %swap3A_1695 = arith.constant 0 : index
    %swap3A_1696 = arith.constant 0 : index
    %swap3A_1697 = vector.load %arg4[%swap3A_1692, %swap3A_1693, %swap3A_1694, %swap3A_1695, %swap3A_1696] : memref<1x8x32x8x128xf32, #tpu.memory_space<vmem>>, vector<1x1x1x8x128xf32>
    %swap3A_1698 = vector.shape_cast %swap3A_1697 : vector<1x1x1x8x128xf32> to vector<8x128xf32>
    %swap3A_1699 = vector.shape_cast %slice3A_1691 : vector<8x128xf32> to vector<1x1x1x8x128xf32>
    tpu.vector_store %arg4[%swap3A_1692, %swap3A_1693, %swap3A_1694, %swap3A_1695, %swap3A_1696], %swap3A_1699 {strides = array<i32>} : memref<1x8x32x8x128xf32, #tpu.memory_space<vmem>>, vector<1x1x1x8x128xf32>,
    %slice3A_1700 = vector.extract_strided_slice %add3A_26 {offsets = [40, 3328], sizes = [8, 128], strides = [1, 1]} : vector<64x4096xf32> to vector<8x128xf32>
    %swap3A_1701 = arith.constant 0 : index
    %swap3A_1702 = arith.constant 5 : index
    %swap3A_1703 = arith.constant 26 : index
    %swap3A_1704 = arith.constant 0 : index
    %swap3A_1705 = arith.constant 0 : index
    %swap3A_1706 = vector.load %arg4[%swap3A_1701, %swap3A_1702, %swap3A_1703, %swap3A_1704, %swap3A_1705] : memref<1x8x32x8x128xf32, #tpu.memory_space<vmem>>, vector<1x1x1x8x128xf32>
    %swap3A_1707 = vector.shape_cast %swap3A_1706 : vector<1x1x1x8x128xf32> to vector<8x128xf32>
    %swap3A_1708 = vector.shape_cast %slice3A_1700 : vector<8x128xf32> to vector<1x1x1x8x128xf32>
    tpu.vector_store %arg4[%swap3A_1701, %swap3A_1702, %swap3A_1703, %swap3A_1704, %swap3A_1705], %swap3A_1708 {strides = array<i32>} : memref<1x8x32x8x128xf32, #tpu.memory_space<vmem>>, vector<1x1x1x8x128xf32>,
    %slice3A_1709 = vector.extract_strided_slice %add3A_26 {offsets = [40, 3456], sizes = [8, 128], strides = [1, 1]} : vector<64x4096xf32> to vector<8x128xf32>
    %swap3A_1710 = arith.constant 0 : index
    %swap3A_1711 = arith.constant 5 : index
    %swap3A_1712 = arith.constant 27 : index
    %swap3A_1713 = arith.constant 0 : index
    %swap3A_1714 = arith.constant 0 : index
    %swap3A_1715 = vector.load %arg4[%swap3A_1710, %swap3A_1711, %swap3A_1712, %swap3A_1713, %swap3A_1714] : memref<1x8x32x8x128xf32, #tpu.memory_space<vmem>>, vector<1x1x1x8x128xf32>
    %swap3A_1716 = vector.shape_cast %swap3A_1715 : vector<1x1x1x8x128xf32> to vector<8x128xf32>
    %swap3A_1717 = vector.shape_cast %slice3A_1709 : vector<8x128xf32> to vector<1x1x1x8x128xf32>
    tpu.vector_store %arg4[%swap3A_1710, %swap3A_1711, %swap3A_1712, %swap3A_1713, %swap3A_1714], %swap3A_1717 {strides = array<i32>} : memref<1x8x32x8x128xf32, #tpu.memory_space<vmem>>, vector<1x1x1x8x128xf32>,
    %slice3A_1718 = vector.extract_strided_slice %add3A_26 {offsets = [40, 3584], sizes = [8, 128], strides = [1, 1]} : vector<64x4096xf32> to vector<8x128xf32>
    %swap3A_1719 = arith.constant 0 : index
    %swap3A_1720 = arith.constant 5 : index
    %swap3A_1721 = arith.constant 28 : index
    %swap3A_1722 = arith.constant 0 : index
    %swap3A_1723 = arith.constant 0 : index
    %swap3A_1724 = vector.load %arg4[%swap3A_1719, %swap3A_1720, %swap3A_1721, %swap3A_1722, %swap3A_1723] : memref<1x8x32x8x128xf32, #tpu.memory_space<vmem>>, vector<1x1x1x8x128xf32>
    %swap3A_1725 = vector.shape_cast %swap3A_1724 : vector<1x1x1x8x128xf32> to vector<8x128xf32>
    %swap3A_1726 = vector.shape_cast %slice3A_1718 : vector<8x128xf32> to vector<1x1x1x8x128xf32>
    tpu.vector_store %arg4[%swap3A_1719, %swap3A_1720, %swap3A_1721, %swap3A_1722, %swap3A_1723], %swap3A_1726 {strides = array<i32>} : memref<1x8x32x8x128xf32, #tpu.memory_space<vmem>>, vector<1x1x1x8x128xf32>,
    %slice3A_1727 = vector.extract_strided_slice %add3A_26 {offsets = [40, 3712], sizes = [8, 128], strides = [1, 1]} : vector<64x4096xf32> to vector<8x128xf32>
    %swap3A_1728 = arith.constant 0 : index
    %swap3A_1729 = arith.constant 5 : index
    %swap3A_1730 = arith.constant 29 : index
    %swap3A_1731 = arith.constant 0 : index
    %swap3A_1732 = arith.constant 0 : index
    %swap3A_1733 = vector.load %arg4[%swap3A_1728, %swap3A_1729, %swap3A_1730, %swap3A_1731, %swap3A_1732] : memref<1x8x32x8x128xf32, #tpu.memory_space<vmem>>, vector<1x1x1x8x128xf32>
    %swap3A_1734 = vector.shape_cast %swap3A_1733 : vector<1x1x1x8x128xf32> to vector<8x128xf32>
    %swap3A_1735 = vector.shape_cast %slice3A_1727 : vector<8x128xf32> to vector<1x1x1x8x128xf32>
    tpu.vector_store %arg4[%swap3A_1728, %swap3A_1729, %swap3A_1730, %swap3A_1731, %swap3A_1732], %swap3A_1735 {strides = array<i32>} : memref<1x8x32x8x128xf32, #tpu.memory_space<vmem>>, vector<1x1x1x8x128xf32>,
    %slice3A_1736 = vector.extract_strided_slice %add3A_26 {offsets = [40, 3840], sizes = [8, 128], strides = [1, 1]} : vector<64x4096xf32> to vector<8x128xf32>
    %swap3A_1737 = arith.constant 0 : index
    %swap3A_1738 = arith.constant 5 : index
    %swap3A_1739 = arith.constant 30 : index
    %swap3A_1740 = arith.constant 0 : index
    %swap3A_1741 = arith.constant 0 : index
    %swap3A_1742 = vector.load %arg4[%swap3A_1737, %swap3A_1738, %swap3A_1739, %swap3A_1740, %swap3A_1741] : memref<1x8x32x8x128xf32, #tpu.memory_space<vmem>>, vector<1x1x1x8x128xf32>
    %swap3A_1743 = vector.shape_cast %swap3A_1742 : vector<1x1x1x8x128xf32> to vector<8x128xf32>
    %swap3A_1744 = vector.shape_cast %slice3A_1736 : vector<8x128xf32> to vector<1x1x1x8x128xf32>
    tpu.vector_store %arg4[%swap3A_1737, %swap3A_1738, %swap3A_1739, %swap3A_1740, %swap3A_1741], %swap3A_1744 {strides = array<i32>} : memref<1x8x32x8x128xf32, #tpu.memory_space<vmem>>, vector<1x1x1x8x128xf32>,
    %slice3A_1745 = vector.extract_strided_slice %add3A_26 {offsets = [40, 3968], sizes = [8, 128], strides = [1, 1]} : vector<64x4096xf32> to vector<8x128xf32>
    %swap3A_1746 = arith.constant 0 : index
    %swap3A_1747 = arith.constant 5 : index
    %swap3A_1748 = arith.constant 31 : index
    %swap3A_1749 = arith.constant 0 : index
    %swap3A_1750 = arith.constant 0 : index
    %swap3A_1751 = vector.load %arg4[%swap3A_1746, %swap3A_1747, %swap3A_1748, %swap3A_1749, %swap3A_1750] : memref<1x8x32x8x128xf32, #tpu.memory_space<vmem>>, vector<1x1x1x8x128xf32>
    %swap3A_1752 = vector.shape_cast %swap3A_1751 : vector<1x1x1x8x128xf32> to vector<8x128xf32>
    %swap3A_1753 = vector.shape_cast %slice3A_1745 : vector<8x128xf32> to vector<1x1x1x8x128xf32>
    tpu.vector_store %arg4[%swap3A_1746, %swap3A_1747, %swap3A_1748, %swap3A_1749, %swap3A_1750], %swap3A_1753 {strides = array<i32>} : memref<1x8x32x8x128xf32, #tpu.memory_space<vmem>>, vector<1x1x1x8x128xf32>,
    %slice3A_1754 = vector.extract_strided_slice %add3A_26 {offsets = [48, 0], sizes = [8, 128], strides = [1, 1]} : vector<64x4096xf32> to vector<8x128xf32>
    %swap3A_1755 = arith.constant 0 : index
    %swap3A_1756 = arith.constant 6 : index
    %swap3A_1757 = arith.constant 0 : index
    %swap3A_1758 = arith.constant 0 : index
    %swap3A_1759 = arith.constant 0 : index
    %swap3A_1760 = vector.load %arg4[%swap3A_1755, %swap3A_1756, %swap3A_1757, %swap3A_1758, %swap3A_1759] : memref<1x8x32x8x128xf32, #tpu.memory_space<vmem>>, vector<1x1x1x8x128xf32>
    %swap3A_1761 = vector.shape_cast %swap3A_1760 : vector<1x1x1x8x128xf32> to vector<8x128xf32>
    %swap3A_1762 = vector.shape_cast %slice3A_1754 : vector<8x128xf32> to vector<1x1x1x8x128xf32>
    tpu.vector_store %arg4[%swap3A_1755, %swap3A_1756, %swap3A_1757, %swap3A_1758, %swap3A_1759], %swap3A_1762 {strides = array<i32>} : memref<1x8x32x8x128xf32, #tpu.memory_space<vmem>>, vector<1x1x1x8x128xf32>,
    %slice3A_1763 = vector.extract_strided_slice %add3A_26 {offsets = [48, 128], sizes = [8, 128], strides = [1, 1]} : vector<64x4096xf32> to vector<8x128xf32>
    %swap3A_1764 = arith.constant 0 : index
    %swap3A_1765 = arith.constant 6 : index
    %swap3A_1766 = arith.constant 1 : index
    %swap3A_1767 = arith.constant 0 : index
    %swap3A_1768 = arith.constant 0 : index
    %swap3A_1769 = vector.load %arg4[%swap3A_1764, %swap3A_1765, %swap3A_1766, %swap3A_1767, %swap3A_1768] : memref<1x8x32x8x128xf32, #tpu.memory_space<vmem>>, vector<1x1x1x8x128xf32>
    %swap3A_1770 = vector.shape_cast %swap3A_1769 : vector<1x1x1x8x128xf32> to vector<8x128xf32>
    %swap3A_1771 = vector.shape_cast %slice3A_1763 : vector<8x128xf32> to vector<1x1x1x8x128xf32>
    tpu.vector_store %arg4[%swap3A_1764, %swap3A_1765, %swap3A_1766, %swap3A_1767, %swap3A_1768], %swap3A_1771 {strides = array<i32>} : memref<1x8x32x8x128xf32, #tpu.memory_space<vmem>>, vector<1x1x1x8x128xf32>,
    %slice3A_1772 = vector.extract_strided_slice %add3A_26 {offsets = [48, 256], sizes = [8, 128], strides = [1, 1]} : vector<64x4096xf32> to vector<8x128xf32>
    %swap3A_1773 = arith.constant 0 : index
    %swap3A_1774 = arith.constant 6 : index
    %swap3A_1775 = arith.constant 2 : index
    %swap3A_1776 = arith.constant 0 : index
    %swap3A_1777 = arith.constant 0 : index
    %swap3A_1778 = vector.load %arg4[%swap3A_1773, %swap3A_1774, %swap3A_1775, %swap3A_1776, %swap3A_1777] : memref<1x8x32x8x128xf32, #tpu.memory_space<vmem>>, vector<1x1x1x8x128xf32>
    %swap3A_1779 = vector.shape_cast %swap3A_1778 : vector<1x1x1x8x128xf32> to vector<8x128xf32>
    %swap3A_1780 = vector.shape_cast %slice3A_1772 : vector<8x128xf32> to vector<1x1x1x8x128xf32>
    tpu.vector_store %arg4[%swap3A_1773, %swap3A_1774, %swap3A_1775, %swap3A_1776, %swap3A_1777], %swap3A_1780 {strides = array<i32>} : memref<1x8x32x8x128xf32, #tpu.memory_space<vmem>>, vector<1x1x1x8x128xf32>,
    %slice3A_1781 = vector.extract_strided_slice %add3A_26 {offsets = [48, 384], sizes = [8, 128], strides = [1, 1]} : vector<64x4096xf32> to vector<8x128xf32>
    %swap3A_1782 = arith.constant 0 : index
    %swap3A_1783 = arith.constant 6 : index
    %swap3A_1784 = arith.constant 3 : index
    %swap3A_1785 = arith.constant 0 : index
    %swap3A_1786 = arith.constant 0 : index
    %swap3A_1787 = vector.load %arg4[%swap3A_1782, %swap3A_1783, %swap3A_1784, %swap3A_1785, %swap3A_1786] : memref<1x8x32x8x128xf32, #tpu.memory_space<vmem>>, vector<1x1x1x8x128xf32>
    %swap3A_1788 = vector.shape_cast %swap3A_1787 : vector<1x1x1x8x128xf32> to vector<8x128xf32>
    %swap3A_1789 = vector.shape_cast %slice3A_1781 : vector<8x128xf32> to vector<1x1x1x8x128xf32>
    tpu.vector_store %arg4[%swap3A_1782, %swap3A_1783, %swap3A_1784, %swap3A_1785, %swap3A_1786], %swap3A_1789 {strides = array<i32>} : memref<1x8x32x8x128xf32, #tpu.memory_space<vmem>>, vector<1x1x1x8x128xf32>,
    %slice3A_1790 = vector.extract_strided_slice %add3A_26 {offsets = [48, 512], sizes = [8, 128], strides = [1, 1]} : vector<64x4096xf32> to vector<8x128xf32>
    %swap3A_1791 = arith.constant 0 : index
    %swap3A_1792 = arith.constant 6 : index
    %swap3A_1793 = arith.constant 4 : index
    %swap3A_1794 = arith.constant 0 : index
    %swap3A_1795 = arith.constant 0 : index
    %swap3A_1796 = vector.load %arg4[%swap3A_1791, %swap3A_1792, %swap3A_1793, %swap3A_1794, %swap3A_1795] : memref<1x8x32x8x128xf32, #tpu.memory_space<vmem>>, vector<1x1x1x8x128xf32>
    %swap3A_1797 = vector.shape_cast %swap3A_1796 : vector<1x1x1x8x128xf32> to vector<8x128xf32>
    %swap3A_1798 = vector.shape_cast %slice3A_1790 : vector<8x128xf32> to vector<1x1x1x8x128xf32>
    tpu.vector_store %arg4[%swap3A_1791, %swap3A_1792, %swap3A_1793, %swap3A_1794, %swap3A_1795], %swap3A_1798 {strides = array<i32>} : memref<1x8x32x8x128xf32, #tpu.memory_space<vmem>>, vector<1x1x1x8x128xf32>,
    %slice3A_1799 = vector.extract_strided_slice %add3A_26 {offsets = [48, 640], sizes = [8, 128], strides = [1, 1]} : vector<64x4096xf32> to vector<8x128xf32>
    %swap3A_1800 = arith.constant 0 : index
    %swap3A_1801 = arith.constant 6 : index
    %swap3A_1802 = arith.constant 5 : index
    %swap3A_1803 = arith.constant 0 : index
    %swap3A_1804 = arith.constant 0 : index
    %swap3A_1805 = vector.load %arg4[%swap3A_1800, %swap3A_1801, %swap3A_1802, %swap3A_1803, %swap3A_1804] : memref<1x8x32x8x128xf32, #tpu.memory_space<vmem>>, vector<1x1x1x8x128xf32>
    %swap3A_1806 = vector.shape_cast %swap3A_1805 : vector<1x1x1x8x128xf32> to vector<8x128xf32>
    %swap3A_1807 = vector.shape_cast %slice3A_1799 : vector<8x128xf32> to vector<1x1x1x8x128xf32>
    tpu.vector_store %arg4[%swap3A_1800, %swap3A_1801, %swap3A_1802, %swap3A_1803, %swap3A_1804], %swap3A_1807 {strides = array<i32>} : memref<1x8x32x8x128xf32, #tpu.memory_space<vmem>>, vector<1x1x1x8x128xf32>,
    %slice3A_1808 = vector.extract_strided_slice %add3A_26 {offsets = [48, 768], sizes = [8, 128], strides = [1, 1]} : vector<64x4096xf32> to vector<8x128xf32>
    %swap3A_1809 = arith.constant 0 : index
    %swap3A_1810 = arith.constant 6 : index
    %swap3A_1811 = arith.constant 6 : index
    %swap3A_1812 = arith.constant 0 : index
    %swap3A_1813 = arith.constant 0 : index
    %swap3A_1814 = vector.load %arg4[%swap3A_1809, %swap3A_1810, %swap3A_1811, %swap3A_1812, %swap3A_1813] : memref<1x8x32x8x128xf32, #tpu.memory_space<vmem>>, vector<1x1x1x8x128xf32>
    %swap3A_1815 = vector.shape_cast %swap3A_1814 : vector<1x1x1x8x128xf32> to vector<8x128xf32>
    %swap3A_1816 = vector.shape_cast %slice3A_1808 : vector<8x128xf32> to vector<1x1x1x8x128xf32>
    tpu.vector_store %arg4[%swap3A_1809, %swap3A_1810, %swap3A_1811, %swap3A_1812, %swap3A_1813], %swap3A_1816 {strides = array<i32>} : memref<1x8x32x8x128xf32, #tpu.memory_space<vmem>>, vector<1x1x1x8x128xf32>,
    %slice3A_1817 = vector.extract_strided_slice %add3A_26 {offsets = [48, 896], sizes = [8, 128], strides = [1, 1]} : vector<64x4096xf32> to vector<8x128xf32>
    %swap3A_1818 = arith.constant 0 : index
    %swap3A_1819 = arith.constant 6 : index
    %swap3A_1820 = arith.constant 7 : index
    %swap3A_1821 = arith.constant 0 : index
    %swap3A_1822 = arith.constant 0 : index
    %swap3A_1823 = vector.load %arg4[%swap3A_1818, %swap3A_1819, %swap3A_1820, %swap3A_1821, %swap3A_1822] : memref<1x8x32x8x128xf32, #tpu.memory_space<vmem>>, vector<1x1x1x8x128xf32>
    %swap3A_1824 = vector.shape_cast %swap3A_1823 : vector<1x1x1x8x128xf32> to vector<8x128xf32>
    %swap3A_1825 = vector.shape_cast %slice3A_1817 : vector<8x128xf32> to vector<1x1x1x8x128xf32>
    tpu.vector_store %arg4[%swap3A_1818, %swap3A_1819, %swap3A_1820, %swap3A_1821, %swap3A_1822], %swap3A_1825 {strides = array<i32>} : memref<1x8x32x8x128xf32, #tpu.memory_space<vmem>>, vector<1x1x1x8x128xf32>,
    %slice3A_1826 = vector.extract_strided_slice %add3A_26 {offsets = [48, 1024], sizes = [8, 128], strides = [1, 1]} : vector<64x4096xf32> to vector<8x128xf32>
    %swap3A_1827 = arith.constant 0 : index
    %swap3A_1828 = arith.constant 6 : index
    %swap3A_1829 = arith.constant 8 : index
    %swap3A_1830 = arith.constant 0 : index
    %swap3A_1831 = arith.constant 0 : index
    %swap3A_1832 = vector.load %arg4[%swap3A_1827, %swap3A_1828, %swap3A_1829, %swap3A_1830, %swap3A_1831] : memref<1x8x32x8x128xf32, #tpu.memory_space<vmem>>, vector<1x1x1x8x128xf32>
    %swap3A_1833 = vector.shape_cast %swap3A_1832 : vector<1x1x1x8x128xf32> to vector<8x128xf32>
    %swap3A_1834 = vector.shape_cast %slice3A_1826 : vector<8x128xf32> to vector<1x1x1x8x128xf32>
    tpu.vector_store %arg4[%swap3A_1827, %swap3A_1828, %swap3A_1829, %swap3A_1830, %swap3A_1831], %swap3A_1834 {strides = array<i32>} : memref<1x8x32x8x128xf32, #tpu.memory_space<vmem>>, vector<1x1x1x8x128xf32>,
    %slice3A_1835 = vector.extract_strided_slice %add3A_26 {offsets = [48, 1152], sizes = [8, 128], strides = [1, 1]} : vector<64x4096xf32> to vector<8x128xf32>
    %swap3A_1836 = arith.constant 0 : index
    %swap3A_1837 = arith.constant 6 : index
    %swap3A_1838 = arith.constant 9 : index
    %swap3A_1839 = arith.constant 0 : index
    %swap3A_1840 = arith.constant 0 : index
    %swap3A_1841 = vector.load %arg4[%swap3A_1836, %swap3A_1837, %swap3A_1838, %swap3A_1839, %swap3A_1840] : memref<1x8x32x8x128xf32, #tpu.memory_space<vmem>>, vector<1x1x1x8x128xf32>
    %swap3A_1842 = vector.shape_cast %swap3A_1841 : vector<1x1x1x8x128xf32> to vector<8x128xf32>
    %swap3A_1843 = vector.shape_cast %slice3A_1835 : vector<8x128xf32> to vector<1x1x1x8x128xf32>
    tpu.vector_store %arg4[%swap3A_1836, %swap3A_1837, %swap3A_1838, %swap3A_1839, %swap3A_1840], %swap3A_1843 {strides = array<i32>} : memref<1x8x32x8x128xf32, #tpu.memory_space<vmem>>, vector<1x1x1x8x128xf32>,
    %slice3A_1844 = vector.extract_strided_slice %add3A_26 {offsets = [48, 1280], sizes = [8, 128], strides = [1, 1]} : vector<64x4096xf32> to vector<8x128xf32>
    %swap3A_1845 = arith.constant 0 : index
    %swap3A_1846 = arith.constant 6 : index
    %swap3A_1847 = arith.constant 10 : index
    %swap3A_1848 = arith.constant 0 : index
    %swap3A_1849 = arith.constant 0 : index
    %swap3A_1850 = vector.load %arg4[%swap3A_1845, %swap3A_1846, %swap3A_1847, %swap3A_1848, %swap3A_1849] : memref<1x8x32x8x128xf32, #tpu.memory_space<vmem>>, vector<1x1x1x8x128xf32>
    %swap3A_1851 = vector.shape_cast %swap3A_1850 : vector<1x1x1x8x128xf32> to vector<8x128xf32>
    %swap3A_1852 = vector.shape_cast %slice3A_1844 : vector<8x128xf32> to vector<1x1x1x8x128xf32>
    tpu.vector_store %arg4[%swap3A_1845, %swap3A_1846, %swap3A_1847, %swap3A_1848, %swap3A_1849], %swap3A_1852 {strides = array<i32>} : memref<1x8x32x8x128xf32, #tpu.memory_space<vmem>>, vector<1x1x1x8x128xf32>,
    %slice3A_1853 = vector.extract_strided_slice %add3A_26 {offsets = [48, 1408], sizes = [8, 128], strides = [1, 1]} : vector<64x4096xf32> to vector<8x128xf32>
    %swap3A_1854 = arith.constant 0 : index
    %swap3A_1855 = arith.constant 6 : index
    %swap3A_1856 = arith.constant 11 : index
    %swap3A_1857 = arith.constant 0 : index
    %swap3A_1858 = arith.constant 0 : index
    %swap3A_1859 = vector.load %arg4[%swap3A_1854, %swap3A_1855, %swap3A_1856, %swap3A_1857, %swap3A_1858] : memref<1x8x32x8x128xf32, #tpu.memory_space<vmem>>, vector<1x1x1x8x128xf32>
    %swap3A_1860 = vector.shape_cast %swap3A_1859 : vector<1x1x1x8x128xf32> to vector<8x128xf32>
    %swap3A_1861 = vector.shape_cast %slice3A_1853 : vector<8x128xf32> to vector<1x1x1x8x128xf32>
    tpu.vector_store %arg4[%swap3A_1854, %swap3A_1855, %swap3A_1856, %swap3A_1857, %swap3A_1858], %swap3A_1861 {strides = array<i32>} : memref<1x8x32x8x128xf32, #tpu.memory_space<vmem>>, vector<1x1x1x8x128xf32>,
    %slice3A_1862 = vector.extract_strided_slice %add3A_26 {offsets = [48, 1536], sizes = [8, 128], strides = [1, 1]} : vector<64x4096xf32> to vector<8x128xf32>
    %swap3A_1863 = arith.constant 0 : index
    %swap3A_1864 = arith.constant 6 : index
    %swap3A_1865 = arith.constant 12 : index
    %swap3A_1866 = arith.constant 0 : index
    %swap3A_1867 = arith.constant 0 : index
    %swap3A_1868 = vector.load %arg4[%swap3A_1863, %swap3A_1864, %swap3A_1865, %swap3A_1866, %swap3A_1867] : memref<1x8x32x8x128xf32, #tpu.memory_space<vmem>>, vector<1x1x1x8x128xf32>
    %swap3A_1869 = vector.shape_cast %swap3A_1868 : vector<1x1x1x8x128xf32> to vector<8x128xf32>
    %swap3A_1870 = vector.shape_cast %slice3A_1862 : vector<8x128xf32> to vector<1x1x1x8x128xf32>
    tpu.vector_store %arg4[%swap3A_1863, %swap3A_1864, %swap3A_1865, %swap3A_1866, %swap3A_1867], %swap3A_1870 {strides = array<i32>} : memref<1x8x32x8x128xf32, #tpu.memory_space<vmem>>, vector<1x1x1x8x128xf32>,
    %slice3A_1871 = vector.extract_strided_slice %add3A_26 {offsets = [48, 1664], sizes = [8, 128], strides = [1, 1]} : vector<64x4096xf32> to vector<8x128xf32>
    %swap3A_1872 = arith.constant 0 : index
    %swap3A_1873 = arith.constant 6 : index
    %swap3A_1874 = arith.constant 13 : index
    %swap3A_1875 = arith.constant 0 : index
    %swap3A_1876 = arith.constant 0 : index
    %swap3A_1877 = vector.load %arg4[%swap3A_1872, %swap3A_1873, %swap3A_1874, %swap3A_1875, %swap3A_1876] : memref<1x8x32x8x128xf32, #tpu.memory_space<vmem>>, vector<1x1x1x8x128xf32>
    %swap3A_1878 = vector.shape_cast %swap3A_1877 : vector<1x1x1x8x128xf32> to vector<8x128xf32>
    %swap3A_1879 = vector.shape_cast %slice3A_1871 : vector<8x128xf32> to vector<1x1x1x8x128xf32>
    tpu.vector_store %arg4[%swap3A_1872, %swap3A_1873, %swap3A_1874, %swap3A_1875, %swap3A_1876], %swap3A_1879 {strides = array<i32>} : memref<1x8x32x8x128xf32, #tpu.memory_space<vmem>>, vector<1x1x1x8x128xf32>,
    %slice3A_1880 = vector.extract_strided_slice %add3A_26 {offsets = [48, 1792], sizes = [8, 128], strides = [1, 1]} : vector<64x4096xf32> to vector<8x128xf32>
    %swap3A_1881 = arith.constant 0 : index
    %swap3A_1882 = arith.constant 6 : index
    %swap3A_1883 = arith.constant 14 : index
    %swap3A_1884 = arith.constant 0 : index
    %swap3A_1885 = arith.constant 0 : index
    %swap3A_1886 = vector.load %arg4[%swap3A_1881, %swap3A_1882, %swap3A_1883, %swap3A_1884, %swap3A_1885] : memref<1x8x32x8x128xf32, #tpu.memory_space<vmem>>, vector<1x1x1x8x128xf32>
    %swap3A_1887 = vector.shape_cast %swap3A_1886 : vector<1x1x1x8x128xf32> to vector<8x128xf32>
    %swap3A_1888 = vector.shape_cast %slice3A_1880 : vector<8x128xf32> to vector<1x1x1x8x128xf32>
    tpu.vector_store %arg4[%swap3A_1881, %swap3A_1882, %swap3A_1883, %swap3A_1884, %swap3A_1885], %swap3A_1888 {strides = array<i32>} : memref<1x8x32x8x128xf32, #tpu.memory_space<vmem>>, vector<1x1x1x8x128xf32>,
    %slice3A_1889 = vector.extract_strided_slice %add3A_26 {offsets = [48, 1920], sizes = [8, 128], strides = [1, 1]} : vector<64x4096xf32> to vector<8x128xf32>
    %swap3A_1890 = arith.constant 0 : index
    %swap3A_1891 = arith.constant 6 : index
    %swap3A_1892 = arith.constant 15 : index
    %swap3A_1893 = arith.constant 0 : index
    %swap3A_1894 = arith.constant 0 : index
    %swap3A_1895 = vector.load %arg4[%swap3A_1890, %swap3A_1891, %swap3A_1892, %swap3A_1893, %swap3A_1894] : memref<1x8x32x8x128xf32, #tpu.memory_space<vmem>>, vector<1x1x1x8x128xf32>
    %swap3A_1896 = vector.shape_cast %swap3A_1895 : vector<1x1x1x8x128xf32> to vector<8x128xf32>
    %swap3A_1897 = vector.shape_cast %slice3A_1889 : vector<8x128xf32> to vector<1x1x1x8x128xf32>
    tpu.vector_store %arg4[%swap3A_1890, %swap3A_1891, %swap3A_1892, %swap3A_1893, %swap3A_1894], %swap3A_1897 {strides = array<i32>} : memref<1x8x32x8x128xf32, #tpu.memory_space<vmem>>, vector<1x1x1x8x128xf32>,
    %slice3A_1898 = vector.extract_strided_slice %add3A_26 {offsets = [48, 2048], sizes = [8, 128], strides = [1, 1]} : vector<64x4096xf32> to vector<8x128xf32>
    %swap3A_1899 = arith.constant 0 : index
    %swap3A_1900 = arith.constant 6 : index
    %swap3A_1901 = arith.constant 16 : index
    %swap3A_1902 = arith.constant 0 : index
    %swap3A_1903 = arith.constant 0 : index
    %swap3A_1904 = vector.load %arg4[%swap3A_1899, %swap3A_1900, %swap3A_1901, %swap3A_1902, %swap3A_1903] : memref<1x8x32x8x128xf32, #tpu.memory_space<vmem>>, vector<1x1x1x8x128xf32>
    %swap3A_1905 = vector.shape_cast %swap3A_1904 : vector<1x1x1x8x128xf32> to vector<8x128xf32>
    %swap3A_1906 = vector.shape_cast %slice3A_1898 : vector<8x128xf32> to vector<1x1x1x8x128xf32>
    tpu.vector_store %arg4[%swap3A_1899, %swap3A_1900, %swap3A_1901, %swap3A_1902, %swap3A_1903], %swap3A_1906 {strides = array<i32>} : memref<1x8x32x8x128xf32, #tpu.memory_space<vmem>>, vector<1x1x1x8x128xf32>,
    %slice3A_1907 = vector.extract_strided_slice %add3A_26 {offsets = [48, 2176], sizes = [8, 128], strides = [1, 1]} : vector<64x4096xf32> to vector<8x128xf32>
    %swap3A_1908 = arith.constant 0 : index
    %swap3A_1909 = arith.constant 6 : index
    %swap3A_1910 = arith.constant 17 : index
    %swap3A_1911 = arith.constant 0 : index
    %swap3A_1912 = arith.constant 0 : index
    %swap3A_1913 = vector.load %arg4[%swap3A_1908, %swap3A_1909, %swap3A_1910, %swap3A_1911, %swap3A_1912] : memref<1x8x32x8x128xf32, #tpu.memory_space<vmem>>, vector<1x1x1x8x128xf32>
    %swap3A_1914 = vector.shape_cast %swap3A_1913 : vector<1x1x1x8x128xf32> to vector<8x128xf32>
    %swap3A_1915 = vector.shape_cast %slice3A_1907 : vector<8x128xf32> to vector<1x1x1x8x128xf32>
    tpu.vector_store %arg4[%swap3A_1908, %swap3A_1909, %swap3A_1910, %swap3A_1911, %swap3A_1912], %swap3A_1915 {strides = array<i32>} : memref<1x8x32x8x128xf32, #tpu.memory_space<vmem>>, vector<1x1x1x8x128xf32>,
    %slice3A_1916 = vector.extract_strided_slice %add3A_26 {offsets = [48, 2304], sizes = [8, 128], strides = [1, 1]} : vector<64x4096xf32> to vector<8x128xf32>
    %swap3A_1917 = arith.constant 0 : index
    %swap3A_1918 = arith.constant 6 : index
    %swap3A_1919 = arith.constant 18 : index
    %swap3A_1920 = arith.constant 0 : index
    %swap3A_1921 = arith.constant 0 : index
    %swap3A_1922 = vector.load %arg4[%swap3A_1917, %swap3A_1918, %swap3A_1919, %swap3A_1920, %swap3A_1921] : memref<1x8x32x8x128xf32, #tpu.memory_space<vmem>>, vector<1x1x1x8x128xf32>
    %swap3A_1923 = vector.shape_cast %swap3A_1922 : vector<1x1x1x8x128xf32> to vector<8x128xf32>
    %swap3A_1924 = vector.shape_cast %slice3A_1916 : vector<8x128xf32> to vector<1x1x1x8x128xf32>
    tpu.vector_store %arg4[%swap3A_1917, %swap3A_1918, %swap3A_1919, %swap3A_1920, %swap3A_1921], %swap3A_1924 {strides = array<i32>} : memref<1x8x32x8x128xf32, #tpu.memory_space<vmem>>, vector<1x1x1x8x128xf32>,
    %slice3A_1925 = vector.extract_strided_slice %add3A_26 {offsets = [48, 2432], sizes = [8, 128], strides = [1, 1]} : vector<64x4096xf32> to vector<8x128xf32>
    %swap3A_1926 = arith.constant 0 : index
    %swap3A_1927 = arith.constant 6 : index
    %swap3A_1928 = arith.constant 19 : index
    %swap3A_1929 = arith.constant 0 : index
    %swap3A_1930 = arith.constant 0 : index
    %swap3A_1931 = vector.load %arg4[%swap3A_1926, %swap3A_1927, %swap3A_1928, %swap3A_1929, %swap3A_1930] : memref<1x8x32x8x128xf32, #tpu.memory_space<vmem>>, vector<1x1x1x8x128xf32>
    %swap3A_1932 = vector.shape_cast %swap3A_1931 : vector<1x1x1x8x128xf32> to vector<8x128xf32>
    %swap3A_1933 = vector.shape_cast %slice3A_1925 : vector<8x128xf32> to vector<1x1x1x8x128xf32>
    tpu.vector_store %arg4[%swap3A_1926, %swap3A_1927, %swap3A_1928, %swap3A_1929, %swap3A_1930], %swap3A_1933 {strides = array<i32>} : memref<1x8x32x8x128xf32, #tpu.memory_space<vmem>>, vector<1x1x1x8x128xf32>,
    %slice3A_1934 = vector.extract_strided_slice %add3A_26 {offsets = [48, 2560], sizes = [8, 128], strides = [1, 1]} : vector<64x4096xf32> to vector<8x128xf32>
    %swap3A_1935 = arith.constant 0 : index
    %swap3A_1936 = arith.constant 6 : index
    %swap3A_1937 = arith.constant 20 : index
    %swap3A_1938 = arith.constant 0 : index
    %swap3A_1939 = arith.constant 0 : index
    %swap3A_1940 = vector.load %arg4[%swap3A_1935, %swap3A_1936, %swap3A_1937, %swap3A_1938, %swap3A_1939] : memref<1x8x32x8x128xf32, #tpu.memory_space<vmem>>, vector<1x1x1x8x128xf32>
    %swap3A_1941 = vector.shape_cast %swap3A_1940 : vector<1x1x1x8x128xf32> to vector<8x128xf32>
    %swap3A_1942 = vector.shape_cast %slice3A_1934 : vector<8x128xf32> to vector<1x1x1x8x128xf32>
    tpu.vector_store %arg4[%swap3A_1935, %swap3A_1936, %swap3A_1937, %swap3A_1938, %swap3A_1939], %swap3A_1942 {strides = array<i32>} : memref<1x8x32x8x128xf32, #tpu.memory_space<vmem>>, vector<1x1x1x8x128xf32>,
    %slice3A_1943 = vector.extract_strided_slice %add3A_26 {offsets = [48, 2688], sizes = [8, 128], strides = [1, 1]} : vector<64x4096xf32> to vector<8x128xf32>
    %swap3A_1944 = arith.constant 0 : index
    %swap3A_1945 = arith.constant 6 : index
    %swap3A_1946 = arith.constant 21 : index
    %swap3A_1947 = arith.constant 0 : index
    %swap3A_1948 = arith.constant 0 : index
    %swap3A_1949 = vector.load %arg4[%swap3A_1944, %swap3A_1945, %swap3A_1946, %swap3A_1947, %swap3A_1948] : memref<1x8x32x8x128xf32, #tpu.memory_space<vmem>>, vector<1x1x1x8x128xf32>
    %swap3A_1950 = vector.shape_cast %swap3A_1949 : vector<1x1x1x8x128xf32> to vector<8x128xf32>
    %swap3A_1951 = vector.shape_cast %slice3A_1943 : vector<8x128xf32> to vector<1x1x1x8x128xf32>
    tpu.vector_store %arg4[%swap3A_1944, %swap3A_1945, %swap3A_1946, %swap3A_1947, %swap3A_1948], %swap3A_1951 {strides = array<i32>} : memref<1x8x32x8x128xf32, #tpu.memory_space<vmem>>, vector<1x1x1x8x128xf32>,
    %slice3A_1952 = vector.extract_strided_slice %add3A_26 {offsets = [48, 2816], sizes = [8, 128], strides = [1, 1]} : vector<64x4096xf32> to vector<8x128xf32>
    %swap3A_1953 = arith.constant 0 : index
    %swap3A_1954 = arith.constant 6 : index
    %swap3A_1955 = arith.constant 22 : index
    %swap3A_1956 = arith.constant 0 : index
    %swap3A_1957 = arith.constant 0 : index
    %swap3A_1958 = vector.load %arg4[%swap3A_1953, %swap3A_1954, %swap3A_1955, %swap3A_1956, %swap3A_1957] : memref<1x8x32x8x128xf32, #tpu.memory_space<vmem>>, vector<1x1x1x8x128xf32>
    %swap3A_1959 = vector.shape_cast %swap3A_1958 : vector<1x1x1x8x128xf32> to vector<8x128xf32>
    %swap3A_1960 = vector.shape_cast %slice3A_1952 : vector<8x128xf32> to vector<1x1x1x8x128xf32>
    tpu.vector_store %arg4[%swap3A_1953, %swap3A_1954, %swap3A_1955, %swap3A_1956, %swap3A_1957], %swap3A_1960 {strides = array<i32>} : memref<1x8x32x8x128xf32, #tpu.memory_space<vmem>>, vector<1x1x1x8x128xf32>,
    %slice3A_1961 = vector.extract_strided_slice %add3A_26 {offsets = [48, 2944], sizes = [8, 128], strides = [1, 1]} : vector<64x4096xf32> to vector<8x128xf32>
    %swap3A_1962 = arith.constant 0 : index
    %swap3A_1963 = arith.constant 6 : index
    %swap3A_1964 = arith.constant 23 : index
    %swap3A_1965 = arith.constant 0 : index
    %swap3A_1966 = arith.constant 0 : index
    %swap3A_1967 = vector.load %arg4[%swap3A_1962, %swap3A_1963, %swap3A_1964, %swap3A_1965, %swap3A_1966] : memref<1x8x32x8x128xf32, #tpu.memory_space<vmem>>, vector<1x1x1x8x128xf32>
    %swap3A_1968 = vector.shape_cast %swap3A_1967 : vector<1x1x1x8x128xf32> to vector<8x128xf32>
    %swap3A_1969 = vector.shape_cast %slice3A_1961 : vector<8x128xf32> to vector<1x1x1x8x128xf32>
    tpu.vector_store %arg4[%swap3A_1962, %swap3A_1963, %swap3A_1964, %swap3A_1965, %swap3A_1966], %swap3A_1969 {strides = array<i32>} : memref<1x8x32x8x128xf32, #tpu.memory_space<vmem>>, vector<1x1x1x8x128xf32>,
    %slice3A_1970 = vector.extract_strided_slice %add3A_26 {offsets = [48, 3072], sizes = [8, 128], strides = [1, 1]} : vector<64x4096xf32> to vector<8x128xf32>
    %swap3A_1971 = arith.constant 0 : index
    %swap3A_1972 = arith.constant 6 : index
    %swap3A_1973 = arith.constant 24 : index
    %swap3A_1974 = arith.constant 0 : index
    %swap3A_1975 = arith.constant 0 : index
    %swap3A_1976 = vector.load %arg4[%swap3A_1971, %swap3A_1972, %swap3A_1973, %swap3A_1974, %swap3A_1975] : memref<1x8x32x8x128xf32, #tpu.memory_space<vmem>>, vector<1x1x1x8x128xf32>
    %swap3A_1977 = vector.shape_cast %swap3A_1976 : vector<1x1x1x8x128xf32> to vector<8x128xf32>
    %swap3A_1978 = vector.shape_cast %slice3A_1970 : vector<8x128xf32> to vector<1x1x1x8x128xf32>
    tpu.vector_store %arg4[%swap3A_1971, %swap3A_1972, %swap3A_1973, %swap3A_1974, %swap3A_1975], %swap3A_1978 {strides = array<i32>} : memref<1x8x32x8x128xf32, #tpu.memory_space<vmem>>, vector<1x1x1x8x128xf32>,
    %slice3A_1979 = vector.extract_strided_slice %add3A_26 {offsets = [48, 3200], sizes = [8, 128], strides = [1, 1]} : vector<64x4096xf32> to vector<8x128xf32>
    %swap3A_1980 = arith.constant 0 : index
    %swap3A_1981 = arith.constant 6 : index
    %swap3A_1982 = arith.constant 25 : index
    %swap3A_1983 = arith.constant 0 : index
    %swap3A_1984 = arith.constant 0 : index
    %swap3A_1985 = vector.load %arg4[%swap3A_1980, %swap3A_1981, %swap3A_1982, %swap3A_1983, %swap3A_1984] : memref<1x8x32x8x128xf32, #tpu.memory_space<vmem>>, vector<1x1x1x8x128xf32>
    %swap3A_1986 = vector.shape_cast %swap3A_1985 : vector<1x1x1x8x128xf32> to vector<8x128xf32>
    %swap3A_1987 = vector.shape_cast %slice3A_1979 : vector<8x128xf32> to vector<1x1x1x8x128xf32>
    tpu.vector_store %arg4[%swap3A_1980, %swap3A_1981, %swap3A_1982, %swap3A_1983, %swap3A_1984], %swap3A_1987 {strides = array<i32>} : memref<1x8x32x8x128xf32, #tpu.memory_space<vmem>>, vector<1x1x1x8x128xf32>,
    %slice3A_1988 = vector.extract_strided_slice %add3A_26 {offsets = [48, 3328], sizes = [8, 128], strides = [1, 1]} : vector<64x4096xf32> to vector<8x128xf32>
    %swap3A_1989 = arith.constant 0 : index
    %swap3A_1990 = arith.constant 6 : index
    %swap3A_1991 = arith.constant 26 : index
    %swap3A_1992 = arith.constant 0 : index
    %swap3A_1993 = arith.constant 0 : index
    %swap3A_1994 = vector.load %arg4[%swap3A_1989, %swap3A_1990, %swap3A_1991, %swap3A_1992, %swap3A_1993] : memref<1x8x32x8x128xf32, #tpu.memory_space<vmem>>, vector<1x1x1x8x128xf32>
    %swap3A_1995 = vector.shape_cast %swap3A_1994 : vector<1x1x1x8x128xf32> to vector<8x128xf32>
    %swap3A_1996 = vector.shape_cast %slice3A_1988 : vector<8x128xf32> to vector<1x1x1x8x128xf32>
    tpu.vector_store %arg4[%swap3A_1989, %swap3A_1990, %swap3A_1991, %swap3A_1992, %swap3A_1993], %swap3A_1996 {strides = array<i32>} : memref<1x8x32x8x128xf32, #tpu.memory_space<vmem>>, vector<1x1x1x8x128xf32>,
    %slice3A_1997 = vector.extract_strided_slice %add3A_26 {offsets = [48, 3456], sizes = [8, 128], strides = [1, 1]} : vector<64x4096xf32> to vector<8x128xf32>
    %swap3A_1998 = arith.constant 0 : index
    %swap3A_1999 = arith.constant 6 : index
    %swap3A_2000 = arith.constant 27 : index
    %swap3A_2001 = arith.constant 0 : index
    %swap3A_2002 = arith.constant 0 : index
    %swap3A_2003 = vector.load %arg4[%swap3A_1998, %swap3A_1999, %swap3A_2000, %swap3A_2001, %swap3A_2002] : memref<1x8x32x8x128xf32, #tpu.memory_space<vmem>>, vector<1x1x1x8x128xf32>
    %swap3A_2004 = vector.shape_cast %swap3A_2003 : vector<1x1x1x8x128xf32> to vector<8x128xf32>
    %swap3A_2005 = vector.shape_cast %slice3A_1997 : vector<8x128xf32> to vector<1x1x1x8x128xf32>
    tpu.vector_store %arg4[%swap3A_1998, %swap3A_1999, %swap3A_2000, %swap3A_2001, %swap3A_2002], %swap3A_2005 {strides = array<i32>} : memref<1x8x32x8x128xf32, #tpu.memory_space<vmem>>, vector<1x1x1x8x128xf32>,
    %slice3A_2006 = vector.extract_strided_slice %add3A_26 {offsets = [48, 3584], sizes = [8, 128], strides = [1, 1]} : vector<64x4096xf32> to vector<8x128xf32>
    %swap3A_2007 = arith.constant 0 : index
    %swap3A_2008 = arith.constant 6 : index
    %swap3A_2009 = arith.constant 28 : index
    %swap3A_2010 = arith.constant 0 : index
    %swap3A_2011 = arith.constant 0 : index
    %swap3A_2012 = vector.load %arg4[%swap3A_2007, %swap3A_2008, %swap3A_2009, %swap3A_2010, %swap3A_2011] : memref<1x8x32x8x128xf32, #tpu.memory_space<vmem>>, vector<1x1x1x8x128xf32>
    %swap3A_2013 = vector.shape_cast %swap3A_2012 : vector<1x1x1x8x128xf32> to vector<8x128xf32>
    %swap3A_2014 = vector.shape_cast %slice3A_2006 : vector<8x128xf32> to vector<1x1x1x8x128xf32>
    tpu.vector_store %arg4[%swap3A_2007, %swap3A_2008, %swap3A_2009, %swap3A_2010, %swap3A_2011], %swap3A_2014 {strides = array<i32>} : memref<1x8x32x8x128xf32, #tpu.memory_space<vmem>>, vector<1x1x1x8x128xf32>,
    %slice3A_2015 = vector.extract_strided_slice %add3A_26 {offsets = [48, 3712], sizes = [8, 128], strides = [1, 1]} : vector<64x4096xf32> to vector<8x128xf32>
    %swap3A_2016 = arith.constant 0 : index
    %swap3A_2017 = arith.constant 6 : index
    %swap3A_2018 = arith.constant 29 : index
    %swap3A_2019 = arith.constant 0 : index
    %swap3A_2020 = arith.constant 0 : index
    %swap3A_2021 = vector.load %arg4[%swap3A_2016, %swap3A_2017, %swap3A_2018, %swap3A_2019, %swap3A_2020] : memref<1x8x32x8x128xf32, #tpu.memory_space<vmem>>, vector<1x1x1x8x128xf32>
    %swap3A_2022 = vector.shape_cast %swap3A_2021 : vector<1x1x1x8x128xf32> to vector<8x128xf32>
    %swap3A_2023 = vector.shape_cast %slice3A_2015 : vector<8x128xf32> to vector<1x1x1x8x128xf32>
    tpu.vector_store %arg4[%swap3A_2016, %swap3A_2017, %swap3A_2018, %swap3A_2019, %swap3A_2020], %swap3A_2023 {strides = array<i32>} : memref<1x8x32x8x128xf32, #tpu.memory_space<vmem>>, vector<1x1x1x8x128xf32>,
    %slice3A_2024 = vector.extract_strided_slice %add3A_26 {offsets = [48, 3840], sizes = [8, 128], strides = [1, 1]} : vector<64x4096xf32> to vector<8x128xf32>
    %swap3A_2025 = arith.constant 0 : index
    %swap3A_2026 = arith.constant 6 : index
    %swap3A_2027 = arith.constant 30 : index
    %swap3A_2028 = arith.constant 0 : index
    %swap3A_2029 = arith.constant 0 : index
    %swap3A_2030 = vector.load %arg4[%swap3A_2025, %swap3A_2026, %swap3A_2027, %swap3A_2028, %swap3A_2029] : memref<1x8x32x8x128xf32, #tpu.memory_space<vmem>>, vector<1x1x1x8x128xf32>
    %swap3A_2031 = vector.shape_cast %swap3A_2030 : vector<1x1x1x8x128xf32> to vector<8x128xf32>
    %swap3A_2032 = vector.shape_cast %slice3A_2024 : vector<8x128xf32> to vector<1x1x1x8x128xf32>
    tpu.vector_store %arg4[%swap3A_2025, %swap3A_2026, %swap3A_2027, %swap3A_2028, %swap3A_2029], %swap3A_2032 {strides = array<i32>} : memref<1x8x32x8x128xf32, #tpu.memory_space<vmem>>, vector<1x1x1x8x128xf32>,
    %slice3A_2033 = vector.extract_strided_slice %add3A_26 {offsets = [48, 3968], sizes = [8, 128], strides = [1, 1]} : vector<64x4096xf32> to vector<8x128xf32>
    %swap3A_2034 = arith.constant 0 : index
    %swap3A_2035 = arith.constant 6 : index
    %swap3A_2036 = arith.constant 31 : index
    %swap3A_2037 = arith.constant 0 : index
    %swap3A_2038 = arith.constant 0 : index
    %swap3A_2039 = vector.load %arg4[%swap3A_2034, %swap3A_2035, %swap3A_2036, %swap3A_2037, %swap3A_2038] : memref<1x8x32x8x128xf32, #tpu.memory_space<vmem>>, vector<1x1x1x8x128xf32>
    %swap3A_2040 = vector.shape_cast %swap3A_2039 : vector<1x1x1x8x128xf32> to vector<8x128xf32>
    %swap3A_2041 = vector.shape_cast %slice3A_2033 : vector<8x128xf32> to vector<1x1x1x8x128xf32>
    tpu.vector_store %arg4[%swap3A_2034, %swap3A_2035, %swap3A_2036, %swap3A_2037, %swap3A_2038], %swap3A_2041 {strides = array<i32>} : memref<1x8x32x8x128xf32, #tpu.memory_space<vmem>>, vector<1x1x1x8x128xf32>,
    %slice3A_2042 = vector.extract_strided_slice %add3A_26 {offsets = [56, 0], sizes = [8, 128], strides = [1, 1]} : vector<64x4096xf32> to vector<8x128xf32>
    %swap3A_2043 = arith.constant 0 : index
    %swap3A_2044 = arith.constant 7 : index
    %swap3A_2045 = arith.constant 0 : index
    %swap3A_2046 = arith.constant 0 : index
    %swap3A_2047 = arith.constant 0 : index
    %swap3A_2048 = vector.load %arg4[%swap3A_2043, %swap3A_2044, %swap3A_2045, %swap3A_2046, %swap3A_2047] : memref<1x8x32x8x128xf32, #tpu.memory_space<vmem>>, vector<1x1x1x8x128xf32>
    %swap3A_2049 = vector.shape_cast %swap3A_2048 : vector<1x1x1x8x128xf32> to vector<8x128xf32>
    %swap3A_2050 = vector.shape_cast %slice3A_2042 : vector<8x128xf32> to vector<1x1x1x8x128xf32>
    tpu.vector_store %arg4[%swap3A_2043, %swap3A_2044, %swap3A_2045, %swap3A_2046, %swap3A_2047], %swap3A_2050 {strides = array<i32>} : memref<1x8x32x8x128xf32, #tpu.memory_space<vmem>>, vector<1x1x1x8x128xf32>,
    %slice3A_2051 = vector.extract_strided_slice %add3A_26 {offsets = [56, 128], sizes = [8, 128], strides = [1, 1]} : vector<64x4096xf32> to vector<8x128xf32>
    %swap3A_2052 = arith.constant 0 : index
    %swap3A_2053 = arith.constant 7 : index
    %swap3A_2054 = arith.constant 1 : index
    %swap3A_2055 = arith.constant 0 : index
    %swap3A_2056 = arith.constant 0 : index
    %swap3A_2057 = vector.load %arg4[%swap3A_2052, %swap3A_2053, %swap3A_2054, %swap3A_2055, %swap3A_2056] : memref<1x8x32x8x128xf32, #tpu.memory_space<vmem>>, vector<1x1x1x8x128xf32>
    %swap3A_2058 = vector.shape_cast %swap3A_2057 : vector<1x1x1x8x128xf32> to vector<8x128xf32>
    %swap3A_2059 = vector.shape_cast %slice3A_2051 : vector<8x128xf32> to vector<1x1x1x8x128xf32>
    tpu.vector_store %arg4[%swap3A_2052, %swap3A_2053, %swap3A_2054, %swap3A_2055, %swap3A_2056], %swap3A_2059 {strides = array<i32>} : memref<1x8x32x8x128xf32, #tpu.memory_space<vmem>>, vector<1x1x1x8x128xf32>,
    %slice3A_2060 = vector.extract_strided_slice %add3A_26 {offsets = [56, 256], sizes = [8, 128], strides = [1, 1]} : vector<64x4096xf32> to vector<8x128xf32>
    %swap3A_2061 = arith.constant 0 : index
    %swap3A_2062 = arith.constant 7 : index
    %swap3A_2063 = arith.constant 2 : index
    %swap3A_2064 = arith.constant 0 : index
    %swap3A_2065 = arith.constant 0 : index
    %swap3A_2066 = vector.load %arg4[%swap3A_2061, %swap3A_2062, %swap3A_2063, %swap3A_2064, %swap3A_2065] : memref<1x8x32x8x128xf32, #tpu.memory_space<vmem>>, vector<1x1x1x8x128xf32>
    %swap3A_2067 = vector.shape_cast %swap3A_2066 : vector<1x1x1x8x128xf32> to vector<8x128xf32>
    %swap3A_2068 = vector.shape_cast %slice3A_2060 : vector<8x128xf32> to vector<1x1x1x8x128xf32>
    tpu.vector_store %arg4[%swap3A_2061, %swap3A_2062, %swap3A_2063, %swap3A_2064, %swap3A_2065], %swap3A_2068 {strides = array<i32>} : memref<1x8x32x8x128xf32, #tpu.memory_space<vmem>>, vector<1x1x1x8x128xf32>,
    %slice3A_2069 = vector.extract_strided_slice %add3A_26 {offsets = [56, 384], sizes = [8, 128], strides = [1, 1]} : vector<64x4096xf32> to vector<8x128xf32>
    %swap3A_2070 = arith.constant 0 : index
    %swap3A_2071 = arith.constant 7 : index
    %swap3A_2072 = arith.constant 3 : index
    %swap3A_2073 = arith.constant 0 : index
    %swap3A_2074 = arith.constant 0 : index
    %swap3A_2075 = vector.load %arg4[%swap3A_2070, %swap3A_2071, %swap3A_2072, %swap3A_2073, %swap3A_2074] : memref<1x8x32x8x128xf32, #tpu.memory_space<vmem>>, vector<1x1x1x8x128xf32>
    %swap3A_2076 = vector.shape_cast %swap3A_2075 : vector<1x1x1x8x128xf32> to vector<8x128xf32>
    %swap3A_2077 = vector.shape_cast %slice3A_2069 : vector<8x128xf32> to vector<1x1x1x8x128xf32>
    tpu.vector_store %arg4[%swap3A_2070, %swap3A_2071, %swap3A_2072, %swap3A_2073, %swap3A_2074], %swap3A_2077 {strides = array<i32>} : memref<1x8x32x8x128xf32, #tpu.memory_space<vmem>>, vector<1x1x1x8x128xf32>,
    %slice3A_2078 = vector.extract_strided_slice %add3A_26 {offsets = [56, 512], sizes = [8, 128], strides = [1, 1]} : vector<64x4096xf32> to vector<8x128xf32>
    %swap3A_2079 = arith.constant 0 : index
    %swap3A_2080 = arith.constant 7 : index
    %swap3A_2081 = arith.constant 4 : index
    %swap3A_2082 = arith.constant 0 : index
    %swap3A_2083 = arith.constant 0 : index
    %swap3A_2084 = vector.load %arg4[%swap3A_2079, %swap3A_2080, %swap3A_2081, %swap3A_2082, %swap3A_2083] : memref<1x8x32x8x128xf32, #tpu.memory_space<vmem>>, vector<1x1x1x8x128xf32>
    %swap3A_2085 = vector.shape_cast %swap3A_2084 : vector<1x1x1x8x128xf32> to vector<8x128xf32>
    %swap3A_2086 = vector.shape_cast %slice3A_2078 : vector<8x128xf32> to vector<1x1x1x8x128xf32>
    tpu.vector_store %arg4[%swap3A_2079, %swap3A_2080, %swap3A_2081, %swap3A_2082, %swap3A_2083], %swap3A_2086 {strides = array<i32>} : memref<1x8x32x8x128xf32, #tpu.memory_space<vmem>>, vector<1x1x1x8x128xf32>,
    %slice3A_2087 = vector.extract_strided_slice %add3A_26 {offsets = [56, 640], sizes = [8, 128], strides = [1, 1]} : vector<64x4096xf32> to vector<8x128xf32>
    %swap3A_2088 = arith.constant 0 : index
    %swap3A_2089 = arith.constant 7 : index
    %swap3A_2090 = arith.constant 5 : index
    %swap3A_2091 = arith.constant 0 : index
    %swap3A_2092 = arith.constant 0 : index
    %swap3A_2093 = vector.load %arg4[%swap3A_2088, %swap3A_2089, %swap3A_2090, %swap3A_2091, %swap3A_2092] : memref<1x8x32x8x128xf32, #tpu.memory_space<vmem>>, vector<1x1x1x8x128xf32>
    %swap3A_2094 = vector.shape_cast %swap3A_2093 : vector<1x1x1x8x128xf32> to vector<8x128xf32>
    %swap3A_2095 = vector.shape_cast %slice3A_2087 : vector<8x128xf32> to vector<1x1x1x8x128xf32>
    tpu.vector_store %arg4[%swap3A_2088, %swap3A_2089, %swap3A_2090, %swap3A_2091, %swap3A_2092], %swap3A_2095 {strides = array<i32>} : memref<1x8x32x8x128xf32, #tpu.memory_space<vmem>>, vector<1x1x1x8x128xf32>,
    %slice3A_2096 = vector.extract_strided_slice %add3A_26 {offsets = [56, 768], sizes = [8, 128], strides = [1, 1]} : vector<64x4096xf32> to vector<8x128xf32>
    %swap3A_2097 = arith.constant 0 : index
    %swap3A_2098 = arith.constant 7 : index
    %swap3A_2099 = arith.constant 6 : index
    %swap3A_2100 = arith.constant 0 : index
    %swap3A_2101 = arith.constant 0 : index
    %swap3A_2102 = vector.load %arg4[%swap3A_2097, %swap3A_2098, %swap3A_2099, %swap3A_2100, %swap3A_2101] : memref<1x8x32x8x128xf32, #tpu.memory_space<vmem>>, vector<1x1x1x8x128xf32>
    %swap3A_2103 = vector.shape_cast %swap3A_2102 : vector<1x1x1x8x128xf32> to vector<8x128xf32>
    %swap3A_2104 = vector.shape_cast %slice3A_2096 : vector<8x128xf32> to vector<1x1x1x8x128xf32>
    tpu.vector_store %arg4[%swap3A_2097, %swap3A_2098, %swap3A_2099, %swap3A_2100, %swap3A_2101], %swap3A_2104 {strides = array<i32>} : memref<1x8x32x8x128xf32, #tpu.memory_space<vmem>>, vector<1x1x1x8x128xf32>,
    %slice3A_2105 = vector.extract_strided_slice %add3A_26 {offsets = [56, 896], sizes = [8, 128], strides = [1, 1]} : vector<64x4096xf32> to vector<8x128xf32>
    %swap3A_2106 = arith.constant 0 : index
    %swap3A_2107 = arith.constant 7 : index
    %swap3A_2108 = arith.constant 7 : index
    %swap3A_2109 = arith.constant 0 : index
    %swap3A_2110 = arith.constant 0 : index
    %swap3A_2111 = vector.load %arg4[%swap3A_2106, %swap3A_2107, %swap3A_2108, %swap3A_2109, %swap3A_2110] : memref<1x8x32x8x128xf32, #tpu.memory_space<vmem>>, vector<1x1x1x8x128xf32>
    %swap3A_2112 = vector.shape_cast %swap3A_2111 : vector<1x1x1x8x128xf32> to vector<8x128xf32>
    %swap3A_2113 = vector.shape_cast %slice3A_2105 : vector<8x128xf32> to vector<1x1x1x8x128xf32>
    tpu.vector_store %arg4[%swap3A_2106, %swap3A_2107, %swap3A_2108, %swap3A_2109, %swap3A_2110], %swap3A_2113 {strides = array<i32>} : memref<1x8x32x8x128xf32, #tpu.memory_space<vmem>>, vector<1x1x1x8x128xf32>,
    %slice3A_2114 = vector.extract_strided_slice %add3A_26 {offsets = [56, 1024], sizes = [8, 128], strides = [1, 1]} : vector<64x4096xf32> to vector<8x128xf32>
    %swap3A_2115 = arith.constant 0 : index
    %swap3A_2116 = arith.constant 7 : index
    %swap3A_2117 = arith.constant 8 : index
    %swap3A_2118 = arith.constant 0 : index
    %swap3A_2119 = arith.constant 0 : index
    %swap3A_2120 = vector.load %arg4[%swap3A_2115, %swap3A_2116, %swap3A_2117, %swap3A_2118, %swap3A_2119] : memref<1x8x32x8x128xf32, #tpu.memory_space<vmem>>, vector<1x1x1x8x128xf32>
    %swap3A_2121 = vector.shape_cast %swap3A_2120 : vector<1x1x1x8x128xf32> to vector<8x128xf32>
    %swap3A_2122 = vector.shape_cast %slice3A_2114 : vector<8x128xf32> to vector<1x1x1x8x128xf32>
    tpu.vector_store %arg4[%swap3A_2115, %swap3A_2116, %swap3A_2117, %swap3A_2118, %swap3A_2119], %swap3A_2122 {strides = array<i32>} : memref<1x8x32x8x128xf32, #tpu.memory_space<vmem>>, vector<1x1x1x8x128xf32>,
    %slice3A_2123 = vector.extract_strided_slice %add3A_26 {offsets = [56, 1152], sizes = [8, 128], strides = [1, 1]} : vector<64x4096xf32> to vector<8x128xf32>
    %swap3A_2124 = arith.constant 0 : index
    %swap3A_2125 = arith.constant 7 : index
    %swap3A_2126 = arith.constant 9 : index
    %swap3A_2127 = arith.constant 0 : index
    %swap3A_2128 = arith.constant 0 : index
    %swap3A_2129 = vector.load %arg4[%swap3A_2124, %swap3A_2125, %swap3A_2126, %swap3A_2127, %swap3A_2128] : memref<1x8x32x8x128xf32, #tpu.memory_space<vmem>>, vector<1x1x1x8x128xf32>
    %swap3A_2130 = vector.shape_cast %swap3A_2129 : vector<1x1x1x8x128xf32> to vector<8x128xf32>
    %swap3A_2131 = vector.shape_cast %slice3A_2123 : vector<8x128xf32> to vector<1x1x1x8x128xf32>
    tpu.vector_store %arg4[%swap3A_2124, %swap3A_2125, %swap3A_2126, %swap3A_2127, %swap3A_2128], %swap3A_2131 {strides = array<i32>} : memref<1x8x32x8x128xf32, #tpu.memory_space<vmem>>, vector<1x1x1x8x128xf32>,
    %slice3A_2132 = vector.extract_strided_slice %add3A_26 {offsets = [56, 1280], sizes = [8, 128], strides = [1, 1]} : vector<64x4096xf32> to vector<8x128xf32>
    %swap3A_2133 = arith.constant 0 : index
    %swap3A_2134 = arith.constant 7 : index
    %swap3A_2135 = arith.constant 10 : index
    %swap3A_2136 = arith.constant 0 : index
    %swap3A_2137 = arith.constant 0 : index
    %swap3A_2138 = vector.load %arg4[%swap3A_2133, %swap3A_2134, %swap3A_2135, %swap3A_2136, %swap3A_2137] : memref<1x8x32x8x128xf32, #tpu.memory_space<vmem>>, vector<1x1x1x8x128xf32>
    %swap3A_2139 = vector.shape_cast %swap3A_2138 : vector<1x1x1x8x128xf32> to vector<8x128xf32>
    %swap3A_2140 = vector.shape_cast %slice3A_2132 : vector<8x128xf32> to vector<1x1x1x8x128xf32>
    tpu.vector_store %arg4[%swap3A_2133, %swap3A_2134, %swap3A_2135, %swap3A_2136, %swap3A_2137], %swap3A_2140 {strides = array<i32>} : memref<1x8x32x8x128xf32, #tpu.memory_space<vmem>>, vector<1x1x1x8x128xf32>,
    %slice3A_2141 = vector.extract_strided_slice %add3A_26 {offsets = [56, 1408], sizes = [8, 128], strides = [1, 1]} : vector<64x4096xf32> to vector<8x128xf32>
    %swap3A_2142 = arith.constant 0 : index
    %swap3A_2143 = arith.constant 7 : index
    %swap3A_2144 = arith.constant 11 : index
    %swap3A_2145 = arith.constant 0 : index
    %swap3A_2146 = arith.constant 0 : index
    %swap3A_2147 = vector.load %arg4[%swap3A_2142, %swap3A_2143, %swap3A_2144, %swap3A_2145, %swap3A_2146] : memref<1x8x32x8x128xf32, #tpu.memory_space<vmem>>, vector<1x1x1x8x128xf32>
    %swap3A_2148 = vector.shape_cast %swap3A_2147 : vector<1x1x1x8x128xf32> to vector<8x128xf32>
    %swap3A_2149 = vector.shape_cast %slice3A_2141 : vector<8x128xf32> to vector<1x1x1x8x128xf32>
    tpu.vector_store %arg4[%swap3A_2142, %swap3A_2143, %swap3A_2144, %swap3A_2145, %swap3A_2146], %swap3A_2149 {strides = array<i32>} : memref<1x8x32x8x128xf32, #tpu.memory_space<vmem>>, vector<1x1x1x8x128xf32>,
    %slice3A_2150 = vector.extract_strided_slice %add3A_26 {offsets = [56, 1536], sizes = [8, 128], strides = [1, 1]} : vector<64x4096xf32> to vector<8x128xf32>
    %swap3A_2151 = arith.constant 0 : index
    %swap3A_2152 = arith.constant 7 : index
    %swap3A_2153 = arith.constant 12 : index
    %swap3A_2154 = arith.constant 0 : index
    %swap3A_2155 = arith.constant 0 : index
    %swap3A_2156 = vector.load %arg4[%swap3A_2151, %swap3A_2152, %swap3A_2153, %swap3A_2154, %swap3A_2155] : memref<1x8x32x8x128xf32, #tpu.memory_space<vmem>>, vector<1x1x1x8x128xf32>
    %swap3A_2157 = vector.shape_cast %swap3A_2156 : vector<1x1x1x8x128xf32> to vector<8x128xf32>
    %swap3A_2158 = vector.shape_cast %slice3A_2150 : vector<8x128xf32> to vector<1x1x1x8x128xf32>
    tpu.vector_store %arg4[%swap3A_2151, %swap3A_2152, %swap3A_2153, %swap3A_2154, %swap3A_2155], %swap3A_2158 {strides = array<i32>} : memref<1x8x32x8x128xf32, #tpu.memory_space<vmem>>, vector<1x1x1x8x128xf32>,
    %slice3A_2159 = vector.extract_strided_slice %add3A_26 {offsets = [56, 1664], sizes = [8, 128], strides = [1, 1]} : vector<64x4096xf32> to vector<8x128xf32>
    %swap3A_2160 = arith.constant 0 : index
    %swap3A_2161 = arith.constant 7 : index
    %swap3A_2162 = arith.constant 13 : index
    %swap3A_2163 = arith.constant 0 : index
    %swap3A_2164 = arith.constant 0 : index
    %swap3A_2165 = vector.load %arg4[%swap3A_2160, %swap3A_2161, %swap3A_2162, %swap3A_2163, %swap3A_2164] : memref<1x8x32x8x128xf32, #tpu.memory_space<vmem>>, vector<1x1x1x8x128xf32>
    %swap3A_2166 = vector.shape_cast %swap3A_2165 : vector<1x1x1x8x128xf32> to vector<8x128xf32>
    %swap3A_2167 = vector.shape_cast %slice3A_2159 : vector<8x128xf32> to vector<1x1x1x8x128xf32>
    tpu.vector_store %arg4[%swap3A_2160, %swap3A_2161, %swap3A_2162, %swap3A_2163, %swap3A_2164], %swap3A_2167 {strides = array<i32>} : memref<1x8x32x8x128xf32, #tpu.memory_space<vmem>>, vector<1x1x1x8x128xf32>,
    %slice3A_2168 = vector.extract_strided_slice %add3A_26 {offsets = [56, 1792], sizes = [8, 128], strides = [1, 1]} : vector<64x4096xf32> to vector<8x128xf32>
    %swap3A_2169 = arith.constant 0 : index
    %swap3A_2170 = arith.constant 7 : index
    %swap3A_2171 = arith.constant 14 : index
    %swap3A_2172 = arith.constant 0 : index
    %swap3A_2173 = arith.constant 0 : index
    %swap3A_2174 = vector.load %arg4[%swap3A_2169, %swap3A_2170, %swap3A_2171, %swap3A_2172, %swap3A_2173] : memref<1x8x32x8x128xf32, #tpu.memory_space<vmem>>, vector<1x1x1x8x128xf32>
    %swap3A_2175 = vector.shape_cast %swap3A_2174 : vector<1x1x1x8x128xf32> to vector<8x128xf32>
    %swap3A_2176 = vector.shape_cast %slice3A_2168 : vector<8x128xf32> to vector<1x1x1x8x128xf32>
    tpu.vector_store %arg4[%swap3A_2169, %swap3A_2170, %swap3A_2171, %swap3A_2172, %swap3A_2173], %swap3A_2176 {strides = array<i32>} : memref<1x8x32x8x128xf32, #tpu.memory_space<vmem>>, vector<1x1x1x8x128xf32>,
    %slice3A_2177 = vector.extract_strided_slice %add3A_26 {offsets = [56, 1920], sizes = [8, 128], strides = [1, 1]} : vector<64x4096xf32> to vector<8x128xf32>
    %swap3A_2178 = arith.constant 0 : index
    %swap3A_2179 = arith.constant 7 : index
    %swap3A_2180 = arith.constant 15 : index
    %swap3A_2181 = arith.constant 0 : index
    %swap3A_2182 = arith.constant 0 : index
    %swap3A_2183 = vector.load %arg4[%swap3A_2178, %swap3A_2179, %swap3A_2180, %swap3A_2181, %swap3A_2182] : memref<1x8x32x8x128xf32, #tpu.memory_space<vmem>>, vector<1x1x1x8x128xf32>
    %swap3A_2184 = vector.shape_cast %swap3A_2183 : vector<1x1x1x8x128xf32> to vector<8x128xf32>
    %swap3A_2185 = vector.shape_cast %slice3A_2177 : vector<8x128xf32> to vector<1x1x1x8x128xf32>
    tpu.vector_store %arg4[%swap3A_2178, %swap3A_2179, %swap3A_2180, %swap3A_2181, %swap3A_2182], %swap3A_2185 {strides = array<i32>} : memref<1x8x32x8x128xf32, #tpu.memory_space<vmem>>, vector<1x1x1x8x128xf32>,
    %slice3A_2186 = vector.extract_strided_slice %add3A_26 {offsets = [56, 2048], sizes = [8, 128], strides = [1, 1]} : vector<64x4096xf32> to vector<8x128xf32>
    %swap3A_2187 = arith.constant 0 : index
    %swap3A_2188 = arith.constant 7 : index
    %swap3A_2189 = arith.constant 16 : index
    %swap3A_2190 = arith.constant 0 : index
    %swap3A_2191 = arith.constant 0 : index
    %swap3A_2192 = vector.load %arg4[%swap3A_2187, %swap3A_2188, %swap3A_2189, %swap3A_2190, %swap3A_2191] : memref<1x8x32x8x128xf32, #tpu.memory_space<vmem>>, vector<1x1x1x8x128xf32>
    %swap3A_2193 = vector.shape_cast %swap3A_2192 : vector<1x1x1x8x128xf32> to vector<8x128xf32>
    %swap3A_2194 = vector.shape_cast %slice3A_2186 : vector<8x128xf32> to vector<1x1x1x8x128xf32>
    tpu.vector_store %arg4[%swap3A_2187, %swap3A_2188, %swap3A_2189, %swap3A_2190, %swap3A_2191], %swap3A_2194 {strides = array<i32>} : memref<1x8x32x8x128xf32, #tpu.memory_space<vmem>>, vector<1x1x1x8x128xf32>,
    %slice3A_2195 = vector.extract_strided_slice %add3A_26 {offsets = [56, 2176], sizes = [8, 128], strides = [1, 1]} : vector<64x4096xf32> to vector<8x128xf32>
    %swap3A_2196 = arith.constant 0 : index
    %swap3A_2197 = arith.constant 7 : index
    %swap3A_2198 = arith.constant 17 : index
    %swap3A_2199 = arith.constant 0 : index
    %swap3A_2200 = arith.constant 0 : index
    %swap3A_2201 = vector.load %arg4[%swap3A_2196, %swap3A_2197, %swap3A_2198, %swap3A_2199, %swap3A_2200] : memref<1x8x32x8x128xf32, #tpu.memory_space<vmem>>, vector<1x1x1x8x128xf32>
    %swap3A_2202 = vector.shape_cast %swap3A_2201 : vector<1x1x1x8x128xf32> to vector<8x128xf32>
    %swap3A_2203 = vector.shape_cast %slice3A_2195 : vector<8x128xf32> to vector<1x1x1x8x128xf32>
    tpu.vector_store %arg4[%swap3A_2196, %swap3A_2197, %swap3A_2198, %swap3A_2199, %swap3A_2200], %swap3A_2203 {strides = array<i32>} : memref<1x8x32x8x128xf32, #tpu.memory_space<vmem>>, vector<1x1x1x8x128xf32>,
    %slice3A_2204 = vector.extract_strided_slice %add3A_26 {offsets = [56, 2304], sizes = [8, 128], strides = [1, 1]} : vector<64x4096xf32> to vector<8x128xf32>
    %swap3A_2205 = arith.constant 0 : index
    %swap3A_2206 = arith.constant 7 : index
    %swap3A_2207 = arith.constant 18 : index
    %swap3A_2208 = arith.constant 0 : index
    %swap3A_2209 = arith.constant 0 : index
    %swap3A_2210 = vector.load %arg4[%swap3A_2205, %swap3A_2206, %swap3A_2207, %swap3A_2208, %swap3A_2209] : memref<1x8x32x8x128xf32, #tpu.memory_space<vmem>>, vector<1x1x1x8x128xf32>
    %swap3A_2211 = vector.shape_cast %swap3A_2210 : vector<1x1x1x8x128xf32> to vector<8x128xf32>
    %swap3A_2212 = vector.shape_cast %slice3A_2204 : vector<8x128xf32> to vector<1x1x1x8x128xf32>
    tpu.vector_store %arg4[%swap3A_2205, %swap3A_2206, %swap3A_2207, %swap3A_2208, %swap3A_2209], %swap3A_2212 {strides = array<i32>} : memref<1x8x32x8x128xf32, #tpu.memory_space<vmem>>, vector<1x1x1x8x128xf32>,
    %slice3A_2213 = vector.extract_strided_slice %add3A_26 {offsets = [56, 2432], sizes = [8, 128], strides = [1, 1]} : vector<64x4096xf32> to vector<8x128xf32>
    %swap3A_2214 = arith.constant 0 : index
    %swap3A_2215 = arith.constant 7 : index
    %swap3A_2216 = arith.constant 19 : index
    %swap3A_2217 = arith.constant 0 : index
    %swap3A_2218 = arith.constant 0 : index
    %swap3A_2219 = vector.load %arg4[%swap3A_2214, %swap3A_2215, %swap3A_2216, %swap3A_2217, %swap3A_2218] : memref<1x8x32x8x128xf32, #tpu.memory_space<vmem>>, vector<1x1x1x8x128xf32>
    %swap3A_2220 = vector.shape_cast %swap3A_2219 : vector<1x1x1x8x128xf32> to vector<8x128xf32>
    %swap3A_2221 = vector.shape_cast %slice3A_2213 : vector<8x128xf32> to vector<1x1x1x8x128xf32>
    tpu.vector_store %arg4[%swap3A_2214, %swap3A_2215, %swap3A_2216, %swap3A_2217, %swap3A_2218], %swap3A_2221 {strides = array<i32>} : memref<1x8x32x8x128xf32, #tpu.memory_space<vmem>>, vector<1x1x1x8x128xf32>,
    %slice3A_2222 = vector.extract_strided_slice %add3A_26 {offsets = [56, 2560], sizes = [8, 128], strides = [1, 1]} : vector<64x4096xf32> to vector<8x128xf32>
    %swap3A_2223 = arith.constant 0 : index
    %swap3A_2224 = arith.constant 7 : index
    %swap3A_2225 = arith.constant 20 : index
    %swap3A_2226 = arith.constant 0 : index
    %swap3A_2227 = arith.constant 0 : index
    %swap3A_2228 = vector.load %arg4[%swap3A_2223, %swap3A_2224, %swap3A_2225, %swap3A_2226, %swap3A_2227] : memref<1x8x32x8x128xf32, #tpu.memory_space<vmem>>, vector<1x1x1x8x128xf32>
    %swap3A_2229 = vector.shape_cast %swap3A_2228 : vector<1x1x1x8x128xf32> to vector<8x128xf32>
    %swap3A_2230 = vector.shape_cast %slice3A_2222 : vector<8x128xf32> to vector<1x1x1x8x128xf32>
    tpu.vector_store %arg4[%swap3A_2223, %swap3A_2224, %swap3A_2225, %swap3A_2226, %swap3A_2227], %swap3A_2230 {strides = array<i32>} : memref<1x8x32x8x128xf32, #tpu.memory_space<vmem>>, vector<1x1x1x8x128xf32>,
    %slice3A_2231 = vector.extract_strided_slice %add3A_26 {offsets = [56, 2688], sizes = [8, 128], strides = [1, 1]} : vector<64x4096xf32> to vector<8x128xf32>
    %swap3A_2232 = arith.constant 0 : index
    %swap3A_2233 = arith.constant 7 : index
    %swap3A_2234 = arith.constant 21 : index
    %swap3A_2235 = arith.constant 0 : index
    %swap3A_2236 = arith.constant 0 : index
    %swap3A_2237 = vector.load %arg4[%swap3A_2232, %swap3A_2233, %swap3A_2234, %swap3A_2235, %swap3A_2236] : memref<1x8x32x8x128xf32, #tpu.memory_space<vmem>>, vector<1x1x1x8x128xf32>
    %swap3A_2238 = vector.shape_cast %swap3A_2237 : vector<1x1x1x8x128xf32> to vector<8x128xf32>
    %swap3A_2239 = vector.shape_cast %slice3A_2231 : vector<8x128xf32> to vector<1x1x1x8x128xf32>
    tpu.vector_store %arg4[%swap3A_2232, %swap3A_2233, %swap3A_2234, %swap3A_2235, %swap3A_2236], %swap3A_2239 {strides = array<i32>} : memref<1x8x32x8x128xf32, #tpu.memory_space<vmem>>, vector<1x1x1x8x128xf32>,
    %slice3A_2240 = vector.extract_strided_slice %add3A_26 {offsets = [56, 2816], sizes = [8, 128], strides = [1, 1]} : vector<64x4096xf32> to vector<8x128xf32>
    %swap3A_2241 = arith.constant 0 : index
    %swap3A_2242 = arith.constant 7 : index
    %swap3A_2243 = arith.constant 22 : index
    %swap3A_2244 = arith.constant 0 : index
    %swap3A_2245 = arith.constant 0 : index
    %swap3A_2246 = vector.load %arg4[%swap3A_2241, %swap3A_2242, %swap3A_2243, %swap3A_2244, %swap3A_2245] : memref<1x8x32x8x128xf32, #tpu.memory_space<vmem>>, vector<1x1x1x8x128xf32>
    %swap3A_2247 = vector.shape_cast %swap3A_2246 : vector<1x1x1x8x128xf32> to vector<8x128xf32>
    %swap3A_2248 = vector.shape_cast %slice3A_2240 : vector<8x128xf32> to vector<1x1x1x8x128xf32>
    tpu.vector_store %arg4[%swap3A_2241, %swap3A_2242, %swap3A_2243, %swap3A_2244, %swap3A_2245], %swap3A_2248 {strides = array<i32>} : memref<1x8x32x8x128xf32, #tpu.memory_space<vmem>>, vector<1x1x1x8x128xf32>,
    %slice3A_2249 = vector.extract_strided_slice %add3A_26 {offsets = [56, 2944], sizes = [8, 128], strides = [1, 1]} : vector<64x4096xf32> to vector<8x128xf32>
    %swap3A_2250 = arith.constant 0 : index
    %swap3A_2251 = arith.constant 7 : index
    %swap3A_2252 = arith.constant 23 : index
    %swap3A_2253 = arith.constant 0 : index
    %swap3A_2254 = arith.constant 0 : index
    %swap3A_2255 = vector.load %arg4[%swap3A_2250, %swap3A_2251, %swap3A_2252, %swap3A_2253, %swap3A_2254] : memref<1x8x32x8x128xf32, #tpu.memory_space<vmem>>, vector<1x1x1x8x128xf32>
    %swap3A_2256 = vector.shape_cast %swap3A_2255 : vector<1x1x1x8x128xf32> to vector<8x128xf32>
    %swap3A_2257 = vector.shape_cast %slice3A_2249 : vector<8x128xf32> to vector<1x1x1x8x128xf32>
    tpu.vector_store %arg4[%swap3A_2250, %swap3A_2251, %swap3A_2252, %swap3A_2253, %swap3A_2254], %swap3A_2257 {strides = array<i32>} : memref<1x8x32x8x128xf32, #tpu.memory_space<vmem>>, vector<1x1x1x8x128xf32>,
    %slice3A_2258 = vector.extract_strided_slice %add3A_26 {offsets = [56, 3072], sizes = [8, 128], strides = [1, 1]} : vector<64x4096xf32> to vector<8x128xf32>
    %swap3A_2259 = arith.constant 0 : index
    %swap3A_2260 = arith.constant 7 : index
    %swap3A_2261 = arith.constant 24 : index
    %swap3A_2262 = arith.constant 0 : index
    %swap3A_2263 = arith.constant 0 : index
    %swap3A_2264 = vector.load %arg4[%swap3A_2259, %swap3A_2260, %swap3A_2261, %swap3A_2262, %swap3A_2263] : memref<1x8x32x8x128xf32, #tpu.memory_space<vmem>>, vector<1x1x1x8x128xf32>
    %swap3A_2265 = vector.shape_cast %swap3A_2264 : vector<1x1x1x8x128xf32> to vector<8x128xf32>
    %swap3A_2266 = vector.shape_cast %slice3A_2258 : vector<8x128xf32> to vector<1x1x1x8x128xf32>
    tpu.vector_store %arg4[%swap3A_2259, %swap3A_2260, %swap3A_2261, %swap3A_2262, %swap3A_2263], %swap3A_2266 {strides = array<i32>} : memref<1x8x32x8x128xf32, #tpu.memory_space<vmem>>, vector<1x1x1x8x128xf32>,
    %slice3A_2267 = vector.extract_strided_slice %add3A_26 {offsets = [56, 3200], sizes = [8, 128], strides = [1, 1]} : vector<64x4096xf32> to vector<8x128xf32>
    %swap3A_2268 = arith.constant 0 : index
    %swap3A_2269 = arith.constant 7 : index
    %swap3A_2270 = arith.constant 25 : index
    %swap3A_2271 = arith.constant 0 : index
    %swap3A_2272 = arith.constant 0 : index
    %swap3A_2273 = vector.load %arg4[%swap3A_2268, %swap3A_2269, %swap3A_2270, %swap3A_2271, %swap3A_2272] : memref<1x8x32x8x128xf32, #tpu.memory_space<vmem>>, vector<1x1x1x8x128xf32>
    %swap3A_2274 = vector.shape_cast %swap3A_2273 : vector<1x1x1x8x128xf32> to vector<8x128xf32>
    %swap3A_2275 = vector.shape_cast %slice3A_2267 : vector<8x128xf32> to vector<1x1x1x8x128xf32>
    tpu.vector_store %arg4[%swap3A_2268, %swap3A_2269, %swap3A_2270, %swap3A_2271, %swap3A_2272], %swap3A_2275 {strides = array<i32>} : memref<1x8x32x8x128xf32, #tpu.memory_space<vmem>>, vector<1x1x1x8x128xf32>,
    %slice3A_2276 = vector.extract_strided_slice %add3A_26 {offsets = [56, 3328], sizes = [8, 128], strides = [1, 1]} : vector<64x4096xf32> to vector<8x128xf32>
    %swap3A_2277 = arith.constant 0 : index
    %swap3A_2278 = arith.constant 7 : index
    %swap3A_2279 = arith.constant 26 : index
    %swap3A_2280 = arith.constant 0 : index
    %swap3A_2281 = arith.constant 0 : index
    %swap3A_2282 = vector.load %arg4[%swap3A_2277, %swap3A_2278, %swap3A_2279, %swap3A_2280, %swap3A_2281] : memref<1x8x32x8x128xf32, #tpu.memory_space<vmem>>, vector<1x1x1x8x128xf32>
    %swap3A_2283 = vector.shape_cast %swap3A_2282 : vector<1x1x1x8x128xf32> to vector<8x128xf32>
    %swap3A_2284 = vector.shape_cast %slice3A_2276 : vector<8x128xf32> to vector<1x1x1x8x128xf32>
    tpu.vector_store %arg4[%swap3A_2277, %swap3A_2278, %swap3A_2279, %swap3A_2280, %swap3A_2281], %swap3A_2284 {strides = array<i32>} : memref<1x8x32x8x128xf32, #tpu.memory_space<vmem>>, vector<1x1x1x8x128xf32>,
    %slice3A_2285 = vector.extract_strided_slice %add3A_26 {offsets = [56, 3456], sizes = [8, 128], strides = [1, 1]} : vector<64x4096xf32> to vector<8x128xf32>
    %swap3A_2286 = arith.constant 0 : index
    %swap3A_2287 = arith.constant 7 : index
    %swap3A_2288 = arith.constant 27 : index
    %swap3A_2289 = arith.constant 0 : index
    %swap3A_2290 = arith.constant 0 : index
    %swap3A_2291 = vector.load %arg4[%swap3A_2286, %swap3A_2287, %swap3A_2288, %swap3A_2289, %swap3A_2290] : memref<1x8x32x8x128xf32, #tpu.memory_space<vmem>>, vector<1x1x1x8x128xf32>
    %swap3A_2292 = vector.shape_cast %swap3A_2291 : vector<1x1x1x8x128xf32> to vector<8x128xf32>
    %swap3A_2293 = vector.shape_cast %slice3A_2285 : vector<8x128xf32> to vector<1x1x1x8x128xf32>
    tpu.vector_store %arg4[%swap3A_2286, %swap3A_2287, %swap3A_2288, %swap3A_2289, %swap3A_2290], %swap3A_2293 {strides = array<i32>} : memref<1x8x32x8x128xf32, #tpu.memory_space<vmem>>, vector<1x1x1x8x128xf32>,
    %slice3A_2294 = vector.extract_strided_slice %add3A_26 {offsets = [56, 3584], sizes = [8, 128], strides = [1, 1]} : vector<64x4096xf32> to vector<8x128xf32>
    %swap3A_2295 = arith.constant 0 : index
    %swap3A_2296 = arith.constant 7 : index
    %swap3A_2297 = arith.constant 28 : index
    %swap3A_2298 = arith.constant 0 : index
    %swap3A_2299 = arith.constant 0 : index
    %swap3A_2300 = vector.load %arg4[%swap3A_2295, %swap3A_2296, %swap3A_2297, %swap3A_2298, %swap3A_2299] : memref<1x8x32x8x128xf32, #tpu.memory_space<vmem>>, vector<1x1x1x8x128xf32>
    %swap3A_2301 = vector.shape_cast %swap3A_2300 : vector<1x1x1x8x128xf32> to vector<8x128xf32>
    %swap3A_2302 = vector.shape_cast %slice3A_2294 : vector<8x128xf32> to vector<1x1x1x8x128xf32>
    tpu.vector_store %arg4[%swap3A_2295, %swap3A_2296, %swap3A_2297, %swap3A_2298, %swap3A_2299], %swap3A_2302 {strides = array<i32>} : memref<1x8x32x8x128xf32, #tpu.memory_space<vmem>>, vector<1x1x1x8x128xf32>,
    %slice3A_2303 = vector.extract_strided_slice %add3A_26 {offsets = [56, 3712], sizes = [8, 128], strides = [1, 1]} : vector<64x4096xf32> to vector<8x128xf32>
    %swap3A_2304 = arith.constant 0 : index
    %swap3A_2305 = arith.constant 7 : index
    %swap3A_2306 = arith.constant 29 : index
    %swap3A_2307 = arith.constant 0 : index
    %swap3A_2308 = arith.constant 0 : index
    %swap3A_2309 = vector.load %arg4[%swap3A_2304, %swap3A_2305, %swap3A_2306, %swap3A_2307, %swap3A_2308] : memref<1x8x32x8x128xf32, #tpu.memory_space<vmem>>, vector<1x1x1x8x128xf32>
    %swap3A_2310 = vector.shape_cast %swap3A_2309 : vector<1x1x1x8x128xf32> to vector<8x128xf32>
    %swap3A_2311 = vector.shape_cast %slice3A_2303 : vector<8x128xf32> to vector<1x1x1x8x128xf32>
    tpu.vector_store %arg4[%swap3A_2304, %swap3A_2305, %swap3A_2306, %swap3A_2307, %swap3A_2308], %swap3A_2311 {strides = array<i32>} : memref<1x8x32x8x128xf32, #tpu.memory_space<vmem>>, vector<1x1x1x8x128xf32>,
    %slice3A_2312 = vector.extract_strided_slice %add3A_26 {offsets = [56, 3840], sizes = [8, 128], strides = [1, 1]} : vector<64x4096xf32> to vector<8x128xf32>
    %swap3A_2313 = arith.constant 0 : index
    %swap3A_2314 = arith.constant 7 : index
    %swap3A_2315 = arith.constant 30 : index
    %swap3A_2316 = arith.constant 0 : index
    %swap3A_2317 = arith.constant 0 : index
    %swap3A_2318 = vector.load %arg4[%swap3A_2313, %swap3A_2314, %swap3A_2315, %swap3A_2316, %swap3A_2317] : memref<1x8x32x8x128xf32, #tpu.memory_space<vmem>>, vector<1x1x1x8x128xf32>
    %swap3A_2319 = vector.shape_cast %swap3A_2318 : vector<1x1x1x8x128xf32> to vector<8x128xf32>
    %swap3A_2320 = vector.shape_cast %slice3A_2312 : vector<8x128xf32> to vector<1x1x1x8x128xf32>
    tpu.vector_store %arg4[%swap3A_2313, %swap3A_2314, %swap3A_2315, %swap3A_2316, %swap3A_2317], %swap3A_2320 {strides = array<i32>} : memref<1x8x32x8x128xf32, #tpu.memory_space<vmem>>, vector<1x1x1x8x128xf32>,
    %slice3A_2321 = vector.extract_strided_slice %add3A_26 {offsets = [56, 3968], sizes = [8, 128], strides = [1, 1]} : vector<64x4096xf32> to vector<8x128xf32>
    %swap3A_2322 = arith.constant 0 : index
    %swap3A_2323 = arith.constant 7 : index
    %swap3A_2324 = arith.constant 31 : index
    %swap3A_2325 = arith.constant 0 : index
    %swap3A_2326 = arith.constant 0 : index
    %swap3A_2327 = vector.load %arg4[%swap3A_2322, %swap3A_2323, %swap3A_2324, %swap3A_2325, %swap3A_2326] : memref<1x8x32x8x128xf32, #tpu.memory_space<vmem>>, vector<1x1x1x8x128xf32>
    %swap3A_2328 = vector.shape_cast %swap3A_2327 : vector<1x1x1x8x128xf32> to vector<8x128xf32>
    %swap3A_2329 = vector.shape_cast %slice3A_2321 : vector<8x128xf32> to vector<1x1x1x8x128xf32>
    tpu.vector_store %arg4[%swap3A_2322, %swap3A_2323, %swap3A_2324, %swap3A_2325, %swap3A_2326], %swap3A_2329 {strides = array<i32>} : memref<1x8x32x8x128xf32, #tpu.memory_space<vmem>>, vector<1x1x1x8x128xf32>,
    return
  }
  func.func @transform_0(%arg0: i32) -> (i32, i32, i32) {
    %c0_i32 = arith.constant 0 : i32
    %c0_i32_0 = arith.constant 0 : i32
    %c0_i32_1 = arith.constant 0 : i32
    return %arg0, %c0_i32, %c0_i32_0 : i32, i32, i32
  }
  func.func @transform_1(%arg0: i32) -> (i32, i32, i32) {
    %c0_i32 = arith.constant 0 : i32
    %c0_i32_0 = arith.constant 0 : i32
    %c0_i32_1 = arith.constant 0 : i32
    return %arg0, %c0_i32, %c0_i32_0 : i32, i32, i32
  }
  func.func @transform_2(%arg0: i32) -> (i32, i32, i32) {
    %c0_i32 = arith.constant 0 : i32
    %c0_i32_0 = arith.constant 0 : i32
    %c0_i32_1 = arith.constant 0 : i32
    return %arg0, %c0_i32, %c0_i32_0 : i32, i32, i32
  }
  func.func @transform_3(%arg0: i32) -> (i32, i32, i32, i32, i32) {
    %c0_i32 = arith.constant 0 : i32
    %c0_i32_0 = arith.constant 0 : i32
    %c0_i32_1 = arith.constant 0 : i32
    %c0_i32_2 = arith.constant 0 : i32
    %c0_i32_3 = arith.constant 0 : i32
    return %arg0, %c0_i32, %c0_i32_0, %c0_i32_1, %c0_i32_2 : i32, i32, i32, i32, i32
  }
}

</mosaic_0001>

<sc_bundles>
// kernel: kernel.5.cloned.1.call-start
scs
__scs_entry_jumppad:
0x0: {  	(pc) =	sbr.rel $0x88, $3  }
0x1: {  	(tag) =	ssettag $0x0;
	lr =	simm.s32 $0x1  }
0x2: {  	[smem:$0x3F9E] =	sst lr;
	_ =	strace $0xD0000000  }
0x3: {  	_ = 	snop  }
0x4: {  	_ = 	snop  }
0x5: {  	_ = 	snop  }
0x6: {  	_ = 	snop  }
0x7: {  	_ = 	snop  }
__scs_overlays_trampoline_lowered:
0x8: {  	[smem:$0x3FAD] =	sst s0  }
0x9: {  	[smem:$0x3FAE] =	sst s1  }
0xa: {  	[smem:$0x3FAF] =	sst s2  }
0xb: {  	[smem:$0x3FB0] =	sst s3  }
0xc: {  	[smem:$0x3FB1] =	sst s4  }
0xd: {  	[smem:$0x3FB2] =	sst s5  }
0xe: {  	[smem:$0x3FB3] =	sst s6  }
0xf: {  	[smem:$0x3FB4] =	sst s7  }
0x10: {  	[smem:$0x3FB5] =	sst s8  }
0x11: {  	[smem:$0x3FB6] =	sst s9;
	s0 =	simm.s32 @!p0 $0x0  }
0x12: {  	s1 =	sld [smem:$0x3F9C];
	s0 =	simm.s32 @p0 $0x1  }
0x13: {  	[smem:$0x3FB7] =	sst s0;
	s0 =	simm.s32 @!p1 $0x0  }
0x14: {  	s2 =	sld [smem:$0x3F9B];
	s0 =	simm.s32 @p1 $0x1  }
0x15: {  	[smem:$0x3FB8] =	sst s0;
	s0 =	simm.s32 @!p2 $0x0  }
0x16: {  	s3 =	sld [smem:$0x3FDB];
	s0 =	simm.s32 @p2 $0x1  }
0x17: {  	s4 =	simm.s32 $0x1BF5;
	[smem:$0x3FBA] =	sst s0  }
0x18: {  	s0 =	sld [smem:$0x3F9D];
	_ =	swait.ge [sflag:s4], $0x0  }
0x19: {  	s7 =	sld [smem:$0x3F9E]  }
0x1a: {  	s8 =	sadd.s32 $0xFFFFE003, lr  }
0x1b: {  	s9 =	sadd.s32 $0xFFFFFEF7, lr;
	s5 =	simm.s32 $0xFFFFFFFF;
	p2 =	slt.u32 s8, $0xFFFFF086  }
0x1c: {  	p1 =	slt.u32 s9, $0xF7A;
	s5 =	simm.s32 @!p2 $0x0  }
0x1d: {  	s5 =	simm.s32 @p1 $0x1;
	p0 =	seq.s32 s7, s2  }
0x1e: {  	s7 =	smul.u32 @!p0 $0xF7A, s2;
	p2 =	seq.s32 @!p0 s5, $0x0  }
0x1f: {  	s9 =	smul.u32 $0xF7A, s1;
	s8 =	simm.s32 @!p0 $0x1BF5;
	p2 =	por !p2, p0  }
0x20: {  	[sflag:s8] =	ssyncset.s32 @!p0 $0xFFFFF086;
	s6 =	sadd.s32 @!p0 s3, s7;
	s7 =	simm.s32 @!p0 $0x108  }
0x21: {  	s3 =	sadd.s32 s3, s9;
	s6 =	sadd.s32 @!p0 $0x88, s6;
	s7 =	simm.s32 @p2 $0x1082  }
0x22: {  	[simem:s7], [sflag:s8] =	dma.local @!p0 [hbm:s6], $0xF7A  }
0x23: {  	s9 =	sor.u32 $0xD0000000, s2;
	s6 =	simm.s32 $0x108;
	_ =	swait.ge @!p0 [sflag:s8], $0x0  }
0x24: {  	s3 =	sadd.s32 $0x88, s3;
	s6 =	simm.s32 @!p1 $0x1082;
	[sflag:s4] =	ssyncset.s32 $0xFFFFF086  }
0x25: {  	[simem:s6], [sflag:s4] =	dma.local [hbm:s3], $0xF7A  }
0x26: {  	[smem:$0x3F9E] =	sst s1;
	(tag) =	ssettag s2;
	_ =	strace s9  }
0x27: {  	s1 =	sld [smem:$0x3FAE]  }
0x28: {  	s2 =	sld [smem:$0x3FAF]  }
0x29: {  	s4 =	sld [smem:$0x3FB1]  }
0x2a: {  	p0 =	seq.s32 s5, $0x0;
	s5 =	sld [smem:$0x3FB2]  }
0x2b: {  	s6 =	sld [smem:$0x3FB3]  }
0x2c: {  	s7 =	sld [smem:$0x3FB4]  }
0x2d: {  	s3 =	simm.s32 $0x108;
	s8 =	sld [smem:$0x3FB5]  }
0x2e: {  	s3 =	simm.s32 @!p0 $0x1082;
	s9 =	sld [smem:$0x3FB6]  }
0x2f: {  	lr =	sadd.s32 s0, s3;
	s0 =	sld [smem:$0x3FAD]  }
0x30: {  	s3 =	sld [smem:$0x3FB0]  }
0x31: {  	[smem:$0x3FB9] =	sst s10  }
0x32: {  	s10 =	sld [smem:$0x3FB7];
	_ =	sdelay $0x3  }
0x33: {  	p0 =	seq.s32 s10, $0x1;
	s10 =	sld [smem:$0x3FB9];
	_ =	sdelay $0x3  }
0x34: {  	[smem:$0x3FB9] =	sst s10  }
0x35: {  	s10 =	sld [smem:$0x3FB8];
	_ =	sdelay $0x3  }
0x36: {  	p1 =	seq.s32 s10, $0x1;
	s10 =	sld [smem:$0x3FB9];
	_ =	sdelay $0x3  }
0x37: {  	[smem:$0x3FB9] =	sst s10  }
0x38: {  	s10 =	sld [smem:$0x3FBA]  }
0x39: {  	_ = 	snop;
	(pc) =	sbr.ind lr, $3  }
0x3a: {  	_ = 	snop  }
0x3b: {  	_ = 	snop  }
0x3c: {  	p2 =	seq.s32 s10, $0x1;
	s10 =	sld [smem:$0x3FB9]  }
0x3d: {  	_ =	shalt  }
0x3e: {  	_ =	shalt  }
0x3f: {  	_ =	shalt  }
0x40: {  	_ =	shalt  }
0x41: {  	_ =	shalt  }
0x42: {  	_ =	shalt  }
0x43: {  	_ =	shalt  }
0x44: {  	_ =	shalt  }
0x45: {  	_ =	shalt  }
0x46: {  	_ =	shalt  }
0x47: {  	_ =	shalt  }
0x48: {  	_ =	shalt  }
0x49: {  	_ =	shalt  }
0x4a: {  	_ =	shalt  }
0x4b: {  	_ =	shalt  }
0x4c: {  	_ =	shalt  }
0x4d: {  	_ =	shalt  }
0x4e: {  	_ =	shalt  }
0x4f: {  	_ =	shalt  }
0x50: {  	_ =	shalt  }
0x51: {  	_ =	shalt  }
0x52: {  	_ =	shalt  }
0x53: {  	_ =	shalt  }
0x54: {  	_ =	shalt  }
0x55: {  	_ =	shalt  }
0x56: {  	_ =	shalt  }
0x57: {  	_ =	shalt  }
0x58: {  	_ =	shalt  }
0x59: {  	_ =	shalt  }
0x5a: {  	_ =	shalt  }
0x5b: {  	_ =	shalt  }
0x5c: {  	_ =	shalt  }
0x5d: {  	_ =	shalt  }
0x5e: {  	_ =	shalt  }
0x5f: {  	_ =	shalt  }
0x60: {  	_ =	shalt  }
0x61: {  	_ =	shalt  }
0x62: {  	_ =	shalt  }
0x63: {  	_ =	shalt  }
0x64: {  	_ =	shalt  }
0x65: {  	_ =	shalt  }
0x66: {  	_ =	shalt  }
0x67: {  	_ =	shalt  }
0x68: {  	_ =	shalt  }
0x69: {  	_ =	shalt  }
0x6a: {  	_ =	shalt  }
0x6b: {  	_ =	shalt  }
0x6c: {  	_ =	shalt  }
0x6d: {  	_ =	shalt  }
0x6e: {  	_ =	shalt  }
0x6f: {  	_ =	shalt  }
0x70: {  	_ =	shalt  }
0x71: {  	_ =	shalt  }
0x72: {  	_ =	shalt  }
0x73: {  	_ =	shalt  }
0x74: {  	_ =	shalt  }
0x75: {  	_ =	shalt  }
0x76: {  	_ =	shalt  }
0x77: {  	_ =	shalt  }
0x78: {  	_ =	shalt  }
0x79: {  	_ =	shalt  }
0x7a: {  	_ =	shalt  }
0x7b: {  	_ =	shalt  }
0x7c: {  	_ =	shalt  }
0x7d: {  	_ =	shalt  }
0x7e: {  	_ =	shalt  }
0x7f: {  	_ =	shalt  }
0x80: {  	_ =	shalt  }
0x81: {  	_ =	shalt  }
0x82: {  	_ =	shalt  }
0x83: {  	_ =	shalt  }
0x84: {  	_ =	shalt  }
0x85: {  	_ =	shalt  }
0x86: {  	_ =	shalt  }
0x87: {  	_ =	shalt  }
.Lfunc_end0:
.L_simem_size_0:
called_computation_lowered:
.L_overlay_start_0:
0x88: {  	s2 =	sld [smem:$0x3FD9]  }
0x89: {  	s3 =	sld [smem:$0x3FFE];
	_ =	sdelay $0x1  }
0x8a: {  	s1 =	srdreg.scid  }
0x8b: {  	s0 =	sand.u32 $0x1, s1  }
0x8c: {  	s17 =	sshll.u32 s0, $0xA;
	s2 =	sadd.s32 s3, s2  }
0x8d: {  	s2 =	sadd.s32 s2, s17  }
0x8e: {  	[smem:$0x3FC5] =	sst s2  }
0x8f: {  	_ = 	snop  }
0x90: {  	s2 =	sld [smem:$0x3FD0];
	(tm) =	ssettm $0x1  }
0x91: {  	s18 =	sld [smem:$0x3FFB];
	_ =	sdelay $0x3  }
0x92: {  	_ =	strace s18  }
0x93: {  	s3 =	sld [smem:$0x3FFC];
	_ =	sdelay $0x3  }
0x94: {  	_ =	strace s3  }
0x95: {  	s3 =	sld [smem:$0x3FFD];
	_ =	sdelay $0x3  }
0x96: {  	_ =	strace s3  }
0x97: {  	_ =	strace $0x8FFFFFFF  }
0x98: {  	s19 =	sld [smem:$0x3FDB];
	_ =	sdelay $0x1  }
0x99: {  	s4 =	simm.s32 $_scs_section_size  }
0x9a: {  	s5 =	simm.s32 $_size__tile_overlayer_lowered;
	s6 =	simm.s32 $_tile_overlayer_lowered  }
0x9b: {  	s22 =	simm.s32 $0x1BFF;
	s21 =	sshll.u32 s6, $0x1;
	s3 =	sadd.s32 s4, s19  }
0x9c: {  	s7 =	simm.s32 $0x0;
	s20 =	sshll.u32 s5, $0x1;
	s5 =	sadd.s32 s21, s3  }
0x9d: {  	[timem:s7], [sflag:s22] =	dma.local [hbm:s5], s20  }
0x9e: {  	_ =	swait.ge [sflag:s22], s20  }
0x9f: {  	s4 =	ssub.s32 $0x0, s20;
	[sflag:s22] =	ssyncset.done $0x0  }
0xa0: {  	[sflag:s22] =	ssyncadd.s32 s4;
	_ =	sdelay $0x1  }
0xa1: {  	s23 =	simm.s32 $0x1B8B  }
0xa2: {  	_ =	swait.ge [sflag:s23], $0x1  }
0xa3: {  	[sflag:s23] =	ssyncset.done $0x0  }
0xa4: {  	s25 =	simm.s32 $0x1B8E;
	s24 =	sld [smem:$0x3FFE];
	[sflag:s23] =	ssyncadd.s32 $0xFFFFFFFF  }
0xa5: {  	s26 =	simm.s32 $execute0_lowered;
	[smem:$0x3FD2] =	sst s25  }
0xa6: {  	s5 =	sshll.u32 s26, $0x1;
	_ =	strace $0x80000046;
	[dreg:$0x1] =	wrdreg $0xFFFFFFFF  }
0xa7: {  	s28 =	simm.s32 $_size_execute0_lowered;
	s3 =	sadd.s32 s3, s5;
	[dreg:$0x0] =	wrdreg $0x0  }
0xa8: {  	s5 =	sshll.u32 s28, $0x1;
	[dreg:$0x2] =	wrdreg s3  }
0xa9: {  	[dreg:$0x3] =	wrdreg s5  }
0xaa: {  	[dreg:$0x4] =	wrdreg $0xC0  }
0xab: {  	_ =	task [dreg:s7], $0x5FFFF  }
0xac: {  	[dreg:$0x1] =	wrdreg $0xFFFFFFFF  }
0xad: {  	[dreg:$0x0] =	wrdreg $0x60  }
0xae: {  	[dreg:$0x2] =	wrdreg s2  }
0xaf: {  	[dreg:$0x3] =	wrdreg s24  }
0xb0: {  	[dreg:$0x4] =	wrdreg $0x9  }
0xb1: {  	_ =	task.clear_ibuf [dreg:s7], $0x5FFFF;
	_ =	strace $0x90000046  }
0xb2: {  	s29 =	simm.s32 $0x9;
	_ =	strace $0x80000048  }
0xb3: {  	_ =	swait.ge [sflag:s29], $0x1  }
0xb4: {  	[sflag:s29] =	ssyncadd.s32 $0xFFFFFFFF  }
0xb5: {  	_ =	strace $0x90000048  }
0xb6: {  	_ =	sfence  }
0xb7: {  	s30 =	sld [smem:$0x0];
	_ =	sdelay $0x2  }
0xb8: {  	s31 =	sshll.u32 s1, $0xD;
	s1 =	sshrl.u32 s1, $0x2  }
0xb9: {  	s3 =	sand.u32 $0x4000, s31;
	s1 =	sadd.s32 s1, s30  }
0xba: {  	s0 =	sor.u32 s3, s0;
	s1 =	sshll.u32 s1, $0x11  }
0xbb: {  	s0 =	sor.u32 s1, s0  }
0xbc: {  	s0 =	sadd.s32 $0x8F2B, s0  }
0xbd: {  	[sflag:s0] =	ssyncadd.remote.s32 $0x1  }
0xbe: {  	_ =	sfence.sel $0xFFFF  }
0xbf: {  	[dreg:$0x0] =	wrdreg $0xFFFFFFFF;
	(pc) =	sbr.abs _section_cstart, $3  }
0xc0: {  	[dreg:$0x1] =	wrdreg $0xFFFFFFFF  }
0xc1: {  	_ =	task.clear_ibuf [dreg:s7], $0x2FFFF;
	_ =	strace $0x9FFFFFFF  }
0xc2: {  	(tm) =	ssettm $0x7FFFFFFF  }
0xc3: {  	_ =	shalt  }
tec
execute0_lowered:
.L_overlay_start_1:
0x0: {  	(tag) =	ssettag $0x1  }
0x1: {  	s4 =	rddreg [dreg:$0x0]  }
0x2: {  	s5 =	rddreg [dreg:$0x1]  }
0x3: {  	s0 =	rddreg [dreg:$0x2]  }
0x4: {  	s1 =	simm.s32 $0x0;
	s6 =	srdreg.scid;
	s2 =	stileid.u32  }
0x5: {  	s12 =	simm.s32 $0x6600;
	s13 =	simm.s32 $0x6480;
	s14 =	simm.s32 $0xA600  }
0x6: {  	s15 =	simm.s32 $0x6500;
	s16 =	simm.s32 $0xE600;
	s17 =	simm.s32 $0x1  }
0x7: {  	s18 =	simm.s32 $0x6580;
	s19 =	simm.s32 $0x12600;
	s20 =	simm.s32 $0x2  }
0x8: {  	s21 =	simm.s32 $0x0;
	[smem:$0x7FF] =	sst s1;
	s8 =	smul.u32 $0x190, s2  }
0x9: {  	s3 =	sadd.s32 $0xA00, s5;
	s6 =	sand.u32 $0x1, s6;
	s28 =	smul.u32 $0xC8000, s2  }
0xa: {  	s7 =	sshll.u32 s2, $0x1;
	s11 =	sadd.s32 $0x7A8A00, s5;
	s10 =	smul.u32 $0xC8, s6  }
0xb: {  	s9 =	ssub.s32 $0x2, s6;
	s7 =	sor.u32 s6, s7;
	s29 =	smul.u32 $0x64000, s6  }
0xc: {  	_ =	strace $0x80000047;
	s26 =	sshrl.u32 s9, $0x1;
	s7 =	smul.u32 $0xC80, s7  }
0xd: {  	s31 =	sadd.s32 s28, s11;
	s5 =	ssub.s32 s9, s26;
	s8 =	sadd.s32 s10, s8  }
0xe: {  	s9 =	simm.s32 $0x3;
	s10 =	simm.s32 $0x80;
	s30 =	sshll.u32 s8, $0xB  }
0xf: {  	s4 =	sadd.s32 s4, s7;
	s5 =	smax.u32 s5, $0x1;
	s6 =	sadd.s32 s30, s11  }
0x10: {  	s7 =	sadd.s32 s29, s31;
	s11 =	simm.s32 $0x6400;
	s8 =	sadd.s32 $0x1000, s6  }
.LBB2_1:
0x11: {  	[tilespmem:s1], [sflag:$0x3] =	stream.linear.gather [hbm4b:s4+s1], $0x6400, $0x38;
	[tilespmem:$0x16600] =	vst v63  }
0x12: {  	_ =	swait.ge [sflag:s9], $0x6400  }
0x13: {  	[sflag:s9] =	ssyncset.done $0x0  }
0x14: {  	[sflag:s9] =	ssyncadd.s32 $0xFFFF9C00  }
0x15: {  	v0 =	vld [tilespmem:$0x0]  }
0x16: {  	v1 =	vld [tilespmem:$0x10]  }
0x17: {  	v2 =	vld [tilespmem:$0x20]  }
0x18: {  	v3 =	vld [tilespmem:$0x30]  }
0x19: {  	v5 =	vld [tilespmem:$0x40]  }
0x1a: {  	v7 =	vld [tilespmem:$0x50]  }
0x1b: {  	v4 =	vshrl.u32 v0, $0x1  }
0x1c: {  	v20 =	vld [tilespmem:$0x70];
	v0 =	vand.u32 $0xFF, v0;
	v6 =	vshrl.u32 v1, $0x1;
	v18 =	vshrl.u32 v2, $0x1  }
0x1d: {  	v1 =	vand.u32 $0xFF, v1;
	v2 =	vand.u32 $0xFF, v2;
	v19 =	vshrl.u32 v3, $0x1  }
0x1e: {  	v3 =	vand.u32 $0xFF, v3;
	v22 =	vshrl.u32 v5, $0x1;
	v4 =	vand.u32 $0x7FFFFF00, v4  }
0x1f: {  	v8 =	vld [tilespmem:$0x60];
	v24 =	vshrl.u32 v7, $0x1;
	v17 =	vand.u32 $0x7FFFFF00, v6;
	v0 =	vor.u32 v0, v4  }
0x20: {  	v25 =	vand.u32 $0xFF, v5;
	v6 =	vand.u32 $0x7FFFFF00, v18;
	v1 =	vor.u32 v1, v17;
	[tilespmem:$0x6400] =	vst v0  }
0x21: {  	v32 =	vshrl.u32 v20, $0x1;
	v23 =	vand.u32 $0x7FFFFF00, v22;
	v2 =	vor.u32 v2, v6;
	[tilespmem:$0x6410] =	vst v1  }
0x22: {  	v34 =	vand.u32 $0xFF, v20;
	v33 =	vand.u32 $0x7FFFFF00, v32;
	v27 =	vor.u32 v25, v23;
	[tilespmem:$0x6420] =	vst v2  }
0x23: {  	v26 =	vand.u32 $0xFF, v7;
	v21 =	vand.u32 $0x7FFFFF00, v19;
	v35 =	vor.u32 v34, v33;
	[tilespmem:$0x6440] =	vst v27  }
0x24: {  	v29 =	vshrl.u32 v8, $0x1;
	v0 =	vor.u32 v3, v21;
	v3 =	vand.u32 $0x7FFFFF00, v24;
	[tilespmem:$0x6470] =	vst v35  }
0x25: {  	v31 =	vand.u32 $0xFF, v8;
	v30 =	vand.u32 $0x7FFFFF00, v29;
	[tilespmem:$0x6430] =	vst v0;
	v28 =	vor.u32 v26, v3  }
0x26: {  	v0 =	vor.u32 v31, v30;
	[tilespmem:$0x6450] =	vst v28  }
0x27: {  	[tilespmem:$0x6460] =	vst v0  }
0x28: {  	[tilespmem:s12], [sflag:$0x1] =	stream.indirect.gather [hbm4b:s3+s10], $0x80, s11, s10, $0xb8;
	[tilespmem:$0x16600] =	vst v63  }
0x29: {  	v36 =	vld [tilespmem:$0x80]  }
0x2a: {  	v37 =	vld [tilespmem:$0x90]  }
0x2b: {  	v38 =	vld [tilespmem:$0xA0]  }
0x2c: {  	v39 =	vld [tilespmem:$0xB0]  }
0x2d: {  	v41 =	vld [tilespmem:$0xC0]  }
0x2e: {  	v43 =	vld [tilespmem:$0xD0]  }
0x2f: {  	v40 =	vshrl.u32 v36, $0x1  }
0x30: {  	v48 =	vld [tilespmem:$0xF0];
	v0 =	vand.u32 $0xFF, v36;
	v42 =	vshrl.u32 v37, $0x1;
	v45 =	vshrl.u32 v38, $0x1  }
0x31: {  	v1 =	vand.u32 $0xFF, v37;
	v2 =	vand.u32 $0xFF, v38;
	v47 =	vshrl.u32 v39, $0x1  }
0x32: {  	v3 =	vand.u32 $0xFF, v39;
	v50 =	vshrl.u32 v41, $0x1;
	v4 =	vand.u32 $0x7FFFFF00, v40  }
0x33: {  	v46 =	vld [tilespmem:$0xE0];
	v52 =	vshrl.u32 v43, $0x1;
	v44 =	vand.u32 $0x7FFFFF00, v42;
	v0 =	vor.u32 v0, v4  }
0x34: {  	v53 =	vand.u32 $0xFF, v41;
	v6 =	vand.u32 $0x7FFFFF00, v45;
	v1 =	vor.u32 v1, v44;
	[tilespmem:$0x6480] =	vst v0  }
0x35: {  	v60 =	vshrl.u32 v48, $0x1;
	v51 =	vand.u32 $0x7FFFFF00, v50;
	v2 =	vor.u32 v2, v6;
	[tilespmem:$0x6490] =	vst v1  }
0x36: {  	v62 =	vand.u32 $0xFF, v48;
	v61 =	vand.u32 $0x7FFFFF00, v60;
	v55 =	vor.u32 v53, v51;
	[tilespmem:$0x64A0] =	vst v2  }
0x37: {  	v54 =	vand.u32 $0xFF, v43;
	v49 =	vand.u32 $0x7FFFFF00, v47;
	v63 =	vor.u32 v62, v61;
	[tilespmem:$0x64C0] =	vst v55  }
0x38: {  	v57 =	vshrl.u32 v46, $0x1;
	v0 =	vor.u32 v3, v49;
	v3 =	vand.u32 $0x7FFFFF00, v52;
	[tilespmem:$0x64F0] =	vst v63  }
0x39: {  	v59 =	vand.u32 $0xFF, v46;
	v58 =	vand.u32 $0x7FFFFF00, v57;
	[tilespmem:$0x64B0] =	vst v0;
	v56 =	vor.u32 v54, v3  }
0x3a: {  	v0 =	vor.u32 v59, v58;
	[tilespmem:$0x64D0] =	vst v56  }
0x3b: {  	s22 =	simm.s32 $0x180;
	s23 =	simm.s32 $0x0;
	[tilespmem:$0x64E0] =	vst v0  }
0x3c: {  	[tilespmem:s14], [sflag:$0x1] =	stream.indirect.gather [hbm4b:s3+s10], $0x80, s13, s10, $0xb8;
	[tilespmem:$0x16600] =	vst v63  }
.LBB2_2:
0x3d: {  	p0 =	seq.s32 s23, $0x0  }
0x3e: {  	s24 =	simm.s32 @!p0 $0x2  }
0x3f: {  	_ =	swait.ge @!p0 [sflag:s24], $0x4000  }
0x40: {  	[sflag:s24] =	ssyncset.done @!p0 $0x0  }
0x41: {  	[sflag:s24] =	ssyncadd.s32 @!p0 $0xFFFFC000  }
0x42: {  	v0 =	vld [tilespmem:s22+$0xFFFFFF80];
	_ =	sdelay $0x4  }
0x43: {  	v1 =	vshrl.u32 v0, $0x1  }
0x44: {  	v0 =	vand.u32 $0xFF, v0;
	v1 =	vand.u32 $0x7FFFFF00, v1  }
0x45: {  	v0 =	vor.u32 v0, v1  }
0x46: {  	[tilespmem:$0x6500] =	vst v0  }
0x47: {  	v0 =	vld [tilespmem:s22+$0xFFFFFF90];
	_ =	sdelay $0x4  }
0x48: {  	v48 =	vshrl.u32 v0, $0x1  }
0x49: {  	v0 =	vand.u32 $0xFF, v0;
	v1 =	vand.u32 $0x7FFFFF00, v48  }
0x4a: {  	v0 =	vor.u32 v0, v1  }
0x4b: {  	[tilespmem:$0x6510] =	vst v0  }
0x4c: {  	v0 =	vld [tilespmem:s22+$0xFFFFFFA0];
	_ =	sdelay $0x4  }
0x4d: {  	v49 =	vshrl.u32 v0, $0x1  }
0x4e: {  	v0 =	vand.u32 $0xFF, v0;
	v1 =	vand.u32 $0x7FFFFF00, v49  }
0x4f: {  	v0 =	vor.u32 v0, v1  }
0x50: {  	[tilespmem:$0x6520] =	vst v0  }
0x51: {  	v0 =	vld [tilespmem:s22+$0xFFFFFFB0];
	_ =	sdelay $0x4  }
0x52: {  	v50 =	vshrl.u32 v0, $0x1  }
0x53: {  	v0 =	vand.u32 $0xFF, v0;
	v1 =	vand.u32 $0x7FFFFF00, v50  }
0x54: {  	v0 =	vor.u32 v0, v1  }
0x55: {  	[tilespmem:$0x6530] =	vst v0  }
0x56: {  	v0 =	vld [tilespmem:s22+$0xFFFFFFC0];
	_ =	sdelay $0x4  }
0x57: {  	v51 =	vshrl.u32 v0, $0x1  }
0x58: {  	v0 =	vand.u32 $0xFF, v0;
	v1 =	vand.u32 $0x7FFFFF00, v51  }
0x59: {  	v0 =	vor.u32 v0, v1  }
0x5a: {  	[tilespmem:$0x6540] =	vst v0  }
0x5b: {  	v0 =	vld [tilespmem:s22+$0xFFFFFFD0];
	_ =	sdelay $0x4  }
0x5c: {  	v52 =	vshrl.u32 v0, $0x1  }
0x5d: {  	v0 =	vand.u32 $0xFF, v0;
	v1 =	vand.u32 $0x7FFFFF00, v52  }
0x5e: {  	v0 =	vor.u32 v0, v1  }
0x5f: {  	[tilespmem:$0x6550] =	vst v0  }
0x60: {  	v0 =	vld [tilespmem:s22+$0xFFFFFFE0];
	_ =	sdelay $0x4  }
0x61: {  	v53 =	vshrl.u32 v0, $0x1  }
0x62: {  	v0 =	vand.u32 $0xFF, v0;
	v1 =	vand.u32 $0x7FFFFF00, v53  }
0x63: {  	v0 =	vor.u32 v0, v1  }
0x64: {  	[tilespmem:$0x6560] =	vst v0  }
0x65: {  	v0 =	vld [tilespmem:s22+$0xFFFFFFF0];
	_ =	sdelay $0x4  }
0x66: {  	v54 =	vshrl.u32 v0, $0x1  }
0x67: {  	v0 =	vand.u32 $0xFF, v0;
	v1 =	vand.u32 $0x7FFFFF00, v54  }
0x68: {  	v0 =	vor.u32 v0, v1  }
0x69: {  	[tilespmem:$0x6570] =	vst v0  }
0x6a: {  	[tilespmem:s16], [sflag:$0x1] =	stream.indirect.gather [hbm4b:s3+s10], $0x80, s15, s10, $0xb8;
	[tilespmem:$0x16600] =	vst v63  }
0x6b: {  	_ =	swait.ge [sflag:s17], $0x4000  }
0x6c: {  	[sflag:s17] =	ssyncset.done $0x0  }
0x6d: {  	s25 =	sadd.s32 s23, s7;
	[sflag:s17] =	ssyncadd.s32 $0xFFFFC000  }
0x6e: {  	[hbm4b:s25+s1] =	stream.linear.scatter [tilespmem:s12], [sflag:$0x2], $0x4000, $0x38;
	[tilespmem:$0x16600] =	vst v63  }
0x6f: {  	_ =	swait.ge @!p0 [sflag:s24], $0x4000  }
0x70: {  	[sflag:s24] =	ssyncset.done @!p0 $0x0  }
0x71: {  	[sflag:s24] =	ssyncadd.s32 @!p0 $0xFFFFC000  }
0x72: {  	v55 =	vld [tilespmem:s22+$0x0];
	_ =	sdelay $0x4  }
0x73: {  	v56 =	vshrl.u32 v55, $0x1  }
0x74: {  	v0 =	vand.u32 $0xFF, v55;
	v1 =	vand.u32 $0x7FFFFF00, v56  }
0x75: {  	v0 =	vor.u32 v0, v1  }
0x76: {  	[tilespmem:$0x6580] =	vst v0  }
0x77: {  	v0 =	vld [tilespmem:s22+$0x10];
	_ =	sdelay $0x4  }
0x78: {  	v57 =	vshrl.u32 v0, $0x1  }
0x79: {  	v0 =	vand.u32 $0xFF, v0;
	v1 =	vand.u32 $0x7FFFFF00, v57  }
0x7a: {  	v0 =	vor.u32 v0, v1  }
0x7b: {  	[tilespmem:$0x6590] =	vst v0  }
0x7c: {  	v0 =	vld [tilespmem:s22+$0x20];
	_ =	sdelay $0x4  }
0x7d: {  	v58 =	vshrl.u32 v0, $0x1  }
0x7e: {  	v0 =	vand.u32 $0xFF, v0;
	v1 =	vand.u32 $0x7FFFFF00, v58  }
0x7f: {  	v0 =	vor.u32 v0, v1  }
0x80: {  	[tilespmem:$0x65A0] =	vst v0  }
0x81: {  	v0 =	vld [tilespmem:s22+$0x30];
	_ =	sdelay $0x4  }
0x82: {  	v59 =	vshrl.u32 v0, $0x1  }
0x83: {  	v0 =	vand.u32 $0xFF, v0;
	v1 =	vand.u32 $0x7FFFFF00, v59  }
0x84: {  	v0 =	vor.u32 v0, v1  }
0x85: {  	[tilespmem:$0x65B0] =	vst v0  }
0x86: {  	v0 =	vld [tilespmem:s22+$0x40];
	_ =	sdelay $0x4  }
0x87: {  	v60 =	vshrl.u32 v0, $0x1  }
0x88: {  	v0 =	vand.u32 $0xFF, v0;
	v1 =	vand.u32 $0x7FFFFF00, v60  }
0x89: {  	v0 =	vor.u32 v0, v1  }
0x8a: {  	[tilespmem:$0x65C0] =	vst v0  }
0x8b: {  	v0 =	vld [tilespmem:s22+$0x50];
	_ =	sdelay $0x4  }
0x8c: {  	v61 =	vshrl.u32 v0, $0x1  }
0x8d: {  	v0 =	vand.u32 $0xFF, v0;
	v1 =	vand.u32 $0x7FFFFF00, v61  }
0x8e: {  	v0 =	vor.u32 v0, v1  }
0x8f: {  	[tilespmem:$0x65D0] =	vst v0  }
0x90: {  	v0 =	vld [tilespmem:s22+$0x60];
	_ =	sdelay $0x4  }
0x91: {  	v62 =	vshrl.u32 v0, $0x1  }
0x92: {  	v0 =	vand.u32 $0xFF, v0;
	v1 =	vand.u32 $0x7FFFFF00, v62  }
0x93: {  	v0 =	vor.u32 v0, v1  }
0x94: {  	[tilespmem:$0x65E0] =	vst v0  }
0x95: {  	v0 =	vld [tilespmem:s22+$0x70];
	_ =	sdelay $0x4  }
0x96: {  	v63 =	vshrl.u32 v0, $0x1  }
0x97: {  	v0 =	vand.u32 $0xFF, v0;
	v1 =	vand.u32 $0x7FFFFF00, v63  }
0x98: {  	v0 =	vor.u32 v0, v1  }
0x99: {  	[tilespmem:$0x65F0] =	vst v0  }
0x9a: {  	[tilespmem:s19], [sflag:$0x1] =	stream.indirect.gather [hbm4b:s3+s10], $0x80, s18, s10, $0xb8;
	[tilespmem:$0x16600] =	vst v63  }
0x9b: {  	_ =	swait.ge [sflag:s17], $0x4000  }
0x9c: {  	s29 =	sadd.s32 s23, s6;
	[sflag:s17] =	ssyncset.done $0x0  }
0x9d: {  	s30 =	sadd.s32 $0x800, s29;
	[sflag:s17] =	ssyncadd.s32 $0xFFFFC000  }
0x9e: {  	[hbm4b:s30+s1] =	stream.linear.scatter [tilespmem:s14], [sflag:$0x2], $0x4000, $0x38;
	[tilespmem:$0x16600] =	vst v63  }
0x9f: {  	_ =	swait.ge [sflag:s20], $0x4000  }
0xa0: {  	[sflag:s20] =	ssyncset.done $0x0  }
0xa1: {  	p0 =	seq.s32 s23, $0x62000;
	[sflag:s20] =	ssyncadd.s32 $0xFFFFC000  }
0xa2: {  	v0 =	vld @!p0 [tilespmem:s22+$0x80];
	_ =	sdelay $0x4  }
0xa3: {  	v1 =	vshrl.u32 @!p0 v0, $0x1  }
0xa4: {  	v0 =	vand.u32 @!p0 $0xFF, v0;
	v1 =	vand.u32 @!p0 $0x7FFFFF00, v1  }
0xa5: {  	v0 =	vor.u32 @!p0 v0, v1  }
0xa6: {  	[tilespmem:$0x6400] =	vst @!p0 v0  }
0xa7: {  	v0 =	vld @!p0 [tilespmem:s22+$0x90];
	_ =	sdelay $0x4  }
0xa8: {  	v1 =	vshrl.u32 @!p0 v0, $0x1  }
0xa9: {  	v0 =	vand.u32 @!p0 $0xFF, v0;
	v1 =	vand.u32 @!p0 $0x7FFFFF00, v1  }
0xaa: {  	v0 =	vor.u32 @!p0 v0, v1  }
0xab: {  	[tilespmem:$0x6410] =	vst @!p0 v0  }
0xac: {  	v0 =	vld @!p0 [tilespmem:s22+$0xA0];
	_ =	sdelay $0x4  }
0xad: {  	v1 =	vshrl.u32 @!p0 v0, $0x1  }
0xae: {  	v0 =	vand.u32 @!p0 $0xFF, v0;
	v1 =	vand.u32 @!p0 $0x7FFFFF00, v1  }
0xaf: {  	v0 =	vor.u32 @!p0 v0, v1  }
0xb0: {  	[tilespmem:$0x6420] =	vst @!p0 v0  }
0xb1: {  	v0 =	vld @!p0 [tilespmem:s22+$0xB0];
	_ =	sdelay $0x4  }
0xb2: {  	v1 =	vshrl.u32 @!p0 v0, $0x1  }
0xb3: {  	v0 =	vand.u32 @!p0 $0xFF, v0;
	v1 =	vand.u32 @!p0 $0x7FFFFF00, v1  }
0xb4: {  	v0 =	vor.u32 @!p0 v0, v1  }
0xb5: {  	[tilespmem:$0x6430] =	vst @!p0 v0  }
0xb6: {  	v0 =	vld @!p0 [tilespmem:s22+$0xC0];
	_ =	sdelay $0x4  }
0xb7: {  	v1 =	vshrl.u32 @!p0 v0, $0x1  }
0xb8: {  	v0 =	vand.u32 @!p0 $0xFF, v0;
	v1 =	vand.u32 @!p0 $0x7FFFFF00, v1  }
0xb9: {  	v0 =	vor.u32 @!p0 v0, v1  }
0xba: {  	[tilespmem:$0x6440] =	vst @!p0 v0  }
0xbb: {  	v0 =	vld @!p0 [tilespmem:s22+$0xD0];
	_ =	sdelay $0x4  }
0xbc: {  	v1 =	vshrl.u32 @!p0 v0, $0x1  }
0xbd: {  	v0 =	vand.u32 @!p0 $0xFF, v0;
	v1 =	vand.u32 @!p0 $0x7FFFFF00, v1  }
0xbe: {  	v0 =	vor.u32 @!p0 v0, v1  }
0xbf: {  	[tilespmem:$0x6450] =	vst @!p0 v0  }
0xc0: {  	v0 =	vld @!p0 [tilespmem:s22+$0xE0];
	_ =	sdelay $0x4  }
0xc1: {  	v1 =	vshrl.u32 @!p0 v0, $0x1  }
0xc2: {  	v0 =	vand.u32 @!p0 $0xFF, v0;
	v1 =	vand.u32 @!p0 $0x7FFFFF00, v1  }
0xc3: {  	v0 =	vor.u32 @!p0 v0, v1  }
0xc4: {  	[tilespmem:$0x6460] =	vst @!p0 v0  }
0xc5: {  	v0 =	vld @!p0 [tilespmem:s22+$0xF0];
	_ =	sdelay $0x4  }
0xc6: {  	v1 =	vshrl.u32 @!p0 v0, $0x1  }
0xc7: {  	v0 =	vand.u32 @!p0 $0xFF, v0;
	v1 =	vand.u32 @!p0 $0x7FFFFF00, v1  }
0xc8: {  	v0 =	vor.u32 @!p0 v0, v1  }
0xc9: {  	s25 =	simm.s32 @!p0 $0x80;
	s26 =	simm.s32 @!p0 $0x6400;
	s28 =	simm.s32 @!p0 $0x6600;
	[tilespmem:$0x6470] =	vst @!p0 v0  }
0xca: {  	[tilespmem:s28], [sflag:$0x1] =	stream.indirect.gather @!p0 [hbm4b:s3+s25], $0x80, s26, s25, $0xb8;
	[tilespmem:$0x16600] =	vst v63  }
0xcb: {  	_ =	swait.ge [sflag:s17], $0x4000  }
0xcc: {  	[sflag:s17] =	ssyncset.done $0x0  }
0xcd: {  	s31 =	sadd.s32 s23, s8;
	[sflag:s17] =	ssyncadd.s32 $0xFFFFC000  }
0xce: {  	[hbm4b:s31+s1] =	stream.linear.scatter [tilespmem:s16], [sflag:$0x2], $0x4000, $0x38;
	[tilespmem:$0x16600] =	vst v63  }
0xcf: {  	_ =	swait.ge [sflag:s20], $0x4000  }
0xd0: {  	[sflag:s20] =	ssyncset.done $0x0  }
0xd1: {  	[sflag:s20] =	ssyncadd.s32 $0xFFFFC000  }
0xd2: {  	v0 =	vld @!p0 [tilespmem:s22+$0x100];
	_ =	sdelay $0x4  }
0xd3: {  	v1 =	vshrl.u32 @!p0 v0, $0x1  }
0xd4: {  	v0 =	vand.u32 @!p0 $0xFF, v0;
	v1 =	vand.u32 @!p0 $0x7FFFFF00, v1  }
0xd5: {  	v0 =	vor.u32 @!p0 v0, v1  }
0xd6: {  	[tilespmem:$0x6480] =	vst @!p0 v0  }
0xd7: {  	v0 =	vld @!p0 [tilespmem:s22+$0x110];
	_ =	sdelay $0x4  }
0xd8: {  	v1 =	vshrl.u32 @!p0 v0, $0x1  }
0xd9: {  	v0 =	vand.u32 @!p0 $0xFF, v0;
	v1 =	vand.u32 @!p0 $0x7FFFFF00, v1  }
0xda: {  	v0 =	vor.u32 @!p0 v0, v1  }
0xdb: {  	[tilespmem:$0x6490] =	vst @!p0 v0  }
0xdc: {  	v0 =	vld @!p0 [tilespmem:s22+$0x120];
	_ =	sdelay $0x4  }
0xdd: {  	v1 =	vshrl.u32 @!p0 v0, $0x1  }
0xde: {  	v0 =	vand.u32 @!p0 $0xFF, v0;
	v1 =	vand.u32 @!p0 $0x7FFFFF00, v1  }
0xdf: {  	v0 =	vor.u32 @!p0 v0, v1  }
0xe0: {  	[tilespmem:$0x64A0] =	vst @!p0 v0  }
0xe1: {  	v0 =	vld @!p0 [tilespmem:s22+$0x130];
	_ =	sdelay $0x4  }
0xe2: {  	v1 =	vshrl.u32 @!p0 v0, $0x1  }
0xe3: {  	v0 =	vand.u32 @!p0 $0xFF, v0;
	v1 =	vand.u32 @!p0 $0x7FFFFF00, v1  }
0xe4: {  	v0 =	vor.u32 @!p0 v0, v1  }
0xe5: {  	[tilespmem:$0x64B0] =	vst @!p0 v0  }
0xe6: {  	v0 =	vld @!p0 [tilespmem:s22+$0x140];
	_ =	sdelay $0x4  }
0xe7: {  	v1 =	vshrl.u32 @!p0 v0, $0x1  }
0xe8: {  	v0 =	vand.u32 @!p0 $0xFF, v0;
	v1 =	vand.u32 @!p0 $0x7FFFFF00, v1  }
0xe9: {  	v0 =	vor.u32 @!p0 v0, v1  }
0xea: {  	[tilespmem:$0x64C0] =	vst @!p0 v0  }
0xeb: {  	v0 =	vld @!p0 [tilespmem:s22+$0x150];
	_ =	sdelay $0x4  }
0xec: {  	v1 =	vshrl.u32 @!p0 v0, $0x1  }
0xed: {  	v0 =	vand.u32 @!p0 $0xFF, v0;
	v1 =	vand.u32 @!p0 $0x7FFFFF00, v1  }
0xee: {  	v0 =	vor.u32 @!p0 v0, v1  }
0xef: {  	[tilespmem:$0x64D0] =	vst @!p0 v0  }
0xf0: {  	v0 =	vld @!p0 [tilespmem:s22+$0x160];
	_ =	sdelay $0x4  }
0xf1: {  	v1 =	vshrl.u32 @!p0 v0, $0x1  }
0xf2: {  	v0 =	vand.u32 @!p0 $0xFF, v0;
	v1 =	vand.u32 @!p0 $0x7FFFFF00, v1  }
0xf3: {  	v0 =	vor.u32 @!p0 v0, v1  }
0xf4: {  	[tilespmem:$0x64E0] =	vst @!p0 v0  }
0xf5: {  	v0 =	vld @!p0 [tilespmem:s22+$0x170];
	_ =	sdelay $0x4  }
0xf6: {  	v1 =	vshrl.u32 @!p0 v0, $0x1  }
0xf7: {  	v0 =	vand.u32 @!p0 $0xFF, v0;
	v1 =	vand.u32 @!p0 $0x7FFFFF00, v1  }
0xf8: {  	v0 =	vor.u32 @!p0 v0, v1  }
0xf9: {  	s23 =	sadd.s32 $0x2000, s23;
	s26 =	simm.s32 @!p0 $0x6480;
	s28 =	simm.s32 @!p0 $0xA600;
	[tilespmem:$0x64F0] =	vst @!p0 v0  }
0xfa: {  	[tilespmem:s28], [sflag:$0x1] =	stream.indirect.gather @!p0 [hbm4b:s3+s25], $0x80, s26, s25, $0xb8;
	[tilespmem:$0x16600] =	vst v63  }
0xfb: {  	p0 =	sne.s32 s23, $0x64000  }
.Ltmp0:
0xfc: {  	_ = 	snop;
	(pc) =	sbr.rel @p0 .LBB2_2-.Ltmp0, $4  }
0xfd: {  	_ =	swait.ge [sflag:s17], $0x4000  }
0xfe: {  	[sflag:s17] =	ssyncset.done $0x0  }
0xff: {  	s24 =	sadd.s32 $0x1800, s29;
	s22 =	sadd.s32 $0x200, s22;
	[sflag:s17] =	ssyncadd.s32 $0xFFFFC000  }
0x100: {  	[hbm4b:s24+s1] =	stream.linear.scatter [tilespmem:s19], [sflag:$0x2], $0x4000, $0x38;
	[tilespmem:$0x16600] =	vst v63  }
0x101: {  	s21 =	sadd.s32 $0x1, s21  }
0x102: {  	_ =	swait.ge [sflag:s20], $0x4000;
	p0 =	sne.s32 s21, s5  }
.Ltmp1:
0x103: {  	[sflag:s20] =	ssyncset.done $0x0;
	(pc) =	sbr.rel @p0 .LBB2_1-.Ltmp1, $4  }
0x104: {  	[sflag:s20] =	ssyncadd.s32 $0xFFFFC000  }
0x105: {  	_ =	swait.ge [sflag:s20], $0x4000  }
0x106: {  	[sflag:s20] =	ssyncset.done $0x0  }
0x107: {  	[sflag:s20] =	ssyncadd.s32 $0xFFFFC000  }
0x108: {  	_ =	sfence.sel $0x180000  }
0x109: {  	[bflag:$0x0] =	sbarrier.arrive $0xFFFF  }
0x10a: {  	p0 =	sne.s32 s2, $0x0;
	_ =	strace $0x90000047  }
0x10b: {  	s0 =	sadd.s32 @!p0 $0x100000, s0;
	[bflag:$0x2] =	sbarrier.arrive $0xFFFF  }
0x10c: {  	[sflag:s0] =	ssyncadd.tile.s32 @!p0 $0x1;
	_ =	shalt  }
.Lfunc_end2:
_tile_overlayer_lowered:
.L_overlay_start_2:
0x10d: {  	(tag) =	ssettag $0x2  }
0x10e: {  	s0 =	rddreg [dreg:$0x0];
	s2 =	stileid.u32  }
0x10f: {  	s1 =	rddreg [dreg:$0x1];
	p0 =	sne.s32 s2, $0x0  }
0x110: {  	s3 =	rddreg [dreg:$0x2];
	[bflag:$0x3] =	sbarrier.arrive $0xFFFF;
	s2 =	simm.s32 @!p0 $0x1C03  }
0x111: {  	[timem:s3], [sflag:s2] =	dma.local @!p0 [hbm:s0], s1  }
0x112: {  	s0 =	simm.s32 @!p0 $0x3  }
0x113: {  	_ =	swait.ge @!p0 [sflag:s0], s1  }
0x114: {  	s1 =	ssub.s32 @!p0 $0x0, s1;
	[sflag:s0] =	ssyncset.done @!p0 $0x0  }
0x115: {  	[sflag:s0] =	ssyncadd.s32 @!p0 s1  }
0x116: {  	[bflag:$0x3] =	sbarrier.arrive $0xFFFF  }
0x117: {  	_ =	shalt  }

</sc_bundles>
